<compile_context>
chip_gen: v7x
topology: tpu7x:2x2x1
jax: 0.10.2.dev20260603
libtpu: 0.0.44.dev20260713+nightly
codegen_flags: <defaults>
</compile_context>

<pallas_src>
import functools
import math

import jax
import jax.numpy as jnp
from jax import lax
from jax.experimental import pallas as pl
from jax.experimental.pallas import tpu as pltpu
from jax.experimental.pallas import tpu_sc as plsc

_N = 10000
_K = 32
_E = _N * _K
_DN = 128
_DE = 16
_DT = 128
_QD = 256
_H = 2

_P = 2
_EP = _E // _P
_NP = _N // _P

_GRP = 40
_GPI = 5
_CH = _GRP * _GPI

_B = 200
_BK = _B * _K


def _sc_gather(emb, last_update, idx1d):
    info = plsc.get_sparse_core_info()
    nw = info.num_cores * info.num_subcores
    per_w = _EP // nw
    n_iter = per_w // _CH
    nbuf = 3
    mesh = plsc.VectorSubcoreMesh(core_axis_name="c", subcore_axis_name="s")

    @functools.partial(
        pl.kernel,
        out_type=(
            jax.ShapeDtypeStruct((_EP, _DN), jnp.float32),
            jax.ShapeDtypeStruct((_EP,), jnp.float32),
        ),
        mesh=mesh,
        scratch_types=[
            pltpu.VMEM((per_w,), jnp.int32),
            pltpu.VMEM((nbuf, _CH, _DN), jnp.float32),
            pltpu.VMEM((nbuf * _CH,), jnp.float32),
            pltpu.SemaphoreType.DMA,
            pltpu.SemaphoreType.DMA,
            pltpu.SemaphoreType.DMA,
            pltpu.SemaphoreType.DMA,
        ],
    )
    def k(emb_hbm, lu_hbm, idx_hbm, se_out, lu_out, idx_v, rows_v, lus_v,
          sem_r, sem_l, sem_wr, sem_wl):
        wid = lax.axis_index("s") * info.num_cores + lax.axis_index("c")
        ebase = wid * per_w
        pltpu.sync_copy(idx_hbm.at[pl.ds(ebase, per_w)], idx_v)

        def g_copies(t, ph, make):
            mk = pltpu.make_async_copy if make else pltpu.async_copy
            cps = []
            lb = pl.multiple_of(ph * _CH, 8)
            for j in range(_GPI):
                s0 = t * _CH + j * _GRP
                cps.append(mk(emb_hbm.at[idx_v.at[pl.ds(s0, _GRP)]],
                              rows_v.at[ph, pl.ds(j * _GRP, _GRP)], sem_r))
                cps.append(mk(lu_hbm.at[idx_v.at[pl.ds(s0, _GRP)]],
                              lus_v.at[pl.ds(lb + j * _GRP, _GRP)], sem_l))
            return cps

        def wb_copies(t, ph, make):
            mk = pltpu.make_async_copy if make else pltpu.async_copy
            e0 = ebase + t * _CH
            lb = pl.multiple_of(ph * _CH, 8)
            return [mk(rows_v.at[ph], se_out.at[pl.ds(e0, _CH)], sem_wr),
                    mk(lus_v.at[pl.ds(lb, _CH)], lu_out.at[pl.ds(e0, _CH)],
                       sem_wl)]

        fire_g = lambda t, ph: g_copies(t, ph, False)
        wait_g = lambda t, ph: [c.wait() for c in g_copies(t, ph, True)]
        fire_wb = lambda t, ph: wb_copies(t, ph, False)
        wait_wb = lambda t, ph: [c.wait() for c in wb_copies(t, ph, True)]

        fire_g(0, 0)
        fire_g(1, 1)
        wait_g(0, 0)
        fire_wb(0, 0)
        fire_g(2, 2)

        def body(t, _):
            ph = lax.rem(t, nbuf)
            wait_g(t, ph)
            fire_wb(t, ph)
            wait_wb(t - 1, lax.rem(t - 1, nbuf))
            fire_g(t + 2, lax.rem(t + 2, nbuf))
            return 0

        lax.fori_loop(1, n_iter - 2, body, 0)

        t = n_iter - 2
        wait_g(t, lax.rem(t, nbuf))
        fire_wb(t, lax.rem(t, nbuf))
        wait_wb(t - 1, lax.rem(t - 1, nbuf))
        t = n_iter - 1
        wait_g(t, lax.rem(t, nbuf))
        fire_wb(t, lax.rem(t, nbuf))
        wait_wb(t - 1, lax.rem(t - 1, nbuf))
        wait_wb(t, lax.rem(t, nbuf))

    return k(emb, last_update, idx1d)


_INV2PI = 0.15915494309189535
_COSC = (0.9999590249547727, -19.73094253387524, 64.67144342432282,
         -82.3908110654963, 45.62105237801009)


def _fast_cos(x):
    u = x * _INV2PI
    u = u - jnp.round(u)
    t = u * u
    r = jnp.float32(_COSC[4])
    for c in _COSC[3::-1]:
        r = r * t + jnp.float32(c)
    return r


def _tc_body(se_ref, ef_ref, ts_ref, lu_ref, em_ref,
             tw_ref, tb_ref, wqn_ref, wqt_ref, bq_ref,
             wkn_ref, wke_ref, wkt_ref,
             wvn_ref, wve_ref, wvt_ref, bv_ref,
             wo_ref, bo_ref, w1_ref, b1_ref, w2_ref, b2_ref,
             out_ref):
    f32 = jnp.float32
    dot = functools.partial(jnp.dot, preferred_element_type=f32)
    se = se_ref[...]
    ef = ef_ref[...]
    dt = (ts_ref[...] - lu_ref[...]).reshape(_BK // 128, 128)
    tw3 = tw_ref[...].reshape(1, 1, _DT)
    tb3 = tb_ref[...].reshape(1, 1, _DT)
    dt3 = dt[:, :, None]
    te = _fast_cos(dt3 * tw3 + tb3).reshape(_BK, _DT)
    tb = tb_ref[...]
    em = em_ref[...]

    te0 = jnp.cos(tb)
    cq = dot(te0, wqt_ref[...]) + bq_ref[...]
    q = (dot(em, wqn_ref[...]) + cq) * (1.0 / math.sqrt(128.0))

    se3 = se.reshape(_B, _K, _DN)
    ef3 = ef.reshape(_B, _K, _DE)
    te3 = te.reshape(_B, _K, _DT)

    ctxs = []
    for h in range(_H):
        hs = slice(h * 128, (h + 1) * 128)
        qh = q[:, hs]
        qkn = dot(qh, wkn_ref[hs, :])
        qke = dot(qh, wke_ref[hs, :])
        qkt = dot(qh, wkt_ref[hs, :])
        prod = se3 * qkn[:, None, :] + te3 * qkt[:, None, :]
        lg3 = (jnp.sum(prod, axis=-1, keepdims=True)
               + jnp.sum(ef3 * qke[:, None, :], axis=-1,
                         keepdims=True))
        m = jnp.max(lg3, axis=1, keepdims=True)
        p = jnp.exp(lg3 - m)
        a3 = p * (1.0 / jnp.sum(p, axis=1, keepdims=True))
        cn = jnp.sum(se3 * a3, axis=1)
        ce = jnp.sum(ef3 * a3, axis=1)
        ct = jnp.sum(te3 * a3, axis=1)
        ctx = (dot(cn, wvn_ref[:, hs]) + dot(ce, wve_ref[:, hs])
               + dot(ct, wvt_ref[:, hs]) + bv_ref[:, hs])
        ctxs.append(ctx)

    hb = (dot(ctxs[0], wo_ref[0:128, :]) + dot(ctxs[1], wo_ref[128:256, :])
          + bo_ref[...])
    x1 = dot(em, w1_ref[0:128, :]) + dot(hb, w1_ref[128:384, :]) + b1_ref[...]
    h1 = jnp.maximum(x1, 0.0)
    out_ref[...] = dot(h1, w2_ref[...]) + b2_ref[...]


def _tc_main(se, ef2, ts2, lu2, emb, tw2, tb2, wqnT, wqtT, bq2,
             wkn, wke, wkt, wvnT, wveT, wvtT, bv2,
             woT, bo2, w1T, b12, w2T, b22, part=0, interpret=False):
    full = lambda s: pl.BlockSpec(s, lambda i: (0, 0))
    grid = _NP // _B
    off = part * grid
    return pl.pallas_call(
        _tc_body,
        grid=(grid,),
        in_specs=[
            pl.BlockSpec((_BK, _DN), lambda i: (i, 0)),
            pl.BlockSpec((_BK, _DE), lambda i: (i + off, 0)),
            pl.BlockSpec((1, _BK // 128, 128), lambda i: (i + off, 0, 0)),
            pl.BlockSpec((1, _BK // 128, 128), lambda i: (i, 0, 0)),
            pl.BlockSpec((_B, _DN), lambda i: (i + off, 0)),
            full((1, _DT)), full((1, _DT)),
            full((_DN, _QD)), full((_DT, _QD)), full((1, _QD)),
            full((_QD, _DN)), full((_QD, _DE)), full((_QD, _DT)),
            full((_DN, _QD)), full((_DE, _QD)), full((_DT, _QD)),
            full((1, _QD)),
            full((_QD, _QD)), full((1, _QD)),
            full((_QD + _DN, _DN)), full((1, _DN)),
            full((_DN, _DN)), full((1, _DN)),
        ],
        out_specs=pl.BlockSpec((_B, _DN), lambda i: (i, 0)),
        out_shape=jax.ShapeDtypeStruct((_NP, _DN), jnp.float32),
        interpret=interpret,
    )(se, ef2, ts2, lu2, emb, tw2, tb2, wqnT, wqtT, bq2,
      wkn, wke, wkt, wvnT, wveT, wvtT, bv2, woT, bo2, w1T, b12, w2T, b22)


def kernel(emb, edge_feat, timestamp, last_update, src_idx, time_w, time_b,
           Wq, bq, Wk, bk, Wv, bv, Wo, bo, W1, b1, W2, b2):
    idx = src_idx.astype(jnp.int32)
    tw2 = time_w.reshape(1, _DT)
    tb2 = time_b.reshape(1, _DT)
    wqnT = Wq[:, :_DN].T
    wqtT = Wq[:, _DN:].T
    wkn = Wk[:, :_DN]
    wke = Wk[:, _DN:_DN + _DE]
    wkt = Wk[:, _DN + _DE:]
    wvnT = Wv[:, :_DN].T
    wveT = Wv[:, _DN:_DN + _DE].T
    wvtT = Wv[:, _DN + _DE:].T
    bq2 = bq.reshape(1, -1)
    bv2 = bv.reshape(1, -1)
    woT, bo2 = Wo.T, bo.reshape(1, -1)
    w1T, b12 = W1.T, b1.reshape(1, -1)
    w2T, b22 = W2.T, b2.reshape(1, -1)

    ts2 = timestamp.reshape(_N // _B, _BK // 128, 128)
    outs = []
    for p in range(_P):
        es = slice(p * _EP, (p + 1) * _EP)
        src_emb, lu_src = _sc_gather(emb, last_update, idx[es])
        lu2 = lu_src.reshape(_NP // _B, _BK // 128, 128)
        outs.append(_tc_main(src_emb, edge_feat, ts2, lu2, emb,
                             tw2, tb2, wqnT, wqtT, bq2,
                             wkn, wke, wkt, wvnT, wveT, wvtT, bv2,
                             woT, bo2, w1T, b12, w2T, b22, part=p))
    return jnp.concatenate(outs, axis=0)

# --- scband reference (transcript-rebuilt; emitter-appended) ---
"""Pipeline reference for scband-attn-17944373363076 (READ-ONLY COPY).

The authoritative reference and input builder live on the scoring server;
editing this copy changes nothing except your own understanding.
"""

import jax, jax.numpy as jnp
import numpy as np

N = 10000
K = 32
E = N * K
D_NODE = 128
D_EDGE = 16
D_TIME = 128
Q_DIM = D_NODE + D_TIME          # 256
K_DIM = D_NODE + D_TIME + D_EDGE # 272
H = 2
EMB_OUT = 128


def setup_inputs(seed: int = 0) -> dict:
    key = jax.random.key(seed)
    ks = jax.random.split(key, 24)
    inp = {}
    inp['emb'] = jax.random.normal(ks[0], (N, D_NODE), dtype=jnp.float32)
    inp['edge_feat'] = jax.random.normal(ks[1], (E, D_EDGE), dtype=jnp.float32)
    inp['timestamp'] = jax.random.uniform(ks[2], (E,), dtype=jnp.float32)
    inp['last_update'] = jax.random.uniform(ks[3], (N,), dtype=jnp.float32)
    inp['src_idx'] = jax.random.randint(ks[4], (E,), 0, N, dtype=jnp.int64 if jax.config.jax_enable_x64 else jnp.int32)
    # time encoder params (cosine time encoding)
    inp['time_w'] = jax.random.normal(ks[5], (D_TIME,), dtype=jnp.float32)
    inp['time_b'] = jax.random.normal(ks[6], (D_TIME,), dtype=jnp.float32)
    # MultiheadAttention params (embed_dim=Q_DIM, kdim=vdim=K_DIM)
    s = 0.05
    inp['Wq'] = jax.random.normal(ks[7], (Q_DIM, Q_DIM), dtype=jnp.float32) * s
    inp['bq'] = jnp.zeros((Q_DIM,), dtype=jnp.float32)
    inp['Wk'] = jax.random.normal(ks[8], (Q_DIM, K_DIM), dtype=jnp.float32) * s
    inp['bk'] = jnp.zeros((Q_DIM,), dtype=jnp.float32)
    inp['Wv'] = jax.random.normal(ks[9], (Q_DIM, K_DIM), dtype=jnp.float32) * s
    inp['bv'] = jnp.zeros((Q_DIM,), dtype=jnp.float32)
    inp['Wo'] = jax.random.normal(ks[10], (Q_DIM, Q_DIM), dtype=jnp.float32) * s
    inp['bo'] = jnp.zeros((Q_DIM,), dtype=jnp.float32)
    # MergeLayer params: fc1 (Q_DIM + D_NODE -> D_NODE), fc2 (D_NODE -> EMB_OUT)
    inp['W1'] = jax.random.normal(ks[11], (D_NODE, Q_DIM + D_NODE), dtype=jnp.float32) * s
    inp['b1'] = jnp.zeros((D_NODE,), dtype=jnp.float32)
    inp['W2'] = jax.random.normal(ks[12], (EMB_OUT, D_NODE), dtype=jnp.float32) * s
    inp['b2'] = jnp.zeros((EMB_OUT,), dtype=jnp.float32)
    return inp


def reference(emb, edge_feat, timestamp, last_update, src_idx, time_w, time_b,
              Wq, bq, Wk, bk, Wv, bv, Wo, bo, W1, b1, W2, b2):
    # C_compute: per-edge message C = [src_emb, edge_feat, time_enc(dt)]
    dt = timestamp - jnp.take(last_update, src_idx, axis=0)          # [E]
    te_C = jnp.cos(dt[:, None] * time_w[None, :] + time_b[None, :])  # [E, D_TIME]
    src_emb = jnp.take(emb, src_idx, axis=0)                         # [E, D_NODE] gather
    C = jnp.concatenate([src_emb, edge_feat, te_C], axis=1)          # [E, K_DIM]
    # mailbox: edge e belongs to dst node e // K (uniform degree bucketing)
    mailbox = C.reshape(N, K, K_DIM)                                 # [N, K, K_DIM]
    # h_compute: query = [emb, time_enc(0)]
    te_q = jnp.cos(jnp.zeros((N, 1), dtype=emb.dtype) * time_w[None, :] + time_b[None, :])
    query = jnp.concatenate([emb, te_q], axis=1)                     # [N, Q_DIM]
    # nn.MultiheadAttention with tgt_len=1, batch=N, src_len=K
    d_h = Q_DIM // H
    q = query @ Wq.T + bq                                            # [N, Q_DIM]
    k = mailbox @ Wk.T + bk                                          # [N, K, Q_DIM]
    v = mailbox @ Wv.T + bv                                          # [N, K, Q_DIM]
    qh = q.reshape(N, H, d_h)
    kh = k.reshape(N, K, H, d_h).transpose(0, 2, 1, 3)               # [N, H, K, d_h]
    vh = v.reshape(N, K, H, d_h).transpose(0, 2, 1, 3)
    logits = jnp.einsum('nhd,nhkd->nhk', qh, kh) / jnp.sqrt(jnp.asarray(d_h, dtype=q.dtype))
    att = jax.nn.softmax(logits, axis=-1)                            # [N, H, K]
    ctx = jnp.einsum('nhk,nhkd->nhd', att, vh).reshape(N, Q_DIM)
    h_before = ctx @ Wo.T + bo                                       # [N, Q_DIM]
    # MergeLayer(emb, h_before): cat -> fc1 -> relu -> fc2
    x = jnp.concatenate([emb, h_before], axis=1)                     # [N, D_NODE + Q_DIM]
    h = jax.nn.relu(x @ W1.T + b1) @ W2.T + b2                       # [N, EMB_OUT]
    return h

if __name__ == "__main__":
    import jax
    _d = setup_inputs()
    print(jax.jit(kernel)(*tuple(_d.values())))

</pallas_src>

<mosaic_0001>
#map = affine_map<(d0, d1) -> (0, 0)>
#map1 = affine_map<(d0, d1) -> (0)>
module attributes {stable_mosaic.version = 14 : i64} {
  func.func @k(%arg0: i32, %arg1: i32, %arg2: memref<10000x128xf32, #tpu.memory_space<hbm>>, %arg3: memref<10000xf32, #tpu.memory_space<hbm>>, %arg4: memref<160000xi32, #tpu.memory_space<hbm>>, %arg5: memref<160000x128xf32, #tpu.memory_space<hbm>>, %arg6: memref<160000xf32, #tpu.memory_space<hbm>>, %arg7: memref<5000xi32, #tpu.memory_space<vmem>>, %arg8: memref<3x200x128xf32, #tpu.memory_space<vmem>>, %arg9: memref<600xf32, #tpu.memory_space<vmem>>, %arg10: memref<!tpu.dma_semaphore, #tpu.memory_space<semaphore_mem>>, %arg11: memref<!tpu.dma_semaphore, #tpu.memory_space<semaphore_mem>>, %arg12: memref<!tpu.dma_semaphore, #tpu.memory_space<semaphore_mem>>, %arg13: memref<!tpu.dma_semaphore, #tpu.memory_space<semaphore_mem>>) attributes {dimension_semantics = [#tpu.dimension_semantics<core_parallel>, #tpu.dimension_semantics<subcore_parallel>], iteration_bounds = array<i64: 2, 16>, scalar_prefetch = 0 : i64, scratch_operands = 7 : i64, tpu.core_type = #tpu.core_type<sc_vector_subcore>, window_params = [{transform_indices = #map}, {transform_indices = #map1}, {transform_indices = #map1}, {transform_indices = #map}, {transform_indices = #map1}]} {
    %mul3A = arith.constant 2 : i32
    %mul3A_0 = arith.muli %arg1, %mul3A : i32
    %add3A = arith.addi %mul3A_0, %arg0 : i32
    %mul3A_1 = arith.constant 5000 : i32
    %mul3A_2 = arith.muli %add3A, %mul3A_1 : i32
    "tpu.region"() ({
      %run_scoped3A = tpu.sem_alloc : memref<!tpu.dma_semaphore, #tpu.memory_space<semaphore_mem>>
      %dma_start3A_666 = tpu.memref_slice %arg4[%mul3A_2] : memref<160000xi32, #tpu.memory_space<hbm>> -> memref<5000xi32, #tpu.memory_space<hbm>>
      %dma_start3A_667 = tpu.memref_slice %arg4[%mul3A_2] : memref<160000xi32, #tpu.memory_space<hbm>> -> memref<5000xi32, #tpu.memory_space<hbm>>
      tpu.enqueue_dma source(%dma_start3A_667 : memref<5000xi32, #tpu.memory_space<hbm>>) target(%arg7 : memref<5000xi32, #tpu.memory_space<vmem>>) target_semaphore(%run_scoped3A : memref<!tpu.dma_semaphore, #tpu.memory_space<semaphore_mem>>)
      %dma_wait3A_668 = tpu.memref_slice %arg4[%mul3A_2] : memref<160000xi32, #tpu.memory_space<hbm>> -> memref<5000xi32, #tpu.memory_space<hbm>>
      %dma_wait3A_669 = tpu.memref_slice %arg4[%mul3A_2] : memref<160000xi32, #tpu.memory_space<hbm>> -> memref<5000xi32, #tpu.memory_space<hbm>>
      tpu.wait_dma2 semaphore(%run_scoped3A : memref<!tpu.dma_semaphore, #tpu.memory_space<semaphore_mem>>) src(%dma_wait3A_669 : memref<5000xi32, #tpu.memory_space<hbm>>) dst(%arg7 : memref<5000xi32, #tpu.memory_space<vmem>>)
      tpu.yield
    }) : () -> ()
    %multiple_of3A = arith.constant 0 : i32
    %multiple_of3A_3 = tpu.assume_multiple %multiple_of3A, 8 : i32
    %dma_start3A = arith.constant 0 : i32
    %dma_start3A_4 = arith.constant 0 : i32
    %dma_start3A_5 = arith.constant 0 : i32
    %dma_start3A_6 = tpu.memref_slice %arg8[%dma_start3A, %dma_start3A_4, %dma_start3A_5] : memref<3x200x128xf32, #tpu.memory_space<vmem>> -> memref<1x40x128xf32, #tpu.memory_space<vmem>>
    %dma_start3A_7 = tpu.memref_squeeze %dma_start3A_6 : memref<1x40x128xf32, #tpu.memory_space<vmem>> -> memref<40x128xf32, #tpu.memory_space<vmem>>
    %dma_start3A_8 = arith.constant 0 : i32
    %dma_start3A_9 = tpu.memref_slice %arg7[%dma_start3A_8] : memref<5000xi32, #tpu.memory_space<vmem>> -> memref<40xi32, #tpu.memory_space<vmem>>
    %dma_start3A_10 = arith.constant 0 : i32
    %dma_start3A_11 = arith.constant 0 : i32
    %dma_start3A_12 = tpu.memref_slice %arg2[%dma_start3A_10, %dma_start3A_11] : memref<10000x128xf32, #tpu.memory_space<hbm>> -> memref<10000x128xf32, #tpu.memory_space<hbm>>
    tpu.enqueue_indirect_dma source(%dma_start3A_12 : memref<10000x128xf32, #tpu.memory_space<hbm>>) target(%dma_start3A_7 : memref<40x128xf32, #tpu.memory_space<vmem>>) offsets(%dma_start3A_9 : memref<40xi32, #tpu.memory_space<vmem>>) semaphore(%arg10 : memref<!tpu.dma_semaphore, #tpu.memory_space<semaphore_mem>>)
    %add3A_13 = arith.constant 0 : i32
    %add3A_14 = arith.addi %multiple_of3A_3, %add3A_13 : i32
    %dma_start3A_15 = tpu.memref_slice %arg9[%add3A_14] : memref<600xf32, #tpu.memory_space<vmem>> -> memref<40xf32, #tpu.memory_space<vmem>>
    %dma_start3A_16 = arith.constant 0 : i32
    %dma_start3A_17 = tpu.memref_slice %arg7[%dma_start3A_16] : memref<5000xi32, #tpu.memory_space<vmem>> -> memref<40xi32, #tpu.memory_space<vmem>>
    %dma_start3A_18 = arith.constant 0 : i32
    %dma_start3A_19 = tpu.memref_slice %arg3[%dma_start3A_18] : memref<10000xf32, #tpu.memory_space<hbm>> -> memref<10000xf32, #tpu.memory_space<hbm>>
    tpu.enqueue_indirect_dma source(%dma_start3A_19 : memref<10000xf32, #tpu.memory_space<hbm>>) target(%dma_start3A_15 : memref<40xf32, #tpu.memory_space<vmem>>) offsets(%dma_start3A_17 : memref<40xi32, #tpu.memory_space<vmem>>) semaphore(%arg11 : memref<!tpu.dma_semaphore, #tpu.memory_space<semaphore_mem>>)
    %dma_start3A_20 = arith.constant 0 : i32
    %dma_start3A_21 = arith.constant 40 : i32
    %dma_start3A_22 = arith.constant 0 : i32
    %dma_start3A_23 = tpu.memref_slice %arg8[%dma_start3A_20, %dma_start3A_21, %dma_start3A_22] : memref<3x200x128xf32, #tpu.memory_space<vmem>> -> memref<1x40x128xf32, #tpu.memory_space<vmem>>
    %dma_start3A_24 = tpu.memref_squeeze %dma_start3A_23 : memref<1x40x128xf32, #tpu.memory_space<vmem>> -> memref<40x128xf32, #tpu.memory_space<vmem>>
    %dma_start3A_25 = arith.constant 40 : i32
    %dma_start3A_26 = tpu.memref_slice %arg7[%dma_start3A_25] : memref<5000xi32, #tpu.memory_space<vmem>> -> memref<40xi32, #tpu.memory_space<vmem>>
    %dma_start3A_27 = arith.constant 0 : i32
    %dma_start3A_28 = arith.constant 0 : i32
    %dma_start3A_29 = tpu.memref_slice %arg2[%dma_start3A_27, %dma_start3A_28] : memref<10000x128xf32, #tpu.memory_space<hbm>> -> memref<10000x128xf32, #tpu.memory_space<hbm>>
    tpu.enqueue_indirect_dma source(%dma_start3A_29 : memref<10000x128xf32, #tpu.memory_space<hbm>>) target(%dma_start3A_24 : memref<40x128xf32, #tpu.memory_space<vmem>>) offsets(%dma_start3A_26 : memref<40xi32, #tpu.memory_space<vmem>>) semaphore(%arg10 : memref<!tpu.dma_semaphore, #tpu.memory_space<semaphore_mem>>)
    %add3A_30 = arith.constant 40 : i32
    %add3A_31 = arith.addi %multiple_of3A_3, %add3A_30 : i32
    %dma_start3A_32 = tpu.memref_slice %arg9[%add3A_31] : memref<600xf32, #tpu.memory_space<vmem>> -> memref<40xf32, #tpu.memory_space<vmem>>
    %dma_start3A_33 = arith.constant 40 : i32
    %dma_start3A_34 = tpu.memref_slice %arg7[%dma_start3A_33] : memref<5000xi32, #tpu.memory_space<vmem>> -> memref<40xi32, #tpu.memory_space<vmem>>
    %dma_start3A_35 = arith.constant 0 : i32
    %dma_start3A_36 = tpu.memref_slice %arg3[%dma_start3A_35] : memref<10000xf32, #tpu.memory_space<hbm>> -> memref<10000xf32, #tpu.memory_space<hbm>>
    tpu.enqueue_indirect_dma source(%dma_start3A_36 : memref<10000xf32, #tpu.memory_space<hbm>>) target(%dma_start3A_32 : memref<40xf32, #tpu.memory_space<vmem>>) offsets(%dma_start3A_34 : memref<40xi32, #tpu.memory_space<vmem>>) semaphore(%arg11 : memref<!tpu.dma_semaphore, #tpu.memory_space<semaphore_mem>>)
    %dma_start3A_37 = arith.constant 0 : i32
    %dma_start3A_38 = arith.constant 80 : i32
    %dma_start3A_39 = arith.constant 0 : i32
    %dma_start3A_40 = tpu.memref_slice %arg8[%dma_start3A_37, %dma_start3A_38, %dma_start3A_39] : memref<3x200x128xf32, #tpu.memory_space<vmem>> -> memref<1x40x128xf32, #tpu.memory_space<vmem>>
    %dma_start3A_41 = tpu.memref_squeeze %dma_start3A_40 : memref<1x40x128xf32, #tpu.memory_space<vmem>> -> memref<40x128xf32, #tpu.memory_space<vmem>>
    %dma_start3A_42 = arith.constant 80 : i32
    %dma_start3A_43 = tpu.memref_slice %arg7[%dma_start3A_42] : memref<5000xi32, #tpu.memory_space<vmem>> -> memref<40xi32, #tpu.memory_space<vmem>>
    %dma_start3A_44 = arith.constant 0 : i32
    %dma_start3A_45 = arith.constant 0 : i32
    %dma_start3A_46 = tpu.memref_slice %arg2[%dma_start3A_44, %dma_start3A_45] : memref<10000x128xf32, #tpu.memory_space<hbm>> -> memref<10000x128xf32, #tpu.memory_space<hbm>>
    tpu.enqueue_indirect_dma source(%dma_start3A_46 : memref<10000x128xf32, #tpu.memory_space<hbm>>) target(%dma_start3A_41 : memref<40x128xf32, #tpu.memory_space<vmem>>) offsets(%dma_start3A_43 : memref<40xi32, #tpu.memory_space<vmem>>) semaphore(%arg10 : memref<!tpu.dma_semaphore, #tpu.memory_space<semaphore_mem>>)
    %add3A_47 = arith.constant 80 : i32
    %add3A_48 = arith.addi %multiple_of3A_3, %add3A_47 : i32
    %dma_start3A_49 = tpu.memref_slice %arg9[%add3A_48] : memref<600xf32, #tpu.memory_space<vmem>> -> memref<40xf32, #tpu.memory_space<vmem>>
    %dma_start3A_50 = arith.constant 80 : i32
    %dma_start3A_51 = tpu.memref_slice %arg7[%dma_start3A_50] : memref<5000xi32, #tpu.memory_space<vmem>> -> memref<40xi32, #tpu.memory_space<vmem>>
    %dma_start3A_52 = arith.constant 0 : i32
    %dma_start3A_53 = tpu.memref_slice %arg3[%dma_start3A_52] : memref<10000xf32, #tpu.memory_space<hbm>> -> memref<10000xf32, #tpu.memory_space<hbm>>
    tpu.enqueue_indirect_dma source(%dma_start3A_53 : memref<10000xf32, #tpu.memory_space<hbm>>) target(%dma_start3A_49 : memref<40xf32, #tpu.memory_space<vmem>>) offsets(%dma_start3A_51 : memref<40xi32, #tpu.memory_space<vmem>>) semaphore(%arg11 : memref<!tpu.dma_semaphore, #tpu.memory_space<semaphore_mem>>)
    %dma_start3A_54 = arith.constant 0 : i32
    %dma_start3A_55 = arith.constant 120 : i32
    %dma_start3A_56 = arith.constant 0 : i32
    %dma_start3A_57 = tpu.memref_slice %arg8[%dma_start3A_54, %dma_start3A_55, %dma_start3A_56] : memref<3x200x128xf32, #tpu.memory_space<vmem>> -> memref<1x40x128xf32, #tpu.memory_space<vmem>>
    %dma_start3A_58 = tpu.memref_squeeze %dma_start3A_57 : memref<1x40x128xf32, #tpu.memory_space<vmem>> -> memref<40x128xf32, #tpu.memory_space<vmem>>
    %dma_start3A_59 = arith.constant 120 : i32
    %dma_start3A_60 = tpu.memref_slice %arg7[%dma_start3A_59] : memref<5000xi32, #tpu.memory_space<vmem>> -> memref<40xi32, #tpu.memory_space<vmem>>
    %dma_start3A_61 = arith.constant 0 : i32
    %dma_start3A_62 = arith.constant 0 : i32
    %dma_start3A_63 = tpu.memref_slice %arg2[%dma_start3A_61, %dma_start3A_62] : memref<10000x128xf32, #tpu.memory_space<hbm>> -> memref<10000x128xf32, #tpu.memory_space<hbm>>
    tpu.enqueue_indirect_dma source(%dma_start3A_63 : memref<10000x128xf32, #tpu.memory_space<hbm>>) target(%dma_start3A_58 : memref<40x128xf32, #tpu.memory_space<vmem>>) offsets(%dma_start3A_60 : memref<40xi32, #tpu.memory_space<vmem>>) semaphore(%arg10 : memref<!tpu.dma_semaphore, #tpu.memory_space<semaphore_mem>>)
    %add3A_64 = arith.constant 120 : i32
    %add3A_65 = arith.addi %multiple_of3A_3, %add3A_64 : i32
    %dma_start3A_66 = tpu.memref_slice %arg9[%add3A_65] : memref<600xf32, #tpu.memory_space<vmem>> -> memref<40xf32, #tpu.memory_space<vmem>>
    %dma_start3A_67 = arith.constant 120 : i32
    %dma_start3A_68 = tpu.memref_slice %arg7[%dma_start3A_67] : memref<5000xi32, #tpu.memory_space<vmem>> -> memref<40xi32, #tpu.memory_space<vmem>>
    %dma_start3A_69 = arith.constant 0 : i32
    %dma_start3A_70 = tpu.memref_slice %arg3[%dma_start3A_69] : memref<10000xf32, #tpu.memory_space<hbm>> -> memref<10000xf32, #tpu.memory_space<hbm>>
    tpu.enqueue_indirect_dma source(%dma_start3A_70 : memref<10000xf32, #tpu.memory_space<hbm>>) target(%dma_start3A_66 : memref<40xf32, #tpu.memory_space<vmem>>) offsets(%dma_start3A_68 : memref<40xi32, #tpu.memory_space<vmem>>) semaphore(%arg11 : memref<!tpu.dma_semaphore, #tpu.memory_space<semaphore_mem>>)
    %dma_start3A_71 = arith.constant 0 : i32
    %dma_start3A_72 = arith.constant 160 : i32
    %dma_start3A_73 = arith.constant 0 : i32
    %dma_start3A_74 = tpu.memref_slice %arg8[%dma_start3A_71, %dma_start3A_72, %dma_start3A_73] : memref<3x200x128xf32, #tpu.memory_space<vmem>> -> memref<1x40x128xf32, #tpu.memory_space<vmem>>
    %dma_start3A_75 = tpu.memref_squeeze %dma_start3A_74 : memref<1x40x128xf32, #tpu.memory_space<vmem>> -> memref<40x128xf32, #tpu.memory_space<vmem>>
    %dma_start3A_76 = arith.constant 160 : i32
    %dma_start3A_77 = tpu.memref_slice %arg7[%dma_start3A_76] : memref<5000xi32, #tpu.memory_space<vmem>> -> memref<40xi32, #tpu.memory_space<vmem>>
    %dma_start3A_78 = arith.constant 0 : i32
    %dma_start3A_79 = arith.constant 0 : i32
    %dma_start3A_80 = tpu.memref_slice %arg2[%dma_start3A_78, %dma_start3A_79] : memref<10000x128xf32, #tpu.memory_space<hbm>> -> memref<10000x128xf32, #tpu.memory_space<hbm>>
    tpu.enqueue_indirect_dma source(%dma_start3A_80 : memref<10000x128xf32, #tpu.memory_space<hbm>>) target(%dma_start3A_75 : memref<40x128xf32, #tpu.memory_space<vmem>>) offsets(%dma_start3A_77 : memref<40xi32, #tpu.memory_space<vmem>>) semaphore(%arg10 : memref<!tpu.dma_semaphore, #tpu.memory_space<semaphore_mem>>)
    %add3A_81 = arith.constant 160 : i32
    %add3A_82 = arith.addi %multiple_of3A_3, %add3A_81 : i32
    %dma_start3A_83 = tpu.memref_slice %arg9[%add3A_82] : memref<600xf32, #tpu.memory_space<vmem>> -> memref<40xf32, #tpu.memory_space<vmem>>
    %dma_start3A_84 = arith.constant 160 : i32
    %dma_start3A_85 = tpu.memref_slice %arg7[%dma_start3A_84] : memref<5000xi32, #tpu.memory_space<vmem>> -> memref<40xi32, #tpu.memory_space<vmem>>
    %dma_start3A_86 = arith.constant 0 : i32
    %dma_start3A_87 = tpu.memref_slice %arg3[%dma_start3A_86] : memref<10000xf32, #tpu.memory_space<hbm>> -> memref<10000xf32, #tpu.memory_space<hbm>>
    tpu.enqueue_indirect_dma source(%dma_start3A_87 : memref<10000xf32, #tpu.memory_space<hbm>>) target(%dma_start3A_83 : memref<40xf32, #tpu.memory_space<vmem>>) offsets(%dma_start3A_85 : memref<40xi32, #tpu.memory_space<vmem>>) semaphore(%arg11 : memref<!tpu.dma_semaphore, #tpu.memory_space<semaphore_mem>>)
    %multiple_of3A_88 = arith.constant 200 : i32
    %multiple_of3A_89 = tpu.assume_multiple %multiple_of3A_88, 8 : i32
    %dma_start3A_90 = arith.constant 1 : i32
    %dma_start3A_91 = arith.constant 0 : i32
    %dma_start3A_92 = arith.constant 0 : i32
    %dma_start3A_93 = tpu.memref_slice %arg8[%dma_start3A_90, %dma_start3A_91, %dma_start3A_92] : memref<3x200x128xf32, #tpu.memory_space<vmem>> -> memref<1x40x128xf32, #tpu.memory_space<vmem>>
    %dma_start3A_94 = tpu.memref_squeeze %dma_start3A_93 : memref<1x40x128xf32, #tpu.memory_space<vmem>> -> memref<40x128xf32, #tpu.memory_space<vmem>>
    %dma_start3A_95 = arith.constant 200 : i32
    %dma_start3A_96 = tpu.memref_slice %arg7[%dma_start3A_95] : memref<5000xi32, #tpu.memory_space<vmem>> -> memref<40xi32, #tpu.memory_space<vmem>>
    %dma_start3A_97 = arith.constant 0 : i32
    %dma_start3A_98 = arith.constant 0 : i32
    %dma_start3A_99 = tpu.memref_slice %arg2[%dma_start3A_97, %dma_start3A_98] : memref<10000x128xf32, #tpu.memory_space<hbm>> -> memref<10000x128xf32, #tpu.memory_space<hbm>>
    tpu.enqueue_indirect_dma source(%dma_start3A_99 : memref<10000x128xf32, #tpu.memory_space<hbm>>) target(%dma_start3A_94 : memref<40x128xf32, #tpu.memory_space<vmem>>) offsets(%dma_start3A_96 : memref<40xi32, #tpu.memory_space<vmem>>) semaphore(%arg10 : memref<!tpu.dma_semaphore, #tpu.memory_space<semaphore_mem>>)
    %add3A_100 = arith.constant 0 : i32
    %add3A_101 = arith.addi %multiple_of3A_89, %add3A_100 : i32
    %dma_start3A_102 = tpu.memref_slice %arg9[%add3A_101] : memref<600xf32, #tpu.memory_space<vmem>> -> memref<40xf32, #tpu.memory_space<vmem>>
    %dma_start3A_103 = arith.constant 200 : i32
    %dma_start3A_104 = tpu.memref_slice %arg7[%dma_start3A_103] : memref<5000xi32, #tpu.memory_space<vmem>> -> memref<40xi32, #tpu.memory_space<vmem>>
    %dma_start3A_105 = arith.constant 0 : i32
    %dma_start3A_106 = tpu.memref_slice %arg3[%dma_start3A_105] : memref<10000xf32, #tpu.memory_space<hbm>> -> memref<10000xf32, #tpu.memory_space<hbm>>
    tpu.enqueue_indirect_dma source(%dma_start3A_106 : memref<10000xf32, #tpu.memory_space<hbm>>) target(%dma_start3A_102 : memref<40xf32, #tpu.memory_space<vmem>>) offsets(%dma_start3A_104 : memref<40xi32, #tpu.memory_space<vmem>>) semaphore(%arg11 : memref<!tpu.dma_semaphore, #tpu.memory_space<semaphore_mem>>)
    %dma_start3A_107 = arith.constant 1 : i32
    %dma_start3A_108 = arith.constant 40 : i32
    %dma_start3A_109 = arith.constant 0 : i32
    %dma_start3A_110 = tpu.memref_slice %arg8[%dma_start3A_107, %dma_start3A_108, %dma_start3A_109] : memref<3x200x128xf32, #tpu.memory_space<vmem>> -> memref<1x40x128xf32, #tpu.memory_space<vmem>>
    %dma_start3A_111 = tpu.memref_squeeze %dma_start3A_110 : memref<1x40x128xf32, #tpu.memory_space<vmem>> -> memref<40x128xf32, #tpu.memory_space<vmem>>
    %dma_start3A_112 = arith.constant 240 : i32
    %dma_start3A_113 = tpu.memref_slice %arg7[%dma_start3A_112] : memref<5000xi32, #tpu.memory_space<vmem>> -> memref<40xi32, #tpu.memory_space<vmem>>
    %dma_start3A_114 = arith.constant 0 : i32
    %dma_start3A_115 = arith.constant 0 : i32
    %dma_start3A_116 = tpu.memref_slice %arg2[%dma_start3A_114, %dma_start3A_115] : memref<10000x128xf32, #tpu.memory_space<hbm>> -> memref<10000x128xf32, #tpu.memory_space<hbm>>
    tpu.enqueue_indirect_dma source(%dma_start3A_116 : memref<10000x128xf32, #tpu.memory_space<hbm>>) target(%dma_start3A_111 : memref<40x128xf32, #tpu.memory_space<vmem>>) offsets(%dma_start3A_113 : memref<40xi32, #tpu.memory_space<vmem>>) semaphore(%arg10 : memref<!tpu.dma_semaphore, #tpu.memory_space<semaphore_mem>>)
    %add3A_117 = arith.constant 40 : i32
    %add3A_118 = arith.addi %multiple_of3A_89, %add3A_117 : i32
    %dma_start3A_119 = tpu.memref_slice %arg9[%add3A_118] : memref<600xf32, #tpu.memory_space<vmem>> -> memref<40xf32, #tpu.memory_space<vmem>>
    %dma_start3A_120 = arith.constant 240 : i32
    %dma_start3A_121 = tpu.memref_slice %arg7[%dma_start3A_120] : memref<5000xi32, #tpu.memory_space<vmem>> -> memref<40xi32, #tpu.memory_space<vmem>>
    %dma_start3A_122 = arith.constant 0 : i32
    %dma_start3A_123 = tpu.memref_slice %arg3[%dma_start3A_122] : memref<10000xf32, #tpu.memory_space<hbm>> -> memref<10000xf32, #tpu.memory_space<hbm>>
    tpu.enqueue_indirect_dma source(%dma_start3A_123 : memref<10000xf32, #tpu.memory_space<hbm>>) target(%dma_start3A_119 : memref<40xf32, #tpu.memory_space<vmem>>) offsets(%dma_start3A_121 : memref<40xi32, #tpu.memory_space<vmem>>) semaphore(%arg11 : memref<!tpu.dma_semaphore, #tpu.memory_space<semaphore_mem>>)
    %dma_start3A_124 = arith.constant 1 : i32
    %dma_start3A_125 = arith.constant 80 : i32
    %dma_start3A_126 = arith.constant 0 : i32
    %dma_start3A_127 = tpu.memref_slice %arg8[%dma_start3A_124, %dma_start3A_125, %dma_start3A_126] : memref<3x200x128xf32, #tpu.memory_space<vmem>> -> memref<1x40x128xf32, #tpu.memory_space<vmem>>
    %dma_start3A_128 = tpu.memref_squeeze %dma_start3A_127 : memref<1x40x128xf32, #tpu.memory_space<vmem>> -> memref<40x128xf32, #tpu.memory_space<vmem>>
    %dma_start3A_129 = arith.constant 280 : i32
    %dma_start3A_130 = tpu.memref_slice %arg7[%dma_start3A_129] : memref<5000xi32, #tpu.memory_space<vmem>> -> memref<40xi32, #tpu.memory_space<vmem>>
    %dma_start3A_131 = arith.constant 0 : i32
    %dma_start3A_132 = arith.constant 0 : i32
    %dma_start3A_133 = tpu.memref_slice %arg2[%dma_start3A_131, %dma_start3A_132] : memref<10000x128xf32, #tpu.memory_space<hbm>> -> memref<10000x128xf32, #tpu.memory_space<hbm>>
    tpu.enqueue_indirect_dma source(%dma_start3A_133 : memref<10000x128xf32, #tpu.memory_space<hbm>>) target(%dma_start3A_128 : memref<40x128xf32, #tpu.memory_space<vmem>>) offsets(%dma_start3A_130 : memref<40xi32, #tpu.memory_space<vmem>>) semaphore(%arg10 : memref<!tpu.dma_semaphore, #tpu.memory_space<semaphore_mem>>)
    %add3A_134 = arith.constant 80 : i32
    %add3A_135 = arith.addi %multiple_of3A_89, %add3A_134 : i32
    %dma_start3A_136 = tpu.memref_slice %arg9[%add3A_135] : memref<600xf32, #tpu.memory_space<vmem>> -> memref<40xf32, #tpu.memory_space<vmem>>
    %dma_start3A_137 = arith.constant 280 : i32
    %dma_start3A_138 = tpu.memref_slice %arg7[%dma_start3A_137] : memref<5000xi32, #tpu.memory_space<vmem>> -> memref<40xi32, #tpu.memory_space<vmem>>
    %dma_start3A_139 = arith.constant 0 : i32
    %dma_start3A_140 = tpu.memref_slice %arg3[%dma_start3A_139] : memref<10000xf32, #tpu.memory_space<hbm>> -> memref<10000xf32, #tpu.memory_space<hbm>>
    tpu.enqueue_indirect_dma source(%dma_start3A_140 : memref<10000xf32, #tpu.memory_space<hbm>>) target(%dma_start3A_136 : memref<40xf32, #tpu.memory_space<vmem>>) offsets(%dma_start3A_138 : memref<40xi32, #tpu.memory_space<vmem>>) semaphore(%arg11 : memref<!tpu.dma_semaphore, #tpu.memory_space<semaphore_mem>>)
    %dma_start3A_141 = arith.constant 1 : i32
    %dma_start3A_142 = arith.constant 120 : i32
    %dma_start3A_143 = arith.constant 0 : i32
    %dma_start3A_144 = tpu.memref_slice %arg8[%dma_start3A_141, %dma_start3A_142, %dma_start3A_143] : memref<3x200x128xf32, #tpu.memory_space<vmem>> -> memref<1x40x128xf32, #tpu.memory_space<vmem>>
    %dma_start3A_145 = tpu.memref_squeeze %dma_start3A_144 : memref<1x40x128xf32, #tpu.memory_space<vmem>> -> memref<40x128xf32, #tpu.memory_space<vmem>>
    %dma_start3A_146 = arith.constant 320 : i32
    %dma_start3A_147 = tpu.memref_slice %arg7[%dma_start3A_146] : memref<5000xi32, #tpu.memory_space<vmem>> -> memref<40xi32, #tpu.memory_space<vmem>>
    %dma_start3A_148 = arith.constant 0 : i32
    %dma_start3A_149 = arith.constant 0 : i32
    %dma_start3A_150 = tpu.memref_slice %arg2[%dma_start3A_148, %dma_start3A_149] : memref<10000x128xf32, #tpu.memory_space<hbm>> -> memref<10000x128xf32, #tpu.memory_space<hbm>>
    tpu.enqueue_indirect_dma source(%dma_start3A_150 : memref<10000x128xf32, #tpu.memory_space<hbm>>) target(%dma_start3A_145 : memref<40x128xf32, #tpu.memory_space<vmem>>) offsets(%dma_start3A_147 : memref<40xi32, #tpu.memory_space<vmem>>) semaphore(%arg10 : memref<!tpu.dma_semaphore, #tpu.memory_space<semaphore_mem>>)
    %add3A_151 = arith.constant 120 : i32
    %add3A_152 = arith.addi %multiple_of3A_89, %add3A_151 : i32
    %dma_start3A_153 = tpu.memref_slice %arg9[%add3A_152] : memref<600xf32, #tpu.memory_space<vmem>> -> memref<40xf32, #tpu.memory_space<vmem>>
    %dma_start3A_154 = arith.constant 320 : i32
    %dma_start3A_155 = tpu.memref_slice %arg7[%dma_start3A_154] : memref<5000xi32, #tpu.memory_space<vmem>> -> memref<40xi32, #tpu.memory_space<vmem>>
    %dma_start3A_156 = arith.constant 0 : i32
    %dma_start3A_157 = tpu.memref_slice %arg3[%dma_start3A_156] : memref<10000xf32, #tpu.memory_space<hbm>> -> memref<10000xf32, #tpu.memory_space<hbm>>
    tpu.enqueue_indirect_dma source(%dma_start3A_157 : memref<10000xf32, #tpu.memory_space<hbm>>) target(%dma_start3A_153 : memref<40xf32, #tpu.memory_space<vmem>>) offsets(%dma_start3A_155 : memref<40xi32, #tpu.memory_space<vmem>>) semaphore(%arg11 : memref<!tpu.dma_semaphore, #tpu.memory_space<semaphore_mem>>)
    %dma_start3A_158 = arith.constant 1 : i32
    %dma_start3A_159 = arith.constant 160 : i32
    %dma_start3A_160 = arith.constant 0 : i32
    %dma_start3A_161 = tpu.memref_slice %arg8[%dma_start3A_158, %dma_start3A_159, %dma_start3A_160] : memref<3x200x128xf32, #tpu.memory_space<vmem>> -> memref<1x40x128xf32, #tpu.memory_space<vmem>>
    %dma_start3A_162 = tpu.memref_squeeze %dma_start3A_161 : memref<1x40x128xf32, #tpu.memory_space<vmem>> -> memref<40x128xf32, #tpu.memory_space<vmem>>
    %dma_start3A_163 = arith.constant 360 : i32
    %dma_start3A_164 = tpu.memref_slice %arg7[%dma_start3A_163] : memref<5000xi32, #tpu.memory_space<vmem>> -> memref<40xi32, #tpu.memory_space<vmem>>
    %dma_start3A_165 = arith.constant 0 : i32
    %dma_start3A_166 = arith.constant 0 : i32
    %dma_start3A_167 = tpu.memref_slice %arg2[%dma_start3A_165, %dma_start3A_166] : memref<10000x128xf32, #tpu.memory_space<hbm>> -> memref<10000x128xf32, #tpu.memory_space<hbm>>
    tpu.enqueue_indirect_dma source(%dma_start3A_167 : memref<10000x128xf32, #tpu.memory_space<hbm>>) target(%dma_start3A_162 : memref<40x128xf32, #tpu.memory_space<vmem>>) offsets(%dma_start3A_164 : memref<40xi32, #tpu.memory_space<vmem>>) semaphore(%arg10 : memref<!tpu.dma_semaphore, #tpu.memory_space<semaphore_mem>>)
    %add3A_168 = arith.constant 160 : i32
    %add3A_169 = arith.addi %multiple_of3A_89, %add3A_168 : i32
    %dma_start3A_170 = tpu.memref_slice %arg9[%add3A_169] : memref<600xf32, #tpu.memory_space<vmem>> -> memref<40xf32, #tpu.memory_space<vmem>>
    %dma_start3A_171 = arith.constant 360 : i32
    %dma_start3A_172 = tpu.memref_slice %arg7[%dma_start3A_171] : memref<5000xi32, #tpu.memory_space<vmem>> -> memref<40xi32, #tpu.memory_space<vmem>>
    %dma_start3A_173 = arith.constant 0 : i32
    %dma_start3A_174 = tpu.memref_slice %arg3[%dma_start3A_173] : memref<10000xf32, #tpu.memory_space<hbm>> -> memref<10000xf32, #tpu.memory_space<hbm>>
    tpu.enqueue_indirect_dma source(%dma_start3A_174 : memref<10000xf32, #tpu.memory_space<hbm>>) target(%dma_start3A_170 : memref<40xf32, #tpu.memory_space<vmem>>) offsets(%dma_start3A_172 : memref<40xi32, #tpu.memory_space<vmem>>) semaphore(%arg11 : memref<!tpu.dma_semaphore, #tpu.memory_space<semaphore_mem>>)
    %multiple_of3A_175 = arith.constant 0 : i32
    %multiple_of3A_176 = tpu.assume_multiple %multiple_of3A_175, 8 : i32
    %add3A_177 = arith.constant 0 : i32
    %add3A_178 = arith.addi %multiple_of3A_176, %add3A_177 : i32
    %add3A_179 = arith.constant 40 : i32
    %add3A_180 = arith.addi %multiple_of3A_176, %add3A_179 : i32
    %add3A_181 = arith.constant 80 : i32
    %add3A_182 = arith.addi %multiple_of3A_176, %add3A_181 : i32
    %add3A_183 = arith.constant 120 : i32
    %add3A_184 = arith.addi %multiple_of3A_176, %add3A_183 : i32
    %add3A_185 = arith.constant 160 : i32
    %add3A_186 = arith.addi %multiple_of3A_176, %add3A_185 : i32
    %dma_wait3A = arith.constant 0 : i32
    %dma_wait3A_187 = arith.constant 0 : i32
    %dma_wait3A_188 = arith.constant 0 : i32
    %dma_wait3A_189 = tpu.memref_slice %arg8[%dma_wait3A, %dma_wait3A_187, %dma_wait3A_188] : memref<3x200x128xf32, #tpu.memory_space<vmem>> -> memref<1x40x128xf32, #tpu.memory_space<vmem>>
    %dma_wait3A_190 = tpu.memref_squeeze %dma_wait3A_189 : memref<1x40x128xf32, #tpu.memory_space<vmem>> -> memref<40x128xf32, #tpu.memory_space<vmem>>
    %dma_wait3A_191 = arith.constant 0 : i32
    %dma_wait3A_192 = tpu.memref_slice %arg7[%dma_wait3A_191] : memref<5000xi32, #tpu.memory_space<vmem>> -> memref<40xi32, #tpu.memory_space<vmem>>
    %dma_wait3A_193 = arith.constant 0 : i32
    %dma_wait3A_194 = arith.constant 0 : i32
    %dma_wait3A_195 = tpu.memref_slice %arg2[%dma_wait3A_193, %dma_wait3A_194] : memref<10000x128xf32, #tpu.memory_space<hbm>> -> memref<10000x128xf32, #tpu.memory_space<hbm>>
    tpu.wait_indirect_dma semaphore(%arg10 : memref<!tpu.dma_semaphore, #tpu.memory_space<semaphore_mem>>) src(%dma_wait3A_195 : memref<10000x128xf32, #tpu.memory_space<hbm>>) dst(%dma_wait3A_190 : memref<40x128xf32, #tpu.memory_space<vmem>>)
    %dma_wait3A_196 = tpu.memref_slice %arg9[%add3A_178] : memref<600xf32, #tpu.memory_space<vmem>> -> memref<40xf32, #tpu.memory_space<vmem>>
    %dma_wait3A_197 = arith.constant 0 : i32
    %dma_wait3A_198 = tpu.memref_slice %arg7[%dma_wait3A_197] : memref<5000xi32, #tpu.memory_space<vmem>> -> memref<40xi32, #tpu.memory_space<vmem>>
    %dma_wait3A_199 = arith.constant 0 : i32
    %dma_wait3A_200 = tpu.memref_slice %arg3[%dma_wait3A_199] : memref<10000xf32, #tpu.memory_space<hbm>> -> memref<10000xf32, #tpu.memory_space<hbm>>
    tpu.wait_indirect_dma semaphore(%arg11 : memref<!tpu.dma_semaphore, #tpu.memory_space<semaphore_mem>>) src(%dma_wait3A_200 : memref<10000xf32, #tpu.memory_space<hbm>>) dst(%dma_wait3A_196 : memref<40xf32, #tpu.memory_space<vmem>>)
    %dma_wait3A_201 = arith.constant 0 : i32
    %dma_wait3A_202 = arith.constant 40 : i32
    %dma_wait3A_203 = arith.constant 0 : i32
    %dma_wait3A_204 = tpu.memref_slice %arg8[%dma_wait3A_201, %dma_wait3A_202, %dma_wait3A_203] : memref<3x200x128xf32, #tpu.memory_space<vmem>> -> memref<1x40x128xf32, #tpu.memory_space<vmem>>
    %dma_wait3A_205 = tpu.memref_squeeze %dma_wait3A_204 : memref<1x40x128xf32, #tpu.memory_space<vmem>> -> memref<40x128xf32, #tpu.memory_space<vmem>>
    %dma_wait3A_206 = arith.constant 40 : i32
    %dma_wait3A_207 = tpu.memref_slice %arg7[%dma_wait3A_206] : memref<5000xi32, #tpu.memory_space<vmem>> -> memref<40xi32, #tpu.memory_space<vmem>>
    %dma_wait3A_208 = arith.constant 0 : i32
    %dma_wait3A_209 = arith.constant 0 : i32
    %dma_wait3A_210 = tpu.memref_slice %arg2[%dma_wait3A_208, %dma_wait3A_209] : memref<10000x128xf32, #tpu.memory_space<hbm>> -> memref<10000x128xf32, #tpu.memory_space<hbm>>
    tpu.wait_indirect_dma semaphore(%arg10 : memref<!tpu.dma_semaphore, #tpu.memory_space<semaphore_mem>>) src(%dma_wait3A_210 : memref<10000x128xf32, #tpu.memory_space<hbm>>) dst(%dma_wait3A_205 : memref<40x128xf32, #tpu.memory_space<vmem>>)
    %dma_wait3A_211 = tpu.memref_slice %arg9[%add3A_180] : memref<600xf32, #tpu.memory_space<vmem>> -> memref<40xf32, #tpu.memory_space<vmem>>
    %dma_wait3A_212 = arith.constant 40 : i32
    %dma_wait3A_213 = tpu.memref_slice %arg7[%dma_wait3A_212] : memref<5000xi32, #tpu.memory_space<vmem>> -> memref<40xi32, #tpu.memory_space<vmem>>
    %dma_wait3A_214 = arith.constant 0 : i32
    %dma_wait3A_215 = tpu.memref_slice %arg3[%dma_wait3A_214] : memref<10000xf32, #tpu.memory_space<hbm>> -> memref<10000xf32, #tpu.memory_space<hbm>>
    tpu.wait_indirect_dma semaphore(%arg11 : memref<!tpu.dma_semaphore, #tpu.memory_space<semaphore_mem>>) src(%dma_wait3A_215 : memref<10000xf32, #tpu.memory_space<hbm>>) dst(%dma_wait3A_211 : memref<40xf32, #tpu.memory_space<vmem>>)
    %dma_wait3A_216 = arith.constant 0 : i32
    %dma_wait3A_217 = arith.constant 80 : i32
    %dma_wait3A_218 = arith.constant 0 : i32
    %dma_wait3A_219 = tpu.memref_slice %arg8[%dma_wait3A_216, %dma_wait3A_217, %dma_wait3A_218] : memref<3x200x128xf32, #tpu.memory_space<vmem>> -> memref<1x40x128xf32, #tpu.memory_space<vmem>>
    %dma_wait3A_220 = tpu.memref_squeeze %dma_wait3A_219 : memref<1x40x128xf32, #tpu.memory_space<vmem>> -> memref<40x128xf32, #tpu.memory_space<vmem>>
    %dma_wait3A_221 = arith.constant 80 : i32
    %dma_wait3A_222 = tpu.memref_slice %arg7[%dma_wait3A_221] : memref<5000xi32, #tpu.memory_space<vmem>> -> memref<40xi32, #tpu.memory_space<vmem>>
    %dma_wait3A_223 = arith.constant 0 : i32
    %dma_wait3A_224 = arith.constant 0 : i32
    %dma_wait3A_225 = tpu.memref_slice %arg2[%dma_wait3A_223, %dma_wait3A_224] : memref<10000x128xf32, #tpu.memory_space<hbm>> -> memref<10000x128xf32, #tpu.memory_space<hbm>>
    tpu.wait_indirect_dma semaphore(%arg10 : memref<!tpu.dma_semaphore, #tpu.memory_space<semaphore_mem>>) src(%dma_wait3A_225 : memref<10000x128xf32, #tpu.memory_space<hbm>>) dst(%dma_wait3A_220 : memref<40x128xf32, #tpu.memory_space<vmem>>)
    %dma_wait3A_226 = tpu.memref_slice %arg9[%add3A_182] : memref<600xf32, #tpu.memory_space<vmem>> -> memref<40xf32, #tpu.memory_space<vmem>>
    %dma_wait3A_227 = arith.constant 80 : i32
    %dma_wait3A_228 = tpu.memref_slice %arg7[%dma_wait3A_227] : memref<5000xi32, #tpu.memory_space<vmem>> -> memref<40xi32, #tpu.memory_space<vmem>>
    %dma_wait3A_229 = arith.constant 0 : i32
    %dma_wait3A_230 = tpu.memref_slice %arg3[%dma_wait3A_229] : memref<10000xf32, #tpu.memory_space<hbm>> -> memref<10000xf32, #tpu.memory_space<hbm>>
    tpu.wait_indirect_dma semaphore(%arg11 : memref<!tpu.dma_semaphore, #tpu.memory_space<semaphore_mem>>) src(%dma_wait3A_230 : memref<10000xf32, #tpu.memory_space<hbm>>) dst(%dma_wait3A_226 : memref<40xf32, #tpu.memory_space<vmem>>)
    %dma_wait3A_231 = arith.constant 0 : i32
    %dma_wait3A_232 = arith.constant 120 : i32
    %dma_wait3A_233 = arith.constant 0 : i32
    %dma_wait3A_234 = tpu.memref_slice %arg8[%dma_wait3A_231, %dma_wait3A_232, %dma_wait3A_233] : memref<3x200x128xf32, #tpu.memory_space<vmem>> -> memref<1x40x128xf32, #tpu.memory_space<vmem>>
    %dma_wait3A_235 = tpu.memref_squeeze %dma_wait3A_234 : memref<1x40x128xf32, #tpu.memory_space<vmem>> -> memref<40x128xf32, #tpu.memory_space<vmem>>
    %dma_wait3A_236 = arith.constant 120 : i32
    %dma_wait3A_237 = tpu.memref_slice %arg7[%dma_wait3A_236] : memref<5000xi32, #tpu.memory_space<vmem>> -> memref<40xi32, #tpu.memory_space<vmem>>
    %dma_wait3A_238 = arith.constant 0 : i32
    %dma_wait3A_239 = arith.constant 0 : i32
    %dma_wait3A_240 = tpu.memref_slice %arg2[%dma_wait3A_238, %dma_wait3A_239] : memref<10000x128xf32, #tpu.memory_space<hbm>> -> memref<10000x128xf32, #tpu.memory_space<hbm>>
    tpu.wait_indirect_dma semaphore(%arg10 : memref<!tpu.dma_semaphore, #tpu.memory_space<semaphore_mem>>) src(%dma_wait3A_240 : memref<10000x128xf32, #tpu.memory_space<hbm>>) dst(%dma_wait3A_235 : memref<40x128xf32, #tpu.memory_space<vmem>>)
    %dma_wait3A_241 = tpu.memref_slice %arg9[%add3A_184] : memref<600xf32, #tpu.memory_space<vmem>> -> memref<40xf32, #tpu.memory_space<vmem>>
    %dma_wait3A_242 = arith.constant 120 : i32
    %dma_wait3A_243 = tpu.memref_slice %arg7[%dma_wait3A_242] : memref<5000xi32, #tpu.memory_space<vmem>> -> memref<40xi32, #tpu.memory_space<vmem>>
    %dma_wait3A_244 = arith.constant 0 : i32
    %dma_wait3A_245 = tpu.memref_slice %arg3[%dma_wait3A_244] : memref<10000xf32, #tpu.memory_space<hbm>> -> memref<10000xf32, #tpu.memory_space<hbm>>
    tpu.wait_indirect_dma semaphore(%arg11 : memref<!tpu.dma_semaphore, #tpu.memory_space<semaphore_mem>>) src(%dma_wait3A_245 : memref<10000xf32, #tpu.memory_space<hbm>>) dst(%dma_wait3A_241 : memref<40xf32, #tpu.memory_space<vmem>>)
    %dma_wait3A_246 = arith.constant 0 : i32
    %dma_wait3A_247 = arith.constant 160 : i32
    %dma_wait3A_248 = arith.constant 0 : i32
    %dma_wait3A_249 = tpu.memref_slice %arg8[%dma_wait3A_246, %dma_wait3A_247, %dma_wait3A_248] : memref<3x200x128xf32, #tpu.memory_space<vmem>> -> memref<1x40x128xf32, #tpu.memory_space<vmem>>
    %dma_wait3A_250 = tpu.memref_squeeze %dma_wait3A_249 : memref<1x40x128xf32, #tpu.memory_space<vmem>> -> memref<40x128xf32, #tpu.memory_space<vmem>>
    %dma_wait3A_251 = arith.constant 160 : i32
    %dma_wait3A_252 = tpu.memref_slice %arg7[%dma_wait3A_251] : memref<5000xi32, #tpu.memory_space<vmem>> -> memref<40xi32, #tpu.memory_space<vmem>>
    %dma_wait3A_253 = arith.constant 0 : i32
    %dma_wait3A_254 = arith.constant 0 : i32
    %dma_wait3A_255 = tpu.memref_slice %arg2[%dma_wait3A_253, %dma_wait3A_254] : memref<10000x128xf32, #tpu.memory_space<hbm>> -> memref<10000x128xf32, #tpu.memory_space<hbm>>
    tpu.wait_indirect_dma semaphore(%arg10 : memref<!tpu.dma_semaphore, #tpu.memory_space<semaphore_mem>>) src(%dma_wait3A_255 : memref<10000x128xf32, #tpu.memory_space<hbm>>) dst(%dma_wait3A_250 : memref<40x128xf32, #tpu.memory_space<vmem>>)
    %dma_wait3A_256 = tpu.memref_slice %arg9[%add3A_186] : memref<600xf32, #tpu.memory_space<vmem>> -> memref<40xf32, #tpu.memory_space<vmem>>
    %dma_wait3A_257 = arith.constant 160 : i32
    %dma_wait3A_258 = tpu.memref_slice %arg7[%dma_wait3A_257] : memref<5000xi32, #tpu.memory_space<vmem>> -> memref<40xi32, #tpu.memory_space<vmem>>
    %dma_wait3A_259 = arith.constant 0 : i32
    %dma_wait3A_260 = tpu.memref_slice %arg3[%dma_wait3A_259] : memref<10000xf32, #tpu.memory_space<hbm>> -> memref<10000xf32, #tpu.memory_space<hbm>>
    tpu.wait_indirect_dma semaphore(%arg11 : memref<!tpu.dma_semaphore, #tpu.memory_space<semaphore_mem>>) src(%dma_wait3A_260 : memref<10000xf32, #tpu.memory_space<hbm>>) dst(%dma_wait3A_256 : memref<40xf32, #tpu.memory_space<vmem>>)
    %add3A_261 = arith.constant 0 : i32
    %add3A_262 = arith.addi %mul3A_2, %add3A_261 : i32
    %multiple_of3A_263 = arith.constant 0 : i32
    %multiple_of3A_264 = tpu.assume_multiple %multiple_of3A_263, 8 : i32
    %dma_start3A_265 = arith.constant 0 : i32
    %dma_start3A_266 = arith.constant 0 : i32
    %dma_start3A_267 = arith.constant 0 : i32
    %dma_start3A_268 = tpu.memref_slice %arg8[%dma_start3A_265, %dma_start3A_266, %dma_start3A_267] : memref<3x200x128xf32, #tpu.memory_space<vmem>> -> memref<1x200x128xf32, #tpu.memory_space<vmem>>
    %dma_start3A_269 = tpu.memref_squeeze %dma_start3A_268 : memref<1x200x128xf32, #tpu.memory_space<vmem>> -> memref<200x128xf32, #tpu.memory_space<vmem>>
    %dma_start3A_270 = arith.constant 0 : i32
    %dma_start3A_271 = tpu.memref_slice %arg5[%add3A_262, %dma_start3A_270] : memref<160000x128xf32, #tpu.memory_space<hbm>> -> memref<200x128xf32, #tpu.memory_space<hbm>>
    %dma_start3A_272 = arith.constant 0 : i32
    %dma_start3A_273 = tpu.memref_slice %arg5[%add3A_262, %dma_start3A_272] : memref<160000x128xf32, #tpu.memory_space<hbm>> -> memref<200x128xf32, #tpu.memory_space<hbm>>
    %dma_start3A_274 = arith.constant 0 : i32
    %dma_start3A_275 = arith.constant 0 : i32
    %dma_start3A_276 = tpu.memref_slice %arg8[%dma_start3A_265, %dma_start3A_274, %dma_start3A_275] : memref<3x200x128xf32, #tpu.memory_space<vmem>> -> memref<1x200x128xf32, #tpu.memory_space<vmem>>
    %dma_start3A_277 = tpu.memref_squeeze %dma_start3A_276 : memref<1x200x128xf32, #tpu.memory_space<vmem>> -> memref<200x128xf32, #tpu.memory_space<vmem>>
    tpu.enqueue_dma source(%dma_start3A_277 : memref<200x128xf32, #tpu.memory_space<vmem>>) target(%dma_start3A_273 : memref<200x128xf32, #tpu.memory_space<hbm>>) target_semaphore(%arg12 : memref<!tpu.dma_semaphore, #tpu.memory_space<semaphore_mem>>)
    %dma_start3A_278 = tpu.memref_slice %arg9[%multiple_of3A_264] : memref<600xf32, #tpu.memory_space<vmem>> -> memref<200xf32, #tpu.memory_space<vmem>>
    %dma_start3A_279 = tpu.memref_slice %arg6[%add3A_262] : memref<160000xf32, #tpu.memory_space<hbm>> -> memref<200xf32, #tpu.memory_space<hbm>>
    %dma_start3A_280 = tpu.memref_slice %arg6[%add3A_262] : memref<160000xf32, #tpu.memory_space<hbm>> -> memref<200xf32, #tpu.memory_space<hbm>>
    %dma_start3A_281 = tpu.memref_slice %arg9[%multiple_of3A_264] : memref<600xf32, #tpu.memory_space<vmem>> -> memref<200xf32, #tpu.memory_space<vmem>>
    tpu.enqueue_dma source(%dma_start3A_281 : memref<200xf32, #tpu.memory_space<vmem>>) target(%dma_start3A_280 : memref<200xf32, #tpu.memory_space<hbm>>) target_semaphore(%arg13 : memref<!tpu.dma_semaphore, #tpu.memory_space<semaphore_mem>>)
    %multiple_of3A_282 = arith.constant 400 : i32
    %multiple_of3A_283 = tpu.assume_multiple %multiple_of3A_282, 8 : i32
    %dma_start3A_284 = arith.constant 2 : i32
    %dma_start3A_285 = arith.constant 0 : i32
    %dma_start3A_286 = arith.constant 0 : i32
    %dma_start3A_287 = tpu.memref_slice %arg8[%dma_start3A_284, %dma_start3A_285, %dma_start3A_286] : memref<3x200x128xf32, #tpu.memory_space<vmem>> -> memref<1x40x128xf32, #tpu.memory_space<vmem>>
    %dma_start3A_288 = tpu.memref_squeeze %dma_start3A_287 : memref<1x40x128xf32, #tpu.memory_space<vmem>> -> memref<40x128xf32, #tpu.memory_space<vmem>>
    %dma_start3A_289 = arith.constant 400 : i32
    %dma_start3A_290 = tpu.memref_slice %arg7[%dma_start3A_289] : memref<5000xi32, #tpu.memory_space<vmem>> -> memref<40xi32, #tpu.memory_space<vmem>>
    %dma_start3A_291 = arith.constant 0 : i32
    %dma_start3A_292 = arith.constant 0 : i32
    %dma_start3A_293 = tpu.memref_slice %arg2[%dma_start3A_291, %dma_start3A_292] : memref<10000x128xf32, #tpu.memory_space<hbm>> -> memref<10000x128xf32, #tpu.memory_space<hbm>>
    tpu.enqueue_indirect_dma source(%dma_start3A_293 : memref<10000x128xf32, #tpu.memory_space<hbm>>) target(%dma_start3A_288 : memref<40x128xf32, #tpu.memory_space<vmem>>) offsets(%dma_start3A_290 : memref<40xi32, #tpu.memory_space<vmem>>) semaphore(%arg10 : memref<!tpu.dma_semaphore, #tpu.memory_space<semaphore_mem>>)
    %add3A_294 = arith.constant 0 : i32
    %add3A_295 = arith.addi %multiple_of3A_283, %add3A_294 : i32
    %dma_start3A_296 = tpu.memref_slice %arg9[%add3A_295] : memref<600xf32, #tpu.memory_space<vmem>> -> memref<40xf32, #tpu.memory_space<vmem>>
    %dma_start3A_297 = arith.constant 400 : i32
    %dma_start3A_298 = tpu.memref_slice %arg7[%dma_start3A_297] : memref<5000xi32, #tpu.memory_space<vmem>> -> memref<40xi32, #tpu.memory_space<vmem>>
    %dma_start3A_299 = arith.constant 0 : i32
    %dma_start3A_300 = tpu.memref_slice %arg3[%dma_start3A_299] : memref<10000xf32, #tpu.memory_space<hbm>> -> memref<10000xf32, #tpu.memory_space<hbm>>
    tpu.enqueue_indirect_dma source(%dma_start3A_300 : memref<10000xf32, #tpu.memory_space<hbm>>) target(%dma_start3A_296 : memref<40xf32, #tpu.memory_space<vmem>>) offsets(%dma_start3A_298 : memref<40xi32, #tpu.memory_space<vmem>>) semaphore(%arg11 : memref<!tpu.dma_semaphore, #tpu.memory_space<semaphore_mem>>)
    %dma_start3A_301 = arith.constant 2 : i32
    %dma_start3A_302 = arith.constant 40 : i32
    %dma_start3A_303 = arith.constant 0 : i32
    %dma_start3A_304 = tpu.memref_slice %arg8[%dma_start3A_301, %dma_start3A_302, %dma_start3A_303] : memref<3x200x128xf32, #tpu.memory_space<vmem>> -> memref<1x40x128xf32, #tpu.memory_space<vmem>>
    %dma_start3A_305 = tpu.memref_squeeze %dma_start3A_304 : memref<1x40x128xf32, #tpu.memory_space<vmem>> -> memref<40x128xf32, #tpu.memory_space<vmem>>
    %dma_start3A_306 = arith.constant 440 : i32
    %dma_start3A_307 = tpu.memref_slice %arg7[%dma_start3A_306] : memref<5000xi32, #tpu.memory_space<vmem>> -> memref<40xi32, #tpu.memory_space<vmem>>
    %dma_start3A_308 = arith.constant 0 : i32
    %dma_start3A_309 = arith.constant 0 : i32
    %dma_start3A_310 = tpu.memref_slice %arg2[%dma_start3A_308, %dma_start3A_309] : memref<10000x128xf32, #tpu.memory_space<hbm>> -> memref<10000x128xf32, #tpu.memory_space<hbm>>
    tpu.enqueue_indirect_dma source(%dma_start3A_310 : memref<10000x128xf32, #tpu.memory_space<hbm>>) target(%dma_start3A_305 : memref<40x128xf32, #tpu.memory_space<vmem>>) offsets(%dma_start3A_307 : memref<40xi32, #tpu.memory_space<vmem>>) semaphore(%arg10 : memref<!tpu.dma_semaphore, #tpu.memory_space<semaphore_mem>>)
    %add3A_311 = arith.constant 40 : i32
    %add3A_312 = arith.addi %multiple_of3A_283, %add3A_311 : i32
    %dma_start3A_313 = tpu.memref_slice %arg9[%add3A_312] : memref<600xf32, #tpu.memory_space<vmem>> -> memref<40xf32, #tpu.memory_space<vmem>>
    %dma_start3A_314 = arith.constant 440 : i32
    %dma_start3A_315 = tpu.memref_slice %arg7[%dma_start3A_314] : memref<5000xi32, #tpu.memory_space<vmem>> -> memref<40xi32, #tpu.memory_space<vmem>>
    %dma_start3A_316 = arith.constant 0 : i32
    %dma_start3A_317 = tpu.memref_slice %arg3[%dma_start3A_316] : memref<10000xf32, #tpu.memory_space<hbm>> -> memref<10000xf32, #tpu.memory_space<hbm>>
    tpu.enqueue_indirect_dma source(%dma_start3A_317 : memref<10000xf32, #tpu.memory_space<hbm>>) target(%dma_start3A_313 : memref<40xf32, #tpu.memory_space<vmem>>) offsets(%dma_start3A_315 : memref<40xi32, #tpu.memory_space<vmem>>) semaphore(%arg11 : memref<!tpu.dma_semaphore, #tpu.memory_space<semaphore_mem>>)
    %dma_start3A_318 = arith.constant 2 : i32
    %dma_start3A_319 = arith.constant 80 : i32
    %dma_start3A_320 = arith.constant 0 : i32
    %dma_start3A_321 = tpu.memref_slice %arg8[%dma_start3A_318, %dma_start3A_319, %dma_start3A_320] : memref<3x200x128xf32, #tpu.memory_space<vmem>> -> memref<1x40x128xf32, #tpu.memory_space<vmem>>
    %dma_start3A_322 = tpu.memref_squeeze %dma_start3A_321 : memref<1x40x128xf32, #tpu.memory_space<vmem>> -> memref<40x128xf32, #tpu.memory_space<vmem>>
    %dma_start3A_323 = arith.constant 480 : i32
    %dma_start3A_324 = tpu.memref_slice %arg7[%dma_start3A_323] : memref<5000xi32, #tpu.memory_space<vmem>> -> memref<40xi32, #tpu.memory_space<vmem>>
    %dma_start3A_325 = arith.constant 0 : i32
    %dma_start3A_326 = arith.constant 0 : i32
    %dma_start3A_327 = tpu.memref_slice %arg2[%dma_start3A_325, %dma_start3A_326] : memref<10000x128xf32, #tpu.memory_space<hbm>> -> memref<10000x128xf32, #tpu.memory_space<hbm>>
    tpu.enqueue_indirect_dma source(%dma_start3A_327 : memref<10000x128xf32, #tpu.memory_space<hbm>>) target(%dma_start3A_322 : memref<40x128xf32, #tpu.memory_space<vmem>>) offsets(%dma_start3A_324 : memref<40xi32, #tpu.memory_space<vmem>>) semaphore(%arg10 : memref<!tpu.dma_semaphore, #tpu.memory_space<semaphore_mem>>)
    %add3A_328 = arith.constant 80 : i32
    %add3A_329 = arith.addi %multiple_of3A_283, %add3A_328 : i32
    %dma_start3A_330 = tpu.memref_slice %arg9[%add3A_329] : memref<600xf32, #tpu.memory_space<vmem>> -> memref<40xf32, #tpu.memory_space<vmem>>
    %dma_start3A_331 = arith.constant 480 : i32
    %dma_start3A_332 = tpu.memref_slice %arg7[%dma_start3A_331] : memref<5000xi32, #tpu.memory_space<vmem>> -> memref<40xi32, #tpu.memory_space<vmem>>
    %dma_start3A_333 = arith.constant 0 : i32
    %dma_start3A_334 = tpu.memref_slice %arg3[%dma_start3A_333] : memref<10000xf32, #tpu.memory_space<hbm>> -> memref<10000xf32, #tpu.memory_space<hbm>>
    tpu.enqueue_indirect_dma source(%dma_start3A_334 : memref<10000xf32, #tpu.memory_space<hbm>>) target(%dma_start3A_330 : memref<40xf32, #tpu.memory_space<vmem>>) offsets(%dma_start3A_332 : memref<40xi32, #tpu.memory_space<vmem>>) semaphore(%arg11 : memref<!tpu.dma_semaphore, #tpu.memory_space<semaphore_mem>>)
    %dma_start3A_335 = arith.constant 2 : i32
    %dma_start3A_336 = arith.constant 120 : i32
    %dma_start3A_337 = arith.constant 0 : i32
    %dma_start3A_338 = tpu.memref_slice %arg8[%dma_start3A_335, %dma_start3A_336, %dma_start3A_337] : memref<3x200x128xf32, #tpu.memory_space<vmem>> -> memref<1x40x128xf32, #tpu.memory_space<vmem>>
    %dma_start3A_339 = tpu.memref_squeeze %dma_start3A_338 : memref<1x40x128xf32, #tpu.memory_space<vmem>> -> memref<40x128xf32, #tpu.memory_space<vmem>>
    %dma_start3A_340 = arith.constant 520 : i32
    %dma_start3A_341 = tpu.memref_slice %arg7[%dma_start3A_340] : memref<5000xi32, #tpu.memory_space<vmem>> -> memref<40xi32, #tpu.memory_space<vmem>>
    %dma_start3A_342 = arith.constant 0 : i32
    %dma_start3A_343 = arith.constant 0 : i32
    %dma_start3A_344 = tpu.memref_slice %arg2[%dma_start3A_342, %dma_start3A_343] : memref<10000x128xf32, #tpu.memory_space<hbm>> -> memref<10000x128xf32, #tpu.memory_space<hbm>>
    tpu.enqueue_indirect_dma source(%dma_start3A_344 : memref<10000x128xf32, #tpu.memory_space<hbm>>) target(%dma_start3A_339 : memref<40x128xf32, #tpu.memory_space<vmem>>) offsets(%dma_start3A_341 : memref<40xi32, #tpu.memory_space<vmem>>) semaphore(%arg10 : memref<!tpu.dma_semaphore, #tpu.memory_space<semaphore_mem>>)
    %add3A_345 = arith.constant 120 : i32
    %add3A_346 = arith.addi %multiple_of3A_283, %add3A_345 : i32
    %dma_start3A_347 = tpu.memref_slice %arg9[%add3A_346] : memref<600xf32, #tpu.memory_space<vmem>> -> memref<40xf32, #tpu.memory_space<vmem>>
    %dma_start3A_348 = arith.constant 520 : i32
    %dma_start3A_349 = tpu.memref_slice %arg7[%dma_start3A_348] : memref<5000xi32, #tpu.memory_space<vmem>> -> memref<40xi32, #tpu.memory_space<vmem>>
    %dma_start3A_350 = arith.constant 0 : i32
    %dma_start3A_351 = tpu.memref_slice %arg3[%dma_start3A_350] : memref<10000xf32, #tpu.memory_space<hbm>> -> memref<10000xf32, #tpu.memory_space<hbm>>
    tpu.enqueue_indirect_dma source(%dma_start3A_351 : memref<10000xf32, #tpu.memory_space<hbm>>) target(%dma_start3A_347 : memref<40xf32, #tpu.memory_space<vmem>>) offsets(%dma_start3A_349 : memref<40xi32, #tpu.memory_space<vmem>>) semaphore(%arg11 : memref<!tpu.dma_semaphore, #tpu.memory_space<semaphore_mem>>)
    %dma_start3A_352 = arith.constant 2 : i32
    %dma_start3A_353 = arith.constant 160 : i32
    %dma_start3A_354 = arith.constant 0 : i32
    %dma_start3A_355 = tpu.memref_slice %arg8[%dma_start3A_352, %dma_start3A_353, %dma_start3A_354] : memref<3x200x128xf32, #tpu.memory_space<vmem>> -> memref<1x40x128xf32, #tpu.memory_space<vmem>>
    %dma_start3A_356 = tpu.memref_squeeze %dma_start3A_355 : memref<1x40x128xf32, #tpu.memory_space<vmem>> -> memref<40x128xf32, #tpu.memory_space<vmem>>
    %dma_start3A_357 = arith.constant 560 : i32
    %dma_start3A_358 = tpu.memref_slice %arg7[%dma_start3A_357] : memref<5000xi32, #tpu.memory_space<vmem>> -> memref<40xi32, #tpu.memory_space<vmem>>
    %dma_start3A_359 = arith.constant 0 : i32
    %dma_start3A_360 = arith.constant 0 : i32
    %dma_start3A_361 = tpu.memref_slice %arg2[%dma_start3A_359, %dma_start3A_360] : memref<10000x128xf32, #tpu.memory_space<hbm>> -> memref<10000x128xf32, #tpu.memory_space<hbm>>
    tpu.enqueue_indirect_dma source(%dma_start3A_361 : memref<10000x128xf32, #tpu.memory_space<hbm>>) target(%dma_start3A_356 : memref<40x128xf32, #tpu.memory_space<vmem>>) offsets(%dma_start3A_358 : memref<40xi32, #tpu.memory_space<vmem>>) semaphore(%arg10 : memref<!tpu.dma_semaphore, #tpu.memory_space<semaphore_mem>>)
    %add3A_362 = arith.constant 160 : i32
    %add3A_363 = arith.addi %multiple_of3A_283, %add3A_362 : i32
    %dma_start3A_364 = tpu.memref_slice %arg9[%add3A_363] : memref<600xf32, #tpu.memory_space<vmem>> -> memref<40xf32, #tpu.memory_space<vmem>>
    %dma_start3A_365 = arith.constant 560 : i32
    %dma_start3A_366 = tpu.memref_slice %arg7[%dma_start3A_365] : memref<5000xi32, #tpu.memory_space<vmem>> -> memref<40xi32, #tpu.memory_space<vmem>>
    %dma_start3A_367 = arith.constant 0 : i32
    %dma_start3A_368 = tpu.memref_slice %arg3[%dma_start3A_367] : memref<10000xf32, #tpu.memory_space<hbm>> -> memref<10000xf32, #tpu.memory_space<hbm>>
    tpu.enqueue_indirect_dma source(%dma_start3A_368 : memref<10000xf32, #tpu.memory_space<hbm>>) target(%dma_start3A_364 : memref<40xf32, #tpu.memory_space<vmem>>) offsets(%dma_start3A_366 : memref<40xi32, #tpu.memory_space<vmem>>) semaphore(%arg11 : memref<!tpu.dma_semaphore, #tpu.memory_space<semaphore_mem>>)
    %scan3A = arith.constant 0 : i32
    %scan3A_369 = arith.constant 1 : i32
    %scan3A_370 = arith.constant 22 : i32
    %scan3A_371 = arith.addi %scan3A_369, %scan3A_370 : i32
    %scan3A_372 = arith.constant 1 : i32
    %scan3A_373 = scf.for %scan3A_666 = %scan3A_369 to %scan3A_371 step %scan3A_372 iter_args(%scan3A_667 = %scan3A) -> (i32)  : i32 {
      %rem3A_668 = arith.constant 3 : i32
      %rem3A_669 = arith.remsi %scan3A_666, %rem3A_668 : i32
      %mul3A_670 = arith.constant 200 : i32
      %mul3A_671 = arith.muli %rem3A_669, %mul3A_670 : i32
      %multiple_of3A_672 = tpu.assume_multiple %mul3A_671, 8 : i32
      %mul3A_673 = arith.constant 200 : i32
      %mul3A_674 = arith.muli %scan3A_666, %mul3A_673 : i32
      %add3A_675 = arith.constant 0 : i32
      %add3A_676 = arith.addi %mul3A_674, %add3A_675 : i32
      %add3A_677 = arith.constant 0 : i32
      %add3A_678 = arith.addi %multiple_of3A_672, %add3A_677 : i32
      %mul3A_679 = arith.constant 200 : i32
      %mul3A_680 = arith.muli %scan3A_666, %mul3A_679 : i32
      %add3A_681 = arith.constant 40 : i32
      %add3A_682 = arith.addi %mul3A_680, %add3A_681 : i32
      %add3A_683 = arith.constant 40 : i32
      %add3A_684 = arith.addi %multiple_of3A_672, %add3A_683 : i32
      %mul3A_685 = arith.constant 200 : i32
      %mul3A_686 = arith.muli %scan3A_666, %mul3A_685 : i32
      %add3A_687 = arith.constant 80 : i32
      %add3A_688 = arith.addi %mul3A_686, %add3A_687 : i32
      %add3A_689 = arith.constant 80 : i32
      %add3A_690 = arith.addi %multiple_of3A_672, %add3A_689 : i32
      %mul3A_691 = arith.constant 200 : i32
      %mul3A_692 = arith.muli %scan3A_666, %mul3A_691 : i32
      %add3A_693 = arith.constant 120 : i32
      %add3A_694 = arith.addi %mul3A_692, %add3A_693 : i32
      %add3A_695 = arith.constant 120 : i32
      %add3A_696 = arith.addi %multiple_of3A_672, %add3A_695 : i32
      %mul3A_697 = arith.constant 200 : i32
      %mul3A_698 = arith.muli %scan3A_666, %mul3A_697 : i32
      %add3A_699 = arith.constant 160 : i32
      %add3A_700 = arith.addi %mul3A_698, %add3A_699 : i32
      %add3A_701 = arith.constant 160 : i32
      %add3A_702 = arith.addi %multiple_of3A_672, %add3A_701 : i32
      %dma_wait3A_703 = arith.constant 0 : i32
      %dma_wait3A_704 = arith.constant 0 : i32
      %dma_wait3A_705 = tpu.memref_slice %arg8[%rem3A_669, %dma_wait3A_703, %dma_wait3A_704] : memref<3x200x128xf32, #tpu.memory_space<vmem>> -> memref<1x40x128xf32, #tpu.memory_space<vmem>>
      %dma_wait3A_706 = tpu.memref_squeeze %dma_wait3A_705 : memref<1x40x128xf32, #tpu.memory_space<vmem>> -> memref<40x128xf32, #tpu.memory_space<vmem>>
      %dma_wait3A_707 = tpu.memref_slice %arg7[%add3A_676] : memref<5000xi32, #tpu.memory_space<vmem>> -> memref<40xi32, #tpu.memory_space<vmem>>
      %dma_wait3A_708 = arith.constant 0 : i32
      %dma_wait3A_709 = arith.constant 0 : i32
      %dma_wait3A_710 = tpu.memref_slice %arg2[%dma_wait3A_708, %dma_wait3A_709] : memref<10000x128xf32, #tpu.memory_space<hbm>> -> memref<10000x128xf32, #tpu.memory_space<hbm>>
      tpu.wait_indirect_dma semaphore(%arg10 : memref<!tpu.dma_semaphore, #tpu.memory_space<semaphore_mem>>) src(%dma_wait3A_710 : memref<10000x128xf32, #tpu.memory_space<hbm>>) dst(%dma_wait3A_706 : memref<40x128xf32, #tpu.memory_space<vmem>>)
      %dma_wait3A_711 = tpu.memref_slice %arg9[%add3A_678] : memref<600xf32, #tpu.memory_space<vmem>> -> memref<40xf32, #tpu.memory_space<vmem>>
      %dma_wait3A_712 = tpu.memref_slice %arg7[%add3A_676] : memref<5000xi32, #tpu.memory_space<vmem>> -> memref<40xi32, #tpu.memory_space<vmem>>
      %dma_wait3A_713 = arith.constant 0 : i32
      %dma_wait3A_714 = tpu.memref_slice %arg3[%dma_wait3A_713] : memref<10000xf32, #tpu.memory_space<hbm>> -> memref<10000xf32, #tpu.memory_space<hbm>>
      tpu.wait_indirect_dma semaphore(%arg11 : memref<!tpu.dma_semaphore, #tpu.memory_space<semaphore_mem>>) src(%dma_wait3A_714 : memref<10000xf32, #tpu.memory_space<hbm>>) dst(%dma_wait3A_711 : memref<40xf32, #tpu.memory_space<vmem>>)
      %dma_wait3A_715 = arith.constant 40 : i32
      %dma_wait3A_716 = arith.constant 0 : i32
      %dma_wait3A_717 = tpu.memref_slice %arg8[%rem3A_669, %dma_wait3A_715, %dma_wait3A_716] : memref<3x200x128xf32, #tpu.memory_space<vmem>> -> memref<1x40x128xf32, #tpu.memory_space<vmem>>
      %dma_wait3A_718 = tpu.memref_squeeze %dma_wait3A_717 : memref<1x40x128xf32, #tpu.memory_space<vmem>> -> memref<40x128xf32, #tpu.memory_space<vmem>>
      %dma_wait3A_719 = tpu.memref_slice %arg7[%add3A_682] : memref<5000xi32, #tpu.memory_space<vmem>> -> memref<40xi32, #tpu.memory_space<vmem>>
      %dma_wait3A_720 = arith.constant 0 : i32
      %dma_wait3A_721 = arith.constant 0 : i32
      %dma_wait3A_722 = tpu.memref_slice %arg2[%dma_wait3A_720, %dma_wait3A_721] : memref<10000x128xf32, #tpu.memory_space<hbm>> -> memref<10000x128xf32, #tpu.memory_space<hbm>>
      tpu.wait_indirect_dma semaphore(%arg10 : memref<!tpu.dma_semaphore, #tpu.memory_space<semaphore_mem>>) src(%dma_wait3A_722 : memref<10000x128xf32, #tpu.memory_space<hbm>>) dst(%dma_wait3A_718 : memref<40x128xf32, #tpu.memory_space<vmem>>)
      %dma_wait3A_723 = tpu.memref_slice %arg9[%add3A_684] : memref<600xf32, #tpu.memory_space<vmem>> -> memref<40xf32, #tpu.memory_space<vmem>>
      %dma_wait3A_724 = tpu.memref_slice %arg7[%add3A_682] : memref<5000xi32, #tpu.memory_space<vmem>> -> memref<40xi32, #tpu.memory_space<vmem>>
      %dma_wait3A_725 = arith.constant 0 : i32
      %dma_wait3A_726 = tpu.memref_slice %arg3[%dma_wait3A_725] : memref<10000xf32, #tpu.memory_space<hbm>> -> memref<10000xf32, #tpu.memory_space<hbm>>
      tpu.wait_indirect_dma semaphore(%arg11 : memref<!tpu.dma_semaphore, #tpu.memory_space<semaphore_mem>>) src(%dma_wait3A_726 : memref<10000xf32, #tpu.memory_space<hbm>>) dst(%dma_wait3A_723 : memref<40xf32, #tpu.memory_space<vmem>>)
      %dma_wait3A_727 = arith.constant 80 : i32
      %dma_wait3A_728 = arith.constant 0 : i32
      %dma_wait3A_729 = tpu.memref_slice %arg8[%rem3A_669, %dma_wait3A_727, %dma_wait3A_728] : memref<3x200x128xf32, #tpu.memory_space<vmem>> -> memref<1x40x128xf32, #tpu.memory_space<vmem>>
      %dma_wait3A_730 = tpu.memref_squeeze %dma_wait3A_729 : memref<1x40x128xf32, #tpu.memory_space<vmem>> -> memref<40x128xf32, #tpu.memory_space<vmem>>
      %dma_wait3A_731 = tpu.memref_slice %arg7[%add3A_688] : memref<5000xi32, #tpu.memory_space<vmem>> -> memref<40xi32, #tpu.memory_space<vmem>>
      %dma_wait3A_732 = arith.constant 0 : i32
      %dma_wait3A_733 = arith.constant 0 : i32
      %dma_wait3A_734 = tpu.memref_slice %arg2[%dma_wait3A_732, %dma_wait3A_733] : memref<10000x128xf32, #tpu.memory_space<hbm>> -> memref<10000x128xf32, #tpu.memory_space<hbm>>
      tpu.wait_indirect_dma semaphore(%arg10 : memref<!tpu.dma_semaphore, #tpu.memory_space<semaphore_mem>>) src(%dma_wait3A_734 : memref<10000x128xf32, #tpu.memory_space<hbm>>) dst(%dma_wait3A_730 : memref<40x128xf32, #tpu.memory_space<vmem>>)
      %dma_wait3A_735 = tpu.memref_slice %arg9[%add3A_690] : memref<600xf32, #tpu.memory_space<vmem>> -> memref<40xf32, #tpu.memory_space<vmem>>
      %dma_wait3A_736 = tpu.memref_slice %arg7[%add3A_688] : memref<5000xi32, #tpu.memory_space<vmem>> -> memref<40xi32, #tpu.memory_space<vmem>>
      %dma_wait3A_737 = arith.constant 0 : i32
      %dma_wait3A_738 = tpu.memref_slice %arg3[%dma_wait3A_737] : memref<10000xf32, #tpu.memory_space<hbm>> -> memref<10000xf32, #tpu.memory_space<hbm>>
      tpu.wait_indirect_dma semaphore(%arg11 : memref<!tpu.dma_semaphore, #tpu.memory_space<semaphore_mem>>) src(%dma_wait3A_738 : memref<10000xf32, #tpu.memory_space<hbm>>) dst(%dma_wait3A_735 : memref<40xf32, #tpu.memory_space<vmem>>)
      %dma_wait3A_739 = arith.constant 120 : i32
      %dma_wait3A_740 = arith.constant 0 : i32
      %dma_wait3A_741 = tpu.memref_slice %arg8[%rem3A_669, %dma_wait3A_739, %dma_wait3A_740] : memref<3x200x128xf32, #tpu.memory_space<vmem>> -> memref<1x40x128xf32, #tpu.memory_space<vmem>>
      %dma_wait3A_742 = tpu.memref_squeeze %dma_wait3A_741 : memref<1x40x128xf32, #tpu.memory_space<vmem>> -> memref<40x128xf32, #tpu.memory_space<vmem>>
      %dma_wait3A_743 = tpu.memref_slice %arg7[%add3A_694] : memref<5000xi32, #tpu.memory_space<vmem>> -> memref<40xi32, #tpu.memory_space<vmem>>
      %dma_wait3A_744 = arith.constant 0 : i32
      %dma_wait3A_745 = arith.constant 0 : i32
      %dma_wait3A_746 = tpu.memref_slice %arg2[%dma_wait3A_744, %dma_wait3A_745] : memref<10000x128xf32, #tpu.memory_space<hbm>> -> memref<10000x128xf32, #tpu.memory_space<hbm>>
      tpu.wait_indirect_dma semaphore(%arg10 : memref<!tpu.dma_semaphore, #tpu.memory_space<semaphore_mem>>) src(%dma_wait3A_746 : memref<10000x128xf32, #tpu.memory_space<hbm>>) dst(%dma_wait3A_742 : memref<40x128xf32, #tpu.memory_space<vmem>>)
      %dma_wait3A_747 = tpu.memref_slice %arg9[%add3A_696] : memref<600xf32, #tpu.memory_space<vmem>> -> memref<40xf32, #tpu.memory_space<vmem>>
      %dma_wait3A_748 = tpu.memref_slice %arg7[%add3A_694] : memref<5000xi32, #tpu.memory_space<vmem>> -> memref<40xi32, #tpu.memory_space<vmem>>
      %dma_wait3A_749 = arith.constant 0 : i32
      %dma_wait3A_750 = tpu.memref_slice %arg3[%dma_wait3A_749] : memref<10000xf32, #tpu.memory_space<hbm>> -> memref<10000xf32, #tpu.memory_space<hbm>>
      tpu.wait_indirect_dma semaphore(%arg11 : memref<!tpu.dma_semaphore, #tpu.memory_space<semaphore_mem>>) src(%dma_wait3A_750 : memref<10000xf32, #tpu.memory_space<hbm>>) dst(%dma_wait3A_747 : memref<40xf32, #tpu.memory_space<vmem>>)
      %dma_wait3A_751 = arith.constant 160 : i32
      %dma_wait3A_752 = arith.constant 0 : i32
      %dma_wait3A_753 = tpu.memref_slice %arg8[%rem3A_669, %dma_wait3A_751, %dma_wait3A_752] : memref<3x200x128xf32, #tpu.memory_space<vmem>> -> memref<1x40x128xf32, #tpu.memory_space<vmem>>
      %dma_wait3A_754 = tpu.memref_squeeze %dma_wait3A_753 : memref<1x40x128xf32, #tpu.memory_space<vmem>> -> memref<40x128xf32, #tpu.memory_space<vmem>>
      %dma_wait3A_755 = tpu.memref_slice %arg7[%add3A_700] : memref<5000xi32, #tpu.memory_space<vmem>> -> memref<40xi32, #tpu.memory_space<vmem>>
      %dma_wait3A_756 = arith.constant 0 : i32
      %dma_wait3A_757 = arith.constant 0 : i32
      %dma_wait3A_758 = tpu.memref_slice %arg2[%dma_wait3A_756, %dma_wait3A_757] : memref<10000x128xf32, #tpu.memory_space<hbm>> -> memref<10000x128xf32, #tpu.memory_space<hbm>>
      tpu.wait_indirect_dma semaphore(%arg10 : memref<!tpu.dma_semaphore, #tpu.memory_space<semaphore_mem>>) src(%dma_wait3A_758 : memref<10000x128xf32, #tpu.memory_space<hbm>>) dst(%dma_wait3A_754 : memref<40x128xf32, #tpu.memory_space<vmem>>)
      %dma_wait3A_759 = tpu.memref_slice %arg9[%add3A_702] : memref<600xf32, #tpu.memory_space<vmem>> -> memref<40xf32, #tpu.memory_space<vmem>>
      %dma_wait3A_760 = tpu.memref_slice %arg7[%add3A_700] : memref<5000xi32, #tpu.memory_space<vmem>> -> memref<40xi32, #tpu.memory_space<vmem>>
      %dma_wait3A_761 = arith.constant 0 : i32
      %dma_wait3A_762 = tpu.memref_slice %arg3[%dma_wait3A_761] : memref<10000xf32, #tpu.memory_space<hbm>> -> memref<10000xf32, #tpu.memory_space<hbm>>
      tpu.wait_indirect_dma semaphore(%arg11 : memref<!tpu.dma_semaphore, #tpu.memory_space<semaphore_mem>>) src(%dma_wait3A_762 : memref<10000xf32, #tpu.memory_space<hbm>>) dst(%dma_wait3A_759 : memref<40xf32, #tpu.memory_space<vmem>>)
      %mul3A_763 = arith.constant 200 : i32
      %mul3A_764 = arith.muli %scan3A_666, %mul3A_763 : i32
      %add3A_765 = arith.addi %mul3A_2, %mul3A_764 : i32
      %mul3A_766 = arith.constant 200 : i32
      %mul3A_767 = arith.muli %rem3A_669, %mul3A_766 : i32
      %multiple_of3A_768 = tpu.assume_multiple %mul3A_767, 8 : i32
      %dma_start3A_769 = arith.constant 0 : i32
      %dma_start3A_770 = arith.constant 0 : i32
      %dma_start3A_771 = tpu.memref_slice %arg8[%rem3A_669, %dma_start3A_769, %dma_start3A_770] : memref<3x200x128xf32, #tpu.memory_space<vmem>> -> memref<1x200x128xf32, #tpu.memory_space<vmem>>
      %dma_start3A_772 = tpu.memref_squeeze %dma_start3A_771 : memref<1x200x128xf32, #tpu.memory_space<vmem>> -> memref<200x128xf32, #tpu.memory_space<vmem>>
      %dma_start3A_773 = arith.constant 0 : i32
      %dma_start3A_774 = tpu.memref_slice %arg5[%add3A_765, %dma_start3A_773] : memref<160000x128xf32, #tpu.memory_space<hbm>> -> memref<200x128xf32, #tpu.memory_space<hbm>>
      %dma_start3A_775 = arith.constant 0 : i32
      %dma_start3A_776 = tpu.memref_slice %arg5[%add3A_765, %dma_start3A_775] : memref<160000x128xf32, #tpu.memory_space<hbm>> -> memref<200x128xf32, #tpu.memory_space<hbm>>
      %dma_start3A_777 = arith.constant 0 : i32
      %dma_start3A_778 = arith.constant 0 : i32
      %dma_start3A_779 = tpu.memref_slice %arg8[%rem3A_669, %dma_start3A_777, %dma_start3A_778] : memref<3x200x128xf32, #tpu.memory_space<vmem>> -> memref<1x200x128xf32, #tpu.memory_space<vmem>>
      %dma_start3A_780 = tpu.memref_squeeze %dma_start3A_779 : memref<1x200x128xf32, #tpu.memory_space<vmem>> -> memref<200x128xf32, #tpu.memory_space<vmem>>
      tpu.enqueue_dma source(%dma_start3A_780 : memref<200x128xf32, #tpu.memory_space<vmem>>) target(%dma_start3A_776 : memref<200x128xf32, #tpu.memory_space<hbm>>) target_semaphore(%arg12 : memref<!tpu.dma_semaphore, #tpu.memory_space<semaphore_mem>>)
      %dma_start3A_781 = tpu.memref_slice %arg9[%multiple_of3A_768] : memref<600xf32, #tpu.memory_space<vmem>> -> memref<200xf32, #tpu.memory_space<vmem>>
      %dma_start3A_782 = tpu.memref_slice %arg6[%add3A_765] : memref<160000xf32, #tpu.memory_space<hbm>> -> memref<200xf32, #tpu.memory_space<hbm>>
      %dma_start3A_783 = tpu.memref_slice %arg6[%add3A_765] : memref<160000xf32, #tpu.memory_space<hbm>> -> memref<200xf32, #tpu.memory_space<hbm>>
      %dma_start3A_784 = tpu.memref_slice %arg9[%multiple_of3A_768] : memref<600xf32, #tpu.memory_space<vmem>> -> memref<200xf32, #tpu.memory_space<vmem>>
      tpu.enqueue_dma source(%dma_start3A_784 : memref<200xf32, #tpu.memory_space<vmem>>) target(%dma_start3A_783 : memref<200xf32, #tpu.memory_space<hbm>>) target_semaphore(%arg13 : memref<!tpu.dma_semaphore, #tpu.memory_space<semaphore_mem>>)
      %sub3A = arith.constant 1 : i32
      %sub3A_785 = arith.subi %scan3A_666, %sub3A : i32
      %sub3A_786 = arith.constant 1 : i32
      %sub3A_787 = arith.subi %scan3A_666, %sub3A_786 : i32
      %rem3A_788 = arith.constant 3 : i32
      %rem3A_789 = arith.remsi %sub3A_787, %rem3A_788 : i32
      %mul3A_790 = arith.constant 200 : i32
      %mul3A_791 = arith.muli %sub3A_785, %mul3A_790 : i32
      %add3A_792 = arith.addi %mul3A_2, %mul3A_791 : i32
      %mul3A_793 = arith.constant 200 : i32
      %mul3A_794 = arith.muli %rem3A_789, %mul3A_793 : i32
      %multiple_of3A_795 = tpu.assume_multiple %mul3A_794, 8 : i32
      %dma_wait3A_796 = arith.constant 0 : i32
      %dma_wait3A_797 = arith.constant 0 : i32
      %dma_wait3A_798 = tpu.memref_slice %arg8[%rem3A_789, %dma_wait3A_796, %dma_wait3A_797] : memref<3x200x128xf32, #tpu.memory_space<vmem>> -> memref<1x200x128xf32, #tpu.memory_space<vmem>>
      %dma_wait3A_799 = tpu.memref_squeeze %dma_wait3A_798 : memref<1x200x128xf32, #tpu.memory_space<vmem>> -> memref<200x128xf32, #tpu.memory_space<vmem>>
      %dma_wait3A_800 = arith.constant 0 : i32
      %dma_wait3A_801 = tpu.memref_slice %arg5[%add3A_792, %dma_wait3A_800] : memref<160000x128xf32, #tpu.memory_space<hbm>> -> memref<200x128xf32, #tpu.memory_space<hbm>>
      %dma_wait3A_802 = arith.constant 0 : i32
      %dma_wait3A_803 = tpu.memref_slice %arg5[%add3A_792, %dma_wait3A_802] : memref<160000x128xf32, #tpu.memory_space<hbm>> -> memref<200x128xf32, #tpu.memory_space<hbm>>
      %dma_wait3A_804 = arith.constant 0 : i32
      %dma_wait3A_805 = arith.constant 0 : i32
      %dma_wait3A_806 = tpu.memref_slice %arg8[%rem3A_789, %dma_wait3A_804, %dma_wait3A_805] : memref<3x200x128xf32, #tpu.memory_space<vmem>> -> memref<1x200x128xf32, #tpu.memory_space<vmem>>
      %dma_wait3A_807 = tpu.memref_squeeze %dma_wait3A_806 : memref<1x200x128xf32, #tpu.memory_space<vmem>> -> memref<200x128xf32, #tpu.memory_space<vmem>>
      tpu.wait_dma2 semaphore(%arg12 : memref<!tpu.dma_semaphore, #tpu.memory_space<semaphore_mem>>) src(%dma_wait3A_807 : memref<200x128xf32, #tpu.memory_space<vmem>>) dst(%dma_wait3A_803 : memref<200x128xf32, #tpu.memory_space<hbm>>)
      %dma_wait3A_808 = tpu.memref_slice %arg9[%multiple_of3A_795] : memref<600xf32, #tpu.memory_space<vmem>> -> memref<200xf32, #tpu.memory_space<vmem>>
      %dma_wait3A_809 = tpu.memref_slice %arg6[%add3A_792] : memref<160000xf32, #tpu.memory_space<hbm>> -> memref<200xf32, #tpu.memory_space<hbm>>
      %dma_wait3A_810 = tpu.memref_slice %arg6[%add3A_792] : memref<160000xf32, #tpu.memory_space<hbm>> -> memref<200xf32, #tpu.memory_space<hbm>>
      %dma_wait3A_811 = tpu.memref_slice %arg9[%multiple_of3A_795] : memref<600xf32, #tpu.memory_space<vmem>> -> memref<200xf32, #tpu.memory_space<vmem>>
      tpu.wait_dma2 semaphore(%arg13 : memref<!tpu.dma_semaphore, #tpu.memory_space<semaphore_mem>>) src(%dma_wait3A_811 : memref<200xf32, #tpu.memory_space<vmem>>) dst(%dma_wait3A_810 : memref<200xf32, #tpu.memory_space<hbm>>)
      %add3A_812 = arith.constant 2 : i32
      %add3A_813 = arith.addi %scan3A_666, %add3A_812 : i32
      %add3A_814 = arith.constant 2 : i32
      %add3A_815 = arith.addi %scan3A_666, %add3A_814 : i32
      %rem3A_816 = arith.constant 3 : i32
      %rem3A_817 = arith.remsi %add3A_815, %rem3A_816 : i32
      %mul3A_818 = arith.constant 200 : i32
      %mul3A_819 = arith.muli %rem3A_817, %mul3A_818 : i32
      %multiple_of3A_820 = tpu.assume_multiple %mul3A_819, 8 : i32
      %mul3A_821 = arith.constant 200 : i32
      %mul3A_822 = arith.muli %add3A_813, %mul3A_821 : i32
      %add3A_823 = arith.constant 0 : i32
      %add3A_824 = arith.addi %mul3A_822, %add3A_823 : i32
      %dma_start3A_825 = arith.constant 0 : i32
      %dma_start3A_826 = arith.constant 0 : i32
      %dma_start3A_827 = tpu.memref_slice %arg8[%rem3A_817, %dma_start3A_825, %dma_start3A_826] : memref<3x200x128xf32, #tpu.memory_space<vmem>> -> memref<1x40x128xf32, #tpu.memory_space<vmem>>
      %dma_start3A_828 = tpu.memref_squeeze %dma_start3A_827 : memref<1x40x128xf32, #tpu.memory_space<vmem>> -> memref<40x128xf32, #tpu.memory_space<vmem>>
      %dma_start3A_829 = tpu.memref_slice %arg7[%add3A_824] : memref<5000xi32, #tpu.memory_space<vmem>> -> memref<40xi32, #tpu.memory_space<vmem>>
      %dma_start3A_830 = arith.constant 0 : i32
      %dma_start3A_831 = arith.constant 0 : i32
      %dma_start3A_832 = tpu.memref_slice %arg2[%dma_start3A_830, %dma_start3A_831] : memref<10000x128xf32, #tpu.memory_space<hbm>> -> memref<10000x128xf32, #tpu.memory_space<hbm>>
      tpu.enqueue_indirect_dma source(%dma_start3A_832 : memref<10000x128xf32, #tpu.memory_space<hbm>>) target(%dma_start3A_828 : memref<40x128xf32, #tpu.memory_space<vmem>>) offsets(%dma_start3A_829 : memref<40xi32, #tpu.memory_space<vmem>>) semaphore(%arg10 : memref<!tpu.dma_semaphore, #tpu.memory_space<semaphore_mem>>)
      %add3A_833 = arith.constant 0 : i32
      %add3A_834 = arith.addi %multiple_of3A_820, %add3A_833 : i32
      %dma_start3A_835 = tpu.memref_slice %arg9[%add3A_834] : memref<600xf32, #tpu.memory_space<vmem>> -> memref<40xf32, #tpu.memory_space<vmem>>
      %dma_start3A_836 = tpu.memref_slice %arg7[%add3A_824] : memref<5000xi32, #tpu.memory_space<vmem>> -> memref<40xi32, #tpu.memory_space<vmem>>
      %dma_start3A_837 = arith.constant 0 : i32
      %dma_start3A_838 = tpu.memref_slice %arg3[%dma_start3A_837] : memref<10000xf32, #tpu.memory_space<hbm>> -> memref<10000xf32, #tpu.memory_space<hbm>>
      tpu.enqueue_indirect_dma source(%dma_start3A_838 : memref<10000xf32, #tpu.memory_space<hbm>>) target(%dma_start3A_835 : memref<40xf32, #tpu.memory_space<vmem>>) offsets(%dma_start3A_836 : memref<40xi32, #tpu.memory_space<vmem>>) semaphore(%arg11 : memref<!tpu.dma_semaphore, #tpu.memory_space<semaphore_mem>>)
      %mul3A_839 = arith.constant 200 : i32
      %mul3A_840 = arith.muli %add3A_813, %mul3A_839 : i32
      %add3A_841 = arith.constant 40 : i32
      %add3A_842 = arith.addi %mul3A_840, %add3A_841 : i32
      %dma_start3A_843 = arith.constant 40 : i32
      %dma_start3A_844 = arith.constant 0 : i32
      %dma_start3A_845 = tpu.memref_slice %arg8[%rem3A_817, %dma_start3A_843, %dma_start3A_844] : memref<3x200x128xf32, #tpu.memory_space<vmem>> -> memref<1x40x128xf32, #tpu.memory_space<vmem>>
      %dma_start3A_846 = tpu.memref_squeeze %dma_start3A_845 : memref<1x40x128xf32, #tpu.memory_space<vmem>> -> memref<40x128xf32, #tpu.memory_space<vmem>>
      %dma_start3A_847 = tpu.memref_slice %arg7[%add3A_842] : memref<5000xi32, #tpu.memory_space<vmem>> -> memref<40xi32, #tpu.memory_space<vmem>>
      %dma_start3A_848 = arith.constant 0 : i32
      %dma_start3A_849 = arith.constant 0 : i32
      %dma_start3A_850 = tpu.memref_slice %arg2[%dma_start3A_848, %dma_start3A_849] : memref<10000x128xf32, #tpu.memory_space<hbm>> -> memref<10000x128xf32, #tpu.memory_space<hbm>>
      tpu.enqueue_indirect_dma source(%dma_start3A_850 : memref<10000x128xf32, #tpu.memory_space<hbm>>) target(%dma_start3A_846 : memref<40x128xf32, #tpu.memory_space<vmem>>) offsets(%dma_start3A_847 : memref<40xi32, #tpu.memory_space<vmem>>) semaphore(%arg10 : memref<!tpu.dma_semaphore, #tpu.memory_space<semaphore_mem>>)
      %add3A_851 = arith.constant 40 : i32
      %add3A_852 = arith.addi %multiple_of3A_820, %add3A_851 : i32
      %dma_start3A_853 = tpu.memref_slice %arg9[%add3A_852] : memref<600xf32, #tpu.memory_space<vmem>> -> memref<40xf32, #tpu.memory_space<vmem>>
      %dma_start3A_854 = tpu.memref_slice %arg7[%add3A_842] : memref<5000xi32, #tpu.memory_space<vmem>> -> memref<40xi32, #tpu.memory_space<vmem>>
      %dma_start3A_855 = arith.constant 0 : i32
      %dma_start3A_856 = tpu.memref_slice %arg3[%dma_start3A_855] : memref<10000xf32, #tpu.memory_space<hbm>> -> memref<10000xf32, #tpu.memory_space<hbm>>
      tpu.enqueue_indirect_dma source(%dma_start3A_856 : memref<10000xf32, #tpu.memory_space<hbm>>) target(%dma_start3A_853 : memref<40xf32, #tpu.memory_space<vmem>>) offsets(%dma_start3A_854 : memref<40xi32, #tpu.memory_space<vmem>>) semaphore(%arg11 : memref<!tpu.dma_semaphore, #tpu.memory_space<semaphore_mem>>)
      %mul3A_857 = arith.constant 200 : i32
      %mul3A_858 = arith.muli %add3A_813, %mul3A_857 : i32
      %add3A_859 = arith.constant 80 : i32
      %add3A_860 = arith.addi %mul3A_858, %add3A_859 : i32
      %dma_start3A_861 = arith.constant 80 : i32
      %dma_start3A_862 = arith.constant 0 : i32
      %dma_start3A_863 = tpu.memref_slice %arg8[%rem3A_817, %dma_start3A_861, %dma_start3A_862] : memref<3x200x128xf32, #tpu.memory_space<vmem>> -> memref<1x40x128xf32, #tpu.memory_space<vmem>>
      %dma_start3A_864 = tpu.memref_squeeze %dma_start3A_863 : memref<1x40x128xf32, #tpu.memory_space<vmem>> -> memref<40x128xf32, #tpu.memory_space<vmem>>
      %dma_start3A_865 = tpu.memref_slice %arg7[%add3A_860] : memref<5000xi32, #tpu.memory_space<vmem>> -> memref<40xi32, #tpu.memory_space<vmem>>
      %dma_start3A_866 = arith.constant 0 : i32
      %dma_start3A_867 = arith.constant 0 : i32
      %dma_start3A_868 = tpu.memref_slice %arg2[%dma_start3A_866, %dma_start3A_867] : memref<10000x128xf32, #tpu.memory_space<hbm>> -> memref<10000x128xf32, #tpu.memory_space<hbm>>
      tpu.enqueue_indirect_dma source(%dma_start3A_868 : memref<10000x128xf32, #tpu.memory_space<hbm>>) target(%dma_start3A_864 : memref<40x128xf32, #tpu.memory_space<vmem>>) offsets(%dma_start3A_865 : memref<40xi32, #tpu.memory_space<vmem>>) semaphore(%arg10 : memref<!tpu.dma_semaphore, #tpu.memory_space<semaphore_mem>>)
      %add3A_869 = arith.constant 80 : i32
      %add3A_870 = arith.addi %multiple_of3A_820, %add3A_869 : i32
      %dma_start3A_871 = tpu.memref_slice %arg9[%add3A_870] : memref<600xf32, #tpu.memory_space<vmem>> -> memref<40xf32, #tpu.memory_space<vmem>>
      %dma_start3A_872 = tpu.memref_slice %arg7[%add3A_860] : memref<5000xi32, #tpu.memory_space<vmem>> -> memref<40xi32, #tpu.memory_space<vmem>>
      %dma_start3A_873 = arith.constant 0 : i32
      %dma_start3A_874 = tpu.memref_slice %arg3[%dma_start3A_873] : memref<10000xf32, #tpu.memory_space<hbm>> -> memref<10000xf32, #tpu.memory_space<hbm>>
      tpu.enqueue_indirect_dma source(%dma_start3A_874 : memref<10000xf32, #tpu.memory_space<hbm>>) target(%dma_start3A_871 : memref<40xf32, #tpu.memory_space<vmem>>) offsets(%dma_start3A_872 : memref<40xi32, #tpu.memory_space<vmem>>) semaphore(%arg11 : memref<!tpu.dma_semaphore, #tpu.memory_space<semaphore_mem>>)
      %mul3A_875 = arith.constant 200 : i32
      %mul3A_876 = arith.muli %add3A_813, %mul3A_875 : i32
      %add3A_877 = arith.constant 120 : i32
      %add3A_878 = arith.addi %mul3A_876, %add3A_877 : i32
      %dma_start3A_879 = arith.constant 120 : i32
      %dma_start3A_880 = arith.constant 0 : i32
      %dma_start3A_881 = tpu.memref_slice %arg8[%rem3A_817, %dma_start3A_879, %dma_start3A_880] : memref<3x200x128xf32, #tpu.memory_space<vmem>> -> memref<1x40x128xf32, #tpu.memory_space<vmem>>
      %dma_start3A_882 = tpu.memref_squeeze %dma_start3A_881 : memref<1x40x128xf32, #tpu.memory_space<vmem>> -> memref<40x128xf32, #tpu.memory_space<vmem>>
      %dma_start3A_883 = tpu.memref_slice %arg7[%add3A_878] : memref<5000xi32, #tpu.memory_space<vmem>> -> memref<40xi32, #tpu.memory_space<vmem>>
      %dma_start3A_884 = arith.constant 0 : i32
      %dma_start3A_885 = arith.constant 0 : i32
      %dma_start3A_886 = tpu.memref_slice %arg2[%dma_start3A_884, %dma_start3A_885] : memref<10000x128xf32, #tpu.memory_space<hbm>> -> memref<10000x128xf32, #tpu.memory_space<hbm>>
      tpu.enqueue_indirect_dma source(%dma_start3A_886 : memref<10000x128xf32, #tpu.memory_space<hbm>>) target(%dma_start3A_882 : memref<40x128xf32, #tpu.memory_space<vmem>>) offsets(%dma_start3A_883 : memref<40xi32, #tpu.memory_space<vmem>>) semaphore(%arg10 : memref<!tpu.dma_semaphore, #tpu.memory_space<semaphore_mem>>)
      %add3A_887 = arith.constant 120 : i32
      %add3A_888 = arith.addi %multiple_of3A_820, %add3A_887 : i32
      %dma_start3A_889 = tpu.memref_slice %arg9[%add3A_888] : memref<600xf32, #tpu.memory_space<vmem>> -> memref<40xf32, #tpu.memory_space<vmem>>
      %dma_start3A_890 = tpu.memref_slice %arg7[%add3A_878] : memref<5000xi32, #tpu.memory_space<vmem>> -> memref<40xi32, #tpu.memory_space<vmem>>
      %dma_start3A_891 = arith.constant 0 : i32
      %dma_start3A_892 = tpu.memref_slice %arg3[%dma_start3A_891] : memref<10000xf32, #tpu.memory_space<hbm>> -> memref<10000xf32, #tpu.memory_space<hbm>>
      tpu.enqueue_indirect_dma source(%dma_start3A_892 : memref<10000xf32, #tpu.memory_space<hbm>>) target(%dma_start3A_889 : memref<40xf32, #tpu.memory_space<vmem>>) offsets(%dma_start3A_890 : memref<40xi32, #tpu.memory_space<vmem>>) semaphore(%arg11 : memref<!tpu.dma_semaphore, #tpu.memory_space<semaphore_mem>>)
      %mul3A_893 = arith.constant 200 : i32
      %mul3A_894 = arith.muli %add3A_813, %mul3A_893 : i32
      %add3A_895 = arith.constant 160 : i32
      %add3A_896 = arith.addi %mul3A_894, %add3A_895 : i32
      %dma_start3A_897 = arith.constant 160 : i32
      %dma_start3A_898 = arith.constant 0 : i32
      %dma_start3A_899 = tpu.memref_slice %arg8[%rem3A_817, %dma_start3A_897, %dma_start3A_898] : memref<3x200x128xf32, #tpu.memory_space<vmem>> -> memref<1x40x128xf32, #tpu.memory_space<vmem>>
      %dma_start3A_900 = tpu.memref_squeeze %dma_start3A_899 : memref<1x40x128xf32, #tpu.memory_space<vmem>> -> memref<40x128xf32, #tpu.memory_space<vmem>>
      %dma_start3A_901 = tpu.memref_slice %arg7[%add3A_896] : memref<5000xi32, #tpu.memory_space<vmem>> -> memref<40xi32, #tpu.memory_space<vmem>>
      %dma_start3A_902 = arith.constant 0 : i32
      %dma_start3A_903 = arith.constant 0 : i32
      %dma_start3A_904 = tpu.memref_slice %arg2[%dma_start3A_902, %dma_start3A_903] : memref<10000x128xf32, #tpu.memory_space<hbm>> -> memref<10000x128xf32, #tpu.memory_space<hbm>>
      tpu.enqueue_indirect_dma source(%dma_start3A_904 : memref<10000x128xf32, #tpu.memory_space<hbm>>) target(%dma_start3A_900 : memref<40x128xf32, #tpu.memory_space<vmem>>) offsets(%dma_start3A_901 : memref<40xi32, #tpu.memory_space<vmem>>) semaphore(%arg10 : memref<!tpu.dma_semaphore, #tpu.memory_space<semaphore_mem>>)
      %add3A_905 = arith.constant 160 : i32
      %add3A_906 = arith.addi %multiple_of3A_820, %add3A_905 : i32
      %dma_start3A_907 = tpu.memref_slice %arg9[%add3A_906] : memref<600xf32, #tpu.memory_space<vmem>> -> memref<40xf32, #tpu.memory_space<vmem>>
      %dma_start3A_908 = tpu.memref_slice %arg7[%add3A_896] : memref<5000xi32, #tpu.memory_space<vmem>> -> memref<40xi32, #tpu.memory_space<vmem>>
      %dma_start3A_909 = arith.constant 0 : i32
      %dma_start3A_910 = tpu.memref_slice %arg3[%dma_start3A_909] : memref<10000xf32, #tpu.memory_space<hbm>> -> memref<10000xf32, #tpu.memory_space<hbm>>
      tpu.enqueue_indirect_dma source(%dma_start3A_910 : memref<10000xf32, #tpu.memory_space<hbm>>) target(%dma_start3A_907 : memref<40xf32, #tpu.memory_space<vmem>>) offsets(%dma_start3A_908 : memref<40xi32, #tpu.memory_space<vmem>>) semaphore(%arg11 : memref<!tpu.dma_semaphore, #tpu.memory_space<semaphore_mem>>)
      %scan3A_911 = arith.constant 0 : i32
      scf.yield %scan3A_911 : i32
    }
    %scan3A_374 = arith.constant 22 : i32
    %rem3A = arith.constant 23 : i32
    %rem3A_375 = arith.constant 3 : i32
    %rem3A_376 = arith.remsi %rem3A, %rem3A_375 : i32
    %mul3A_377 = arith.constant 200 : i32
    %mul3A_378 = arith.muli %rem3A_376, %mul3A_377 : i32
    %multiple_of3A_379 = tpu.assume_multiple %mul3A_378, 8 : i32
    %add3A_380 = arith.constant 0 : i32
    %add3A_381 = arith.addi %multiple_of3A_379, %add3A_380 : i32
    %add3A_382 = arith.constant 40 : i32
    %add3A_383 = arith.addi %multiple_of3A_379, %add3A_382 : i32
    %add3A_384 = arith.constant 80 : i32
    %add3A_385 = arith.addi %multiple_of3A_379, %add3A_384 : i32
    %add3A_386 = arith.constant 120 : i32
    %add3A_387 = arith.addi %multiple_of3A_379, %add3A_386 : i32
    %add3A_388 = arith.constant 160 : i32
    %add3A_389 = arith.addi %multiple_of3A_379, %add3A_388 : i32
    %dma_wait3A_390 = arith.constant 0 : i32
    %dma_wait3A_391 = arith.constant 0 : i32
    %dma_wait3A_392 = tpu.memref_slice %arg8[%rem3A_376, %dma_wait3A_390, %dma_wait3A_391] : memref<3x200x128xf32, #tpu.memory_space<vmem>> -> memref<1x40x128xf32, #tpu.memory_space<vmem>>
    %dma_wait3A_393 = tpu.memref_squeeze %dma_wait3A_392 : memref<1x40x128xf32, #tpu.memory_space<vmem>> -> memref<40x128xf32, #tpu.memory_space<vmem>>
    %dma_wait3A_394 = arith.constant 4600 : i32
    %dma_wait3A_395 = tpu.memref_slice %arg7[%dma_wait3A_394] : memref<5000xi32, #tpu.memory_space<vmem>> -> memref<40xi32, #tpu.memory_space<vmem>>
    %dma_wait3A_396 = arith.constant 0 : i32
    %dma_wait3A_397 = arith.constant 0 : i32
    %dma_wait3A_398 = tpu.memref_slice %arg2[%dma_wait3A_396, %dma_wait3A_397] : memref<10000x128xf32, #tpu.memory_space<hbm>> -> memref<10000x128xf32, #tpu.memory_space<hbm>>
    tpu.wait_indirect_dma semaphore(%arg10 : memref<!tpu.dma_semaphore, #tpu.memory_space<semaphore_mem>>) src(%dma_wait3A_398 : memref<10000x128xf32, #tpu.memory_space<hbm>>) dst(%dma_wait3A_393 : memref<40x128xf32, #tpu.memory_space<vmem>>)
    %dma_wait3A_399 = tpu.memref_slice %arg9[%add3A_381] : memref<600xf32, #tpu.memory_space<vmem>> -> memref<40xf32, #tpu.memory_space<vmem>>
    %dma_wait3A_400 = arith.constant 4600 : i32
    %dma_wait3A_401 = tpu.memref_slice %arg7[%dma_wait3A_400] : memref<5000xi32, #tpu.memory_space<vmem>> -> memref<40xi32, #tpu.memory_space<vmem>>
    %dma_wait3A_402 = arith.constant 0 : i32
    %dma_wait3A_403 = tpu.memref_slice %arg3[%dma_wait3A_402] : memref<10000xf32, #tpu.memory_space<hbm>> -> memref<10000xf32, #tpu.memory_space<hbm>>
    tpu.wait_indirect_dma semaphore(%arg11 : memref<!tpu.dma_semaphore, #tpu.memory_space<semaphore_mem>>) src(%dma_wait3A_403 : memref<10000xf32, #tpu.memory_space<hbm>>) dst(%dma_wait3A_399 : memref<40xf32, #tpu.memory_space<vmem>>)
    %dma_wait3A_404 = arith.constant 40 : i32
    %dma_wait3A_405 = arith.constant 0 : i32
    %dma_wait3A_406 = tpu.memref_slice %arg8[%rem3A_376, %dma_wait3A_404, %dma_wait3A_405] : memref<3x200x128xf32, #tpu.memory_space<vmem>> -> memref<1x40x128xf32, #tpu.memory_space<vmem>>
    %dma_wait3A_407 = tpu.memref_squeeze %dma_wait3A_406 : memref<1x40x128xf32, #tpu.memory_space<vmem>> -> memref<40x128xf32, #tpu.memory_space<vmem>>
    %dma_wait3A_408 = arith.constant 4640 : i32
    %dma_wait3A_409 = tpu.memref_slice %arg7[%dma_wait3A_408] : memref<5000xi32, #tpu.memory_space<vmem>> -> memref<40xi32, #tpu.memory_space<vmem>>
    %dma_wait3A_410 = arith.constant 0 : i32
    %dma_wait3A_411 = arith.constant 0 : i32
    %dma_wait3A_412 = tpu.memref_slice %arg2[%dma_wait3A_410, %dma_wait3A_411] : memref<10000x128xf32, #tpu.memory_space<hbm>> -> memref<10000x128xf32, #tpu.memory_space<hbm>>
    tpu.wait_indirect_dma semaphore(%arg10 : memref<!tpu.dma_semaphore, #tpu.memory_space<semaphore_mem>>) src(%dma_wait3A_412 : memref<10000x128xf32, #tpu.memory_space<hbm>>) dst(%dma_wait3A_407 : memref<40x128xf32, #tpu.memory_space<vmem>>)
    %dma_wait3A_413 = tpu.memref_slice %arg9[%add3A_383] : memref<600xf32, #tpu.memory_space<vmem>> -> memref<40xf32, #tpu.memory_space<vmem>>
    %dma_wait3A_414 = arith.constant 4640 : i32
    %dma_wait3A_415 = tpu.memref_slice %arg7[%dma_wait3A_414] : memref<5000xi32, #tpu.memory_space<vmem>> -> memref<40xi32, #tpu.memory_space<vmem>>
    %dma_wait3A_416 = arith.constant 0 : i32
    %dma_wait3A_417 = tpu.memref_slice %arg3[%dma_wait3A_416] : memref<10000xf32, #tpu.memory_space<hbm>> -> memref<10000xf32, #tpu.memory_space<hbm>>
    tpu.wait_indirect_dma semaphore(%arg11 : memref<!tpu.dma_semaphore, #tpu.memory_space<semaphore_mem>>) src(%dma_wait3A_417 : memref<10000xf32, #tpu.memory_space<hbm>>) dst(%dma_wait3A_413 : memref<40xf32, #tpu.memory_space<vmem>>)
    %dma_wait3A_418 = arith.constant 80 : i32
    %dma_wait3A_419 = arith.constant 0 : i32
    %dma_wait3A_420 = tpu.memref_slice %arg8[%rem3A_376, %dma_wait3A_418, %dma_wait3A_419] : memref<3x200x128xf32, #tpu.memory_space<vmem>> -> memref<1x40x128xf32, #tpu.memory_space<vmem>>
    %dma_wait3A_421 = tpu.memref_squeeze %dma_wait3A_420 : memref<1x40x128xf32, #tpu.memory_space<vmem>> -> memref<40x128xf32, #tpu.memory_space<vmem>>
    %dma_wait3A_422 = arith.constant 4680 : i32
    %dma_wait3A_423 = tpu.memref_slice %arg7[%dma_wait3A_422] : memref<5000xi32, #tpu.memory_space<vmem>> -> memref<40xi32, #tpu.memory_space<vmem>>
    %dma_wait3A_424 = arith.constant 0 : i32
    %dma_wait3A_425 = arith.constant 0 : i32
    %dma_wait3A_426 = tpu.memref_slice %arg2[%dma_wait3A_424, %dma_wait3A_425] : memref<10000x128xf32, #tpu.memory_space<hbm>> -> memref<10000x128xf32, #tpu.memory_space<hbm>>
    tpu.wait_indirect_dma semaphore(%arg10 : memref<!tpu.dma_semaphore, #tpu.memory_space<semaphore_mem>>) src(%dma_wait3A_426 : memref<10000x128xf32, #tpu.memory_space<hbm>>) dst(%dma_wait3A_421 : memref<40x128xf32, #tpu.memory_space<vmem>>)
    %dma_wait3A_427 = tpu.memref_slice %arg9[%add3A_385] : memref<600xf32, #tpu.memory_space<vmem>> -> memref<40xf32, #tpu.memory_space<vmem>>
    %dma_wait3A_428 = arith.constant 4680 : i32
    %dma_wait3A_429 = tpu.memref_slice %arg7[%dma_wait3A_428] : memref<5000xi32, #tpu.memory_space<vmem>> -> memref<40xi32, #tpu.memory_space<vmem>>
    %dma_wait3A_430 = arith.constant 0 : i32
    %dma_wait3A_431 = tpu.memref_slice %arg3[%dma_wait3A_430] : memref<10000xf32, #tpu.memory_space<hbm>> -> memref<10000xf32, #tpu.memory_space<hbm>>
    tpu.wait_indirect_dma semaphore(%arg11 : memref<!tpu.dma_semaphore, #tpu.memory_space<semaphore_mem>>) src(%dma_wait3A_431 : memref<10000xf32, #tpu.memory_space<hbm>>) dst(%dma_wait3A_427 : memref<40xf32, #tpu.memory_space<vmem>>)
    %dma_wait3A_432 = arith.constant 120 : i32
    %dma_wait3A_433 = arith.constant 0 : i32
    %dma_wait3A_434 = tpu.memref_slice %arg8[%rem3A_376, %dma_wait3A_432, %dma_wait3A_433] : memref<3x200x128xf32, #tpu.memory_space<vmem>> -> memref<1x40x128xf32, #tpu.memory_space<vmem>>
    %dma_wait3A_435 = tpu.memref_squeeze %dma_wait3A_434 : memref<1x40x128xf32, #tpu.memory_space<vmem>> -> memref<40x128xf32, #tpu.memory_space<vmem>>
    %dma_wait3A_436 = arith.constant 4720 : i32
    %dma_wait3A_437 = tpu.memref_slice %arg7[%dma_wait3A_436] : memref<5000xi32, #tpu.memory_space<vmem>> -> memref<40xi32, #tpu.memory_space<vmem>>
    %dma_wait3A_438 = arith.constant 0 : i32
    %dma_wait3A_439 = arith.constant 0 : i32
    %dma_wait3A_440 = tpu.memref_slice %arg2[%dma_wait3A_438, %dma_wait3A_439] : memref<10000x128xf32, #tpu.memory_space<hbm>> -> memref<10000x128xf32, #tpu.memory_space<hbm>>
    tpu.wait_indirect_dma semaphore(%arg10 : memref<!tpu.dma_semaphore, #tpu.memory_space<semaphore_mem>>) src(%dma_wait3A_440 : memref<10000x128xf32, #tpu.memory_space<hbm>>) dst(%dma_wait3A_435 : memref<40x128xf32, #tpu.memory_space<vmem>>)
    %dma_wait3A_441 = tpu.memref_slice %arg9[%add3A_387] : memref<600xf32, #tpu.memory_space<vmem>> -> memref<40xf32, #tpu.memory_space<vmem>>
    %dma_wait3A_442 = arith.constant 4720 : i32
    %dma_wait3A_443 = tpu.memref_slice %arg7[%dma_wait3A_442] : memref<5000xi32, #tpu.memory_space<vmem>> -> memref<40xi32, #tpu.memory_space<vmem>>
    %dma_wait3A_444 = arith.constant 0 : i32
    %dma_wait3A_445 = tpu.memref_slice %arg3[%dma_wait3A_444] : memref<10000xf32, #tpu.memory_space<hbm>> -> memref<10000xf32, #tpu.memory_space<hbm>>
    tpu.wait_indirect_dma semaphore(%arg11 : memref<!tpu.dma_semaphore, #tpu.memory_space<semaphore_mem>>) src(%dma_wait3A_445 : memref<10000xf32, #tpu.memory_space<hbm>>) dst(%dma_wait3A_441 : memref<40xf32, #tpu.memory_space<vmem>>)
    %dma_wait3A_446 = arith.constant 160 : i32
    %dma_wait3A_447 = arith.constant 0 : i32
    %dma_wait3A_448 = tpu.memref_slice %arg8[%rem3A_376, %dma_wait3A_446, %dma_wait3A_447] : memref<3x200x128xf32, #tpu.memory_space<vmem>> -> memref<1x40x128xf32, #tpu.memory_space<vmem>>
    %dma_wait3A_449 = tpu.memref_squeeze %dma_wait3A_448 : memref<1x40x128xf32, #tpu.memory_space<vmem>> -> memref<40x128xf32, #tpu.memory_space<vmem>>
    %dma_wait3A_450 = arith.constant 4760 : i32
    %dma_wait3A_451 = tpu.memref_slice %arg7[%dma_wait3A_450] : memref<5000xi32, #tpu.memory_space<vmem>> -> memref<40xi32, #tpu.memory_space<vmem>>
    %dma_wait3A_452 = arith.constant 0 : i32
    %dma_wait3A_453 = arith.constant 0 : i32
    %dma_wait3A_454 = tpu.memref_slice %arg2[%dma_wait3A_452, %dma_wait3A_453] : memref<10000x128xf32, #tpu.memory_space<hbm>> -> memref<10000x128xf32, #tpu.memory_space<hbm>>
    tpu.wait_indirect_dma semaphore(%arg10 : memref<!tpu.dma_semaphore, #tpu.memory_space<semaphore_mem>>) src(%dma_wait3A_454 : memref<10000x128xf32, #tpu.memory_space<hbm>>) dst(%dma_wait3A_449 : memref<40x128xf32, #tpu.memory_space<vmem>>)
    %dma_wait3A_455 = tpu.memref_slice %arg9[%add3A_389] : memref<600xf32, #tpu.memory_space<vmem>> -> memref<40xf32, #tpu.memory_space<vmem>>
    %dma_wait3A_456 = arith.constant 4760 : i32
    %dma_wait3A_457 = tpu.memref_slice %arg7[%dma_wait3A_456] : memref<5000xi32, #tpu.memory_space<vmem>> -> memref<40xi32, #tpu.memory_space<vmem>>
    %dma_wait3A_458 = arith.constant 0 : i32
    %dma_wait3A_459 = tpu.memref_slice %arg3[%dma_wait3A_458] : memref<10000xf32, #tpu.memory_space<hbm>> -> memref<10000xf32, #tpu.memory_space<hbm>>
    tpu.wait_indirect_dma semaphore(%arg11 : memref<!tpu.dma_semaphore, #tpu.memory_space<semaphore_mem>>) src(%dma_wait3A_459 : memref<10000xf32, #tpu.memory_space<hbm>>) dst(%dma_wait3A_455 : memref<40xf32, #tpu.memory_space<vmem>>)
    %rem3A_460 = arith.constant 23 : i32
    %rem3A_461 = arith.constant 3 : i32
    %rem3A_462 = arith.remsi %rem3A_460, %rem3A_461 : i32
    %add3A_463 = arith.constant 4600 : i32
    %add3A_464 = arith.addi %mul3A_2, %add3A_463 : i32
    %mul3A_465 = arith.constant 200 : i32
    %mul3A_466 = arith.muli %rem3A_462, %mul3A_465 : i32
    %multiple_of3A_467 = tpu.assume_multiple %mul3A_466, 8 : i32
    %dma_start3A_468 = arith.constant 0 : i32
    %dma_start3A_469 = arith.constant 0 : i32
    %dma_start3A_470 = tpu.memref_slice %arg8[%rem3A_462, %dma_start3A_468, %dma_start3A_469] : memref<3x200x128xf32, #tpu.memory_space<vmem>> -> memref<1x200x128xf32, #tpu.memory_space<vmem>>
    %dma_start3A_471 = tpu.memref_squeeze %dma_start3A_470 : memref<1x200x128xf32, #tpu.memory_space<vmem>> -> memref<200x128xf32, #tpu.memory_space<vmem>>
    %dma_start3A_472 = arith.constant 0 : i32
    %dma_start3A_473 = tpu.memref_slice %arg5[%add3A_464, %dma_start3A_472] : memref<160000x128xf32, #tpu.memory_space<hbm>> -> memref<200x128xf32, #tpu.memory_space<hbm>>
    %dma_start3A_474 = arith.constant 0 : i32
    %dma_start3A_475 = tpu.memref_slice %arg5[%add3A_464, %dma_start3A_474] : memref<160000x128xf32, #tpu.memory_space<hbm>> -> memref<200x128xf32, #tpu.memory_space<hbm>>
    %dma_start3A_476 = arith.constant 0 : i32
    %dma_start3A_477 = arith.constant 0 : i32
    %dma_start3A_478 = tpu.memref_slice %arg8[%rem3A_462, %dma_start3A_476, %dma_start3A_477] : memref<3x200x128xf32, #tpu.memory_space<vmem>> -> memref<1x200x128xf32, #tpu.memory_space<vmem>>
    %dma_start3A_479 = tpu.memref_squeeze %dma_start3A_478 : memref<1x200x128xf32, #tpu.memory_space<vmem>> -> memref<200x128xf32, #tpu.memory_space<vmem>>
    tpu.enqueue_dma source(%dma_start3A_479 : memref<200x128xf32, #tpu.memory_space<vmem>>) target(%dma_start3A_475 : memref<200x128xf32, #tpu.memory_space<hbm>>) target_semaphore(%arg12 : memref<!tpu.dma_semaphore, #tpu.memory_space<semaphore_mem>>)
    %dma_start3A_480 = tpu.memref_slice %arg9[%multiple_of3A_467] : memref<600xf32, #tpu.memory_space<vmem>> -> memref<200xf32, #tpu.memory_space<vmem>>
    %dma_start3A_481 = tpu.memref_slice %arg6[%add3A_464] : memref<160000xf32, #tpu.memory_space<hbm>> -> memref<200xf32, #tpu.memory_space<hbm>>
    %dma_start3A_482 = tpu.memref_slice %arg6[%add3A_464] : memref<160000xf32, #tpu.memory_space<hbm>> -> memref<200xf32, #tpu.memory_space<hbm>>
    %dma_start3A_483 = tpu.memref_slice %arg9[%multiple_of3A_467] : memref<600xf32, #tpu.memory_space<vmem>> -> memref<200xf32, #tpu.memory_space<vmem>>
    tpu.enqueue_dma source(%dma_start3A_483 : memref<200xf32, #tpu.memory_space<vmem>>) target(%dma_start3A_482 : memref<200xf32, #tpu.memory_space<hbm>>) target_semaphore(%arg13 : memref<!tpu.dma_semaphore, #tpu.memory_space<semaphore_mem>>)
    %rem3A_484 = arith.constant 22 : i32
    %rem3A_485 = arith.constant 3 : i32
    %rem3A_486 = arith.remsi %rem3A_484, %rem3A_485 : i32
    %add3A_487 = arith.constant 4400 : i32
    %add3A_488 = arith.addi %mul3A_2, %add3A_487 : i32
    %mul3A_489 = arith.constant 200 : i32
    %mul3A_490 = arith.muli %rem3A_486, %mul3A_489 : i32
    %multiple_of3A_491 = tpu.assume_multiple %mul3A_490, 8 : i32
    %dma_wait3A_492 = arith.constant 0 : i32
    %dma_wait3A_493 = arith.constant 0 : i32
    %dma_wait3A_494 = tpu.memref_slice %arg8[%rem3A_486, %dma_wait3A_492, %dma_wait3A_493] : memref<3x200x128xf32, #tpu.memory_space<vmem>> -> memref<1x200x128xf32, #tpu.memory_space<vmem>>
    %dma_wait3A_495 = tpu.memref_squeeze %dma_wait3A_494 : memref<1x200x128xf32, #tpu.memory_space<vmem>> -> memref<200x128xf32, #tpu.memory_space<vmem>>
    %dma_wait3A_496 = arith.constant 0 : i32
    %dma_wait3A_497 = tpu.memref_slice %arg5[%add3A_488, %dma_wait3A_496] : memref<160000x128xf32, #tpu.memory_space<hbm>> -> memref<200x128xf32, #tpu.memory_space<hbm>>
    %dma_wait3A_498 = arith.constant 0 : i32
    %dma_wait3A_499 = tpu.memref_slice %arg5[%add3A_488, %dma_wait3A_498] : memref<160000x128xf32, #tpu.memory_space<hbm>> -> memref<200x128xf32, #tpu.memory_space<hbm>>
    %dma_wait3A_500 = arith.constant 0 : i32
    %dma_wait3A_501 = arith.constant 0 : i32
    %dma_wait3A_502 = tpu.memref_slice %arg8[%rem3A_486, %dma_wait3A_500, %dma_wait3A_501] : memref<3x200x128xf32, #tpu.memory_space<vmem>> -> memref<1x200x128xf32, #tpu.memory_space<vmem>>
    %dma_wait3A_503 = tpu.memref_squeeze %dma_wait3A_502 : memref<1x200x128xf32, #tpu.memory_space<vmem>> -> memref<200x128xf32, #tpu.memory_space<vmem>>
    tpu.wait_dma2 semaphore(%arg12 : memref<!tpu.dma_semaphore, #tpu.memory_space<semaphore_mem>>) src(%dma_wait3A_503 : memref<200x128xf32, #tpu.memory_space<vmem>>) dst(%dma_wait3A_499 : memref<200x128xf32, #tpu.memory_space<hbm>>)
    %dma_wait3A_504 = tpu.memref_slice %arg9[%multiple_of3A_491] : memref<600xf32, #tpu.memory_space<vmem>> -> memref<200xf32, #tpu.memory_space<vmem>>
    %dma_wait3A_505 = tpu.memref_slice %arg6[%add3A_488] : memref<160000xf32, #tpu.memory_space<hbm>> -> memref<200xf32, #tpu.memory_space<hbm>>
    %dma_wait3A_506 = tpu.memref_slice %arg6[%add3A_488] : memref<160000xf32, #tpu.memory_space<hbm>> -> memref<200xf32, #tpu.memory_space<hbm>>
    %dma_wait3A_507 = tpu.memref_slice %arg9[%multiple_of3A_491] : memref<600xf32, #tpu.memory_space<vmem>> -> memref<200xf32, #tpu.memory_space<vmem>>
    tpu.wait_dma2 semaphore(%arg13 : memref<!tpu.dma_semaphore, #tpu.memory_space<semaphore_mem>>) src(%dma_wait3A_507 : memref<200xf32, #tpu.memory_space<vmem>>) dst(%dma_wait3A_506 : memref<200xf32, #tpu.memory_space<hbm>>)
    %rem3A_508 = arith.constant 24 : i32
    %rem3A_509 = arith.constant 3 : i32
    %rem3A_510 = arith.remsi %rem3A_508, %rem3A_509 : i32
    %mul3A_511 = arith.constant 200 : i32
    %mul3A_512 = arith.muli %rem3A_510, %mul3A_511 : i32
    %multiple_of3A_513 = tpu.assume_multiple %mul3A_512, 8 : i32
    %add3A_514 = arith.constant 0 : i32
    %add3A_515 = arith.addi %multiple_of3A_513, %add3A_514 : i32
    %add3A_516 = arith.constant 40 : i32
    %add3A_517 = arith.addi %multiple_of3A_513, %add3A_516 : i32
    %add3A_518 = arith.constant 80 : i32
    %add3A_519 = arith.addi %multiple_of3A_513, %add3A_518 : i32
    %add3A_520 = arith.constant 120 : i32
    %add3A_521 = arith.addi %multiple_of3A_513, %add3A_520 : i32
    %add3A_522 = arith.constant 160 : i32
    %add3A_523 = arith.addi %multiple_of3A_513, %add3A_522 : i32
    %dma_wait3A_524 = arith.constant 0 : i32
    %dma_wait3A_525 = arith.constant 0 : i32
    %dma_wait3A_526 = tpu.memref_slice %arg8[%rem3A_510, %dma_wait3A_524, %dma_wait3A_525] : memref<3x200x128xf32, #tpu.memory_space<vmem>> -> memref<1x40x128xf32, #tpu.memory_space<vmem>>
    %dma_wait3A_527 = tpu.memref_squeeze %dma_wait3A_526 : memref<1x40x128xf32, #tpu.memory_space<vmem>> -> memref<40x128xf32, #tpu.memory_space<vmem>>
    %dma_wait3A_528 = arith.constant 4800 : i32
    %dma_wait3A_529 = tpu.memref_slice %arg7[%dma_wait3A_528] : memref<5000xi32, #tpu.memory_space<vmem>> -> memref<40xi32, #tpu.memory_space<vmem>>
    %dma_wait3A_530 = arith.constant 0 : i32
    %dma_wait3A_531 = arith.constant 0 : i32
    %dma_wait3A_532 = tpu.memref_slice %arg2[%dma_wait3A_530, %dma_wait3A_531] : memref<10000x128xf32, #tpu.memory_space<hbm>> -> memref<10000x128xf32, #tpu.memory_space<hbm>>
    tpu.wait_indirect_dma semaphore(%arg10 : memref<!tpu.dma_semaphore, #tpu.memory_space<semaphore_mem>>) src(%dma_wait3A_532 : memref<10000x128xf32, #tpu.memory_space<hbm>>) dst(%dma_wait3A_527 : memref<40x128xf32, #tpu.memory_space<vmem>>)
    %dma_wait3A_533 = tpu.memref_slice %arg9[%add3A_515] : memref<600xf32, #tpu.memory_space<vmem>> -> memref<40xf32, #tpu.memory_space<vmem>>
    %dma_wait3A_534 = arith.constant 4800 : i32
    %dma_wait3A_535 = tpu.memref_slice %arg7[%dma_wait3A_534] : memref<5000xi32, #tpu.memory_space<vmem>> -> memref<40xi32, #tpu.memory_space<vmem>>
    %dma_wait3A_536 = arith.constant 0 : i32
    %dma_wait3A_537 = tpu.memref_slice %arg3[%dma_wait3A_536] : memref<10000xf32, #tpu.memory_space<hbm>> -> memref<10000xf32, #tpu.memory_space<hbm>>
    tpu.wait_indirect_dma semaphore(%arg11 : memref<!tpu.dma_semaphore, #tpu.memory_space<semaphore_mem>>) src(%dma_wait3A_537 : memref<10000xf32, #tpu.memory_space<hbm>>) dst(%dma_wait3A_533 : memref<40xf32, #tpu.memory_space<vmem>>)
    %dma_wait3A_538 = arith.constant 40 : i32
    %dma_wait3A_539 = arith.constant 0 : i32
    %dma_wait3A_540 = tpu.memref_slice %arg8[%rem3A_510, %dma_wait3A_538, %dma_wait3A_539] : memref<3x200x128xf32, #tpu.memory_space<vmem>> -> memref<1x40x128xf32, #tpu.memory_space<vmem>>
    %dma_wait3A_541 = tpu.memref_squeeze %dma_wait3A_540 : memref<1x40x128xf32, #tpu.memory_space<vmem>> -> memref<40x128xf32, #tpu.memory_space<vmem>>
    %dma_wait3A_542 = arith.constant 4840 : i32
    %dma_wait3A_543 = tpu.memref_slice %arg7[%dma_wait3A_542] : memref<5000xi32, #tpu.memory_space<vmem>> -> memref<40xi32, #tpu.memory_space<vmem>>
    %dma_wait3A_544 = arith.constant 0 : i32
    %dma_wait3A_545 = arith.constant 0 : i32
    %dma_wait3A_546 = tpu.memref_slice %arg2[%dma_wait3A_544, %dma_wait3A_545] : memref<10000x128xf32, #tpu.memory_space<hbm>> -> memref<10000x128xf32, #tpu.memory_space<hbm>>
    tpu.wait_indirect_dma semaphore(%arg10 : memref<!tpu.dma_semaphore, #tpu.memory_space<semaphore_mem>>) src(%dma_wait3A_546 : memref<10000x128xf32, #tpu.memory_space<hbm>>) dst(%dma_wait3A_541 : memref<40x128xf32, #tpu.memory_space<vmem>>)
    %dma_wait3A_547 = tpu.memref_slice %arg9[%add3A_517] : memref<600xf32, #tpu.memory_space<vmem>> -> memref<40xf32, #tpu.memory_space<vmem>>
    %dma_wait3A_548 = arith.constant 4840 : i32
    %dma_wait3A_549 = tpu.memref_slice %arg7[%dma_wait3A_548] : memref<5000xi32, #tpu.memory_space<vmem>> -> memref<40xi32, #tpu.memory_space<vmem>>
    %dma_wait3A_550 = arith.constant 0 : i32
    %dma_wait3A_551 = tpu.memref_slice %arg3[%dma_wait3A_550] : memref<10000xf32, #tpu.memory_space<hbm>> -> memref<10000xf32, #tpu.memory_space<hbm>>
    tpu.wait_indirect_dma semaphore(%arg11 : memref<!tpu.dma_semaphore, #tpu.memory_space<semaphore_mem>>) src(%dma_wait3A_551 : memref<10000xf32, #tpu.memory_space<hbm>>) dst(%dma_wait3A_547 : memref<40xf32, #tpu.memory_space<vmem>>)
    %dma_wait3A_552 = arith.constant 80 : i32
    %dma_wait3A_553 = arith.constant 0 : i32
    %dma_wait3A_554 = tpu.memref_slice %arg8[%rem3A_510, %dma_wait3A_552, %dma_wait3A_553] : memref<3x200x128xf32, #tpu.memory_space<vmem>> -> memref<1x40x128xf32, #tpu.memory_space<vmem>>
    %dma_wait3A_555 = tpu.memref_squeeze %dma_wait3A_554 : memref<1x40x128xf32, #tpu.memory_space<vmem>> -> memref<40x128xf32, #tpu.memory_space<vmem>>
    %dma_wait3A_556 = arith.constant 4880 : i32
    %dma_wait3A_557 = tpu.memref_slice %arg7[%dma_wait3A_556] : memref<5000xi32, #tpu.memory_space<vmem>> -> memref<40xi32, #tpu.memory_space<vmem>>
    %dma_wait3A_558 = arith.constant 0 : i32
    %dma_wait3A_559 = arith.constant 0 : i32
    %dma_wait3A_560 = tpu.memref_slice %arg2[%dma_wait3A_558, %dma_wait3A_559] : memref<10000x128xf32, #tpu.memory_space<hbm>> -> memref<10000x128xf32, #tpu.memory_space<hbm>>
    tpu.wait_indirect_dma semaphore(%arg10 : memref<!tpu.dma_semaphore, #tpu.memory_space<semaphore_mem>>) src(%dma_wait3A_560 : memref<10000x128xf32, #tpu.memory_space<hbm>>) dst(%dma_wait3A_555 : memref<40x128xf32, #tpu.memory_space<vmem>>)
    %dma_wait3A_561 = tpu.memref_slice %arg9[%add3A_519] : memref<600xf32, #tpu.memory_space<vmem>> -> memref<40xf32, #tpu.memory_space<vmem>>
    %dma_wait3A_562 = arith.constant 4880 : i32
    %dma_wait3A_563 = tpu.memref_slice %arg7[%dma_wait3A_562] : memref<5000xi32, #tpu.memory_space<vmem>> -> memref<40xi32, #tpu.memory_space<vmem>>
    %dma_wait3A_564 = arith.constant 0 : i32
    %dma_wait3A_565 = tpu.memref_slice %arg3[%dma_wait3A_564] : memref<10000xf32, #tpu.memory_space<hbm>> -> memref<10000xf32, #tpu.memory_space<hbm>>
    tpu.wait_indirect_dma semaphore(%arg11 : memref<!tpu.dma_semaphore, #tpu.memory_space<semaphore_mem>>) src(%dma_wait3A_565 : memref<10000xf32, #tpu.memory_space<hbm>>) dst(%dma_wait3A_561 : memref<40xf32, #tpu.memory_space<vmem>>)
    %dma_wait3A_566 = arith.constant 120 : i32
    %dma_wait3A_567 = arith.constant 0 : i32
    %dma_wait3A_568 = tpu.memref_slice %arg8[%rem3A_510, %dma_wait3A_566, %dma_wait3A_567] : memref<3x200x128xf32, #tpu.memory_space<vmem>> -> memref<1x40x128xf32, #tpu.memory_space<vmem>>
    %dma_wait3A_569 = tpu.memref_squeeze %dma_wait3A_568 : memref<1x40x128xf32, #tpu.memory_space<vmem>> -> memref<40x128xf32, #tpu.memory_space<vmem>>
    %dma_wait3A_570 = arith.constant 4920 : i32
    %dma_wait3A_571 = tpu.memref_slice %arg7[%dma_wait3A_570] : memref<5000xi32, #tpu.memory_space<vmem>> -> memref<40xi32, #tpu.memory_space<vmem>>
    %dma_wait3A_572 = arith.constant 0 : i32
    %dma_wait3A_573 = arith.constant 0 : i32
    %dma_wait3A_574 = tpu.memref_slice %arg2[%dma_wait3A_572, %dma_wait3A_573] : memref<10000x128xf32, #tpu.memory_space<hbm>> -> memref<10000x128xf32, #tpu.memory_space<hbm>>
    tpu.wait_indirect_dma semaphore(%arg10 : memref<!tpu.dma_semaphore, #tpu.memory_space<semaphore_mem>>) src(%dma_wait3A_574 : memref<10000x128xf32, #tpu.memory_space<hbm>>) dst(%dma_wait3A_569 : memref<40x128xf32, #tpu.memory_space<vmem>>)
    %dma_wait3A_575 = tpu.memref_slice %arg9[%add3A_521] : memref<600xf32, #tpu.memory_space<vmem>> -> memref<40xf32, #tpu.memory_space<vmem>>
    %dma_wait3A_576 = arith.constant 4920 : i32
    %dma_wait3A_577 = tpu.memref_slice %arg7[%dma_wait3A_576] : memref<5000xi32, #tpu.memory_space<vmem>> -> memref<40xi32, #tpu.memory_space<vmem>>
    %dma_wait3A_578 = arith.constant 0 : i32
    %dma_wait3A_579 = tpu.memref_slice %arg3[%dma_wait3A_578] : memref<10000xf32, #tpu.memory_space<hbm>> -> memref<10000xf32, #tpu.memory_space<hbm>>
    tpu.wait_indirect_dma semaphore(%arg11 : memref<!tpu.dma_semaphore, #tpu.memory_space<semaphore_mem>>) src(%dma_wait3A_579 : memref<10000xf32, #tpu.memory_space<hbm>>) dst(%dma_wait3A_575 : memref<40xf32, #tpu.memory_space<vmem>>)
    %dma_wait3A_580 = arith.constant 160 : i32
    %dma_wait3A_581 = arith.constant 0 : i32
    %dma_wait3A_582 = tpu.memref_slice %arg8[%rem3A_510, %dma_wait3A_580, %dma_wait3A_581] : memref<3x200x128xf32, #tpu.memory_space<vmem>> -> memref<1x40x128xf32, #tpu.memory_space<vmem>>
    %dma_wait3A_583 = tpu.memref_squeeze %dma_wait3A_582 : memref<1x40x128xf32, #tpu.memory_space<vmem>> -> memref<40x128xf32, #tpu.memory_space<vmem>>
    %dma_wait3A_584 = arith.constant 4960 : i32
    %dma_wait3A_585 = tpu.memref_slice %arg7[%dma_wait3A_584] : memref<5000xi32, #tpu.memory_space<vmem>> -> memref<40xi32, #tpu.memory_space<vmem>>
    %dma_wait3A_586 = arith.constant 0 : i32
    %dma_wait3A_587 = arith.constant 0 : i32
    %dma_wait3A_588 = tpu.memref_slice %arg2[%dma_wait3A_586, %dma_wait3A_587] : memref<10000x128xf32, #tpu.memory_space<hbm>> -> memref<10000x128xf32, #tpu.memory_space<hbm>>
    tpu.wait_indirect_dma semaphore(%arg10 : memref<!tpu.dma_semaphore, #tpu.memory_space<semaphore_mem>>) src(%dma_wait3A_588 : memref<10000x128xf32, #tpu.memory_space<hbm>>) dst(%dma_wait3A_583 : memref<40x128xf32, #tpu.memory_space<vmem>>)
    %dma_wait3A_589 = tpu.memref_slice %arg9[%add3A_523] : memref<600xf32, #tpu.memory_space<vmem>> -> memref<40xf32, #tpu.memory_space<vmem>>
    %dma_wait3A_590 = arith.constant 4960 : i32
    %dma_wait3A_591 = tpu.memref_slice %arg7[%dma_wait3A_590] : memref<5000xi32, #tpu.memory_space<vmem>> -> memref<40xi32, #tpu.memory_space<vmem>>
    %dma_wait3A_592 = arith.constant 0 : i32
    %dma_wait3A_593 = tpu.memref_slice %arg3[%dma_wait3A_592] : memref<10000xf32, #tpu.memory_space<hbm>> -> memref<10000xf32, #tpu.memory_space<hbm>>
    tpu.wait_indirect_dma semaphore(%arg11 : memref<!tpu.dma_semaphore, #tpu.memory_space<semaphore_mem>>) src(%dma_wait3A_593 : memref<10000xf32, #tpu.memory_space<hbm>>) dst(%dma_wait3A_589 : memref<40xf32, #tpu.memory_space<vmem>>)
    %rem3A_594 = arith.constant 24 : i32
    %rem3A_595 = arith.constant 3 : i32
    %rem3A_596 = arith.remsi %rem3A_594, %rem3A_595 : i32
    %add3A_597 = arith.constant 4800 : i32
    %add3A_598 = arith.addi %mul3A_2, %add3A_597 : i32
    %mul3A_599 = arith.constant 200 : i32
    %mul3A_600 = arith.muli %rem3A_596, %mul3A_599 : i32
    %multiple_of3A_601 = tpu.assume_multiple %mul3A_600, 8 : i32
    %dma_start3A_602 = arith.constant 0 : i32
    %dma_start3A_603 = arith.constant 0 : i32
    %dma_start3A_604 = tpu.memref_slice %arg8[%rem3A_596, %dma_start3A_602, %dma_start3A_603] : memref<3x200x128xf32, #tpu.memory_space<vmem>> -> memref<1x200x128xf32, #tpu.memory_space<vmem>>
    %dma_start3A_605 = tpu.memref_squeeze %dma_start3A_604 : memref<1x200x128xf32, #tpu.memory_space<vmem>> -> memref<200x128xf32, #tpu.memory_space<vmem>>
    %dma_start3A_606 = arith.constant 0 : i32
    %dma_start3A_607 = tpu.memref_slice %arg5[%add3A_598, %dma_start3A_606] : memref<160000x128xf32, #tpu.memory_space<hbm>> -> memref<200x128xf32, #tpu.memory_space<hbm>>
    %dma_start3A_608 = arith.constant 0 : i32
    %dma_start3A_609 = tpu.memref_slice %arg5[%add3A_598, %dma_start3A_608] : memref<160000x128xf32, #tpu.memory_space<hbm>> -> memref<200x128xf32, #tpu.memory_space<hbm>>
    %dma_start3A_610 = arith.constant 0 : i32
    %dma_start3A_611 = arith.constant 0 : i32
    %dma_start3A_612 = tpu.memref_slice %arg8[%rem3A_596, %dma_start3A_610, %dma_start3A_611] : memref<3x200x128xf32, #tpu.memory_space<vmem>> -> memref<1x200x128xf32, #tpu.memory_space<vmem>>
    %dma_start3A_613 = tpu.memref_squeeze %dma_start3A_612 : memref<1x200x128xf32, #tpu.memory_space<vmem>> -> memref<200x128xf32, #tpu.memory_space<vmem>>
    tpu.enqueue_dma source(%dma_start3A_613 : memref<200x128xf32, #tpu.memory_space<vmem>>) target(%dma_start3A_609 : memref<200x128xf32, #tpu.memory_space<hbm>>) target_semaphore(%arg12 : memref<!tpu.dma_semaphore, #tpu.memory_space<semaphore_mem>>)
    %dma_start3A_614 = tpu.memref_slice %arg9[%multiple_of3A_601] : memref<600xf32, #tpu.memory_space<vmem>> -> memref<200xf32, #tpu.memory_space<vmem>>
    %dma_start3A_615 = tpu.memref_slice %arg6[%add3A_598] : memref<160000xf32, #tpu.memory_space<hbm>> -> memref<200xf32, #tpu.memory_space<hbm>>
    %dma_start3A_616 = tpu.memref_slice %arg6[%add3A_598] : memref<160000xf32, #tpu.memory_space<hbm>> -> memref<200xf32, #tpu.memory_space<hbm>>
    %dma_start3A_617 = tpu.memref_slice %arg9[%multiple_of3A_601] : memref<600xf32, #tpu.memory_space<vmem>> -> memref<200xf32, #tpu.memory_space<vmem>>
    tpu.enqueue_dma source(%dma_start3A_617 : memref<200xf32, #tpu.memory_space<vmem>>) target(%dma_start3A_616 : memref<200xf32, #tpu.memory_space<hbm>>) target_semaphore(%arg13 : memref<!tpu.dma_semaphore, #tpu.memory_space<semaphore_mem>>)
    %rem3A_618 = arith.constant 23 : i32
    %rem3A_619 = arith.constant 3 : i32
    %rem3A_620 = arith.remsi %rem3A_618, %rem3A_619 : i32
    %add3A_621 = arith.constant 4600 : i32
    %add3A_622 = arith.addi %mul3A_2, %add3A_621 : i32
    %mul3A_623 = arith.constant 200 : i32
    %mul3A_624 = arith.muli %rem3A_620, %mul3A_623 : i32
    %multiple_of3A_625 = tpu.assume_multiple %mul3A_624, 8 : i32
    %dma_wait3A_626 = arith.constant 0 : i32
    %dma_wait3A_627 = arith.constant 0 : i32
    %dma_wait3A_628 = tpu.memref_slice %arg8[%rem3A_620, %dma_wait3A_626, %dma_wait3A_627] : memref<3x200x128xf32, #tpu.memory_space<vmem>> -> memref<1x200x128xf32, #tpu.memory_space<vmem>>
    %dma_wait3A_629 = tpu.memref_squeeze %dma_wait3A_628 : memref<1x200x128xf32, #tpu.memory_space<vmem>> -> memref<200x128xf32, #tpu.memory_space<vmem>>
    %dma_wait3A_630 = arith.constant 0 : i32
    %dma_wait3A_631 = tpu.memref_slice %arg5[%add3A_622, %dma_wait3A_630] : memref<160000x128xf32, #tpu.memory_space<hbm>> -> memref<200x128xf32, #tpu.memory_space<hbm>>
    %dma_wait3A_632 = arith.constant 0 : i32
    %dma_wait3A_633 = tpu.memref_slice %arg5[%add3A_622, %dma_wait3A_632] : memref<160000x128xf32, #tpu.memory_space<hbm>> -> memref<200x128xf32, #tpu.memory_space<hbm>>
    %dma_wait3A_634 = arith.constant 0 : i32
    %dma_wait3A_635 = arith.constant 0 : i32
    %dma_wait3A_636 = tpu.memref_slice %arg8[%rem3A_620, %dma_wait3A_634, %dma_wait3A_635] : memref<3x200x128xf32, #tpu.memory_space<vmem>> -> memref<1x200x128xf32, #tpu.memory_space<vmem>>
    %dma_wait3A_637 = tpu.memref_squeeze %dma_wait3A_636 : memref<1x200x128xf32, #tpu.memory_space<vmem>> -> memref<200x128xf32, #tpu.memory_space<vmem>>
    tpu.wait_dma2 semaphore(%arg12 : memref<!tpu.dma_semaphore, #tpu.memory_space<semaphore_mem>>) src(%dma_wait3A_637 : memref<200x128xf32, #tpu.memory_space<vmem>>) dst(%dma_wait3A_633 : memref<200x128xf32, #tpu.memory_space<hbm>>)
    %dma_wait3A_638 = tpu.memref_slice %arg9[%multiple_of3A_625] : memref<600xf32, #tpu.memory_space<vmem>> -> memref<200xf32, #tpu.memory_space<vmem>>
    %dma_wait3A_639 = tpu.memref_slice %arg6[%add3A_622] : memref<160000xf32, #tpu.memory_space<hbm>> -> memref<200xf32, #tpu.memory_space<hbm>>
    %dma_wait3A_640 = tpu.memref_slice %arg6[%add3A_622] : memref<160000xf32, #tpu.memory_space<hbm>> -> memref<200xf32, #tpu.memory_space<hbm>>
    %dma_wait3A_641 = tpu.memref_slice %arg9[%multiple_of3A_625] : memref<600xf32, #tpu.memory_space<vmem>> -> memref<200xf32, #tpu.memory_space<vmem>>
    tpu.wait_dma2 semaphore(%arg13 : memref<!tpu.dma_semaphore, #tpu.memory_space<semaphore_mem>>) src(%dma_wait3A_641 : memref<200xf32, #tpu.memory_space<vmem>>) dst(%dma_wait3A_640 : memref<200xf32, #tpu.memory_space<hbm>>)
    %rem3A_642 = arith.constant 24 : i32
    %rem3A_643 = arith.constant 3 : i32
    %rem3A_644 = arith.remsi %rem3A_642, %rem3A_643 : i32
    %add3A_645 = arith.constant 4800 : i32
    %add3A_646 = arith.addi %mul3A_2, %add3A_645 : i32
    %mul3A_647 = arith.constant 200 : i32
    %mul3A_648 = arith.muli %rem3A_644, %mul3A_647 : i32
    %multiple_of3A_649 = tpu.assume_multiple %mul3A_648, 8 : i32
    %dma_wait3A_650 = arith.constant 0 : i32
    %dma_wait3A_651 = arith.constant 0 : i32
    %dma_wait3A_652 = tpu.memref_slice %arg8[%rem3A_644, %dma_wait3A_650, %dma_wait3A_651] : memref<3x200x128xf32, #tpu.memory_space<vmem>> -> memref<1x200x128xf32, #tpu.memory_space<vmem>>
    %dma_wait3A_653 = tpu.memref_squeeze %dma_wait3A_652 : memref<1x200x128xf32, #tpu.memory_space<vmem>> -> memref<200x128xf32, #tpu.memory_space<vmem>>
    %dma_wait3A_654 = arith.constant 0 : i32
    %dma_wait3A_655 = tpu.memref_slice %arg5[%add3A_646, %dma_wait3A_654] : memref<160000x128xf32, #tpu.memory_space<hbm>> -> memref<200x128xf32, #tpu.memory_space<hbm>>
    %dma_wait3A_656 = arith.constant 0 : i32
    %dma_wait3A_657 = tpu.memref_slice %arg5[%add3A_646, %dma_wait3A_656] : memref<160000x128xf32, #tpu.memory_space<hbm>> -> memref<200x128xf32, #tpu.memory_space<hbm>>
    %dma_wait3A_658 = arith.constant 0 : i32
    %dma_wait3A_659 = arith.constant 0 : i32
    %dma_wait3A_660 = tpu.memref_slice %arg8[%rem3A_644, %dma_wait3A_658, %dma_wait3A_659] : memref<3x200x128xf32, #tpu.memory_space<vmem>> -> memref<1x200x128xf32, #tpu.memory_space<vmem>>
    %dma_wait3A_661 = tpu.memref_squeeze %dma_wait3A_660 : memref<1x200x128xf32, #tpu.memory_space<vmem>> -> memref<200x128xf32, #tpu.memory_space<vmem>>
    tpu.wait_dma2 semaphore(%arg12 : memref<!tpu.dma_semaphore, #tpu.memory_space<semaphore_mem>>) src(%dma_wait3A_661 : memref<200x128xf32, #tpu.memory_space<vmem>>) dst(%dma_wait3A_657 : memref<200x128xf32, #tpu.memory_space<hbm>>)
    %dma_wait3A_662 = tpu.memref_slice %arg9[%multiple_of3A_649] : memref<600xf32, #tpu.memory_space<vmem>> -> memref<200xf32, #tpu.memory_space<vmem>>
    %dma_wait3A_663 = tpu.memref_slice %arg6[%add3A_646] : memref<160000xf32, #tpu.memory_space<hbm>> -> memref<200xf32, #tpu.memory_space<hbm>>
    %dma_wait3A_664 = tpu.memref_slice %arg6[%add3A_646] : memref<160000xf32, #tpu.memory_space<hbm>> -> memref<200xf32, #tpu.memory_space<hbm>>
    %dma_wait3A_665 = tpu.memref_slice %arg9[%multiple_of3A_649] : memref<600xf32, #tpu.memory_space<vmem>> -> memref<200xf32, #tpu.memory_space<vmem>>
    tpu.wait_dma2 semaphore(%arg13 : memref<!tpu.dma_semaphore, #tpu.memory_space<semaphore_mem>>) src(%dma_wait3A_665 : memref<200xf32, #tpu.memory_space<vmem>>) dst(%dma_wait3A_664 : memref<200xf32, #tpu.memory_space<hbm>>)
    return
  }
}

#map = affine_map<(d0, d1) -> (0, 0)>
#map1 = affine_map<(d0, d1) -> (0)>
module attributes {stable_mosaic.version = 14 : i64} {
  func.func @k(%arg0: i32, %arg1: i32, %arg2: memref<10000x128xf32, #tpu.memory_space<hbm>>, %arg3: memref<10000xf32, #tpu.memory_space<hbm>>, %arg4: memref<160000xi32, #tpu.memory_space<hbm>>, %arg5: memref<160000x128xf32, #tpu.memory_space<hbm>>, %arg6: memref<160000xf32, #tpu.memory_space<hbm>>, %arg7: memref<5000xi32, #tpu.memory_space<vmem>>, %arg8: memref<3x200x128xf32, #tpu.memory_space<vmem>>, %arg9: memref<600xf32, #tpu.memory_space<vmem>>, %arg10: memref<!tpu.dma_semaphore, #tpu.memory_space<semaphore_mem>>, %arg11: memref<!tpu.dma_semaphore, #tpu.memory_space<semaphore_mem>>, %arg12: memref<!tpu.dma_semaphore, #tpu.memory_space<semaphore_mem>>, %arg13: memref<!tpu.dma_semaphore, #tpu.memory_space<semaphore_mem>>) attributes {dimension_semantics = [#tpu.dimension_semantics<core_parallel>, #tpu.dimension_semantics<subcore_parallel>], iteration_bounds = array<i64: 2, 16>, scalar_prefetch = 0 : i64, scratch_operands = 7 : i64, tpu.core_type = #tpu.core_type<sc_vector_subcore>, window_params = [{transform_indices = #map}, {transform_indices = #map1}, {transform_indices = #map1}, {transform_indices = #map}, {transform_indices = #map1}]} {
    %mul3A = arith.constant 2 : i32
    %mul3A_0 = arith.muli %arg1, %mul3A : i32
    %add3A = arith.addi %mul3A_0, %arg0 : i32
    %mul3A_1 = arith.constant 5000 : i32
    %mul3A_2 = arith.muli %add3A, %mul3A_1 : i32
    "tpu.region"() ({
      %run_scoped3A = tpu.sem_alloc : memref<!tpu.dma_semaphore, #tpu.memory_space<semaphore_mem>>
      %dma_start3A_666 = tpu.memref_slice %arg4[%mul3A_2] : memref<160000xi32, #tpu.memory_space<hbm>> -> memref<5000xi32, #tpu.memory_space<hbm>>
      %dma_start3A_667 = tpu.memref_slice %arg4[%mul3A_2] : memref<160000xi32, #tpu.memory_space<hbm>> -> memref<5000xi32, #tpu.memory_space<hbm>>
      tpu.enqueue_dma source(%dma_start3A_667 : memref<5000xi32, #tpu.memory_space<hbm>>) target(%arg7 : memref<5000xi32, #tpu.memory_space<vmem>>) target_semaphore(%run_scoped3A : memref<!tpu.dma_semaphore, #tpu.memory_space<semaphore_mem>>)
      %dma_wait3A_668 = tpu.memref_slice %arg4[%mul3A_2] : memref<160000xi32, #tpu.memory_space<hbm>> -> memref<5000xi32, #tpu.memory_space<hbm>>
      %dma_wait3A_669 = tpu.memref_slice %arg4[%mul3A_2] : memref<160000xi32, #tpu.memory_space<hbm>> -> memref<5000xi32, #tpu.memory_space<hbm>>
      tpu.wait_dma2 semaphore(%run_scoped3A : memref<!tpu.dma_semaphore, #tpu.memory_space<semaphore_mem>>) src(%dma_wait3A_669 : memref<5000xi32, #tpu.memory_space<hbm>>) dst(%arg7 : memref<5000xi32, #tpu.memory_space<vmem>>)
      tpu.yield
    }) : () -> ()
    %multiple_of3A = arith.constant 0 : i32
    %multiple_of3A_3 = tpu.assume_multiple %multiple_of3A, 8 : i32
    %dma_start3A = arith.constant 0 : i32
    %dma_start3A_4 = arith.constant 0 : i32
    %dma_start3A_5 = arith.constant 0 : i32
    %dma_start3A_6 = tpu.memref_slice %arg8[%dma_start3A, %dma_start3A_4, %dma_start3A_5] : memref<3x200x128xf32, #tpu.memory_space<vmem>> -> memref<1x40x128xf32, #tpu.memory_space<vmem>>
    %dma_start3A_7 = tpu.memref_squeeze %dma_start3A_6 : memref<1x40x128xf32, #tpu.memory_space<vmem>> -> memref<40x128xf32, #tpu.memory_space<vmem>>
    %dma_start3A_8 = arith.constant 0 : i32
    %dma_start3A_9 = tpu.memref_slice %arg7[%dma_start3A_8] : memref<5000xi32, #tpu.memory_space<vmem>> -> memref<40xi32, #tpu.memory_space<vmem>>
    %dma_start3A_10 = arith.constant 0 : i32
    %dma_start3A_11 = arith.constant 0 : i32
    %dma_start3A_12 = tpu.memref_slice %arg2[%dma_start3A_10, %dma_start3A_11] : memref<10000x128xf32, #tpu.memory_space<hbm>> -> memref<10000x128xf32, #tpu.memory_space<hbm>>
    tpu.enqueue_indirect_dma source(%dma_start3A_12 : memref<10000x128xf32, #tpu.memory_space<hbm>>) target(%dma_start3A_7 : memref<40x128xf32, #tpu.memory_space<vmem>>) offsets(%dma_start3A_9 : memref<40xi32, #tpu.memory_space<vmem>>) semaphore(%arg10 : memref<!tpu.dma_semaphore, #tpu.memory_space<semaphore_mem>>)
    %add3A_13 = arith.constant 0 : i32
    %add3A_14 = arith.addi %multiple_of3A_3, %add3A_13 : i32
    %dma_start3A_15 = tpu.memref_slice %arg9[%add3A_14] : memref<600xf32, #tpu.memory_space<vmem>> -> memref<40xf32, #tpu.memory_space<vmem>>
    %dma_start3A_16 = arith.constant 0 : i32
    %dma_start3A_17 = tpu.memref_slice %arg7[%dma_start3A_16] : memref<5000xi32, #tpu.memory_space<vmem>> -> memref<40xi32, #tpu.memory_space<vmem>>
    %dma_start3A_18 = arith.constant 0 : i32
    %dma_start3A_19 = tpu.memref_slice %arg3[%dma_start3A_18] : memref<10000xf32, #tpu.memory_space<hbm>> -> memref<10000xf32, #tpu.memory_space<hbm>>
    tpu.enqueue_indirect_dma source(%dma_start3A_19 : memref<10000xf32, #tpu.memory_space<hbm>>) target(%dma_start3A_15 : memref<40xf32, #tpu.memory_space<vmem>>) offsets(%dma_start3A_17 : memref<40xi32, #tpu.memory_space<vmem>>) semaphore(%arg11 : memref<!tpu.dma_semaphore, #tpu.memory_space<semaphore_mem>>)
    %dma_start3A_20 = arith.constant 0 : i32
    %dma_start3A_21 = arith.constant 40 : i32
    %dma_start3A_22 = arith.constant 0 : i32
    %dma_start3A_23 = tpu.memref_slice %arg8[%dma_start3A_20, %dma_start3A_21, %dma_start3A_22] : memref<3x200x128xf32, #tpu.memory_space<vmem>> -> memref<1x40x128xf32, #tpu.memory_space<vmem>>
    %dma_start3A_24 = tpu.memref_squeeze %dma_start3A_23 : memref<1x40x128xf32, #tpu.memory_space<vmem>> -> memref<40x128xf32, #tpu.memory_space<vmem>>
    %dma_start3A_25 = arith.constant 40 : i32
    %dma_start3A_26 = tpu.memref_slice %arg7[%dma_start3A_25] : memref<5000xi32, #tpu.memory_space<vmem>> -> memref<40xi32, #tpu.memory_space<vmem>>
    %dma_start3A_27 = arith.constant 0 : i32
    %dma_start3A_28 = arith.constant 0 : i32
    %dma_start3A_29 = tpu.memref_slice %arg2[%dma_start3A_27, %dma_start3A_28] : memref<10000x128xf32, #tpu.memory_space<hbm>> -> memref<10000x128xf32, #tpu.memory_space<hbm>>
    tpu.enqueue_indirect_dma source(%dma_start3A_29 : memref<10000x128xf32, #tpu.memory_space<hbm>>) target(%dma_start3A_24 : memref<40x128xf32, #tpu.memory_space<vmem>>) offsets(%dma_start3A_26 : memref<40xi32, #tpu.memory_space<vmem>>) semaphore(%arg10 : memref<!tpu.dma_semaphore, #tpu.memory_space<semaphore_mem>>)
    %add3A_30 = arith.constant 40 : i32
    %add3A_31 = arith.addi %multiple_of3A_3, %add3A_30 : i32
    %dma_start3A_32 = tpu.memref_slice %arg9[%add3A_31] : memref<600xf32, #tpu.memory_space<vmem>> -> memref<40xf32, #tpu.memory_space<vmem>>
    %dma_start3A_33 = arith.constant 40 : i32
    %dma_start3A_34 = tpu.memref_slice %arg7[%dma_start3A_33] : memref<5000xi32, #tpu.memory_space<vmem>> -> memref<40xi32, #tpu.memory_space<vmem>>
    %dma_start3A_35 = arith.constant 0 : i32
    %dma_start3A_36 = tpu.memref_slice %arg3[%dma_start3A_35] : memref<10000xf32, #tpu.memory_space<hbm>> -> memref<10000xf32, #tpu.memory_space<hbm>>
    tpu.enqueue_indirect_dma source(%dma_start3A_36 : memref<10000xf32, #tpu.memory_space<hbm>>) target(%dma_start3A_32 : memref<40xf32, #tpu.memory_space<vmem>>) offsets(%dma_start3A_34 : memref<40xi32, #tpu.memory_space<vmem>>) semaphore(%arg11 : memref<!tpu.dma_semaphore, #tpu.memory_space<semaphore_mem>>)
    %dma_start3A_37 = arith.constant 0 : i32
    %dma_start3A_38 = arith.constant 80 : i32
    %dma_start3A_39 = arith.constant 0 : i32
    %dma_start3A_40 = tpu.memref_slice %arg8[%dma_start3A_37, %dma_start3A_38, %dma_start3A_39] : memref<3x200x128xf32, #tpu.memory_space<vmem>> -> memref<1x40x128xf32, #tpu.memory_space<vmem>>
    %dma_start3A_41 = tpu.memref_squeeze %dma_start3A_40 : memref<1x40x128xf32, #tpu.memory_space<vmem>> -> memref<40x128xf32, #tpu.memory_space<vmem>>
    %dma_start3A_42 = arith.constant 80 : i32
    %dma_start3A_43 = tpu.memref_slice %arg7[%dma_start3A_42] : memref<5000xi32, #tpu.memory_space<vmem>> -> memref<40xi32, #tpu.memory_space<vmem>>
    %dma_start3A_44 = arith.constant 0 : i32
    %dma_start3A_45 = arith.constant 0 : i32
    %dma_start3A_46 = tpu.memref_slice %arg2[%dma_start3A_44, %dma_start3A_45] : memref<10000x128xf32, #tpu.memory_space<hbm>> -> memref<10000x128xf32, #tpu.memory_space<hbm>>
    tpu.enqueue_indirect_dma source(%dma_start3A_46 : memref<10000x128xf32, #tpu.memory_space<hbm>>) target(%dma_start3A_41 : memref<40x128xf32, #tpu.memory_space<vmem>>) offsets(%dma_start3A_43 : memref<40xi32, #tpu.memory_space<vmem>>) semaphore(%arg10 : memref<!tpu.dma_semaphore, #tpu.memory_space<semaphore_mem>>)
    %add3A_47 = arith.constant 80 : i32
    %add3A_48 = arith.addi %multiple_of3A_3, %add3A_47 : i32
    %dma_start3A_49 = tpu.memref_slice %arg9[%add3A_48] : memref<600xf32, #tpu.memory_space<vmem>> -> memref<40xf32, #tpu.memory_space<vmem>>
    %dma_start3A_50 = arith.constant 80 : i32
    %dma_start3A_51 = tpu.memref_slice %arg7[%dma_start3A_50] : memref<5000xi32, #tpu.memory_space<vmem>> -> memref<40xi32, #tpu.memory_space<vmem>>
    %dma_start3A_52 = arith.constant 0 : i32
    %dma_start3A_53 = tpu.memref_slice %arg3[%dma_start3A_52] : memref<10000xf32, #tpu.memory_space<hbm>> -> memref<10000xf32, #tpu.memory_space<hbm>>
    tpu.enqueue_indirect_dma source(%dma_start3A_53 : memref<10000xf32, #tpu.memory_space<hbm>>) target(%dma_start3A_49 : memref<40xf32, #tpu.memory_space<vmem>>) offsets(%dma_start3A_51 : memref<40xi32, #tpu.memory_space<vmem>>) semaphore(%arg11 : memref<!tpu.dma_semaphore, #tpu.memory_space<semaphore_mem>>)
    %dma_start3A_54 = arith.constant 0 : i32
    %dma_start3A_55 = arith.constant 120 : i32
    %dma_start3A_56 = arith.constant 0 : i32
    %dma_start3A_57 = tpu.memref_slice %arg8[%dma_start3A_54, %dma_start3A_55, %dma_start3A_56] : memref<3x200x128xf32, #tpu.memory_space<vmem>> -> memref<1x40x128xf32, #tpu.memory_space<vmem>>
    %dma_start3A_58 = tpu.memref_squeeze %dma_start3A_57 : memref<1x40x128xf32, #tpu.memory_space<vmem>> -> memref<40x128xf32, #tpu.memory_space<vmem>>
    %dma_start3A_59 = arith.constant 120 : i32
    %dma_start3A_60 = tpu.memref_slice %arg7[%dma_start3A_59] : memref<5000xi32, #tpu.memory_space<vmem>> -> memref<40xi32, #tpu.memory_space<vmem>>
    %dma_start3A_61 = arith.constant 0 : i32
    %dma_start3A_62 = arith.constant 0 : i32
    %dma_start3A_63 = tpu.memref_slice %arg2[%dma_start3A_61, %dma_start3A_62] : memref<10000x128xf32, #tpu.memory_space<hbm>> -> memref<10000x128xf32, #tpu.memory_space<hbm>>
    tpu.enqueue_indirect_dma source(%dma_start3A_63 : memref<10000x128xf32, #tpu.memory_space<hbm>>) target(%dma_start3A_58 : memref<40x128xf32, #tpu.memory_space<vmem>>) offsets(%dma_start3A_60 : memref<40xi32, #tpu.memory_space<vmem>>) semaphore(%arg10 : memref<!tpu.dma_semaphore, #tpu.memory_space<semaphore_mem>>)
    %add3A_64 = arith.constant 120 : i32
    %add3A_65 = arith.addi %multiple_of3A_3, %add3A_64 : i32
    %dma_start3A_66 = tpu.memref_slice %arg9[%add3A_65] : memref<600xf32, #tpu.memory_space<vmem>> -> memref<40xf32, #tpu.memory_space<vmem>>
    %dma_start3A_67 = arith.constant 120 : i32
    %dma_start3A_68 = tpu.memref_slice %arg7[%dma_start3A_67] : memref<5000xi32, #tpu.memory_space<vmem>> -> memref<40xi32, #tpu.memory_space<vmem>>
    %dma_start3A_69 = arith.constant 0 : i32
    %dma_start3A_70 = tpu.memref_slice %arg3[%dma_start3A_69] : memref<10000xf32, #tpu.memory_space<hbm>> -> memref<10000xf32, #tpu.memory_space<hbm>>
    tpu.enqueue_indirect_dma source(%dma_start3A_70 : memref<10000xf32, #tpu.memory_space<hbm>>) target(%dma_start3A_66 : memref<40xf32, #tpu.memory_space<vmem>>) offsets(%dma_start3A_68 : memref<40xi32, #tpu.memory_space<vmem>>) semaphore(%arg11 : memref<!tpu.dma_semaphore, #tpu.memory_space<semaphore_mem>>)
    %dma_start3A_71 = arith.constant 0 : i32
    %dma_start3A_72 = arith.constant 160 : i32
    %dma_start3A_73 = arith.constant 0 : i32
    %dma_start3A_74 = tpu.memref_slice %arg8[%dma_start3A_71, %dma_start3A_72, %dma_start3A_73] : memref<3x200x128xf32, #tpu.memory_space<vmem>> -> memref<1x40x128xf32, #tpu.memory_space<vmem>>
    %dma_start3A_75 = tpu.memref_squeeze %dma_start3A_74 : memref<1x40x128xf32, #tpu.memory_space<vmem>> -> memref<40x128xf32, #tpu.memory_space<vmem>>
    %dma_start3A_76 = arith.constant 160 : i32
    %dma_start3A_77 = tpu.memref_slice %arg7[%dma_start3A_76] : memref<5000xi32, #tpu.memory_space<vmem>> -> memref<40xi32, #tpu.memory_space<vmem>>
    %dma_start3A_78 = arith.constant 0 : i32
    %dma_start3A_79 = arith.constant 0 : i32
    %dma_start3A_80 = tpu.memref_slice %arg2[%dma_start3A_78, %dma_start3A_79] : memref<10000x128xf32, #tpu.memory_space<hbm>> -> memref<10000x128xf32, #tpu.memory_space<hbm>>
    tpu.enqueue_indirect_dma source(%dma_start3A_80 : memref<10000x128xf32, #tpu.memory_space<hbm>>) target(%dma_start3A_75 : memref<40x128xf32, #tpu.memory_space<vmem>>) offsets(%dma_start3A_77 : memref<40xi32, #tpu.memory_space<vmem>>) semaphore(%arg10 : memref<!tpu.dma_semaphore, #tpu.memory_space<semaphore_mem>>)
    %add3A_81 = arith.constant 160 : i32
    %add3A_82 = arith.addi %multiple_of3A_3, %add3A_81 : i32
    %dma_start3A_83 = tpu.memref_slice %arg9[%add3A_82] : memref<600xf32, #tpu.memory_space<vmem>> -> memref<40xf32, #tpu.memory_space<vmem>>
    %dma_start3A_84 = arith.constant 160 : i32
    %dma_start3A_85 = tpu.memref_slice %arg7[%dma_start3A_84] : memref<5000xi32, #tpu.memory_space<vmem>> -> memref<40xi32, #tpu.memory_space<vmem>>
    %dma_start3A_86 = arith.constant 0 : i32
    %dma_start3A_87 = tpu.memref_slice %arg3[%dma_start3A_86] : memref<10000xf32, #tpu.memory_space<hbm>> -> memref<10000xf32, #tpu.memory_space<hbm>>
    tpu.enqueue_indirect_dma source(%dma_start3A_87 : memref<10000xf32, #tpu.memory_space<hbm>>) target(%dma_start3A_83 : memref<40xf32, #tpu.memory_space<vmem>>) offsets(%dma_start3A_85 : memref<40xi32, #tpu.memory_space<vmem>>) semaphore(%arg11 : memref<!tpu.dma_semaphore, #tpu.memory_space<semaphore_mem>>)
    %multiple_of3A_88 = arith.constant 200 : i32
    %multiple_of3A_89 = tpu.assume_multiple %multiple_of3A_88, 8 : i32
    %dma_start3A_90 = arith.constant 1 : i32
    %dma_start3A_91 = arith.constant 0 : i32
    %dma_start3A_92 = arith.constant 0 : i32
    %dma_start3A_93 = tpu.memref_slice %arg8[%dma_start3A_90, %dma_start3A_91, %dma_start3A_92] : memref<3x200x128xf32, #tpu.memory_space<vmem>> -> memref<1x40x128xf32, #tpu.memory_space<vmem>>
    %dma_start3A_94 = tpu.memref_squeeze %dma_start3A_93 : memref<1x40x128xf32, #tpu.memory_space<vmem>> -> memref<40x128xf32, #tpu.memory_space<vmem>>
    %dma_start3A_95 = arith.constant 200 : i32
    %dma_start3A_96 = tpu.memref_slice %arg7[%dma_start3A_95] : memref<5000xi32, #tpu.memory_space<vmem>> -> memref<40xi32, #tpu.memory_space<vmem>>
    %dma_start3A_97 = arith.constant 0 : i32
    %dma_start3A_98 = arith.constant 0 : i32
    %dma_start3A_99 = tpu.memref_slice %arg2[%dma_start3A_97, %dma_start3A_98] : memref<10000x128xf32, #tpu.memory_space<hbm>> -> memref<10000x128xf32, #tpu.memory_space<hbm>>
    tpu.enqueue_indirect_dma source(%dma_start3A_99 : memref<10000x128xf32, #tpu.memory_space<hbm>>) target(%dma_start3A_94 : memref<40x128xf32, #tpu.memory_space<vmem>>) offsets(%dma_start3A_96 : memref<40xi32, #tpu.memory_space<vmem>>) semaphore(%arg10 : memref<!tpu.dma_semaphore, #tpu.memory_space<semaphore_mem>>)
    %add3A_100 = arith.constant 0 : i32
    %add3A_101 = arith.addi %multiple_of3A_89, %add3A_100 : i32
    %dma_start3A_102 = tpu.memref_slice %arg9[%add3A_101] : memref<600xf32, #tpu.memory_space<vmem>> -> memref<40xf32, #tpu.memory_space<vmem>>
    %dma_start3A_103 = arith.constant 200 : i32
    %dma_start3A_104 = tpu.memref_slice %arg7[%dma_start3A_103] : memref<5000xi32, #tpu.memory_space<vmem>> -> memref<40xi32, #tpu.memory_space<vmem>>
    %dma_start3A_105 = arith.constant 0 : i32
    %dma_start3A_106 = tpu.memref_slice %arg3[%dma_start3A_105] : memref<10000xf32, #tpu.memory_space<hbm>> -> memref<10000xf32, #tpu.memory_space<hbm>>
    tpu.enqueue_indirect_dma source(%dma_start3A_106 : memref<10000xf32, #tpu.memory_space<hbm>>) target(%dma_start3A_102 : memref<40xf32, #tpu.memory_space<vmem>>) offsets(%dma_start3A_104 : memref<40xi32, #tpu.memory_space<vmem>>) semaphore(%arg11 : memref<!tpu.dma_semaphore, #tpu.memory_space<semaphore_mem>>)
    %dma_start3A_107 = arith.constant 1 : i32
    %dma_start3A_108 = arith.constant 40 : i32
    %dma_start3A_109 = arith.constant 0 : i32
    %dma_start3A_110 = tpu.memref_slice %arg8[%dma_start3A_107, %dma_start3A_108, %dma_start3A_109] : memref<3x200x128xf32, #tpu.memory_space<vmem>> -> memref<1x40x128xf32, #tpu.memory_space<vmem>>
    %dma_start3A_111 = tpu.memref_squeeze %dma_start3A_110 : memref<1x40x128xf32, #tpu.memory_space<vmem>> -> memref<40x128xf32, #tpu.memory_space<vmem>>
    %dma_start3A_112 = arith.constant 240 : i32
    %dma_start3A_113 = tpu.memref_slice %arg7[%dma_start3A_112] : memref<5000xi32, #tpu.memory_space<vmem>> -> memref<40xi32, #tpu.memory_space<vmem>>
    %dma_start3A_114 = arith.constant 0 : i32
    %dma_start3A_115 = arith.constant 0 : i32
    %dma_start3A_116 = tpu.memref_slice %arg2[%dma_start3A_114, %dma_start3A_115] : memref<10000x128xf32, #tpu.memory_space<hbm>> -> memref<10000x128xf32, #tpu.memory_space<hbm>>
    tpu.enqueue_indirect_dma source(%dma_start3A_116 : memref<10000x128xf32, #tpu.memory_space<hbm>>) target(%dma_start3A_111 : memref<40x128xf32, #tpu.memory_space<vmem>>) offsets(%dma_start3A_113 : memref<40xi32, #tpu.memory_space<vmem>>) semaphore(%arg10 : memref<!tpu.dma_semaphore, #tpu.memory_space<semaphore_mem>>)
    %add3A_117 = arith.constant 40 : i32
    %add3A_118 = arith.addi %multiple_of3A_89, %add3A_117 : i32
    %dma_start3A_119 = tpu.memref_slice %arg9[%add3A_118] : memref<600xf32, #tpu.memory_space<vmem>> -> memref<40xf32, #tpu.memory_space<vmem>>
    %dma_start3A_120 = arith.constant 240 : i32
    %dma_start3A_121 = tpu.memref_slice %arg7[%dma_start3A_120] : memref<5000xi32, #tpu.memory_space<vmem>> -> memref<40xi32, #tpu.memory_space<vmem>>
    %dma_start3A_122 = arith.constant 0 : i32
    %dma_start3A_123 = tpu.memref_slice %arg3[%dma_start3A_122] : memref<10000xf32, #tpu.memory_space<hbm>> -> memref<10000xf32, #tpu.memory_space<hbm>>
    tpu.enqueue_indirect_dma source(%dma_start3A_123 : memref<10000xf32, #tpu.memory_space<hbm>>) target(%dma_start3A_119 : memref<40xf32, #tpu.memory_space<vmem>>) offsets(%dma_start3A_121 : memref<40xi32, #tpu.memory_space<vmem>>) semaphore(%arg11 : memref<!tpu.dma_semaphore, #tpu.memory_space<semaphore_mem>>)
    %dma_start3A_124 = arith.constant 1 : i32
    %dma_start3A_125 = arith.constant 80 : i32
    %dma_start3A_126 = arith.constant 0 : i32
    %dma_start3A_127 = tpu.memref_slice %arg8[%dma_start3A_124, %dma_start3A_125, %dma_start3A_126] : memref<3x200x128xf32, #tpu.memory_space<vmem>> -> memref<1x40x128xf32, #tpu.memory_space<vmem>>
    %dma_start3A_128 = tpu.memref_squeeze %dma_start3A_127 : memref<1x40x128xf32, #tpu.memory_space<vmem>> -> memref<40x128xf32, #tpu.memory_space<vmem>>
    %dma_start3A_129 = arith.constant 280 : i32
    %dma_start3A_130 = tpu.memref_slice %arg7[%dma_start3A_129] : memref<5000xi32, #tpu.memory_space<vmem>> -> memref<40xi32, #tpu.memory_space<vmem>>
    %dma_start3A_131 = arith.constant 0 : i32
    %dma_start3A_132 = arith.constant 0 : i32
    %dma_start3A_133 = tpu.memref_slice %arg2[%dma_start3A_131, %dma_start3A_132] : memref<10000x128xf32, #tpu.memory_space<hbm>> -> memref<10000x128xf32, #tpu.memory_space<hbm>>
    tpu.enqueue_indirect_dma source(%dma_start3A_133 : memref<10000x128xf32, #tpu.memory_space<hbm>>) target(%dma_start3A_128 : memref<40x128xf32, #tpu.memory_space<vmem>>) offsets(%dma_start3A_130 : memref<40xi32, #tpu.memory_space<vmem>>) semaphore(%arg10 : memref<!tpu.dma_semaphore, #tpu.memory_space<semaphore_mem>>)
    %add3A_134 = arith.constant 80 : i32
    %add3A_135 = arith.addi %multiple_of3A_89, %add3A_134 : i32
    %dma_start3A_136 = tpu.memref_slice %arg9[%add3A_135] : memref<600xf32, #tpu.memory_space<vmem>> -> memref<40xf32, #tpu.memory_space<vmem>>
    %dma_start3A_137 = arith.constant 280 : i32
    %dma_start3A_138 = tpu.memref_slice %arg7[%dma_start3A_137] : memref<5000xi32, #tpu.memory_space<vmem>> -> memref<40xi32, #tpu.memory_space<vmem>>
    %dma_start3A_139 = arith.constant 0 : i32
    %dma_start3A_140 = tpu.memref_slice %arg3[%dma_start3A_139] : memref<10000xf32, #tpu.memory_space<hbm>> -> memref<10000xf32, #tpu.memory_space<hbm>>
    tpu.enqueue_indirect_dma source(%dma_start3A_140 : memref<10000xf32, #tpu.memory_space<hbm>>) target(%dma_start3A_136 : memref<40xf32, #tpu.memory_space<vmem>>) offsets(%dma_start3A_138 : memref<40xi32, #tpu.memory_space<vmem>>) semaphore(%arg11 : memref<!tpu.dma_semaphore, #tpu.memory_space<semaphore_mem>>)
    %dma_start3A_141 = arith.constant 1 : i32
    %dma_start3A_142 = arith.constant 120 : i32
    %dma_start3A_143 = arith.constant 0 : i32
    %dma_start3A_144 = tpu.memref_slice %arg8[%dma_start3A_141, %dma_start3A_142, %dma_start3A_143] : memref<3x200x128xf32, #tpu.memory_space<vmem>> -> memref<1x40x128xf32, #tpu.memory_space<vmem>>
    %dma_start3A_145 = tpu.memref_squeeze %dma_start3A_144 : memref<1x40x128xf32, #tpu.memory_space<vmem>> -> memref<40x128xf32, #tpu.memory_space<vmem>>
    %dma_start3A_146 = arith.constant 320 : i32
    %dma_start3A_147 = tpu.memref_slice %arg7[%dma_start3A_146] : memref<5000xi32, #tpu.memory_space<vmem>> -> memref<40xi32, #tpu.memory_space<vmem>>
    %dma_start3A_148 = arith.constant 0 : i32
    %dma_start3A_149 = arith.constant 0 : i32
    %dma_start3A_150 = tpu.memref_slice %arg2[%dma_start3A_148, %dma_start3A_149] : memref<10000x128xf32, #tpu.memory_space<hbm>> -> memref<10000x128xf32, #tpu.memory_space<hbm>>
    tpu.enqueue_indirect_dma source(%dma_start3A_150 : memref<10000x128xf32, #tpu.memory_space<hbm>>) target(%dma_start3A_145 : memref<40x128xf32, #tpu.memory_space<vmem>>) offsets(%dma_start3A_147 : memref<40xi32, #tpu.memory_space<vmem>>) semaphore(%arg10 : memref<!tpu.dma_semaphore, #tpu.memory_space<semaphore_mem>>)
    %add3A_151 = arith.constant 120 : i32
    %add3A_152 = arith.addi %multiple_of3A_89, %add3A_151 : i32
    %dma_start3A_153 = tpu.memref_slice %arg9[%add3A_152] : memref<600xf32, #tpu.memory_space<vmem>> -> memref<40xf32, #tpu.memory_space<vmem>>
    %dma_start3A_154 = arith.constant 320 : i32
    %dma_start3A_155 = tpu.memref_slice %arg7[%dma_start3A_154] : memref<5000xi32, #tpu.memory_space<vmem>> -> memref<40xi32, #tpu.memory_space<vmem>>
    %dma_start3A_156 = arith.constant 0 : i32
    %dma_start3A_157 = tpu.memref_slice %arg3[%dma_start3A_156] : memref<10000xf32, #tpu.memory_space<hbm>> -> memref<10000xf32, #tpu.memory_space<hbm>>
    tpu.enqueue_indirect_dma source(%dma_start3A_157 : memref<10000xf32, #tpu.memory_space<hbm>>) target(%dma_start3A_153 : memref<40xf32, #tpu.memory_space<vmem>>) offsets(%dma_start3A_155 : memref<40xi32, #tpu.memory_space<vmem>>) semaphore(%arg11 : memref<!tpu.dma_semaphore, #tpu.memory_space<semaphore_mem>>)
    %dma_start3A_158 = arith.constant 1 : i32
    %dma_start3A_159 = arith.constant 160 : i32
    %dma_start3A_160 = arith.constant 0 : i32
    %dma_start3A_161 = tpu.memref_slice %arg8[%dma_start3A_158, %dma_start3A_159, %dma_start3A_160] : memref<3x200x128xf32, #tpu.memory_space<vmem>> -> memref<1x40x128xf32, #tpu.memory_space<vmem>>
    %dma_start3A_162 = tpu.memref_squeeze %dma_start3A_161 : memref<1x40x128xf32, #tpu.memory_space<vmem>> -> memref<40x128xf32, #tpu.memory_space<vmem>>
    %dma_start3A_163 = arith.constant 360 : i32
    %dma_start3A_164 = tpu.memref_slice %arg7[%dma_start3A_163] : memref<5000xi32, #tpu.memory_space<vmem>> -> memref<40xi32, #tpu.memory_space<vmem>>
    %dma_start3A_165 = arith.constant 0 : i32
    %dma_start3A_166 = arith.constant 0 : i32
    %dma_start3A_167 = tpu.memref_slice %arg2[%dma_start3A_165, %dma_start3A_166] : memref<10000x128xf32, #tpu.memory_space<hbm>> -> memref<10000x128xf32, #tpu.memory_space<hbm>>
    tpu.enqueue_indirect_dma source(%dma_start3A_167 : memref<10000x128xf32, #tpu.memory_space<hbm>>) target(%dma_start3A_162 : memref<40x128xf32, #tpu.memory_space<vmem>>) offsets(%dma_start3A_164 : memref<40xi32, #tpu.memory_space<vmem>>) semaphore(%arg10 : memref<!tpu.dma_semaphore, #tpu.memory_space<semaphore_mem>>)
    %add3A_168 = arith.constant 160 : i32
    %add3A_169 = arith.addi %multiple_of3A_89, %add3A_168 : i32
    %dma_start3A_170 = tpu.memref_slice %arg9[%add3A_169] : memref<600xf32, #tpu.memory_space<vmem>> -> memref<40xf32, #tpu.memory_space<vmem>>
    %dma_start3A_171 = arith.constant 360 : i32
    %dma_start3A_172 = tpu.memref_slice %arg7[%dma_start3A_171] : memref<5000xi32, #tpu.memory_space<vmem>> -> memref<40xi32, #tpu.memory_space<vmem>>
    %dma_start3A_173 = arith.constant 0 : i32
    %dma_start3A_174 = tpu.memref_slice %arg3[%dma_start3A_173] : memref<10000xf32, #tpu.memory_space<hbm>> -> memref<10000xf32, #tpu.memory_space<hbm>>
    tpu.enqueue_indirect_dma source(%dma_start3A_174 : memref<10000xf32, #tpu.memory_space<hbm>>) target(%dma_start3A_170 : memref<40xf32, #tpu.memory_space<vmem>>) offsets(%dma_start3A_172 : memref<40xi32, #tpu.memory_space<vmem>>) semaphore(%arg11 : memref<!tpu.dma_semaphore, #tpu.memory_space<semaphore_mem>>)
    %multiple_of3A_175 = arith.constant 0 : i32
    %multiple_of3A_176 = tpu.assume_multiple %multiple_of3A_175, 8 : i32
    %add3A_177 = arith.constant 0 : i32
    %add3A_178 = arith.addi %multiple_of3A_176, %add3A_177 : i32
    %add3A_179 = arith.constant 40 : i32
    %add3A_180 = arith.addi %multiple_of3A_176, %add3A_179 : i32
    %add3A_181 = arith.constant 80 : i32
    %add3A_182 = arith.addi %multiple_of3A_176, %add3A_181 : i32
    %add3A_183 = arith.constant 120 : i32
    %add3A_184 = arith.addi %multiple_of3A_176, %add3A_183 : i32
    %add3A_185 = arith.constant 160 : i32
    %add3A_186 = arith.addi %multiple_of3A_176, %add3A_185 : i32
    %dma_wait3A = arith.constant 0 : i32
    %dma_wait3A_187 = arith.constant 0 : i32
    %dma_wait3A_188 = arith.constant 0 : i32
    %dma_wait3A_189 = tpu.memref_slice %arg8[%dma_wait3A, %dma_wait3A_187, %dma_wait3A_188] : memref<3x200x128xf32, #tpu.memory_space<vmem>> -> memref<1x40x128xf32, #tpu.memory_space<vmem>>
    %dma_wait3A_190 = tpu.memref_squeeze %dma_wait3A_189 : memref<1x40x128xf32, #tpu.memory_space<vmem>> -> memref<40x128xf32, #tpu.memory_space<vmem>>
    %dma_wait3A_191 = arith.constant 0 : i32
    %dma_wait3A_192 = tpu.memref_slice %arg7[%dma_wait3A_191] : memref<5000xi32, #tpu.memory_space<vmem>> -> memref<40xi32, #tpu.memory_space<vmem>>
    %dma_wait3A_193 = arith.constant 0 : i32
    %dma_wait3A_194 = arith.constant 0 : i32
    %dma_wait3A_195 = tpu.memref_slice %arg2[%dma_wait3A_193, %dma_wait3A_194] : memref<10000x128xf32, #tpu.memory_space<hbm>> -> memref<10000x128xf32, #tpu.memory_space<hbm>>
    tpu.wait_indirect_dma semaphore(%arg10 : memref<!tpu.dma_semaphore, #tpu.memory_space<semaphore_mem>>) src(%dma_wait3A_195 : memref<10000x128xf32, #tpu.memory_space<hbm>>) dst(%dma_wait3A_190 : memref<40x128xf32, #tpu.memory_space<vmem>>)
    %dma_wait3A_196 = tpu.memref_slice %arg9[%add3A_178] : memref<600xf32, #tpu.memory_space<vmem>> -> memref<40xf32, #tpu.memory_space<vmem>>
    %dma_wait3A_197 = arith.constant 0 : i32
    %dma_wait3A_198 = tpu.memref_slice %arg7[%dma_wait3A_197] : memref<5000xi32, #tpu.memory_space<vmem>> -> memref<40xi32, #tpu.memory_space<vmem>>
    %dma_wait3A_199 = arith.constant 0 : i32
    %dma_wait3A_200 = tpu.memref_slice %arg3[%dma_wait3A_199] : memref<10000xf32, #tpu.memory_space<hbm>> -> memref<10000xf32, #tpu.memory_space<hbm>>
    tpu.wait_indirect_dma semaphore(%arg11 : memref<!tpu.dma_semaphore, #tpu.memory_space<semaphore_mem>>) src(%dma_wait3A_200 : memref<10000xf32, #tpu.memory_space<hbm>>) dst(%dma_wait3A_196 : memref<40xf32, #tpu.memory_space<vmem>>)
    %dma_wait3A_201 = arith.constant 0 : i32
    %dma_wait3A_202 = arith.constant 40 : i32
    %dma_wait3A_203 = arith.constant 0 : i32
    %dma_wait3A_204 = tpu.memref_slice %arg8[%dma_wait3A_201, %dma_wait3A_202, %dma_wait3A_203] : memref<3x200x128xf32, #tpu.memory_space<vmem>> -> memref<1x40x128xf32, #tpu.memory_space<vmem>>
    %dma_wait3A_205 = tpu.memref_squeeze %dma_wait3A_204 : memref<1x40x128xf32, #tpu.memory_space<vmem>> -> memref<40x128xf32, #tpu.memory_space<vmem>>
    %dma_wait3A_206 = arith.constant 40 : i32
    %dma_wait3A_207 = tpu.memref_slice %arg7[%dma_wait3A_206] : memref<5000xi32, #tpu.memory_space<vmem>> -> memref<40xi32, #tpu.memory_space<vmem>>
    %dma_wait3A_208 = arith.constant 0 : i32
    %dma_wait3A_209 = arith.constant 0 : i32
    %dma_wait3A_210 = tpu.memref_slice %arg2[%dma_wait3A_208, %dma_wait3A_209] : memref<10000x128xf32, #tpu.memory_space<hbm>> -> memref<10000x128xf32, #tpu.memory_space<hbm>>
    tpu.wait_indirect_dma semaphore(%arg10 : memref<!tpu.dma_semaphore, #tpu.memory_space<semaphore_mem>>) src(%dma_wait3A_210 : memref<10000x128xf32, #tpu.memory_space<hbm>>) dst(%dma_wait3A_205 : memref<40x128xf32, #tpu.memory_space<vmem>>)
    %dma_wait3A_211 = tpu.memref_slice %arg9[%add3A_180] : memref<600xf32, #tpu.memory_space<vmem>> -> memref<40xf32, #tpu.memory_space<vmem>>
    %dma_wait3A_212 = arith.constant 40 : i32
    %dma_wait3A_213 = tpu.memref_slice %arg7[%dma_wait3A_212] : memref<5000xi32, #tpu.memory_space<vmem>> -> memref<40xi32, #tpu.memory_space<vmem>>
    %dma_wait3A_214 = arith.constant 0 : i32
    %dma_wait3A_215 = tpu.memref_slice %arg3[%dma_wait3A_214] : memref<10000xf32, #tpu.memory_space<hbm>> -> memref<10000xf32, #tpu.memory_space<hbm>>
    tpu.wait_indirect_dma semaphore(%arg11 : memref<!tpu.dma_semaphore, #tpu.memory_space<semaphore_mem>>) src(%dma_wait3A_215 : memref<10000xf32, #tpu.memory_space<hbm>>) dst(%dma_wait3A_211 : memref<40xf32, #tpu.memory_space<vmem>>)
    %dma_wait3A_216 = arith.constant 0 : i32
    %dma_wait3A_217 = arith.constant 80 : i32
    %dma_wait3A_218 = arith.constant 0 : i32
    %dma_wait3A_219 = tpu.memref_slice %arg8[%dma_wait3A_216, %dma_wait3A_217, %dma_wait3A_218] : memref<3x200x128xf32, #tpu.memory_space<vmem>> -> memref<1x40x128xf32, #tpu.memory_space<vmem>>
    %dma_wait3A_220 = tpu.memref_squeeze %dma_wait3A_219 : memref<1x40x128xf32, #tpu.memory_space<vmem>> -> memref<40x128xf32, #tpu.memory_space<vmem>>
    %dma_wait3A_221 = arith.constant 80 : i32
    %dma_wait3A_222 = tpu.memref_slice %arg7[%dma_wait3A_221] : memref<5000xi32, #tpu.memory_space<vmem>> -> memref<40xi32, #tpu.memory_space<vmem>>
    %dma_wait3A_223 = arith.constant 0 : i32
    %dma_wait3A_224 = arith.constant 0 : i32
    %dma_wait3A_225 = tpu.memref_slice %arg2[%dma_wait3A_223, %dma_wait3A_224] : memref<10000x128xf32, #tpu.memory_space<hbm>> -> memref<10000x128xf32, #tpu.memory_space<hbm>>
    tpu.wait_indirect_dma semaphore(%arg10 : memref<!tpu.dma_semaphore, #tpu.memory_space<semaphore_mem>>) src(%dma_wait3A_225 : memref<10000x128xf32, #tpu.memory_space<hbm>>) dst(%dma_wait3A_220 : memref<40x128xf32, #tpu.memory_space<vmem>>)
    %dma_wait3A_226 = tpu.memref_slice %arg9[%add3A_182] : memref<600xf32, #tpu.memory_space<vmem>> -> memref<40xf32, #tpu.memory_space<vmem>>
    %dma_wait3A_227 = arith.constant 80 : i32
    %dma_wait3A_228 = tpu.memref_slice %arg7[%dma_wait3A_227] : memref<5000xi32, #tpu.memory_space<vmem>> -> memref<40xi32, #tpu.memory_space<vmem>>
    %dma_wait3A_229 = arith.constant 0 : i32
    %dma_wait3A_230 = tpu.memref_slice %arg3[%dma_wait3A_229] : memref<10000xf32, #tpu.memory_space<hbm>> -> memref<10000xf32, #tpu.memory_space<hbm>>
    tpu.wait_indirect_dma semaphore(%arg11 : memref<!tpu.dma_semaphore, #tpu.memory_space<semaphore_mem>>) src(%dma_wait3A_230 : memref<10000xf32, #tpu.memory_space<hbm>>) dst(%dma_wait3A_226 : memref<40xf32, #tpu.memory_space<vmem>>)
    %dma_wait3A_231 = arith.constant 0 : i32
    %dma_wait3A_232 = arith.constant 120 : i32
    %dma_wait3A_233 = arith.constant 0 : i32
    %dma_wait3A_234 = tpu.memref_slice %arg8[%dma_wait3A_231, %dma_wait3A_232, %dma_wait3A_233] : memref<3x200x128xf32, #tpu.memory_space<vmem>> -> memref<1x40x128xf32, #tpu.memory_space<vmem>>
    %dma_wait3A_235 = tpu.memref_squeeze %dma_wait3A_234 : memref<1x40x128xf32, #tpu.memory_space<vmem>> -> memref<40x128xf32, #tpu.memory_space<vmem>>
    %dma_wait3A_236 = arith.constant 120 : i32
    %dma_wait3A_237 = tpu.memref_slice %arg7[%dma_wait3A_236] : memref<5000xi32, #tpu.memory_space<vmem>> -> memref<40xi32, #tpu.memory_space<vmem>>
    %dma_wait3A_238 = arith.constant 0 : i32
    %dma_wait3A_239 = arith.constant 0 : i32
    %dma_wait3A_240 = tpu.memref_slice %arg2[%dma_wait3A_238, %dma_wait3A_239] : memref<10000x128xf32, #tpu.memory_space<hbm>> -> memref<10000x128xf32, #tpu.memory_space<hbm>>
    tpu.wait_indirect_dma semaphore(%arg10 : memref<!tpu.dma_semaphore, #tpu.memory_space<semaphore_mem>>) src(%dma_wait3A_240 : memref<10000x128xf32, #tpu.memory_space<hbm>>) dst(%dma_wait3A_235 : memref<40x128xf32, #tpu.memory_space<vmem>>)
    %dma_wait3A_241 = tpu.memref_slice %arg9[%add3A_184] : memref<600xf32, #tpu.memory_space<vmem>> -> memref<40xf32, #tpu.memory_space<vmem>>
    %dma_wait3A_242 = arith.constant 120 : i32
    %dma_wait3A_243 = tpu.memref_slice %arg7[%dma_wait3A_242] : memref<5000xi32, #tpu.memory_space<vmem>> -> memref<40xi32, #tpu.memory_space<vmem>>
    %dma_wait3A_244 = arith.constant 0 : i32
    %dma_wait3A_245 = tpu.memref_slice %arg3[%dma_wait3A_244] : memref<10000xf32, #tpu.memory_space<hbm>> -> memref<10000xf32, #tpu.memory_space<hbm>>
    tpu.wait_indirect_dma semaphore(%arg11 : memref<!tpu.dma_semaphore, #tpu.memory_space<semaphore_mem>>) src(%dma_wait3A_245 : memref<10000xf32, #tpu.memory_space<hbm>>) dst(%dma_wait3A_241 : memref<40xf32, #tpu.memory_space<vmem>>)
    %dma_wait3A_246 = arith.constant 0 : i32
    %dma_wait3A_247 = arith.constant 160 : i32
    %dma_wait3A_248 = arith.constant 0 : i32
    %dma_wait3A_249 = tpu.memref_slice %arg8[%dma_wait3A_246, %dma_wait3A_247, %dma_wait3A_248] : memref<3x200x128xf32, #tpu.memory_space<vmem>> -> memref<1x40x128xf32, #tpu.memory_space<vmem>>
    %dma_wait3A_250 = tpu.memref_squeeze %dma_wait3A_249 : memref<1x40x128xf32, #tpu.memory_space<vmem>> -> memref<40x128xf32, #tpu.memory_space<vmem>>
    %dma_wait3A_251 = arith.constant 160 : i32
    %dma_wait3A_252 = tpu.memref_slice %arg7[%dma_wait3A_251] : memref<5000xi32, #tpu.memory_space<vmem>> -> memref<40xi32, #tpu.memory_space<vmem>>
    %dma_wait3A_253 = arith.constant 0 : i32
    %dma_wait3A_254 = arith.constant 0 : i32
    %dma_wait3A_255 = tpu.memref_slice %arg2[%dma_wait3A_253, %dma_wait3A_254] : memref<10000x128xf32, #tpu.memory_space<hbm>> -> memref<10000x128xf32, #tpu.memory_space<hbm>>
    tpu.wait_indirect_dma semaphore(%arg10 : memref<!tpu.dma_semaphore, #tpu.memory_space<semaphore_mem>>) src(%dma_wait3A_255 : memref<10000x128xf32, #tpu.memory_space<hbm>>) dst(%dma_wait3A_250 : memref<40x128xf32, #tpu.memory_space<vmem>>)
    %dma_wait3A_256 = tpu.memref_slice %arg9[%add3A_186] : memref<600xf32, #tpu.memory_space<vmem>> -> memref<40xf32, #tpu.memory_space<vmem>>
    %dma_wait3A_257 = arith.constant 160 : i32
    %dma_wait3A_258 = tpu.memref_slice %arg7[%dma_wait3A_257] : memref<5000xi32, #tpu.memory_space<vmem>> -> memref<40xi32, #tpu.memory_space<vmem>>
    %dma_wait3A_259 = arith.constant 0 : i32
    %dma_wait3A_260 = tpu.memref_slice %arg3[%dma_wait3A_259] : memref<10000xf32, #tpu.memory_space<hbm>> -> memref<10000xf32, #tpu.memory_space<hbm>>
    tpu.wait_indirect_dma semaphore(%arg11 : memref<!tpu.dma_semaphore, #tpu.memory_space<semaphore_mem>>) src(%dma_wait3A_260 : memref<10000xf32, #tpu.memory_space<hbm>>) dst(%dma_wait3A_256 : memref<40xf32, #tpu.memory_space<vmem>>)
    %add3A_261 = arith.constant 0 : i32
    %add3A_262 = arith.addi %mul3A_2, %add3A_261 : i32
    %multiple_of3A_263 = arith.constant 0 : i32
    %multiple_of3A_264 = tpu.assume_multiple %multiple_of3A_263, 8 : i32
    %dma_start3A_265 = arith.constant 0 : i32
    %dma_start3A_266 = arith.constant 0 : i32
    %dma_start3A_267 = arith.constant 0 : i32
    %dma_start3A_268 = tpu.memref_slice %arg8[%dma_start3A_265, %dma_start3A_266, %dma_start3A_267] : memref<3x200x128xf32, #tpu.memory_space<vmem>> -> memref<1x200x128xf32, #tpu.memory_space<vmem>>
    %dma_start3A_269 = tpu.memref_squeeze %dma_start3A_268 : memref<1x200x128xf32, #tpu.memory_space<vmem>> -> memref<200x128xf32, #tpu.memory_space<vmem>>
    %dma_start3A_270 = arith.constant 0 : i32
    %dma_start3A_271 = tpu.memref_slice %arg5[%add3A_262, %dma_start3A_270] : memref<160000x128xf32, #tpu.memory_space<hbm>> -> memref<200x128xf32, #tpu.memory_space<hbm>>
    %dma_start3A_272 = arith.constant 0 : i32
    %dma_start3A_273 = tpu.memref_slice %arg5[%add3A_262, %dma_start3A_272] : memref<160000x128xf32, #tpu.memory_space<hbm>> -> memref<200x128xf32, #tpu.memory_space<hbm>>
    %dma_start3A_274 = arith.constant 0 : i32
    %dma_start3A_275 = arith.constant 0 : i32
    %dma_start3A_276 = tpu.memref_slice %arg8[%dma_start3A_265, %dma_start3A_274, %dma_start3A_275] : memref<3x200x128xf32, #tpu.memory_space<vmem>> -> memref<1x200x128xf32, #tpu.memory_space<vmem>>
    %dma_start3A_277 = tpu.memref_squeeze %dma_start3A_276 : memref<1x200x128xf32, #tpu.memory_space<vmem>> -> memref<200x128xf32, #tpu.memory_space<vmem>>
    tpu.enqueue_dma source(%dma_start3A_277 : memref<200x128xf32, #tpu.memory_space<vmem>>) target(%dma_start3A_273 : memref<200x128xf32, #tpu.memory_space<hbm>>) target_semaphore(%arg12 : memref<!tpu.dma_semaphore, #tpu.memory_space<semaphore_mem>>)
    %dma_start3A_278 = tpu.memref_slice %arg9[%multiple_of3A_264] : memref<600xf32, #tpu.memory_space<vmem>> -> memref<200xf32, #tpu.memory_space<vmem>>
    %dma_start3A_279 = tpu.memref_slice %arg6[%add3A_262] : memref<160000xf32, #tpu.memory_space<hbm>> -> memref<200xf32, #tpu.memory_space<hbm>>
    %dma_start3A_280 = tpu.memref_slice %arg6[%add3A_262] : memref<160000xf32, #tpu.memory_space<hbm>> -> memref<200xf32, #tpu.memory_space<hbm>>
    %dma_start3A_281 = tpu.memref_slice %arg9[%multiple_of3A_264] : memref<600xf32, #tpu.memory_space<vmem>> -> memref<200xf32, #tpu.memory_space<vmem>>
    tpu.enqueue_dma source(%dma_start3A_281 : memref<200xf32, #tpu.memory_space<vmem>>) target(%dma_start3A_280 : memref<200xf32, #tpu.memory_space<hbm>>) target_semaphore(%arg13 : memref<!tpu.dma_semaphore, #tpu.memory_space<semaphore_mem>>)
    %multiple_of3A_282 = arith.constant 400 : i32
    %multiple_of3A_283 = tpu.assume_multiple %multiple_of3A_282, 8 : i32
    %dma_start3A_284 = arith.constant 2 : i32
    %dma_start3A_285 = arith.constant 0 : i32
    %dma_start3A_286 = arith.constant 0 : i32
    %dma_start3A_287 = tpu.memref_slice %arg8[%dma_start3A_284, %dma_start3A_285, %dma_start3A_286] : memref<3x200x128xf32, #tpu.memory_space<vmem>> -> memref<1x40x128xf32, #tpu.memory_space<vmem>>
    %dma_start3A_288 = tpu.memref_squeeze %dma_start3A_287 : memref<1x40x128xf32, #tpu.memory_space<vmem>> -> memref<40x128xf32, #tpu.memory_space<vmem>>
    %dma_start3A_289 = arith.constant 400 : i32
    %dma_start3A_290 = tpu.memref_slice %arg7[%dma_start3A_289] : memref<5000xi32, #tpu.memory_space<vmem>> -> memref<40xi32, #tpu.memory_space<vmem>>
    %dma_start3A_291 = arith.constant 0 : i32
    %dma_start3A_292 = arith.constant 0 : i32
    %dma_start3A_293 = tpu.memref_slice %arg2[%dma_start3A_291, %dma_start3A_292] : memref<10000x128xf32, #tpu.memory_space<hbm>> -> memref<10000x128xf32, #tpu.memory_space<hbm>>
    tpu.enqueue_indirect_dma source(%dma_start3A_293 : memref<10000x128xf32, #tpu.memory_space<hbm>>) target(%dma_start3A_288 : memref<40x128xf32, #tpu.memory_space<vmem>>) offsets(%dma_start3A_290 : memref<40xi32, #tpu.memory_space<vmem>>) semaphore(%arg10 : memref<!tpu.dma_semaphore, #tpu.memory_space<semaphore_mem>>)
    %add3A_294 = arith.constant 0 : i32
    %add3A_295 = arith.addi %multiple_of3A_283, %add3A_294 : i32
    %dma_start3A_296 = tpu.memref_slice %arg9[%add3A_295] : memref<600xf32, #tpu.memory_space<vmem>> -> memref<40xf32, #tpu.memory_space<vmem>>
    %dma_start3A_297 = arith.constant 400 : i32
    %dma_start3A_298 = tpu.memref_slice %arg7[%dma_start3A_297] : memref<5000xi32, #tpu.memory_space<vmem>> -> memref<40xi32, #tpu.memory_space<vmem>>
    %dma_start3A_299 = arith.constant 0 : i32
    %dma_start3A_300 = tpu.memref_slice %arg3[%dma_start3A_299] : memref<10000xf32, #tpu.memory_space<hbm>> -> memref<10000xf32, #tpu.memory_space<hbm>>
    tpu.enqueue_indirect_dma source(%dma_start3A_300 : memref<10000xf32, #tpu.memory_space<hbm>>) target(%dma_start3A_296 : memref<40xf32, #tpu.memory_space<vmem>>) offsets(%dma_start3A_298 : memref<40xi32, #tpu.memory_space<vmem>>) semaphore(%arg11 : memref<!tpu.dma_semaphore, #tpu.memory_space<semaphore_mem>>)
    %dma_start3A_301 = arith.constant 2 : i32
    %dma_start3A_302 = arith.constant 40 : i32
    %dma_start3A_303 = arith.constant 0 : i32
    %dma_start3A_304 = tpu.memref_slice %arg8[%dma_start3A_301, %dma_start3A_302, %dma_start3A_303] : memref<3x200x128xf32, #tpu.memory_space<vmem>> -> memref<1x40x128xf32, #tpu.memory_space<vmem>>
    %dma_start3A_305 = tpu.memref_squeeze %dma_start3A_304 : memref<1x40x128xf32, #tpu.memory_space<vmem>> -> memref<40x128xf32, #tpu.memory_space<vmem>>
    %dma_start3A_306 = arith.constant 440 : i32
    %dma_start3A_307 = tpu.memref_slice %arg7[%dma_start3A_306] : memref<5000xi32, #tpu.memory_space<vmem>> -> memref<40xi32, #tpu.memory_space<vmem>>
    %dma_start3A_308 = arith.constant 0 : i32
    %dma_start3A_309 = arith.constant 0 : i32
    %dma_start3A_310 = tpu.memref_slice %arg2[%dma_start3A_308, %dma_start3A_309] : memref<10000x128xf32, #tpu.memory_space<hbm>> -> memref<10000x128xf32, #tpu.memory_space<hbm>>
    tpu.enqueue_indirect_dma source(%dma_start3A_310 : memref<10000x128xf32, #tpu.memory_space<hbm>>) target(%dma_start3A_305 : memref<40x128xf32, #tpu.memory_space<vmem>>) offsets(%dma_start3A_307 : memref<40xi32, #tpu.memory_space<vmem>>) semaphore(%arg10 : memref<!tpu.dma_semaphore, #tpu.memory_space<semaphore_mem>>)
    %add3A_311 = arith.constant 40 : i32
    %add3A_312 = arith.addi %multiple_of3A_283, %add3A_311 : i32
    %dma_start3A_313 = tpu.memref_slice %arg9[%add3A_312] : memref<600xf32, #tpu.memory_space<vmem>> -> memref<40xf32, #tpu.memory_space<vmem>>
    %dma_start3A_314 = arith.constant 440 : i32
    %dma_start3A_315 = tpu.memref_slice %arg7[%dma_start3A_314] : memref<5000xi32, #tpu.memory_space<vmem>> -> memref<40xi32, #tpu.memory_space<vmem>>
    %dma_start3A_316 = arith.constant 0 : i32
    %dma_start3A_317 = tpu.memref_slice %arg3[%dma_start3A_316] : memref<10000xf32, #tpu.memory_space<hbm>> -> memref<10000xf32, #tpu.memory_space<hbm>>
    tpu.enqueue_indirect_dma source(%dma_start3A_317 : memref<10000xf32, #tpu.memory_space<hbm>>) target(%dma_start3A_313 : memref<40xf32, #tpu.memory_space<vmem>>) offsets(%dma_start3A_315 : memref<40xi32, #tpu.memory_space<vmem>>) semaphore(%arg11 : memref<!tpu.dma_semaphore, #tpu.memory_space<semaphore_mem>>)
    %dma_start3A_318 = arith.constant 2 : i32
    %dma_start3A_319 = arith.constant 80 : i32
    %dma_start3A_320 = arith.constant 0 : i32
    %dma_start3A_321 = tpu.memref_slice %arg8[%dma_start3A_318, %dma_start3A_319, %dma_start3A_320] : memref<3x200x128xf32, #tpu.memory_space<vmem>> -> memref<1x40x128xf32, #tpu.memory_space<vmem>>
    %dma_start3A_322 = tpu.memref_squeeze %dma_start3A_321 : memref<1x40x128xf32, #tpu.memory_space<vmem>> -> memref<40x128xf32, #tpu.memory_space<vmem>>
    %dma_start3A_323 = arith.constant 480 : i32
    %dma_start3A_324 = tpu.memref_slice %arg7[%dma_start3A_323] : memref<5000xi32, #tpu.memory_space<vmem>> -> memref<40xi32, #tpu.memory_space<vmem>>
    %dma_start3A_325 = arith.constant 0 : i32
    %dma_start3A_326 = arith.constant 0 : i32
    %dma_start3A_327 = tpu.memref_slice %arg2[%dma_start3A_325, %dma_start3A_326] : memref<10000x128xf32, #tpu.memory_space<hbm>> -> memref<10000x128xf32, #tpu.memory_space<hbm>>
    tpu.enqueue_indirect_dma source(%dma_start3A_327 : memref<10000x128xf32, #tpu.memory_space<hbm>>) target(%dma_start3A_322 : memref<40x128xf32, #tpu.memory_space<vmem>>) offsets(%dma_start3A_324 : memref<40xi32, #tpu.memory_space<vmem>>) semaphore(%arg10 : memref<!tpu.dma_semaphore, #tpu.memory_space<semaphore_mem>>)
    %add3A_328 = arith.constant 80 : i32
    %add3A_329 = arith.addi %multiple_of3A_283, %add3A_328 : i32
    %dma_start3A_330 = tpu.memref_slice %arg9[%add3A_329] : memref<600xf32, #tpu.memory_space<vmem>> -> memref<40xf32, #tpu.memory_space<vmem>>
    %dma_start3A_331 = arith.constant 480 : i32
    %dma_start3A_332 = tpu.memref_slice %arg7[%dma_start3A_331] : memref<5000xi32, #tpu.memory_space<vmem>> -> memref<40xi32, #tpu.memory_space<vmem>>
    %dma_start3A_333 = arith.constant 0 : i32
    %dma_start3A_334 = tpu.memref_slice %arg3[%dma_start3A_333] : memref<10000xf32, #tpu.memory_space<hbm>> -> memref<10000xf32, #tpu.memory_space<hbm>>
    tpu.enqueue_indirect_dma source(%dma_start3A_334 : memref<10000xf32, #tpu.memory_space<hbm>>) target(%dma_start3A_330 : memref<40xf32, #tpu.memory_space<vmem>>) offsets(%dma_start3A_332 : memref<40xi32, #tpu.memory_space<vmem>>) semaphore(%arg11 : memref<!tpu.dma_semaphore, #tpu.memory_space<semaphore_mem>>)
    %dma_start3A_335 = arith.constant 2 : i32
    %dma_start3A_336 = arith.constant 120 : i32
    %dma_start3A_337 = arith.constant 0 : i32
    %dma_start3A_338 = tpu.memref_slice %arg8[%dma_start3A_335, %dma_start3A_336, %dma_start3A_337] : memref<3x200x128xf32, #tpu.memory_space<vmem>> -> memref<1x40x128xf32, #tpu.memory_space<vmem>>
    %dma_start3A_339 = tpu.memref_squeeze %dma_start3A_338 : memref<1x40x128xf32, #tpu.memory_space<vmem>> -> memref<40x128xf32, #tpu.memory_space<vmem>>
    %dma_start3A_340 = arith.constant 520 : i32
    %dma_start3A_341 = tpu.memref_slice %arg7[%dma_start3A_340] : memref<5000xi32, #tpu.memory_space<vmem>> -> memref<40xi32, #tpu.memory_space<vmem>>
    %dma_start3A_342 = arith.constant 0 : i32
    %dma_start3A_343 = arith.constant 0 : i32
    %dma_start3A_344 = tpu.memref_slice %arg2[%dma_start3A_342, %dma_start3A_343] : memref<10000x128xf32, #tpu.memory_space<hbm>> -> memref<10000x128xf32, #tpu.memory_space<hbm>>
    tpu.enqueue_indirect_dma source(%dma_start3A_344 : memref<10000x128xf32, #tpu.memory_space<hbm>>) target(%dma_start3A_339 : memref<40x128xf32, #tpu.memory_space<vmem>>) offsets(%dma_start3A_341 : memref<40xi32, #tpu.memory_space<vmem>>) semaphore(%arg10 : memref<!tpu.dma_semaphore, #tpu.memory_space<semaphore_mem>>)
    %add3A_345 = arith.constant 120 : i32
    %add3A_346 = arith.addi %multiple_of3A_283, %add3A_345 : i32
    %dma_start3A_347 = tpu.memref_slice %arg9[%add3A_346] : memref<600xf32, #tpu.memory_space<vmem>> -> memref<40xf32, #tpu.memory_space<vmem>>
    %dma_start3A_348 = arith.constant 520 : i32
    %dma_start3A_349 = tpu.memref_slice %arg7[%dma_start3A_348] : memref<5000xi32, #tpu.memory_space<vmem>> -> memref<40xi32, #tpu.memory_space<vmem>>
    %dma_start3A_350 = arith.constant 0 : i32
    %dma_start3A_351 = tpu.memref_slice %arg3[%dma_start3A_350] : memref<10000xf32, #tpu.memory_space<hbm>> -> memref<10000xf32, #tpu.memory_space<hbm>>
    tpu.enqueue_indirect_dma source(%dma_start3A_351 : memref<10000xf32, #tpu.memory_space<hbm>>) target(%dma_start3A_347 : memref<40xf32, #tpu.memory_space<vmem>>) offsets(%dma_start3A_349 : memref<40xi32, #tpu.memory_space<vmem>>) semaphore(%arg11 : memref<!tpu.dma_semaphore, #tpu.memory_space<semaphore_mem>>)
    %dma_start3A_352 = arith.constant 2 : i32
    %dma_start3A_353 = arith.constant 160 : i32
    %dma_start3A_354 = arith.constant 0 : i32
    %dma_start3A_355 = tpu.memref_slice %arg8[%dma_start3A_352, %dma_start3A_353, %dma_start3A_354] : memref<3x200x128xf32, #tpu.memory_space<vmem>> -> memref<1x40x128xf32, #tpu.memory_space<vmem>>
    %dma_start3A_356 = tpu.memref_squeeze %dma_start3A_355 : memref<1x40x128xf32, #tpu.memory_space<vmem>> -> memref<40x128xf32, #tpu.memory_space<vmem>>
    %dma_start3A_357 = arith.constant 560 : i32
    %dma_start3A_358 = tpu.memref_slice %arg7[%dma_start3A_357] : memref<5000xi32, #tpu.memory_space<vmem>> -> memref<40xi32, #tpu.memory_space<vmem>>
    %dma_start3A_359 = arith.constant 0 : i32
    %dma_start3A_360 = arith.constant 0 : i32
    %dma_start3A_361 = tpu.memref_slice %arg2[%dma_start3A_359, %dma_start3A_360] : memref<10000x128xf32, #tpu.memory_space<hbm>> -> memref<10000x128xf32, #tpu.memory_space<hbm>>
    tpu.enqueue_indirect_dma source(%dma_start3A_361 : memref<10000x128xf32, #tpu.memory_space<hbm>>) target(%dma_start3A_356 : memref<40x128xf32, #tpu.memory_space<vmem>>) offsets(%dma_start3A_358 : memref<40xi32, #tpu.memory_space<vmem>>) semaphore(%arg10 : memref<!tpu.dma_semaphore, #tpu.memory_space<semaphore_mem>>)
    %add3A_362 = arith.constant 160 : i32
    %add3A_363 = arith.addi %multiple_of3A_283, %add3A_362 : i32
    %dma_start3A_364 = tpu.memref_slice %arg9[%add3A_363] : memref<600xf32, #tpu.memory_space<vmem>> -> memref<40xf32, #tpu.memory_space<vmem>>
    %dma_start3A_365 = arith.constant 560 : i32
    %dma_start3A_366 = tpu.memref_slice %arg7[%dma_start3A_365] : memref<5000xi32, #tpu.memory_space<vmem>> -> memref<40xi32, #tpu.memory_space<vmem>>
    %dma_start3A_367 = arith.constant 0 : i32
    %dma_start3A_368 = tpu.memref_slice %arg3[%dma_start3A_367] : memref<10000xf32, #tpu.memory_space<hbm>> -> memref<10000xf32, #tpu.memory_space<hbm>>
    tpu.enqueue_indirect_dma source(%dma_start3A_368 : memref<10000xf32, #tpu.memory_space<hbm>>) target(%dma_start3A_364 : memref<40xf32, #tpu.memory_space<vmem>>) offsets(%dma_start3A_366 : memref<40xi32, #tpu.memory_space<vmem>>) semaphore(%arg11 : memref<!tpu.dma_semaphore, #tpu.memory_space<semaphore_mem>>)
    %scan3A = arith.constant 0 : i32
    %scan3A_369 = arith.constant 1 : i32
    %scan3A_370 = arith.constant 22 : i32
    %scan3A_371 = arith.addi %scan3A_369, %scan3A_370 : i32
    %scan3A_372 = arith.constant 1 : i32
    %scan3A_373 = scf.for %scan3A_666 = %scan3A_369 to %scan3A_371 step %scan3A_372 iter_args(%scan3A_667 = %scan3A) -> (i32)  : i32 {
      %rem3A_668 = arith.constant 3 : i32
      %rem3A_669 = arith.remsi %scan3A_666, %rem3A_668 : i32
      %mul3A_670 = arith.constant 200 : i32
      %mul3A_671 = arith.muli %rem3A_669, %mul3A_670 : i32
      %multiple_of3A_672 = tpu.assume_multiple %mul3A_671, 8 : i32
      %mul3A_673 = arith.constant 200 : i32
      %mul3A_674 = arith.muli %scan3A_666, %mul3A_673 : i32
      %add3A_675 = arith.constant 0 : i32
      %add3A_676 = arith.addi %mul3A_674, %add3A_675 : i32
      %add3A_677 = arith.constant 0 : i32
      %add3A_678 = arith.addi %multiple_of3A_672, %add3A_677 : i32
      %mul3A_679 = arith.constant 200 : i32
      %mul3A_680 = arith.muli %scan3A_666, %mul3A_679 : i32
      %add3A_681 = arith.constant 40 : i32
      %add3A_682 = arith.addi %mul3A_680, %add3A_681 : i32
      %add3A_683 = arith.constant 40 : i32
      %add3A_684 = arith.addi %multiple_of3A_672, %add3A_683 : i32
      %mul3A_685 = arith.constant 200 : i32
      %mul3A_686 = arith.muli %scan3A_666, %mul3A_685 : i32
      %add3A_687 = arith.constant 80 : i32
      %add3A_688 = arith.addi %mul3A_686, %add3A_687 : i32
      %add3A_689 = arith.constant 80 : i32
      %add3A_690 = arith.addi %multiple_of3A_672, %add3A_689 : i32
      %mul3A_691 = arith.constant 200 : i32
      %mul3A_692 = arith.muli %scan3A_666, %mul3A_691 : i32
      %add3A_693 = arith.constant 120 : i32
      %add3A_694 = arith.addi %mul3A_692, %add3A_693 : i32
      %add3A_695 = arith.constant 120 : i32
      %add3A_696 = arith.addi %multiple_of3A_672, %add3A_695 : i32
      %mul3A_697 = arith.constant 200 : i32
      %mul3A_698 = arith.muli %scan3A_666, %mul3A_697 : i32
      %add3A_699 = arith.constant 160 : i32
      %add3A_700 = arith.addi %mul3A_698, %add3A_699 : i32
      %add3A_701 = arith.constant 160 : i32
      %add3A_702 = arith.addi %multiple_of3A_672, %add3A_701 : i32
      %dma_wait3A_703 = arith.constant 0 : i32
      %dma_wait3A_704 = arith.constant 0 : i32
      %dma_wait3A_705 = tpu.memref_slice %arg8[%rem3A_669, %dma_wait3A_703, %dma_wait3A_704] : memref<3x200x128xf32, #tpu.memory_space<vmem>> -> memref<1x40x128xf32, #tpu.memory_space<vmem>>
      %dma_wait3A_706 = tpu.memref_squeeze %dma_wait3A_705 : memref<1x40x128xf32, #tpu.memory_space<vmem>> -> memref<40x128xf32, #tpu.memory_space<vmem>>
      %dma_wait3A_707 = tpu.memref_slice %arg7[%add3A_676] : memref<5000xi32, #tpu.memory_space<vmem>> -> memref<40xi32, #tpu.memory_space<vmem>>
      %dma_wait3A_708 = arith.constant 0 : i32
      %dma_wait3A_709 = arith.constant 0 : i32
      %dma_wait3A_710 = tpu.memref_slice %arg2[%dma_wait3A_708, %dma_wait3A_709] : memref<10000x128xf32, #tpu.memory_space<hbm>> -> memref<10000x128xf32, #tpu.memory_space<hbm>>
      tpu.wait_indirect_dma semaphore(%arg10 : memref<!tpu.dma_semaphore, #tpu.memory_space<semaphore_mem>>) src(%dma_wait3A_710 : memref<10000x128xf32, #tpu.memory_space<hbm>>) dst(%dma_wait3A_706 : memref<40x128xf32, #tpu.memory_space<vmem>>)
      %dma_wait3A_711 = tpu.memref_slice %arg9[%add3A_678] : memref<600xf32, #tpu.memory_space<vmem>> -> memref<40xf32, #tpu.memory_space<vmem>>
      %dma_wait3A_712 = tpu.memref_slice %arg7[%add3A_676] : memref<5000xi32, #tpu.memory_space<vmem>> -> memref<40xi32, #tpu.memory_space<vmem>>
      %dma_wait3A_713 = arith.constant 0 : i32
      %dma_wait3A_714 = tpu.memref_slice %arg3[%dma_wait3A_713] : memref<10000xf32, #tpu.memory_space<hbm>> -> memref<10000xf32, #tpu.memory_space<hbm>>
      tpu.wait_indirect_dma semaphore(%arg11 : memref<!tpu.dma_semaphore, #tpu.memory_space<semaphore_mem>>) src(%dma_wait3A_714 : memref<10000xf32, #tpu.memory_space<hbm>>) dst(%dma_wait3A_711 : memref<40xf32, #tpu.memory_space<vmem>>)
      %dma_wait3A_715 = arith.constant 40 : i32
      %dma_wait3A_716 = arith.constant 0 : i32
      %dma_wait3A_717 = tpu.memref_slice %arg8[%rem3A_669, %dma_wait3A_715, %dma_wait3A_716] : memref<3x200x128xf32, #tpu.memory_space<vmem>> -> memref<1x40x128xf32, #tpu.memory_space<vmem>>
      %dma_wait3A_718 = tpu.memref_squeeze %dma_wait3A_717 : memref<1x40x128xf32, #tpu.memory_space<vmem>> -> memref<40x128xf32, #tpu.memory_space<vmem>>
      %dma_wait3A_719 = tpu.memref_slice %arg7[%add3A_682] : memref<5000xi32, #tpu.memory_space<vmem>> -> memref<40xi32, #tpu.memory_space<vmem>>
      %dma_wait3A_720 = arith.constant 0 : i32
      %dma_wait3A_721 = arith.constant 0 : i32
      %dma_wait3A_722 = tpu.memref_slice %arg2[%dma_wait3A_720, %dma_wait3A_721] : memref<10000x128xf32, #tpu.memory_space<hbm>> -> memref<10000x128xf32, #tpu.memory_space<hbm>>
      tpu.wait_indirect_dma semaphore(%arg10 : memref<!tpu.dma_semaphore, #tpu.memory_space<semaphore_mem>>) src(%dma_wait3A_722 : memref<10000x128xf32, #tpu.memory_space<hbm>>) dst(%dma_wait3A_718 : memref<40x128xf32, #tpu.memory_space<vmem>>)
      %dma_wait3A_723 = tpu.memref_slice %arg9[%add3A_684] : memref<600xf32, #tpu.memory_space<vmem>> -> memref<40xf32, #tpu.memory_space<vmem>>
      %dma_wait3A_724 = tpu.memref_slice %arg7[%add3A_682] : memref<5000xi32, #tpu.memory_space<vmem>> -> memref<40xi32, #tpu.memory_space<vmem>>
      %dma_wait3A_725 = arith.constant 0 : i32
      %dma_wait3A_726 = tpu.memref_slice %arg3[%dma_wait3A_725] : memref<10000xf32, #tpu.memory_space<hbm>> -> memref<10000xf32, #tpu.memory_space<hbm>>
      tpu.wait_indirect_dma semaphore(%arg11 : memref<!tpu.dma_semaphore, #tpu.memory_space<semaphore_mem>>) src(%dma_wait3A_726 : memref<10000xf32, #tpu.memory_space<hbm>>) dst(%dma_wait3A_723 : memref<40xf32, #tpu.memory_space<vmem>>)
      %dma_wait3A_727 = arith.constant 80 : i32
      %dma_wait3A_728 = arith.constant 0 : i32
      %dma_wait3A_729 = tpu.memref_slice %arg8[%rem3A_669, %dma_wait3A_727, %dma_wait3A_728] : memref<3x200x128xf32, #tpu.memory_space<vmem>> -> memref<1x40x128xf32, #tpu.memory_space<vmem>>
      %dma_wait3A_730 = tpu.memref_squeeze %dma_wait3A_729 : memref<1x40x128xf32, #tpu.memory_space<vmem>> -> memref<40x128xf32, #tpu.memory_space<vmem>>
      %dma_wait3A_731 = tpu.memref_slice %arg7[%add3A_688] : memref<5000xi32, #tpu.memory_space<vmem>> -> memref<40xi32, #tpu.memory_space<vmem>>
      %dma_wait3A_732 = arith.constant 0 : i32
      %dma_wait3A_733 = arith.constant 0 : i32
      %dma_wait3A_734 = tpu.memref_slice %arg2[%dma_wait3A_732, %dma_wait3A_733] : memref<10000x128xf32, #tpu.memory_space<hbm>> -> memref<10000x128xf32, #tpu.memory_space<hbm>>
      tpu.wait_indirect_dma semaphore(%arg10 : memref<!tpu.dma_semaphore, #tpu.memory_space<semaphore_mem>>) src(%dma_wait3A_734 : memref<10000x128xf32, #tpu.memory_space<hbm>>) dst(%dma_wait3A_730 : memref<40x128xf32, #tpu.memory_space<vmem>>)
      %dma_wait3A_735 = tpu.memref_slice %arg9[%add3A_690] : memref<600xf32, #tpu.memory_space<vmem>> -> memref<40xf32, #tpu.memory_space<vmem>>
      %dma_wait3A_736 = tpu.memref_slice %arg7[%add3A_688] : memref<5000xi32, #tpu.memory_space<vmem>> -> memref<40xi32, #tpu.memory_space<vmem>>
      %dma_wait3A_737 = arith.constant 0 : i32
      %dma_wait3A_738 = tpu.memref_slice %arg3[%dma_wait3A_737] : memref<10000xf32, #tpu.memory_space<hbm>> -> memref<10000xf32, #tpu.memory_space<hbm>>
      tpu.wait_indirect_dma semaphore(%arg11 : memref<!tpu.dma_semaphore, #tpu.memory_space<semaphore_mem>>) src(%dma_wait3A_738 : memref<10000xf32, #tpu.memory_space<hbm>>) dst(%dma_wait3A_735 : memref<40xf32, #tpu.memory_space<vmem>>)
      %dma_wait3A_739 = arith.constant 120 : i32
      %dma_wait3A_740 = arith.constant 0 : i32
      %dma_wait3A_741 = tpu.memref_slice %arg8[%rem3A_669, %dma_wait3A_739, %dma_wait3A_740] : memref<3x200x128xf32, #tpu.memory_space<vmem>> -> memref<1x40x128xf32, #tpu.memory_space<vmem>>
      %dma_wait3A_742 = tpu.memref_squeeze %dma_wait3A_741 : memref<1x40x128xf32, #tpu.memory_space<vmem>> -> memref<40x128xf32, #tpu.memory_space<vmem>>
      %dma_wait3A_743 = tpu.memref_slice %arg7[%add3A_694] : memref<5000xi32, #tpu.memory_space<vmem>> -> memref<40xi32, #tpu.memory_space<vmem>>
      %dma_wait3A_744 = arith.constant 0 : i32
      %dma_wait3A_745 = arith.constant 0 : i32
      %dma_wait3A_746 = tpu.memref_slice %arg2[%dma_wait3A_744, %dma_wait3A_745] : memref<10000x128xf32, #tpu.memory_space<hbm>> -> memref<10000x128xf32, #tpu.memory_space<hbm>>
      tpu.wait_indirect_dma semaphore(%arg10 : memref<!tpu.dma_semaphore, #tpu.memory_space<semaphore_mem>>) src(%dma_wait3A_746 : memref<10000x128xf32, #tpu.memory_space<hbm>>) dst(%dma_wait3A_742 : memref<40x128xf32, #tpu.memory_space<vmem>>)
      %dma_wait3A_747 = tpu.memref_slice %arg9[%add3A_696] : memref<600xf32, #tpu.memory_space<vmem>> -> memref<40xf32, #tpu.memory_space<vmem>>
      %dma_wait3A_748 = tpu.memref_slice %arg7[%add3A_694] : memref<5000xi32, #tpu.memory_space<vmem>> -> memref<40xi32, #tpu.memory_space<vmem>>
      %dma_wait3A_749 = arith.constant 0 : i32
      %dma_wait3A_750 = tpu.memref_slice %arg3[%dma_wait3A_749] : memref<10000xf32, #tpu.memory_space<hbm>> -> memref<10000xf32, #tpu.memory_space<hbm>>
      tpu.wait_indirect_dma semaphore(%arg11 : memref<!tpu.dma_semaphore, #tpu.memory_space<semaphore_mem>>) src(%dma_wait3A_750 : memref<10000xf32, #tpu.memory_space<hbm>>) dst(%dma_wait3A_747 : memref<40xf32, #tpu.memory_space<vmem>>)
      %dma_wait3A_751 = arith.constant 160 : i32
      %dma_wait3A_752 = arith.constant 0 : i32
      %dma_wait3A_753 = tpu.memref_slice %arg8[%rem3A_669, %dma_wait3A_751, %dma_wait3A_752] : memref<3x200x128xf32, #tpu.memory_space<vmem>> -> memref<1x40x128xf32, #tpu.memory_space<vmem>>
      %dma_wait3A_754 = tpu.memref_squeeze %dma_wait3A_753 : memref<1x40x128xf32, #tpu.memory_space<vmem>> -> memref<40x128xf32, #tpu.memory_space<vmem>>
      %dma_wait3A_755 = tpu.memref_slice %arg7[%add3A_700] : memref<5000xi32, #tpu.memory_space<vmem>> -> memref<40xi32, #tpu.memory_space<vmem>>
      %dma_wait3A_756 = arith.constant 0 : i32
      %dma_wait3A_757 = arith.constant 0 : i32
      %dma_wait3A_758 = tpu.memref_slice %arg2[%dma_wait3A_756, %dma_wait3A_757] : memref<10000x128xf32, #tpu.memory_space<hbm>> -> memref<10000x128xf32, #tpu.memory_space<hbm>>
      tpu.wait_indirect_dma semaphore(%arg10 : memref<!tpu.dma_semaphore, #tpu.memory_space<semaphore_mem>>) src(%dma_wait3A_758 : memref<10000x128xf32, #tpu.memory_space<hbm>>) dst(%dma_wait3A_754 : memref<40x128xf32, #tpu.memory_space<vmem>>)
      %dma_wait3A_759 = tpu.memref_slice %arg9[%add3A_702] : memref<600xf32, #tpu.memory_space<vmem>> -> memref<40xf32, #tpu.memory_space<vmem>>
      %dma_wait3A_760 = tpu.memref_slice %arg7[%add3A_700] : memref<5000xi32, #tpu.memory_space<vmem>> -> memref<40xi32, #tpu.memory_space<vmem>>
      %dma_wait3A_761 = arith.constant 0 : i32
      %dma_wait3A_762 = tpu.memref_slice %arg3[%dma_wait3A_761] : memref<10000xf32, #tpu.memory_space<hbm>> -> memref<10000xf32, #tpu.memory_space<hbm>>
      tpu.wait_indirect_dma semaphore(%arg11 : memref<!tpu.dma_semaphore, #tpu.memory_space<semaphore_mem>>) src(%dma_wait3A_762 : memref<10000xf32, #tpu.memory_space<hbm>>) dst(%dma_wait3A_759 : memref<40xf32, #tpu.memory_space<vmem>>)
      %mul3A_763 = arith.constant 200 : i32
      %mul3A_764 = arith.muli %scan3A_666, %mul3A_763 : i32
      %add3A_765 = arith.addi %mul3A_2, %mul3A_764 : i32
      %mul3A_766 = arith.constant 200 : i32
      %mul3A_767 = arith.muli %rem3A_669, %mul3A_766 : i32
      %multiple_of3A_768 = tpu.assume_multiple %mul3A_767, 8 : i32
      %dma_start3A_769 = arith.constant 0 : i32
      %dma_start3A_770 = arith.constant 0 : i32
      %dma_start3A_771 = tpu.memref_slice %arg8[%rem3A_669, %dma_start3A_769, %dma_start3A_770] : memref<3x200x128xf32, #tpu.memory_space<vmem>> -> memref<1x200x128xf32, #tpu.memory_space<vmem>>
      %dma_start3A_772 = tpu.memref_squeeze %dma_start3A_771 : memref<1x200x128xf32, #tpu.memory_space<vmem>> -> memref<200x128xf32, #tpu.memory_space<vmem>>
      %dma_start3A_773 = arith.constant 0 : i32
      %dma_start3A_774 = tpu.memref_slice %arg5[%add3A_765, %dma_start3A_773] : memref<160000x128xf32, #tpu.memory_space<hbm>> -> memref<200x128xf32, #tpu.memory_space<hbm>>
      %dma_start3A_775 = arith.constant 0 : i32
      %dma_start3A_776 = tpu.memref_slice %arg5[%add3A_765, %dma_start3A_775] : memref<160000x128xf32, #tpu.memory_space<hbm>> -> memref<200x128xf32, #tpu.memory_space<hbm>>
      %dma_start3A_777 = arith.constant 0 : i32
      %dma_start3A_778 = arith.constant 0 : i32
      %dma_start3A_779 = tpu.memref_slice %arg8[%rem3A_669, %dma_start3A_777, %dma_start3A_778] : memref<3x200x128xf32, #tpu.memory_space<vmem>> -> memref<1x200x128xf32, #tpu.memory_space<vmem>>
      %dma_start3A_780 = tpu.memref_squeeze %dma_start3A_779 : memref<1x200x128xf32, #tpu.memory_space<vmem>> -> memref<200x128xf32, #tpu.memory_space<vmem>>
      tpu.enqueue_dma source(%dma_start3A_780 : memref<200x128xf32, #tpu.memory_space<vmem>>) target(%dma_start3A_776 : memref<200x128xf32, #tpu.memory_space<hbm>>) target_semaphore(%arg12 : memref<!tpu.dma_semaphore, #tpu.memory_space<semaphore_mem>>)
      %dma_start3A_781 = tpu.memref_slice %arg9[%multiple_of3A_768] : memref<600xf32, #tpu.memory_space<vmem>> -> memref<200xf32, #tpu.memory_space<vmem>>
      %dma_start3A_782 = tpu.memref_slice %arg6[%add3A_765] : memref<160000xf32, #tpu.memory_space<hbm>> -> memref<200xf32, #tpu.memory_space<hbm>>
      %dma_start3A_783 = tpu.memref_slice %arg6[%add3A_765] : memref<160000xf32, #tpu.memory_space<hbm>> -> memref<200xf32, #tpu.memory_space<hbm>>
      %dma_start3A_784 = tpu.memref_slice %arg9[%multiple_of3A_768] : memref<600xf32, #tpu.memory_space<vmem>> -> memref<200xf32, #tpu.memory_space<vmem>>
      tpu.enqueue_dma source(%dma_start3A_784 : memref<200xf32, #tpu.memory_space<vmem>>) target(%dma_start3A_783 : memref<200xf32, #tpu.memory_space<hbm>>) target_semaphore(%arg13 : memref<!tpu.dma_semaphore, #tpu.memory_space<semaphore_mem>>)
      %sub3A = arith.constant 1 : i32
      %sub3A_785 = arith.subi %scan3A_666, %sub3A : i32
      %sub3A_786 = arith.constant 1 : i32
      %sub3A_787 = arith.subi %scan3A_666, %sub3A_786 : i32
      %rem3A_788 = arith.constant 3 : i32
      %rem3A_789 = arith.remsi %sub3A_787, %rem3A_788 : i32
      %mul3A_790 = arith.constant 200 : i32
      %mul3A_791 = arith.muli %sub3A_785, %mul3A_790 : i32
      %add3A_792 = arith.addi %mul3A_2, %mul3A_791 : i32
      %mul3A_793 = arith.constant 200 : i32
      %mul3A_794 = arith.muli %rem3A_789, %mul3A_793 : i32
      %multiple_of3A_795 = tpu.assume_multiple %mul3A_794, 8 : i32
      %dma_wait3A_796 = arith.constant 0 : i32
      %dma_wait3A_797 = arith.constant 0 : i32
      %dma_wait3A_798 = tpu.memref_slice %arg8[%rem3A_789, %dma_wait3A_796, %dma_wait3A_797] : memref<3x200x128xf32, #tpu.memory_space<vmem>> -> memref<1x200x128xf32, #tpu.memory_space<vmem>>
      %dma_wait3A_799 = tpu.memref_squeeze %dma_wait3A_798 : memref<1x200x128xf32, #tpu.memory_space<vmem>> -> memref<200x128xf32, #tpu.memory_space<vmem>>
      %dma_wait3A_800 = arith.constant 0 : i32
      %dma_wait3A_801 = tpu.memref_slice %arg5[%add3A_792, %dma_wait3A_800] : memref<160000x128xf32, #tpu.memory_space<hbm>> -> memref<200x128xf32, #tpu.memory_space<hbm>>
      %dma_wait3A_802 = arith.constant 0 : i32
      %dma_wait3A_803 = tpu.memref_slice %arg5[%add3A_792, %dma_wait3A_802] : memref<160000x128xf32, #tpu.memory_space<hbm>> -> memref<200x128xf32, #tpu.memory_space<hbm>>
      %dma_wait3A_804 = arith.constant 0 : i32
      %dma_wait3A_805 = arith.constant 0 : i32
      %dma_wait3A_806 = tpu.memref_slice %arg8[%rem3A_789, %dma_wait3A_804, %dma_wait3A_805] : memref<3x200x128xf32, #tpu.memory_space<vmem>> -> memref<1x200x128xf32, #tpu.memory_space<vmem>>
      %dma_wait3A_807 = tpu.memref_squeeze %dma_wait3A_806 : memref<1x200x128xf32, #tpu.memory_space<vmem>> -> memref<200x128xf32, #tpu.memory_space<vmem>>
      tpu.wait_dma2 semaphore(%arg12 : memref<!tpu.dma_semaphore, #tpu.memory_space<semaphore_mem>>) src(%dma_wait3A_807 : memref<200x128xf32, #tpu.memory_space<vmem>>) dst(%dma_wait3A_803 : memref<200x128xf32, #tpu.memory_space<hbm>>)
      %dma_wait3A_808 = tpu.memref_slice %arg9[%multiple_of3A_795] : memref<600xf32, #tpu.memory_space<vmem>> -> memref<200xf32, #tpu.memory_space<vmem>>
      %dma_wait3A_809 = tpu.memref_slice %arg6[%add3A_792] : memref<160000xf32, #tpu.memory_space<hbm>> -> memref<200xf32, #tpu.memory_space<hbm>>
      %dma_wait3A_810 = tpu.memref_slice %arg6[%add3A_792] : memref<160000xf32, #tpu.memory_space<hbm>> -> memref<200xf32, #tpu.memory_space<hbm>>
      %dma_wait3A_811 = tpu.memref_slice %arg9[%multiple_of3A_795] : memref<600xf32, #tpu.memory_space<vmem>> -> memref<200xf32, #tpu.memory_space<vmem>>
      tpu.wait_dma2 semaphore(%arg13 : memref<!tpu.dma_semaphore, #tpu.memory_space<semaphore_mem>>) src(%dma_wait3A_811 : memref<200xf32, #tpu.memory_space<vmem>>) dst(%dma_wait3A_810 : memref<200xf32, #tpu.memory_space<hbm>>)
      %add3A_812 = arith.constant 2 : i32
      %add3A_813 = arith.addi %scan3A_666, %add3A_812 : i32
      %add3A_814 = arith.constant 2 : i32
      %add3A_815 = arith.addi %scan3A_666, %add3A_814 : i32
      %rem3A_816 = arith.constant 3 : i32
      %rem3A_817 = arith.remsi %add3A_815, %rem3A_816 : i32
      %mul3A_818 = arith.constant 200 : i32
      %mul3A_819 = arith.muli %rem3A_817, %mul3A_818 : i32
      %multiple_of3A_820 = tpu.assume_multiple %mul3A_819, 8 : i32
      %mul3A_821 = arith.constant 200 : i32
      %mul3A_822 = arith.muli %add3A_813, %mul3A_821 : i32
      %add3A_823 = arith.constant 0 : i32
      %add3A_824 = arith.addi %mul3A_822, %add3A_823 : i32
      %dma_start3A_825 = arith.constant 0 : i32
      %dma_start3A_826 = arith.constant 0 : i32
      %dma_start3A_827 = tpu.memref_slice %arg8[%rem3A_817, %dma_start3A_825, %dma_start3A_826] : memref<3x200x128xf32, #tpu.memory_space<vmem>> -> memref<1x40x128xf32, #tpu.memory_space<vmem>>
      %dma_start3A_828 = tpu.memref_squeeze %dma_start3A_827 : memref<1x40x128xf32, #tpu.memory_space<vmem>> -> memref<40x128xf32, #tpu.memory_space<vmem>>
      %dma_start3A_829 = tpu.memref_slice %arg7[%add3A_824] : memref<5000xi32, #tpu.memory_space<vmem>> -> memref<40xi32, #tpu.memory_space<vmem>>
      %dma_start3A_830 = arith.constant 0 : i32
      %dma_start3A_831 = arith.constant 0 : i32
      %dma_start3A_832 = tpu.memref_slice %arg2[%dma_start3A_830, %dma_start3A_831] : memref<10000x128xf32, #tpu.memory_space<hbm>> -> memref<10000x128xf32, #tpu.memory_space<hbm>>
      tpu.enqueue_indirect_dma source(%dma_start3A_832 : memref<10000x128xf32, #tpu.memory_space<hbm>>) target(%dma_start3A_828 : memref<40x128xf32, #tpu.memory_space<vmem>>) offsets(%dma_start3A_829 : memref<40xi32, #tpu.memory_space<vmem>>) semaphore(%arg10 : memref<!tpu.dma_semaphore, #tpu.memory_space<semaphore_mem>>)
      %add3A_833 = arith.constant 0 : i32
      %add3A_834 = arith.addi %multiple_of3A_820, %add3A_833 : i32
      %dma_start3A_835 = tpu.memref_slice %arg9[%add3A_834] : memref<600xf32, #tpu.memory_space<vmem>> -> memref<40xf32, #tpu.memory_space<vmem>>
      %dma_start3A_836 = tpu.memref_slice %arg7[%add3A_824] : memref<5000xi32, #tpu.memory_space<vmem>> -> memref<40xi32, #tpu.memory_space<vmem>>
      %dma_start3A_837 = arith.constant 0 : i32
      %dma_start3A_838 = tpu.memref_slice %arg3[%dma_start3A_837] : memref<10000xf32, #tpu.memory_space<hbm>> -> memref<10000xf32, #tpu.memory_space<hbm>>
      tpu.enqueue_indirect_dma source(%dma_start3A_838 : memref<10000xf32, #tpu.memory_space<hbm>>) target(%dma_start3A_835 : memref<40xf32, #tpu.memory_space<vmem>>) offsets(%dma_start3A_836 : memref<40xi32, #tpu.memory_space<vmem>>) semaphore(%arg11 : memref<!tpu.dma_semaphore, #tpu.memory_space<semaphore_mem>>)
      %mul3A_839 = arith.constant 200 : i32
      %mul3A_840 = arith.muli %add3A_813, %mul3A_839 : i32
      %add3A_841 = arith.constant 40 : i32
      %add3A_842 = arith.addi %mul3A_840, %add3A_841 : i32
      %dma_start3A_843 = arith.constant 40 : i32
      %dma_start3A_844 = arith.constant 0 : i32
      %dma_start3A_845 = tpu.memref_slice %arg8[%rem3A_817, %dma_start3A_843, %dma_start3A_844] : memref<3x200x128xf32, #tpu.memory_space<vmem>> -> memref<1x40x128xf32, #tpu.memory_space<vmem>>
      %dma_start3A_846 = tpu.memref_squeeze %dma_start3A_845 : memref<1x40x128xf32, #tpu.memory_space<vmem>> -> memref<40x128xf32, #tpu.memory_space<vmem>>
      %dma_start3A_847 = tpu.memref_slice %arg7[%add3A_842] : memref<5000xi32, #tpu.memory_space<vmem>> -> memref<40xi32, #tpu.memory_space<vmem>>
      %dma_start3A_848 = arith.constant 0 : i32
      %dma_start3A_849 = arith.constant 0 : i32
      %dma_start3A_850 = tpu.memref_slice %arg2[%dma_start3A_848, %dma_start3A_849] : memref<10000x128xf32, #tpu.memory_space<hbm>> -> memref<10000x128xf32, #tpu.memory_space<hbm>>
      tpu.enqueue_indirect_dma source(%dma_start3A_850 : memref<10000x128xf32, #tpu.memory_space<hbm>>) target(%dma_start3A_846 : memref<40x128xf32, #tpu.memory_space<vmem>>) offsets(%dma_start3A_847 : memref<40xi32, #tpu.memory_space<vmem>>) semaphore(%arg10 : memref<!tpu.dma_semaphore, #tpu.memory_space<semaphore_mem>>)
      %add3A_851 = arith.constant 40 : i32
      %add3A_852 = arith.addi %multiple_of3A_820, %add3A_851 : i32
      %dma_start3A_853 = tpu.memref_slice %arg9[%add3A_852] : memref<600xf32, #tpu.memory_space<vmem>> -> memref<40xf32, #tpu.memory_space<vmem>>
      %dma_start3A_854 = tpu.memref_slice %arg7[%add3A_842] : memref<5000xi32, #tpu.memory_space<vmem>> -> memref<40xi32, #tpu.memory_space<vmem>>
      %dma_start3A_855 = arith.constant 0 : i32
      %dma_start3A_856 = tpu.memref_slice %arg3[%dma_start3A_855] : memref<10000xf32, #tpu.memory_space<hbm>> -> memref<10000xf32, #tpu.memory_space<hbm>>
      tpu.enqueue_indirect_dma source(%dma_start3A_856 : memref<10000xf32, #tpu.memory_space<hbm>>) target(%dma_start3A_853 : memref<40xf32, #tpu.memory_space<vmem>>) offsets(%dma_start3A_854 : memref<40xi32, #tpu.memory_space<vmem>>) semaphore(%arg11 : memref<!tpu.dma_semaphore, #tpu.memory_space<semaphore_mem>>)
      %mul3A_857 = arith.constant 200 : i32
      %mul3A_858 = arith.muli %add3A_813, %mul3A_857 : i32
      %add3A_859 = arith.constant 80 : i32
      %add3A_860 = arith.addi %mul3A_858, %add3A_859 : i32
      %dma_start3A_861 = arith.constant 80 : i32
      %dma_start3A_862 = arith.constant 0 : i32
      %dma_start3A_863 = tpu.memref_slice %arg8[%rem3A_817, %dma_start3A_861, %dma_start3A_862] : memref<3x200x128xf32, #tpu.memory_space<vmem>> -> memref<1x40x128xf32, #tpu.memory_space<vmem>>
      %dma_start3A_864 = tpu.memref_squeeze %dma_start3A_863 : memref<1x40x128xf32, #tpu.memory_space<vmem>> -> memref<40x128xf32, #tpu.memory_space<vmem>>
      %dma_start3A_865 = tpu.memref_slice %arg7[%add3A_860] : memref<5000xi32, #tpu.memory_space<vmem>> -> memref<40xi32, #tpu.memory_space<vmem>>
      %dma_start3A_866 = arith.constant 0 : i32
      %dma_start3A_867 = arith.constant 0 : i32
      %dma_start3A_868 = tpu.memref_slice %arg2[%dma_start3A_866, %dma_start3A_867] : memref<10000x128xf32, #tpu.memory_space<hbm>> -> memref<10000x128xf32, #tpu.memory_space<hbm>>
      tpu.enqueue_indirect_dma source(%dma_start3A_868 : memref<10000x128xf32, #tpu.memory_space<hbm>>) target(%dma_start3A_864 : memref<40x128xf32, #tpu.memory_space<vmem>>) offsets(%dma_start3A_865 : memref<40xi32, #tpu.memory_space<vmem>>) semaphore(%arg10 : memref<!tpu.dma_semaphore, #tpu.memory_space<semaphore_mem>>)
      %add3A_869 = arith.constant 80 : i32
      %add3A_870 = arith.addi %multiple_of3A_820, %add3A_869 : i32
      %dma_start3A_871 = tpu.memref_slice %arg9[%add3A_870] : memref<600xf32, #tpu.memory_space<vmem>> -> memref<40xf32, #tpu.memory_space<vmem>>
      %dma_start3A_872 = tpu.memref_slice %arg7[%add3A_860] : memref<5000xi32, #tpu.memory_space<vmem>> -> memref<40xi32, #tpu.memory_space<vmem>>
      %dma_start3A_873 = arith.constant 0 : i32
      %dma_start3A_874 = tpu.memref_slice %arg3[%dma_start3A_873] : memref<10000xf32, #tpu.memory_space<hbm>> -> memref<10000xf32, #tpu.memory_space<hbm>>
      tpu.enqueue_indirect_dma source(%dma_start3A_874 : memref<10000xf32, #tpu.memory_space<hbm>>) target(%dma_start3A_871 : memref<40xf32, #tpu.memory_space<vmem>>) offsets(%dma_start3A_872 : memref<40xi32, #tpu.memory_space<vmem>>) semaphore(%arg11 : memref<!tpu.dma_semaphore, #tpu.memory_space<semaphore_mem>>)
      %mul3A_875 = arith.constant 200 : i32
      %mul3A_876 = arith.muli %add3A_813, %mul3A_875 : i32
      %add3A_877 = arith.constant 120 : i32
      %add3A_878 = arith.addi %mul3A_876, %add3A_877 : i32
      %dma_start3A_879 = arith.constant 120 : i32
      %dma_start3A_880 = arith.constant 0 : i32
      %dma_start3A_881 = tpu.memref_slice %arg8[%rem3A_817, %dma_start3A_879, %dma_start3A_880] : memref<3x200x128xf32, #tpu.memory_space<vmem>> -> memref<1x40x128xf32, #tpu.memory_space<vmem>>
      %dma_start3A_882 = tpu.memref_squeeze %dma_start3A_881 : memref<1x40x128xf32, #tpu.memory_space<vmem>> -> memref<40x128xf32, #tpu.memory_space<vmem>>
      %dma_start3A_883 = tpu.memref_slice %arg7[%add3A_878] : memref<5000xi32, #tpu.memory_space<vmem>> -> memref<40xi32, #tpu.memory_space<vmem>>
      %dma_start3A_884 = arith.constant 0 : i32
      %dma_start3A_885 = arith.constant 0 : i32
      %dma_start3A_886 = tpu.memref_slice %arg2[%dma_start3A_884, %dma_start3A_885] : memref<10000x128xf32, #tpu.memory_space<hbm>> -> memref<10000x128xf32, #tpu.memory_space<hbm>>
      tpu.enqueue_indirect_dma source(%dma_start3A_886 : memref<10000x128xf32, #tpu.memory_space<hbm>>) target(%dma_start3A_882 : memref<40x128xf32, #tpu.memory_space<vmem>>) offsets(%dma_start3A_883 : memref<40xi32, #tpu.memory_space<vmem>>) semaphore(%arg10 : memref<!tpu.dma_semaphore, #tpu.memory_space<semaphore_mem>>)
      %add3A_887 = arith.constant 120 : i32
      %add3A_888 = arith.addi %multiple_of3A_820, %add3A_887 : i32
      %dma_start3A_889 = tpu.memref_slice %arg9[%add3A_888] : memref<600xf32, #tpu.memory_space<vmem>> -> memref<40xf32, #tpu.memory_space<vmem>>
      %dma_start3A_890 = tpu.memref_slice %arg7[%add3A_878] : memref<5000xi32, #tpu.memory_space<vmem>> -> memref<40xi32, #tpu.memory_space<vmem>>
      %dma_start3A_891 = arith.constant 0 : i32
      %dma_start3A_892 = tpu.memref_slice %arg3[%dma_start3A_891] : memref<10000xf32, #tpu.memory_space<hbm>> -> memref<10000xf32, #tpu.memory_space<hbm>>
      tpu.enqueue_indirect_dma source(%dma_start3A_892 : memref<10000xf32, #tpu.memory_space<hbm>>) target(%dma_start3A_889 : memref<40xf32, #tpu.memory_space<vmem>>) offsets(%dma_start3A_890 : memref<40xi32, #tpu.memory_space<vmem>>) semaphore(%arg11 : memref<!tpu.dma_semaphore, #tpu.memory_space<semaphore_mem>>)
      %mul3A_893 = arith.constant 200 : i32
      %mul3A_894 = arith.muli %add3A_813, %mul3A_893 : i32
      %add3A_895 = arith.constant 160 : i32
      %add3A_896 = arith.addi %mul3A_894, %add3A_895 : i32
      %dma_start3A_897 = arith.constant 160 : i32
      %dma_start3A_898 = arith.constant 0 : i32
      %dma_start3A_899 = tpu.memref_slice %arg8[%rem3A_817, %dma_start3A_897, %dma_start3A_898] : memref<3x200x128xf32, #tpu.memory_space<vmem>> -> memref<1x40x128xf32, #tpu.memory_space<vmem>>
      %dma_start3A_900 = tpu.memref_squeeze %dma_start3A_899 : memref<1x40x128xf32, #tpu.memory_space<vmem>> -> memref<40x128xf32, #tpu.memory_space<vmem>>
      %dma_start3A_901 = tpu.memref_slice %arg7[%add3A_896] : memref<5000xi32, #tpu.memory_space<vmem>> -> memref<40xi32, #tpu.memory_space<vmem>>
      %dma_start3A_902 = arith.constant 0 : i32
      %dma_start3A_903 = arith.constant 0 : i32
      %dma_start3A_904 = tpu.memref_slice %arg2[%dma_start3A_902, %dma_start3A_903] : memref<10000x128xf32, #tpu.memory_space<hbm>> -> memref<10000x128xf32, #tpu.memory_space<hbm>>
      tpu.enqueue_indirect_dma source(%dma_start3A_904 : memref<10000x128xf32, #tpu.memory_space<hbm>>) target(%dma_start3A_900 : memref<40x128xf32, #tpu.memory_space<vmem>>) offsets(%dma_start3A_901 : memref<40xi32, #tpu.memory_space<vmem>>) semaphore(%arg10 : memref<!tpu.dma_semaphore, #tpu.memory_space<semaphore_mem>>)
      %add3A_905 = arith.constant 160 : i32
      %add3A_906 = arith.addi %multiple_of3A_820, %add3A_905 : i32
      %dma_start3A_907 = tpu.memref_slice %arg9[%add3A_906] : memref<600xf32, #tpu.memory_space<vmem>> -> memref<40xf32, #tpu.memory_space<vmem>>
      %dma_start3A_908 = tpu.memref_slice %arg7[%add3A_896] : memref<5000xi32, #tpu.memory_space<vmem>> -> memref<40xi32, #tpu.memory_space<vmem>>
      %dma_start3A_909 = arith.constant 0 : i32
      %dma_start3A_910 = tpu.memref_slice %arg3[%dma_start3A_909] : memref<10000xf32, #tpu.memory_space<hbm>> -> memref<10000xf32, #tpu.memory_space<hbm>>
      tpu.enqueue_indirect_dma source(%dma_start3A_910 : memref<10000xf32, #tpu.memory_space<hbm>>) target(%dma_start3A_907 : memref<40xf32, #tpu.memory_space<vmem>>) offsets(%dma_start3A_908 : memref<40xi32, #tpu.memory_space<vmem>>) semaphore(%arg11 : memref<!tpu.dma_semaphore, #tpu.memory_space<semaphore_mem>>)
      %scan3A_911 = arith.constant 0 : i32
      scf.yield %scan3A_911 : i32
    }
    %scan3A_374 = arith.constant 22 : i32
    %rem3A = arith.constant 23 : i32
    %rem3A_375 = arith.constant 3 : i32
    %rem3A_376 = arith.remsi %rem3A, %rem3A_375 : i32
    %mul3A_377 = arith.constant 200 : i32
    %mul3A_378 = arith.muli %rem3A_376, %mul3A_377 : i32
    %multiple_of3A_379 = tpu.assume_multiple %mul3A_378, 8 : i32
    %add3A_380 = arith.constant 0 : i32
    %add3A_381 = arith.addi %multiple_of3A_379, %add3A_380 : i32
    %add3A_382 = arith.constant 40 : i32
    %add3A_383 = arith.addi %multiple_of3A_379, %add3A_382 : i32
    %add3A_384 = arith.constant 80 : i32
    %add3A_385 = arith.addi %multiple_of3A_379, %add3A_384 : i32
    %add3A_386 = arith.constant 120 : i32
    %add3A_387 = arith.addi %multiple_of3A_379, %add3A_386 : i32
    %add3A_388 = arith.constant 160 : i32
    %add3A_389 = arith.addi %multiple_of3A_379, %add3A_388 : i32
    %dma_wait3A_390 = arith.constant 0 : i32
    %dma_wait3A_391 = arith.constant 0 : i32
    %dma_wait3A_392 = tpu.memref_slice %arg8[%rem3A_376, %dma_wait3A_390, %dma_wait3A_391] : memref<3x200x128xf32, #tpu.memory_space<vmem>> -> memref<1x40x128xf32, #tpu.memory_space<vmem>>
    %dma_wait3A_393 = tpu.memref_squeeze %dma_wait3A_392 : memref<1x40x128xf32, #tpu.memory_space<vmem>> -> memref<40x128xf32, #tpu.memory_space<vmem>>
    %dma_wait3A_394 = arith.constant 4600 : i32
    %dma_wait3A_395 = tpu.memref_slice %arg7[%dma_wait3A_394] : memref<5000xi32, #tpu.memory_space<vmem>> -> memref<40xi32, #tpu.memory_space<vmem>>
    %dma_wait3A_396 = arith.constant 0 : i32
    %dma_wait3A_397 = arith.constant 0 : i32
    %dma_wait3A_398 = tpu.memref_slice %arg2[%dma_wait3A_396, %dma_wait3A_397] : memref<10000x128xf32, #tpu.memory_space<hbm>> -> memref<10000x128xf32, #tpu.memory_space<hbm>>
    tpu.wait_indirect_dma semaphore(%arg10 : memref<!tpu.dma_semaphore, #tpu.memory_space<semaphore_mem>>) src(%dma_wait3A_398 : memref<10000x128xf32, #tpu.memory_space<hbm>>) dst(%dma_wait3A_393 : memref<40x128xf32, #tpu.memory_space<vmem>>)
    %dma_wait3A_399 = tpu.memref_slice %arg9[%add3A_381] : memref<600xf32, #tpu.memory_space<vmem>> -> memref<40xf32, #tpu.memory_space<vmem>>
    %dma_wait3A_400 = arith.constant 4600 : i32
    %dma_wait3A_401 = tpu.memref_slice %arg7[%dma_wait3A_400] : memref<5000xi32, #tpu.memory_space<vmem>> -> memref<40xi32, #tpu.memory_space<vmem>>
    %dma_wait3A_402 = arith.constant 0 : i32
    %dma_wait3A_403 = tpu.memref_slice %arg3[%dma_wait3A_402] : memref<10000xf32, #tpu.memory_space<hbm>> -> memref<10000xf32, #tpu.memory_space<hbm>>
    tpu.wait_indirect_dma semaphore(%arg11 : memref<!tpu.dma_semaphore, #tpu.memory_space<semaphore_mem>>) src(%dma_wait3A_403 : memref<10000xf32, #tpu.memory_space<hbm>>) dst(%dma_wait3A_399 : memref<40xf32, #tpu.memory_space<vmem>>)
    %dma_wait3A_404 = arith.constant 40 : i32
    %dma_wait3A_405 = arith.constant 0 : i32
    %dma_wait3A_406 = tpu.memref_slice %arg8[%rem3A_376, %dma_wait3A_404, %dma_wait3A_405] : memref<3x200x128xf32, #tpu.memory_space<vmem>> -> memref<1x40x128xf32, #tpu.memory_space<vmem>>
    %dma_wait3A_407 = tpu.memref_squeeze %dma_wait3A_406 : memref<1x40x128xf32, #tpu.memory_space<vmem>> -> memref<40x128xf32, #tpu.memory_space<vmem>>
    %dma_wait3A_408 = arith.constant 4640 : i32
    %dma_wait3A_409 = tpu.memref_slice %arg7[%dma_wait3A_408] : memref<5000xi32, #tpu.memory_space<vmem>> -> memref<40xi32, #tpu.memory_space<vmem>>
    %dma_wait3A_410 = arith.constant 0 : i32
    %dma_wait3A_411 = arith.constant 0 : i32
    %dma_wait3A_412 = tpu.memref_slice %arg2[%dma_wait3A_410, %dma_wait3A_411] : memref<10000x128xf32, #tpu.memory_space<hbm>> -> memref<10000x128xf32, #tpu.memory_space<hbm>>
    tpu.wait_indirect_dma semaphore(%arg10 : memref<!tpu.dma_semaphore, #tpu.memory_space<semaphore_mem>>) src(%dma_wait3A_412 : memref<10000x128xf32, #tpu.memory_space<hbm>>) dst(%dma_wait3A_407 : memref<40x128xf32, #tpu.memory_space<vmem>>)
    %dma_wait3A_413 = tpu.memref_slice %arg9[%add3A_383] : memref<600xf32, #tpu.memory_space<vmem>> -> memref<40xf32, #tpu.memory_space<vmem>>
    %dma_wait3A_414 = arith.constant 4640 : i32
    %dma_wait3A_415 = tpu.memref_slice %arg7[%dma_wait3A_414] : memref<5000xi32, #tpu.memory_space<vmem>> -> memref<40xi32, #tpu.memory_space<vmem>>
    %dma_wait3A_416 = arith.constant 0 : i32
    %dma_wait3A_417 = tpu.memref_slice %arg3[%dma_wait3A_416] : memref<10000xf32, #tpu.memory_space<hbm>> -> memref<10000xf32, #tpu.memory_space<hbm>>
    tpu.wait_indirect_dma semaphore(%arg11 : memref<!tpu.dma_semaphore, #tpu.memory_space<semaphore_mem>>) src(%dma_wait3A_417 : memref<10000xf32, #tpu.memory_space<hbm>>) dst(%dma_wait3A_413 : memref<40xf32, #tpu.memory_space<vmem>>)
    %dma_wait3A_418 = arith.constant 80 : i32
    %dma_wait3A_419 = arith.constant 0 : i32
    %dma_wait3A_420 = tpu.memref_slice %arg8[%rem3A_376, %dma_wait3A_418, %dma_wait3A_419] : memref<3x200x128xf32, #tpu.memory_space<vmem>> -> memref<1x40x128xf32, #tpu.memory_space<vmem>>
    %dma_wait3A_421 = tpu.memref_squeeze %dma_wait3A_420 : memref<1x40x128xf32, #tpu.memory_space<vmem>> -> memref<40x128xf32, #tpu.memory_space<vmem>>
    %dma_wait3A_422 = arith.constant 4680 : i32
    %dma_wait3A_423 = tpu.memref_slice %arg7[%dma_wait3A_422] : memref<5000xi32, #tpu.memory_space<vmem>> -> memref<40xi32, #tpu.memory_space<vmem>>
    %dma_wait3A_424 = arith.constant 0 : i32
    %dma_wait3A_425 = arith.constant 0 : i32
    %dma_wait3A_426 = tpu.memref_slice %arg2[%dma_wait3A_424, %dma_wait3A_425] : memref<10000x128xf32, #tpu.memory_space<hbm>> -> memref<10000x128xf32, #tpu.memory_space<hbm>>
    tpu.wait_indirect_dma semaphore(%arg10 : memref<!tpu.dma_semaphore, #tpu.memory_space<semaphore_mem>>) src(%dma_wait3A_426 : memref<10000x128xf32, #tpu.memory_space<hbm>>) dst(%dma_wait3A_421 : memref<40x128xf32, #tpu.memory_space<vmem>>)
    %dma_wait3A_427 = tpu.memref_slice %arg9[%add3A_385] : memref<600xf32, #tpu.memory_space<vmem>> -> memref<40xf32, #tpu.memory_space<vmem>>
    %dma_wait3A_428 = arith.constant 4680 : i32
    %dma_wait3A_429 = tpu.memref_slice %arg7[%dma_wait3A_428] : memref<5000xi32, #tpu.memory_space<vmem>> -> memref<40xi32, #tpu.memory_space<vmem>>
    %dma_wait3A_430 = arith.constant 0 : i32
    %dma_wait3A_431 = tpu.memref_slice %arg3[%dma_wait3A_430] : memref<10000xf32, #tpu.memory_space<hbm>> -> memref<10000xf32, #tpu.memory_space<hbm>>
    tpu.wait_indirect_dma semaphore(%arg11 : memref<!tpu.dma_semaphore, #tpu.memory_space<semaphore_mem>>) src(%dma_wait3A_431 : memref<10000xf32, #tpu.memory_space<hbm>>) dst(%dma_wait3A_427 : memref<40xf32, #tpu.memory_space<vmem>>)
    %dma_wait3A_432 = arith.constant 120 : i32
    %dma_wait3A_433 = arith.constant 0 : i32
    %dma_wait3A_434 = tpu.memref_slice %arg8[%rem3A_376, %dma_wait3A_432, %dma_wait3A_433] : memref<3x200x128xf32, #tpu.memory_space<vmem>> -> memref<1x40x128xf32, #tpu.memory_space<vmem>>
    %dma_wait3A_435 = tpu.memref_squeeze %dma_wait3A_434 : memref<1x40x128xf32, #tpu.memory_space<vmem>> -> memref<40x128xf32, #tpu.memory_space<vmem>>
    %dma_wait3A_436 = arith.constant 4720 : i32
    %dma_wait3A_437 = tpu.memref_slice %arg7[%dma_wait3A_436] : memref<5000xi32, #tpu.memory_space<vmem>> -> memref<40xi32, #tpu.memory_space<vmem>>
    %dma_wait3A_438 = arith.constant 0 : i32
    %dma_wait3A_439 = arith.constant 0 : i32
    %dma_wait3A_440 = tpu.memref_slice %arg2[%dma_wait3A_438, %dma_wait3A_439] : memref<10000x128xf32, #tpu.memory_space<hbm>> -> memref<10000x128xf32, #tpu.memory_space<hbm>>
    tpu.wait_indirect_dma semaphore(%arg10 : memref<!tpu.dma_semaphore, #tpu.memory_space<semaphore_mem>>) src(%dma_wait3A_440 : memref<10000x128xf32, #tpu.memory_space<hbm>>) dst(%dma_wait3A_435 : memref<40x128xf32, #tpu.memory_space<vmem>>)
    %dma_wait3A_441 = tpu.memref_slice %arg9[%add3A_387] : memref<600xf32, #tpu.memory_space<vmem>> -> memref<40xf32, #tpu.memory_space<vmem>>
    %dma_wait3A_442 = arith.constant 4720 : i32
    %dma_wait3A_443 = tpu.memref_slice %arg7[%dma_wait3A_442] : memref<5000xi32, #tpu.memory_space<vmem>> -> memref<40xi32, #tpu.memory_space<vmem>>
    %dma_wait3A_444 = arith.constant 0 : i32
    %dma_wait3A_445 = tpu.memref_slice %arg3[%dma_wait3A_444] : memref<10000xf32, #tpu.memory_space<hbm>> -> memref<10000xf32, #tpu.memory_space<hbm>>
    tpu.wait_indirect_dma semaphore(%arg11 : memref<!tpu.dma_semaphore, #tpu.memory_space<semaphore_mem>>) src(%dma_wait3A_445 : memref<10000xf32, #tpu.memory_space<hbm>>) dst(%dma_wait3A_441 : memref<40xf32, #tpu.memory_space<vmem>>)
    %dma_wait3A_446 = arith.constant 160 : i32
    %dma_wait3A_447 = arith.constant 0 : i32
    %dma_wait3A_448 = tpu.memref_slice %arg8[%rem3A_376, %dma_wait3A_446, %dma_wait3A_447] : memref<3x200x128xf32, #tpu.memory_space<vmem>> -> memref<1x40x128xf32, #tpu.memory_space<vmem>>
    %dma_wait3A_449 = tpu.memref_squeeze %dma_wait3A_448 : memref<1x40x128xf32, #tpu.memory_space<vmem>> -> memref<40x128xf32, #tpu.memory_space<vmem>>
    %dma_wait3A_450 = arith.constant 4760 : i32
    %dma_wait3A_451 = tpu.memref_slice %arg7[%dma_wait3A_450] : memref<5000xi32, #tpu.memory_space<vmem>> -> memref<40xi32, #tpu.memory_space<vmem>>
    %dma_wait3A_452 = arith.constant 0 : i32
    %dma_wait3A_453 = arith.constant 0 : i32
    %dma_wait3A_454 = tpu.memref_slice %arg2[%dma_wait3A_452, %dma_wait3A_453] : memref<10000x128xf32, #tpu.memory_space<hbm>> -> memref<10000x128xf32, #tpu.memory_space<hbm>>
    tpu.wait_indirect_dma semaphore(%arg10 : memref<!tpu.dma_semaphore, #tpu.memory_space<semaphore_mem>>) src(%dma_wait3A_454 : memref<10000x128xf32, #tpu.memory_space<hbm>>) dst(%dma_wait3A_449 : memref<40x128xf32, #tpu.memory_space<vmem>>)
    %dma_wait3A_455 = tpu.memref_slice %arg9[%add3A_389] : memref<600xf32, #tpu.memory_space<vmem>> -> memref<40xf32, #tpu.memory_space<vmem>>
    %dma_wait3A_456 = arith.constant 4760 : i32
    %dma_wait3A_457 = tpu.memref_slice %arg7[%dma_wait3A_456] : memref<5000xi32, #tpu.memory_space<vmem>> -> memref<40xi32, #tpu.memory_space<vmem>>
    %dma_wait3A_458 = arith.constant 0 : i32
    %dma_wait3A_459 = tpu.memref_slice %arg3[%dma_wait3A_458] : memref<10000xf32, #tpu.memory_space<hbm>> -> memref<10000xf32, #tpu.memory_space<hbm>>
    tpu.wait_indirect_dma semaphore(%arg11 : memref<!tpu.dma_semaphore, #tpu.memory_space<semaphore_mem>>) src(%dma_wait3A_459 : memref<10000xf32, #tpu.memory_space<hbm>>) dst(%dma_wait3A_455 : memref<40xf32, #tpu.memory_space<vmem>>)
    %rem3A_460 = arith.constant 23 : i32
    %rem3A_461 = arith.constant 3 : i32
    %rem3A_462 = arith.remsi %rem3A_460, %rem3A_461 : i32
    %add3A_463 = arith.constant 4600 : i32
    %add3A_464 = arith.addi %mul3A_2, %add3A_463 : i32
    %mul3A_465 = arith.constant 200 : i32
    %mul3A_466 = arith.muli %rem3A_462, %mul3A_465 : i32
    %multiple_of3A_467 = tpu.assume_multiple %mul3A_466, 8 : i32
    %dma_start3A_468 = arith.constant 0 : i32
    %dma_start3A_469 = arith.constant 0 : i32
    %dma_start3A_470 = tpu.memref_slice %arg8[%rem3A_462, %dma_start3A_468, %dma_start3A_469] : memref<3x200x128xf32, #tpu.memory_space<vmem>> -> memref<1x200x128xf32, #tpu.memory_space<vmem>>
    %dma_start3A_471 = tpu.memref_squeeze %dma_start3A_470 : memref<1x200x128xf32, #tpu.memory_space<vmem>> -> memref<200x128xf32, #tpu.memory_space<vmem>>
    %dma_start3A_472 = arith.constant 0 : i32
    %dma_start3A_473 = tpu.memref_slice %arg5[%add3A_464, %dma_start3A_472] : memref<160000x128xf32, #tpu.memory_space<hbm>> -> memref<200x128xf32, #tpu.memory_space<hbm>>
    %dma_start3A_474 = arith.constant 0 : i32
    %dma_start3A_475 = tpu.memref_slice %arg5[%add3A_464, %dma_start3A_474] : memref<160000x128xf32, #tpu.memory_space<hbm>> -> memref<200x128xf32, #tpu.memory_space<hbm>>
    %dma_start3A_476 = arith.constant 0 : i32
    %dma_start3A_477 = arith.constant 0 : i32
    %dma_start3A_478 = tpu.memref_slice %arg8[%rem3A_462, %dma_start3A_476, %dma_start3A_477] : memref<3x200x128xf32, #tpu.memory_space<vmem>> -> memref<1x200x128xf32, #tpu.memory_space<vmem>>
    %dma_start3A_479 = tpu.memref_squeeze %dma_start3A_478 : memref<1x200x128xf32, #tpu.memory_space<vmem>> -> memref<200x128xf32, #tpu.memory_space<vmem>>
    tpu.enqueue_dma source(%dma_start3A_479 : memref<200x128xf32, #tpu.memory_space<vmem>>) target(%dma_start3A_475 : memref<200x128xf32, #tpu.memory_space<hbm>>) target_semaphore(%arg12 : memref<!tpu.dma_semaphore, #tpu.memory_space<semaphore_mem>>)
    %dma_start3A_480 = tpu.memref_slice %arg9[%multiple_of3A_467] : memref<600xf32, #tpu.memory_space<vmem>> -> memref<200xf32, #tpu.memory_space<vmem>>
    %dma_start3A_481 = tpu.memref_slice %arg6[%add3A_464] : memref<160000xf32, #tpu.memory_space<hbm>> -> memref<200xf32, #tpu.memory_space<hbm>>
    %dma_start3A_482 = tpu.memref_slice %arg6[%add3A_464] : memref<160000xf32, #tpu.memory_space<hbm>> -> memref<200xf32, #tpu.memory_space<hbm>>
    %dma_start3A_483 = tpu.memref_slice %arg9[%multiple_of3A_467] : memref<600xf32, #tpu.memory_space<vmem>> -> memref<200xf32, #tpu.memory_space<vmem>>
    tpu.enqueue_dma source(%dma_start3A_483 : memref<200xf32, #tpu.memory_space<vmem>>) target(%dma_start3A_482 : memref<200xf32, #tpu.memory_space<hbm>>) target_semaphore(%arg13 : memref<!tpu.dma_semaphore, #tpu.memory_space<semaphore_mem>>)
    %rem3A_484 = arith.constant 22 : i32
    %rem3A_485 = arith.constant 3 : i32
    %rem3A_486 = arith.remsi %rem3A_484, %rem3A_485 : i32
    %add3A_487 = arith.constant 4400 : i32
    %add3A_488 = arith.addi %mul3A_2, %add3A_487 : i32
    %mul3A_489 = arith.constant 200 : i32
    %mul3A_490 = arith.muli %rem3A_486, %mul3A_489 : i32
    %multiple_of3A_491 = tpu.assume_multiple %mul3A_490, 8 : i32
    %dma_wait3A_492 = arith.constant 0 : i32
    %dma_wait3A_493 = arith.constant 0 : i32
    %dma_wait3A_494 = tpu.memref_slice %arg8[%rem3A_486, %dma_wait3A_492, %dma_wait3A_493] : memref<3x200x128xf32, #tpu.memory_space<vmem>> -> memref<1x200x128xf32, #tpu.memory_space<vmem>>
    %dma_wait3A_495 = tpu.memref_squeeze %dma_wait3A_494 : memref<1x200x128xf32, #tpu.memory_space<vmem>> -> memref<200x128xf32, #tpu.memory_space<vmem>>
    %dma_wait3A_496 = arith.constant 0 : i32
    %dma_wait3A_497 = tpu.memref_slice %arg5[%add3A_488, %dma_wait3A_496] : memref<160000x128xf32, #tpu.memory_space<hbm>> -> memref<200x128xf32, #tpu.memory_space<hbm>>
    %dma_wait3A_498 = arith.constant 0 : i32
    %dma_wait3A_499 = tpu.memref_slice %arg5[%add3A_488, %dma_wait3A_498] : memref<160000x128xf32, #tpu.memory_space<hbm>> -> memref<200x128xf32, #tpu.memory_space<hbm>>
    %dma_wait3A_500 = arith.constant 0 : i32
    %dma_wait3A_501 = arith.constant 0 : i32
    %dma_wait3A_502 = tpu.memref_slice %arg8[%rem3A_486, %dma_wait3A_500, %dma_wait3A_501] : memref<3x200x128xf32, #tpu.memory_space<vmem>> -> memref<1x200x128xf32, #tpu.memory_space<vmem>>
    %dma_wait3A_503 = tpu.memref_squeeze %dma_wait3A_502 : memref<1x200x128xf32, #tpu.memory_space<vmem>> -> memref<200x128xf32, #tpu.memory_space<vmem>>
    tpu.wait_dma2 semaphore(%arg12 : memref<!tpu.dma_semaphore, #tpu.memory_space<semaphore_mem>>) src(%dma_wait3A_503 : memref<200x128xf32, #tpu.memory_space<vmem>>) dst(%dma_wait3A_499 : memref<200x128xf32, #tpu.memory_space<hbm>>)
    %dma_wait3A_504 = tpu.memref_slice %arg9[%multiple_of3A_491] : memref<600xf32, #tpu.memory_space<vmem>> -> memref<200xf32, #tpu.memory_space<vmem>>
    %dma_wait3A_505 = tpu.memref_slice %arg6[%add3A_488] : memref<160000xf32, #tpu.memory_space<hbm>> -> memref<200xf32, #tpu.memory_space<hbm>>
    %dma_wait3A_506 = tpu.memref_slice %arg6[%add3A_488] : memref<160000xf32, #tpu.memory_space<hbm>> -> memref<200xf32, #tpu.memory_space<hbm>>
    %dma_wait3A_507 = tpu.memref_slice %arg9[%multiple_of3A_491] : memref<600xf32, #tpu.memory_space<vmem>> -> memref<200xf32, #tpu.memory_space<vmem>>
    tpu.wait_dma2 semaphore(%arg13 : memref<!tpu.dma_semaphore, #tpu.memory_space<semaphore_mem>>) src(%dma_wait3A_507 : memref<200xf32, #tpu.memory_space<vmem>>) dst(%dma_wait3A_506 : memref<200xf32, #tpu.memory_space<hbm>>)
    %rem3A_508 = arith.constant 24 : i32
    %rem3A_509 = arith.constant 3 : i32
    %rem3A_510 = arith.remsi %rem3A_508, %rem3A_509 : i32
    %mul3A_511 = arith.constant 200 : i32
    %mul3A_512 = arith.muli %rem3A_510, %mul3A_511 : i32
    %multiple_of3A_513 = tpu.assume_multiple %mul3A_512, 8 : i32
    %add3A_514 = arith.constant 0 : i32
    %add3A_515 = arith.addi %multiple_of3A_513, %add3A_514 : i32
    %add3A_516 = arith.constant 40 : i32
    %add3A_517 = arith.addi %multiple_of3A_513, %add3A_516 : i32
    %add3A_518 = arith.constant 80 : i32
    %add3A_519 = arith.addi %multiple_of3A_513, %add3A_518 : i32
    %add3A_520 = arith.constant 120 : i32
    %add3A_521 = arith.addi %multiple_of3A_513, %add3A_520 : i32
    %add3A_522 = arith.constant 160 : i32
    %add3A_523 = arith.addi %multiple_of3A_513, %add3A_522 : i32
    %dma_wait3A_524 = arith.constant 0 : i32
    %dma_wait3A_525 = arith.constant 0 : i32
    %dma_wait3A_526 = tpu.memref_slice %arg8[%rem3A_510, %dma_wait3A_524, %dma_wait3A_525] : memref<3x200x128xf32, #tpu.memory_space<vmem>> -> memref<1x40x128xf32, #tpu.memory_space<vmem>>
    %dma_wait3A_527 = tpu.memref_squeeze %dma_wait3A_526 : memref<1x40x128xf32, #tpu.memory_space<vmem>> -> memref<40x128xf32, #tpu.memory_space<vmem>>
    %dma_wait3A_528 = arith.constant 4800 : i32
    %dma_wait3A_529 = tpu.memref_slice %arg7[%dma_wait3A_528] : memref<5000xi32, #tpu.memory_space<vmem>> -> memref<40xi32, #tpu.memory_space<vmem>>
    %dma_wait3A_530 = arith.constant 0 : i32
    %dma_wait3A_531 = arith.constant 0 : i32
    %dma_wait3A_532 = tpu.memref_slice %arg2[%dma_wait3A_530, %dma_wait3A_531] : memref<10000x128xf32, #tpu.memory_space<hbm>> -> memref<10000x128xf32, #tpu.memory_space<hbm>>
    tpu.wait_indirect_dma semaphore(%arg10 : memref<!tpu.dma_semaphore, #tpu.memory_space<semaphore_mem>>) src(%dma_wait3A_532 : memref<10000x128xf32, #tpu.memory_space<hbm>>) dst(%dma_wait3A_527 : memref<40x128xf32, #tpu.memory_space<vmem>>)
    %dma_wait3A_533 = tpu.memref_slice %arg9[%add3A_515] : memref<600xf32, #tpu.memory_space<vmem>> -> memref<40xf32, #tpu.memory_space<vmem>>
    %dma_wait3A_534 = arith.constant 4800 : i32
    %dma_wait3A_535 = tpu.memref_slice %arg7[%dma_wait3A_534] : memref<5000xi32, #tpu.memory_space<vmem>> -> memref<40xi32, #tpu.memory_space<vmem>>
    %dma_wait3A_536 = arith.constant 0 : i32
    %dma_wait3A_537 = tpu.memref_slice %arg3[%dma_wait3A_536] : memref<10000xf32, #tpu.memory_space<hbm>> -> memref<10000xf32, #tpu.memory_space<hbm>>
    tpu.wait_indirect_dma semaphore(%arg11 : memref<!tpu.dma_semaphore, #tpu.memory_space<semaphore_mem>>) src(%dma_wait3A_537 : memref<10000xf32, #tpu.memory_space<hbm>>) dst(%dma_wait3A_533 : memref<40xf32, #tpu.memory_space<vmem>>)
    %dma_wait3A_538 = arith.constant 40 : i32
    %dma_wait3A_539 = arith.constant 0 : i32
    %dma_wait3A_540 = tpu.memref_slice %arg8[%rem3A_510, %dma_wait3A_538, %dma_wait3A_539] : memref<3x200x128xf32, #tpu.memory_space<vmem>> -> memref<1x40x128xf32, #tpu.memory_space<vmem>>
    %dma_wait3A_541 = tpu.memref_squeeze %dma_wait3A_540 : memref<1x40x128xf32, #tpu.memory_space<vmem>> -> memref<40x128xf32, #tpu.memory_space<vmem>>
    %dma_wait3A_542 = arith.constant 4840 : i32
    %dma_wait3A_543 = tpu.memref_slice %arg7[%dma_wait3A_542] : memref<5000xi32, #tpu.memory_space<vmem>> -> memref<40xi32, #tpu.memory_space<vmem>>
    %dma_wait3A_544 = arith.constant 0 : i32
    %dma_wait3A_545 = arith.constant 0 : i32
    %dma_wait3A_546 = tpu.memref_slice %arg2[%dma_wait3A_544, %dma_wait3A_545] : memref<10000x128xf32, #tpu.memory_space<hbm>> -> memref<10000x128xf32, #tpu.memory_space<hbm>>
    tpu.wait_indirect_dma semaphore(%arg10 : memref<!tpu.dma_semaphore, #tpu.memory_space<semaphore_mem>>) src(%dma_wait3A_546 : memref<10000x128xf32, #tpu.memory_space<hbm>>) dst(%dma_wait3A_541 : memref<40x128xf32, #tpu.memory_space<vmem>>)
    %dma_wait3A_547 = tpu.memref_slice %arg9[%add3A_517] : memref<600xf32, #tpu.memory_space<vmem>> -> memref<40xf32, #tpu.memory_space<vmem>>
    %dma_wait3A_548 = arith.constant 4840 : i32
    %dma_wait3A_549 = tpu.memref_slice %arg7[%dma_wait3A_548] : memref<5000xi32, #tpu.memory_space<vmem>> -> memref<40xi32, #tpu.memory_space<vmem>>
    %dma_wait3A_550 = arith.constant 0 : i32
    %dma_wait3A_551 = tpu.memref_slice %arg3[%dma_wait3A_550] : memref<10000xf32, #tpu.memory_space<hbm>> -> memref<10000xf32, #tpu.memory_space<hbm>>
    tpu.wait_indirect_dma semaphore(%arg11 : memref<!tpu.dma_semaphore, #tpu.memory_space<semaphore_mem>>) src(%dma_wait3A_551 : memref<10000xf32, #tpu.memory_space<hbm>>) dst(%dma_wait3A_547 : memref<40xf32, #tpu.memory_space<vmem>>)
    %dma_wait3A_552 = arith.constant 80 : i32
    %dma_wait3A_553 = arith.constant 0 : i32
    %dma_wait3A_554 = tpu.memref_slice %arg8[%rem3A_510, %dma_wait3A_552, %dma_wait3A_553] : memref<3x200x128xf32, #tpu.memory_space<vmem>> -> memref<1x40x128xf32, #tpu.memory_space<vmem>>
    %dma_wait3A_555 = tpu.memref_squeeze %dma_wait3A_554 : memref<1x40x128xf32, #tpu.memory_space<vmem>> -> memref<40x128xf32, #tpu.memory_space<vmem>>
    %dma_wait3A_556 = arith.constant 4880 : i32
    %dma_wait3A_557 = tpu.memref_slice %arg7[%dma_wait3A_556] : memref<5000xi32, #tpu.memory_space<vmem>> -> memref<40xi32, #tpu.memory_space<vmem>>
    %dma_wait3A_558 = arith.constant 0 : i32
    %dma_wait3A_559 = arith.constant 0 : i32
    %dma_wait3A_560 = tpu.memref_slice %arg2[%dma_wait3A_558, %dma_wait3A_559] : memref<10000x128xf32, #tpu.memory_space<hbm>> -> memref<10000x128xf32, #tpu.memory_space<hbm>>
    tpu.wait_indirect_dma semaphore(%arg10 : memref<!tpu.dma_semaphore, #tpu.memory_space<semaphore_mem>>) src(%dma_wait3A_560 : memref<10000x128xf32, #tpu.memory_space<hbm>>) dst(%dma_wait3A_555 : memref<40x128xf32, #tpu.memory_space<vmem>>)
    %dma_wait3A_561 = tpu.memref_slice %arg9[%add3A_519] : memref<600xf32, #tpu.memory_space<vmem>> -> memref<40xf32, #tpu.memory_space<vmem>>
    %dma_wait3A_562 = arith.constant 4880 : i32
    %dma_wait3A_563 = tpu.memref_slice %arg7[%dma_wait3A_562] : memref<5000xi32, #tpu.memory_space<vmem>> -> memref<40xi32, #tpu.memory_space<vmem>>
    %dma_wait3A_564 = arith.constant 0 : i32
    %dma_wait3A_565 = tpu.memref_slice %arg3[%dma_wait3A_564] : memref<10000xf32, #tpu.memory_space<hbm>> -> memref<10000xf32, #tpu.memory_space<hbm>>
    tpu.wait_indirect_dma semaphore(%arg11 : memref<!tpu.dma_semaphore, #tpu.memory_space<semaphore_mem>>) src(%dma_wait3A_565 : memref<10000xf32, #tpu.memory_space<hbm>>) dst(%dma_wait3A_561 : memref<40xf32, #tpu.memory_space<vmem>>)
    %dma_wait3A_566 = arith.constant 120 : i32
    %dma_wait3A_567 = arith.constant 0 : i32
    %dma_wait3A_568 = tpu.memref_slice %arg8[%rem3A_510, %dma_wait3A_566, %dma_wait3A_567] : memref<3x200x128xf32, #tpu.memory_space<vmem>> -> memref<1x40x128xf32, #tpu.memory_space<vmem>>
    %dma_wait3A_569 = tpu.memref_squeeze %dma_wait3A_568 : memref<1x40x128xf32, #tpu.memory_space<vmem>> -> memref<40x128xf32, #tpu.memory_space<vmem>>
    %dma_wait3A_570 = arith.constant 4920 : i32
    %dma_wait3A_571 = tpu.memref_slice %arg7[%dma_wait3A_570] : memref<5000xi32, #tpu.memory_space<vmem>> -> memref<40xi32, #tpu.memory_space<vmem>>
    %dma_wait3A_572 = arith.constant 0 : i32
    %dma_wait3A_573 = arith.constant 0 : i32
    %dma_wait3A_574 = tpu.memref_slice %arg2[%dma_wait3A_572, %dma_wait3A_573] : memref<10000x128xf32, #tpu.memory_space<hbm>> -> memref<10000x128xf32, #tpu.memory_space<hbm>>
    tpu.wait_indirect_dma semaphore(%arg10 : memref<!tpu.dma_semaphore, #tpu.memory_space<semaphore_mem>>) src(%dma_wait3A_574 : memref<10000x128xf32, #tpu.memory_space<hbm>>) dst(%dma_wait3A_569 : memref<40x128xf32, #tpu.memory_space<vmem>>)
    %dma_wait3A_575 = tpu.memref_slice %arg9[%add3A_521] : memref<600xf32, #tpu.memory_space<vmem>> -> memref<40xf32, #tpu.memory_space<vmem>>
    %dma_wait3A_576 = arith.constant 4920 : i32
    %dma_wait3A_577 = tpu.memref_slice %arg7[%dma_wait3A_576] : memref<5000xi32, #tpu.memory_space<vmem>> -> memref<40xi32, #tpu.memory_space<vmem>>
    %dma_wait3A_578 = arith.constant 0 : i32
    %dma_wait3A_579 = tpu.memref_slice %arg3[%dma_wait3A_578] : memref<10000xf32, #tpu.memory_space<hbm>> -> memref<10000xf32, #tpu.memory_space<hbm>>
    tpu.wait_indirect_dma semaphore(%arg11 : memref<!tpu.dma_semaphore, #tpu.memory_space<semaphore_mem>>) src(%dma_wait3A_579 : memref<10000xf32, #tpu.memory_space<hbm>>) dst(%dma_wait3A_575 : memref<40xf32, #tpu.memory_space<vmem>>)
    %dma_wait3A_580 = arith.constant 160 : i32
    %dma_wait3A_581 = arith.constant 0 : i32
    %dma_wait3A_582 = tpu.memref_slice %arg8[%rem3A_510, %dma_wait3A_580, %dma_wait3A_581] : memref<3x200x128xf32, #tpu.memory_space<vmem>> -> memref<1x40x128xf32, #tpu.memory_space<vmem>>
    %dma_wait3A_583 = tpu.memref_squeeze %dma_wait3A_582 : memref<1x40x128xf32, #tpu.memory_space<vmem>> -> memref<40x128xf32, #tpu.memory_space<vmem>>
    %dma_wait3A_584 = arith.constant 4960 : i32
    %dma_wait3A_585 = tpu.memref_slice %arg7[%dma_wait3A_584] : memref<5000xi32, #tpu.memory_space<vmem>> -> memref<40xi32, #tpu.memory_space<vmem>>
    %dma_wait3A_586 = arith.constant 0 : i32
    %dma_wait3A_587 = arith.constant 0 : i32
    %dma_wait3A_588 = tpu.memref_slice %arg2[%dma_wait3A_586, %dma_wait3A_587] : memref<10000x128xf32, #tpu.memory_space<hbm>> -> memref<10000x128xf32, #tpu.memory_space<hbm>>
    tpu.wait_indirect_dma semaphore(%arg10 : memref<!tpu.dma_semaphore, #tpu.memory_space<semaphore_mem>>) src(%dma_wait3A_588 : memref<10000x128xf32, #tpu.memory_space<hbm>>) dst(%dma_wait3A_583 : memref<40x128xf32, #tpu.memory_space<vmem>>)
    %dma_wait3A_589 = tpu.memref_slice %arg9[%add3A_523] : memref<600xf32, #tpu.memory_space<vmem>> -> memref<40xf32, #tpu.memory_space<vmem>>
    %dma_wait3A_590 = arith.constant 4960 : i32
    %dma_wait3A_591 = tpu.memref_slice %arg7[%dma_wait3A_590] : memref<5000xi32, #tpu.memory_space<vmem>> -> memref<40xi32, #tpu.memory_space<vmem>>
    %dma_wait3A_592 = arith.constant 0 : i32
    %dma_wait3A_593 = tpu.memref_slice %arg3[%dma_wait3A_592] : memref<10000xf32, #tpu.memory_space<hbm>> -> memref<10000xf32, #tpu.memory_space<hbm>>
    tpu.wait_indirect_dma semaphore(%arg11 : memref<!tpu.dma_semaphore, #tpu.memory_space<semaphore_mem>>) src(%dma_wait3A_593 : memref<10000xf32, #tpu.memory_space<hbm>>) dst(%dma_wait3A_589 : memref<40xf32, #tpu.memory_space<vmem>>)
    %rem3A_594 = arith.constant 24 : i32
    %rem3A_595 = arith.constant 3 : i32
    %rem3A_596 = arith.remsi %rem3A_594, %rem3A_595 : i32
    %add3A_597 = arith.constant 4800 : i32
    %add3A_598 = arith.addi %mul3A_2, %add3A_597 : i32
    %mul3A_599 = arith.constant 200 : i32
    %mul3A_600 = arith.muli %rem3A_596, %mul3A_599 : i32
    %multiple_of3A_601 = tpu.assume_multiple %mul3A_600, 8 : i32
    %dma_start3A_602 = arith.constant 0 : i32
    %dma_start3A_603 = arith.constant 0 : i32
    %dma_start3A_604 = tpu.memref_slice %arg8[%rem3A_596, %dma_start3A_602, %dma_start3A_603] : memref<3x200x128xf32, #tpu.memory_space<vmem>> -> memref<1x200x128xf32, #tpu.memory_space<vmem>>
    %dma_start3A_605 = tpu.memref_squeeze %dma_start3A_604 : memref<1x200x128xf32, #tpu.memory_space<vmem>> -> memref<200x128xf32, #tpu.memory_space<vmem>>
    %dma_start3A_606 = arith.constant 0 : i32
    %dma_start3A_607 = tpu.memref_slice %arg5[%add3A_598, %dma_start3A_606] : memref<160000x128xf32, #tpu.memory_space<hbm>> -> memref<200x128xf32, #tpu.memory_space<hbm>>
    %dma_start3A_608 = arith.constant 0 : i32
    %dma_start3A_609 = tpu.memref_slice %arg5[%add3A_598, %dma_start3A_608] : memref<160000x128xf32, #tpu.memory_space<hbm>> -> memref<200x128xf32, #tpu.memory_space<hbm>>
    %dma_start3A_610 = arith.constant 0 : i32
    %dma_start3A_611 = arith.constant 0 : i32
    %dma_start3A_612 = tpu.memref_slice %arg8[%rem3A_596, %dma_start3A_610, %dma_start3A_611] : memref<3x200x128xf32, #tpu.memory_space<vmem>> -> memref<1x200x128xf32, #tpu.memory_space<vmem>>
    %dma_start3A_613 = tpu.memref_squeeze %dma_start3A_612 : memref<1x200x128xf32, #tpu.memory_space<vmem>> -> memref<200x128xf32, #tpu.memory_space<vmem>>
    tpu.enqueue_dma source(%dma_start3A_613 : memref<200x128xf32, #tpu.memory_space<vmem>>) target(%dma_start3A_609 : memref<200x128xf32, #tpu.memory_space<hbm>>) target_semaphore(%arg12 : memref<!tpu.dma_semaphore, #tpu.memory_space<semaphore_mem>>)
    %dma_start3A_614 = tpu.memref_slice %arg9[%multiple_of3A_601] : memref<600xf32, #tpu.memory_space<vmem>> -> memref<200xf32, #tpu.memory_space<vmem>>
    %dma_start3A_615 = tpu.memref_slice %arg6[%add3A_598] : memref<160000xf32, #tpu.memory_space<hbm>> -> memref<200xf32, #tpu.memory_space<hbm>>
    %dma_start3A_616 = tpu.memref_slice %arg6[%add3A_598] : memref<160000xf32, #tpu.memory_space<hbm>> -> memref<200xf32, #tpu.memory_space<hbm>>
    %dma_start3A_617 = tpu.memref_slice %arg9[%multiple_of3A_601] : memref<600xf32, #tpu.memory_space<vmem>> -> memref<200xf32, #tpu.memory_space<vmem>>
    tpu.enqueue_dma source(%dma_start3A_617 : memref<200xf32, #tpu.memory_space<vmem>>) target(%dma_start3A_616 : memref<200xf32, #tpu.memory_space<hbm>>) target_semaphore(%arg13 : memref<!tpu.dma_semaphore, #tpu.memory_space<semaphore_mem>>)
    %rem3A_618 = arith.constant 23 : i32
    %rem3A_619 = arith.constant 3 : i32
    %rem3A_620 = arith.remsi %rem3A_618, %rem3A_619 : i32
    %add3A_621 = arith.constant 4600 : i32
    %add3A_622 = arith.addi %mul3A_2, %add3A_621 : i32
    %mul3A_623 = arith.constant 200 : i32
    %mul3A_624 = arith.muli %rem3A_620, %mul3A_623 : i32
    %multiple_of3A_625 = tpu.assume_multiple %mul3A_624, 8 : i32
    %dma_wait3A_626 = arith.constant 0 : i32
    %dma_wait3A_627 = arith.constant 0 : i32
    %dma_wait3A_628 = tpu.memref_slice %arg8[%rem3A_620, %dma_wait3A_626, %dma_wait3A_627] : memref<3x200x128xf32, #tpu.memory_space<vmem>> -> memref<1x200x128xf32, #tpu.memory_space<vmem>>
    %dma_wait3A_629 = tpu.memref_squeeze %dma_wait3A_628 : memref<1x200x128xf32, #tpu.memory_space<vmem>> -> memref<200x128xf32, #tpu.memory_space<vmem>>
    %dma_wait3A_630 = arith.constant 0 : i32
    %dma_wait3A_631 = tpu.memref_slice %arg5[%add3A_622, %dma_wait3A_630] : memref<160000x128xf32, #tpu.memory_space<hbm>> -> memref<200x128xf32, #tpu.memory_space<hbm>>
    %dma_wait3A_632 = arith.constant 0 : i32
    %dma_wait3A_633 = tpu.memref_slice %arg5[%add3A_622, %dma_wait3A_632] : memref<160000x128xf32, #tpu.memory_space<hbm>> -> memref<200x128xf32, #tpu.memory_space<hbm>>
    %dma_wait3A_634 = arith.constant 0 : i32
    %dma_wait3A_635 = arith.constant 0 : i32
    %dma_wait3A_636 = tpu.memref_slice %arg8[%rem3A_620, %dma_wait3A_634, %dma_wait3A_635] : memref<3x200x128xf32, #tpu.memory_space<vmem>> -> memref<1x200x128xf32, #tpu.memory_space<vmem>>
    %dma_wait3A_637 = tpu.memref_squeeze %dma_wait3A_636 : memref<1x200x128xf32, #tpu.memory_space<vmem>> -> memref<200x128xf32, #tpu.memory_space<vmem>>
    tpu.wait_dma2 semaphore(%arg12 : memref<!tpu.dma_semaphore, #tpu.memory_space<semaphore_mem>>) src(%dma_wait3A_637 : memref<200x128xf32, #tpu.memory_space<vmem>>) dst(%dma_wait3A_633 : memref<200x128xf32, #tpu.memory_space<hbm>>)
    %dma_wait3A_638 = tpu.memref_slice %arg9[%multiple_of3A_625] : memref<600xf32, #tpu.memory_space<vmem>> -> memref<200xf32, #tpu.memory_space<vmem>>
    %dma_wait3A_639 = tpu.memref_slice %arg6[%add3A_622] : memref<160000xf32, #tpu.memory_space<hbm>> -> memref<200xf32, #tpu.memory_space<hbm>>
    %dma_wait3A_640 = tpu.memref_slice %arg6[%add3A_622] : memref<160000xf32, #tpu.memory_space<hbm>> -> memref<200xf32, #tpu.memory_space<hbm>>
    %dma_wait3A_641 = tpu.memref_slice %arg9[%multiple_of3A_625] : memref<600xf32, #tpu.memory_space<vmem>> -> memref<200xf32, #tpu.memory_space<vmem>>
    tpu.wait_dma2 semaphore(%arg13 : memref<!tpu.dma_semaphore, #tpu.memory_space<semaphore_mem>>) src(%dma_wait3A_641 : memref<200xf32, #tpu.memory_space<vmem>>) dst(%dma_wait3A_640 : memref<200xf32, #tpu.memory_space<hbm>>)
    %rem3A_642 = arith.constant 24 : i32
    %rem3A_643 = arith.constant 3 : i32
    %rem3A_644 = arith.remsi %rem3A_642, %rem3A_643 : i32
    %add3A_645 = arith.constant 4800 : i32
    %add3A_646 = arith.addi %mul3A_2, %add3A_645 : i32
    %mul3A_647 = arith.constant 200 : i32
    %mul3A_648 = arith.muli %rem3A_644, %mul3A_647 : i32
    %multiple_of3A_649 = tpu.assume_multiple %mul3A_648, 8 : i32
    %dma_wait3A_650 = arith.constant 0 : i32
    %dma_wait3A_651 = arith.constant 0 : i32
    %dma_wait3A_652 = tpu.memref_slice %arg8[%rem3A_644, %dma_wait3A_650, %dma_wait3A_651] : memref<3x200x128xf32, #tpu.memory_space<vmem>> -> memref<1x200x128xf32, #tpu.memory_space<vmem>>
    %dma_wait3A_653 = tpu.memref_squeeze %dma_wait3A_652 : memref<1x200x128xf32, #tpu.memory_space<vmem>> -> memref<200x128xf32, #tpu.memory_space<vmem>>
    %dma_wait3A_654 = arith.constant 0 : i32
    %dma_wait3A_655 = tpu.memref_slice %arg5[%add3A_646, %dma_wait3A_654] : memref<160000x128xf32, #tpu.memory_space<hbm>> -> memref<200x128xf32, #tpu.memory_space<hbm>>
    %dma_wait3A_656 = arith.constant 0 : i32
    %dma_wait3A_657 = tpu.memref_slice %arg5[%add3A_646, %dma_wait3A_656] : memref<160000x128xf32, #tpu.memory_space<hbm>> -> memref<200x128xf32, #tpu.memory_space<hbm>>
    %dma_wait3A_658 = arith.constant 0 : i32
    %dma_wait3A_659 = arith.constant 0 : i32
    %dma_wait3A_660 = tpu.memref_slice %arg8[%rem3A_644, %dma_wait3A_658, %dma_wait3A_659] : memref<3x200x128xf32, #tpu.memory_space<vmem>> -> memref<1x200x128xf32, #tpu.memory_space<vmem>>
    %dma_wait3A_661 = tpu.memref_squeeze %dma_wait3A_660 : memref<1x200x128xf32, #tpu.memory_space<vmem>> -> memref<200x128xf32, #tpu.memory_space<vmem>>
    tpu.wait_dma2 semaphore(%arg12 : memref<!tpu.dma_semaphore, #tpu.memory_space<semaphore_mem>>) src(%dma_wait3A_661 : memref<200x128xf32, #tpu.memory_space<vmem>>) dst(%dma_wait3A_657 : memref<200x128xf32, #tpu.memory_space<hbm>>)
    %dma_wait3A_662 = tpu.memref_slice %arg9[%multiple_of3A_649] : memref<600xf32, #tpu.memory_space<vmem>> -> memref<200xf32, #tpu.memory_space<vmem>>
    %dma_wait3A_663 = tpu.memref_slice %arg6[%add3A_646] : memref<160000xf32, #tpu.memory_space<hbm>> -> memref<200xf32, #tpu.memory_space<hbm>>
    %dma_wait3A_664 = tpu.memref_slice %arg6[%add3A_646] : memref<160000xf32, #tpu.memory_space<hbm>> -> memref<200xf32, #tpu.memory_space<hbm>>
    %dma_wait3A_665 = tpu.memref_slice %arg9[%multiple_of3A_649] : memref<600xf32, #tpu.memory_space<vmem>> -> memref<200xf32, #tpu.memory_space<vmem>>
    tpu.wait_dma2 semaphore(%arg13 : memref<!tpu.dma_semaphore, #tpu.memory_space<semaphore_mem>>) src(%dma_wait3A_665 : memref<200xf32, #tpu.memory_space<vmem>>) dst(%dma_wait3A_664 : memref<200xf32, #tpu.memory_space<hbm>>)
    return
  }
}

module attributes {stable_mosaic.version = 14 : i64} {
  func.func @_tc_body(%arg0: i32, %arg1: memref<6400x128xf32, #tpu.memory_space<vmem>>, %arg2: memref<6400x16xf32, #tpu.memory_space<vmem>>, %arg3: memref<1x50x128xf32, #tpu.memory_space<vmem>>, %arg4: memref<1x50x128xf32, #tpu.memory_space<vmem>>, %arg5: memref<200x128xf32, #tpu.memory_space<vmem>>, %arg6: memref<1x128xf32, #tpu.memory_space<vmem>>, %arg7: memref<1x128xf32, #tpu.memory_space<vmem>>, %arg8: memref<128x256xf32, #tpu.memory_space<vmem>>, %arg9: memref<128x256xf32, #tpu.memory_space<vmem>>, %arg10: memref<1x256xf32, #tpu.memory_space<vmem>>, %arg11: memref<256x128xf32, #tpu.memory_space<vmem>>, %arg12: memref<256x16xf32, #tpu.memory_space<vmem>>, %arg13: memref<256x128xf32, #tpu.memory_space<vmem>>, %arg14: memref<128x256xf32, #tpu.memory_space<vmem>>, %arg15: memref<16x256xf32, #tpu.memory_space<vmem>>, %arg16: memref<128x256xf32, #tpu.memory_space<vmem>>, %arg17: memref<1x256xf32, #tpu.memory_space<vmem>>, %arg18: memref<256x256xf32, #tpu.memory_space<vmem>>, %arg19: memref<1x256xf32, #tpu.memory_space<vmem>>, %arg20: memref<384x128xf32, #tpu.memory_space<vmem>>, %arg21: memref<1x128xf32, #tpu.memory_space<vmem>>, %arg22: memref<128x128xf32, #tpu.memory_space<vmem>>, %arg23: memref<1x128xf32, #tpu.memory_space<vmem>>, %arg24: memref<200x128xf32, #tpu.memory_space<vmem>>) attributes {dimension_semantics = [#tpu.dimension_semantics<arbitrary>], iteration_bounds = array<i64: 25>, scalar_prefetch = 0 : i64, scratch_operands = 0 : i64, tpu.core_type = #tpu.core_type<tc>, window_params = [{transform_indices = @transform_0, window_bounds = array<i64: 6400, 128>}, {transform_indices = @transform_1, window_bounds = array<i64: 6400, 16>}, {transform_indices = @transform_2, window_bounds = array<i64: 1, 50, 128>}, {transform_indices = @transform_3, window_bounds = array<i64: 1, 50, 128>}, {transform_indices = @transform_4, window_bounds = array<i64: 200, 128>}, {pipeline_mode = #tpu.pipeline_mode<synchronous>, transform_indices = @transform_5, window_bounds = array<i64: 1, 128>}, {pipeline_mode = #tpu.pipeline_mode<synchronous>, transform_indices = @transform_6, window_bounds = array<i64: 1, 128>}, {pipeline_mode = #tpu.pipeline_mode<synchronous>, transform_indices = @transform_7, window_bounds = array<i64: 128, 256>}, {pipeline_mode = #tpu.pipeline_mode<synchronous>, transform_indices = @transform_8, window_bounds = array<i64: 128, 256>}, {pipeline_mode = #tpu.pipeline_mode<synchronous>, transform_indices = @transform_9, window_bounds = array<i64: 1, 256>}, {pipeline_mode = #tpu.pipeline_mode<synchronous>, transform_indices = @transform_10, window_bounds = array<i64: 256, 128>}, {pipeline_mode = #tpu.pipeline_mode<synchronous>, transform_indices = @transform_11, window_bounds = array<i64: 256, 16>}, {pipeline_mode = #tpu.pipeline_mode<synchronous>, transform_indices = @transform_12, window_bounds = array<i64: 256, 128>}, {pipeline_mode = #tpu.pipeline_mode<synchronous>, transform_indices = @transform_13, window_bounds = array<i64: 128, 256>}, {pipeline_mode = #tpu.pipeline_mode<synchronous>, transform_indices = @transform_14, window_bounds = array<i64: 16, 256>}, {pipeline_mode = #tpu.pipeline_mode<synchronous>, transform_indices = @transform_15, window_bounds = array<i64: 128, 256>}, {pipeline_mode = #tpu.pipeline_mode<synchronous>, transform_indices = @transform_16, window_bounds = array<i64: 1, 256>}, {pipeline_mode = #tpu.pipeline_mode<synchronous>, transform_indices = @transform_17, window_bounds = array<i64: 256, 256>}, {pipeline_mode = #tpu.pipeline_mode<synchronous>, transform_indices = @transform_18, window_bounds = array<i64: 1, 256>}, {pipeline_mode = #tpu.pipeline_mode<synchronous>, transform_indices = @transform_19, window_bounds = array<i64: 384, 128>}, {pipeline_mode = #tpu.pipeline_mode<synchronous>, transform_indices = @transform_20, window_bounds = array<i64: 1, 128>}, {pipeline_mode = #tpu.pipeline_mode<synchronous>, transform_indices = @transform_21, window_bounds = array<i64: 128, 128>}, {pipeline_mode = #tpu.pipeline_mode<synchronous>, transform_indices = @transform_22, window_bounds = array<i64: 1, 128>}, {transform_indices = @transform_23, window_bounds = array<i64: 200, 128>}]} {
    %get3A = arith.constant 0 : index
    %get3A_0 = arith.constant 0 : index
    %get3A_1 = vector.load %arg1[%get3A, %get3A_0] : memref<6400x128xf32, #tpu.memory_space<vmem>>, vector<6400x128xf32>
    %get3A_2 = arith.constant 0 : index
    %get3A_3 = arith.constant 0 : index
    %get3A_4 = vector.load %arg2[%get3A_2, %get3A_3] : memref<6400x16xf32, #tpu.memory_space<vmem>>, vector<6400x16xf32>
    %get3A_5 = arith.constant 0 : index
    %get3A_6 = arith.constant 0 : index
    %get3A_7 = arith.constant 0 : index
    %get3A_8 = vector.load %arg3[%get3A_5, %get3A_6, %get3A_7] : memref<1x50x128xf32, #tpu.memory_space<vmem>>, vector<1x50x128xf32>
    %get3A_9 = arith.constant 0 : index
    %get3A_10 = arith.constant 0 : index
    %get3A_11 = arith.constant 0 : index
    %get3A_12 = vector.load %arg4[%get3A_9, %get3A_10, %get3A_11] : memref<1x50x128xf32, #tpu.memory_space<vmem>>, vector<1x50x128xf32>
    %sub3A = arith.subf %get3A_8, %get3A_12 : vector<1x50x128xf32>
    %reshape3A = vector.shape_cast %sub3A : vector<1x50x128xf32> to vector<50x128xf32>
    %get3A_13 = arith.constant 0 : index
    %get3A_14 = arith.constant 0 : index
    %get3A_15 = vector.load %arg6[%get3A_13, %get3A_14] : memref<1x128xf32, #tpu.memory_space<vmem>>, vector<1x128xf32>
    %reshape3A_16 = vector.shape_cast %get3A_15 : vector<1x128xf32> to vector<1x1x128xf32>
    %get3A_17 = arith.constant 0 : index
    %get3A_18 = arith.constant 0 : index
    %get3A_19 = vector.load %arg7[%get3A_17, %get3A_18] : memref<1x128xf32, #tpu.memory_space<vmem>>, vector<1x128xf32>
    %reshape3A_20 = vector.shape_cast %get3A_19 : vector<1x128xf32> to vector<1x1x128xf32>
    %broadcast_in_dim3A = vector.shape_cast %reshape3A : vector<50x128xf32> to vector<50x128x1xf32>
    %mul3A = vector.broadcast %broadcast_in_dim3A : vector<50x128x1xf32> to vector<50x128x128xf32>
    %mul3A_21 = vector.broadcast %reshape3A_16 : vector<1x1x128xf32> to vector<50x128x128xf32>
    %mul3A_22 = arith.mulf %mul3A, %mul3A_21 : vector<50x128x128xf32>
    %add3A = vector.broadcast %reshape3A_20 : vector<1x1x128xf32> to vector<50x128x128xf32>
    %add3A_23 = arith.addf %mul3A_22, %add3A : vector<50x128x128xf32>
    %mul3A_24 = arith.constant 0.159154937 : f32
    %mul3A_25 = vector.broadcast %mul3A_24 : f32 to vector<50x128x128xf32>
    %mul3A_26 = arith.mulf %add3A_23, %mul3A_25 : vector<50x128x128xf32>
    %round3A = math.roundeven %mul3A_26 : vector<50x128x128xf32>
    %sub3A_27 = arith.subf %mul3A_26, %round3A : vector<50x128x128xf32>
    %mul3A_28 = arith.mulf %sub3A_27, %sub3A_27 : vector<50x128x128xf32>
    %mul3A_29 = arith.constant 45.6210518 : f32
    %mul3A_30 = vector.broadcast %mul3A_29 : f32 to vector<50x128x128xf32>
    %mul3A_31 = arith.mulf %mul3A_30, %mul3A_28 : vector<50x128x128xf32>
    %add3A_32 = arith.constant -82.3908081 : f32
    %add3A_33 = vector.broadcast %add3A_32 : f32 to vector<50x128x128xf32>
    %add3A_34 = arith.addf %mul3A_31, %add3A_33 : vector<50x128x128xf32>
    %mul3A_35 = arith.mulf %add3A_34, %mul3A_28 : vector<50x128x128xf32>
    %add3A_36 = arith.constant 64.6714401 : f32
    %add3A_37 = vector.broadcast %add3A_36 : f32 to vector<50x128x128xf32>
    %add3A_38 = arith.addf %mul3A_35, %add3A_37 : vector<50x128x128xf32>
    %mul3A_39 = arith.mulf %add3A_38, %mul3A_28 : vector<50x128x128xf32>
    %add3A_40 = arith.constant -19.7309418 : f32
    %add3A_41 = vector.broadcast %add3A_40 : f32 to vector<50x128x128xf32>
    %add3A_42 = arith.addf %mul3A_39, %add3A_41 : vector<50x128x128xf32>
    %mul3A_43 = arith.mulf %add3A_42, %mul3A_28 : vector<50x128x128xf32>
    %add3A_44 = arith.constant 0.999959051 : f32
    %add3A_45 = vector.broadcast %add3A_44 : f32 to vector<50x128x128xf32>
    %add3A_46 = arith.addf %mul3A_43, %add3A_45 : vector<50x128x128xf32>
    %reshape3A_47 = vector.shape_cast %add3A_46 : vector<50x128x128xf32> to vector<6400x128xf32>
    %get3A_48 = arith.constant 0 : index
    %get3A_49 = arith.constant 0 : index
    %get3A_50 = vector.load %arg7[%get3A_48, %get3A_49] : memref<1x128xf32, #tpu.memory_space<vmem>>, vector<1x128xf32>
    %get3A_51 = arith.constant 0 : index
    %get3A_52 = arith.constant 0 : index
    %get3A_53 = vector.load %arg5[%get3A_51, %get3A_52] : memref<200x128xf32, #tpu.memory_space<vmem>>, vector<200x128xf32>
    %cos3A = math.cos %get3A_50 : vector<1x128xf32>
    %get3A_54 = arith.constant 0 : index
    %get3A_55 = arith.constant 0 : index
    %get3A_56 = vector.load %arg9[%get3A_54, %get3A_55] : memref<128x256xf32, #tpu.memory_space<vmem>>, vector<128x256xf32>
    %dot_general3A = arith.constant dense<0.000000e+00> : vector<1x256xf32>
    %dot_general3A_57 = tpu.matmul %cos3A, %get3A_56, %dot_general3A {dimension_numbers = #tpu.dot_dimension_numbers<[1], [0], [0], [1], [0, 0, 1, 1], [], []>, transpose_lhs_hint = false} : vector<1x128xf32>, vector<128x256xf32>, vector<1x256xf32> -> vector<1x256xf32>
    %get3A_58 = arith.constant 0 : index
    %get3A_59 = arith.constant 0 : index
    %get3A_60 = vector.load %arg10[%get3A_58, %get3A_59] : memref<1x256xf32, #tpu.memory_space<vmem>>, vector<1x256xf32>
    %add3A_61 = arith.addf %dot_general3A_57, %get3A_60 : vector<1x256xf32>
    %get3A_62 = arith.constant 0 : index
    %get3A_63 = arith.constant 0 : index
    %get3A_64 = vector.load %arg8[%get3A_62, %get3A_63] : memref<128x256xf32, #tpu.memory_space<vmem>>, vector<128x256xf32>
    %dot_general3A_65 = arith.constant dense<0.000000e+00> : vector<200x256xf32>
    %dot_general3A_66 = tpu.matmul %get3A_53, %get3A_64, %dot_general3A_65 {dimension_numbers = #tpu.dot_dimension_numbers<[1], [0], [0], [1], [0, 0, 1, 1], [], []>, transpose_lhs_hint = false} : vector<200x128xf32>, vector<128x256xf32>, vector<200x256xf32> -> vector<200x256xf32>
    %add3A_67 = vector.broadcast %add3A_61 : vector<1x256xf32> to vector<200x256xf32>
    %add3A_68 = arith.addf %dot_general3A_66, %add3A_67 : vector<200x256xf32>
    %mul3A_69 = arith.constant 0.0883883461 : f32
    %mul3A_70 = vector.broadcast %mul3A_69 : f32 to vector<200x256xf32>
    %mul3A_71 = arith.mulf %add3A_68, %mul3A_70 : vector<200x256xf32>
    %reshape3A_72 = vector.shape_cast %get3A_1 : vector<6400x128xf32> to vector<200x32x128xf32>
    %reshape3A_73 = vector.shape_cast %get3A_4 : vector<6400x16xf32> to vector<200x32x16xf32>
    %reshape3A_74 = vector.shape_cast %reshape3A_47 : vector<6400x128xf32> to vector<200x32x128xf32>
    %slice3A = vector.extract_strided_slice %mul3A_71 {offsets = [0, 0], sizes = [200, 128], strides = [1, 1]} : vector<200x256xf32> to vector<200x128xf32>
    %get3A_75 = arith.constant 0 : index
    %get3A_76 = arith.constant 0 : index
    %get3A_77 = vector.load %arg11[%get3A_75, %get3A_76] : memref<256x128xf32, #tpu.memory_space<vmem>>, vector<128x128xf32>
    %dot_general3A_78 = arith.constant dense<0.000000e+00> : vector<200x128xf32>
    %dot_general3A_79 = tpu.matmul %slice3A, %get3A_77, %dot_general3A_78 {dimension_numbers = #tpu.dot_dimension_numbers<[1], [0], [0], [1], [0, 0, 1, 1], [], []>, transpose_lhs_hint = false} : vector<200x128xf32>, vector<128x128xf32>, vector<200x128xf32> -> vector<200x128xf32>
    %get3A_80 = arith.constant 0 : index
    %get3A_81 = arith.constant 0 : index
    %get3A_82 = vector.load %arg12[%get3A_80, %get3A_81] : memref<256x16xf32, #tpu.memory_space<vmem>>, vector<128x16xf32>
    %dot_general3A_83 = arith.constant dense<0.000000e+00> : vector<200x16xf32>
    %dot_general3A_84 = tpu.matmul %slice3A, %get3A_82, %dot_general3A_83 {dimension_numbers = #tpu.dot_dimension_numbers<[1], [0], [0], [1], [0, 0, 1, 1], [], []>, transpose_lhs_hint = false} : vector<200x128xf32>, vector<128x16xf32>, vector<200x16xf32> -> vector<200x16xf32>
    %get3A_85 = arith.constant 0 : index
    %get3A_86 = arith.constant 0 : index
    %get3A_87 = vector.load %arg13[%get3A_85, %get3A_86] : memref<256x128xf32, #tpu.memory_space<vmem>>, vector<128x128xf32>
    %dot_general3A_88 = arith.constant dense<0.000000e+00> : vector<200x128xf32>
    %dot_general3A_89 = tpu.matmul %slice3A, %get3A_87, %dot_general3A_88 {dimension_numbers = #tpu.dot_dimension_numbers<[1], [0], [0], [1], [0, 0, 1, 1], [], []>, transpose_lhs_hint = false} : vector<200x128xf32>, vector<128x128xf32>, vector<200x128xf32> -> vector<200x128xf32>
    %broadcast_in_dim3A_90 = vector.shape_cast %dot_general3A_79 : vector<200x128xf32> to vector<200x1x128xf32>
    %mul3A_91 = vector.broadcast %broadcast_in_dim3A_90 : vector<200x1x128xf32> to vector<200x32x128xf32>
    %mul3A_92 = arith.mulf %reshape3A_72, %mul3A_91 : vector<200x32x128xf32>
    %broadcast_in_dim3A_93 = vector.shape_cast %dot_general3A_89 : vector<200x128xf32> to vector<200x1x128xf32>
    %mul3A_94 = vector.broadcast %broadcast_in_dim3A_93 : vector<200x1x128xf32> to vector<200x32x128xf32>
    %mul3A_95 = arith.mulf %reshape3A_74, %mul3A_94 : vector<200x32x128xf32>
    %add3A_96 = arith.addf %mul3A_92, %mul3A_95 : vector<200x32x128xf32>
    %reduce_sum3A = arith.constant dense<0.000000e+00> : vector<200x32xf32>
    %reduce_sum3A_97 = vector.multi_reduction <add>, %add3A_96, %reduce_sum3A [2] : vector<200x32x128xf32> to vector<200x32xf32>
    %broadcast_in_dim3A_98 = vector.shape_cast %reduce_sum3A_97 : vector<200x32xf32> to vector<200x32x1xf32>
    %broadcast_in_dim3A_99 = vector.shape_cast %dot_general3A_84 : vector<200x16xf32> to vector<200x1x16xf32>
    %mul3A_100 = vector.broadcast %broadcast_in_dim3A_99 : vector<200x1x16xf32> to vector<200x32x16xf32>
    %mul3A_101 = arith.mulf %reshape3A_73, %mul3A_100 : vector<200x32x16xf32>
    %reduce_sum3A_102 = arith.constant dense<0.000000e+00> : vector<200x32xf32>
    %reduce_sum3A_103 = vector.multi_reduction <add>, %mul3A_101, %reduce_sum3A_102 [2] : vector<200x32x16xf32> to vector<200x32xf32>
    %broadcast_in_dim3A_104 = vector.shape_cast %reduce_sum3A_103 : vector<200x32xf32> to vector<200x32x1xf32>
    %add3A_105 = arith.addf %broadcast_in_dim3A_98, %broadcast_in_dim3A_104 : vector<200x32x1xf32>
    %reduce_max3A = arith.constant dense<0xFF800000> : vector<200x1xf32>
    %reduce_max3A_106 = vector.multi_reduction <maximumf>, %add3A_105, %reduce_max3A [1] : vector<200x32x1xf32> to vector<200x1xf32>
    %broadcast_in_dim3A_107 = vector.shape_cast %reduce_max3A_106 : vector<200x1xf32> to vector<200x1x1xf32>
    %sub3A_108 = vector.broadcast %broadcast_in_dim3A_107 : vector<200x1x1xf32> to vector<200x32x1xf32>
    %sub3A_109 = arith.subf %add3A_105, %sub3A_108 : vector<200x32x1xf32>
    %exp3A = math.exp %sub3A_109 : vector<200x32x1xf32>
    %reduce_sum3A_110 = arith.constant dense<0.000000e+00> : vector<200x1xf32>
    %reduce_sum3A_111 = vector.multi_reduction <add>, %exp3A, %reduce_sum3A_110 [1] : vector<200x32x1xf32> to vector<200x1xf32>
    %broadcast_in_dim3A_112 = vector.shape_cast %reduce_sum3A_111 : vector<200x1xf32> to vector<200x1x1xf32>
    %div3A = arith.constant 1.000000e+00 : f32
    %div3A_113 = vector.broadcast %div3A : f32 to vector<200x1x1xf32>
    %div3A_114 = arith.divf %div3A_113, %broadcast_in_dim3A_112 : vector<200x1x1xf32>
    %mul3A_115 = vector.broadcast %div3A_114 : vector<200x1x1xf32> to vector<200x32x1xf32>
    %mul3A_116 = arith.mulf %exp3A, %mul3A_115 : vector<200x32x1xf32>
    %mul3A_117 = vector.broadcast %mul3A_116 : vector<200x32x1xf32> to vector<200x32x128xf32>
    %mul3A_118 = arith.mulf %reshape3A_72, %mul3A_117 : vector<200x32x128xf32>
    %reduce_sum3A_119 = arith.constant dense<0.000000e+00> : vector<200x128xf32>
    %reduce_sum3A_120 = vector.multi_reduction <add>, %mul3A_118, %reduce_sum3A_119 [1] : vector<200x32x128xf32> to vector<200x128xf32>
    %mul3A_121 = vector.broadcast %mul3A_116 : vector<200x32x1xf32> to vector<200x32x16xf32>
    %mul3A_122 = arith.mulf %reshape3A_73, %mul3A_121 : vector<200x32x16xf32>
    %reduce_sum3A_123 = arith.constant dense<0.000000e+00> : vector<200x16xf32>
    %reduce_sum3A_124 = vector.multi_reduction <add>, %mul3A_122, %reduce_sum3A_123 [1] : vector<200x32x16xf32> to vector<200x16xf32>
    %mul3A_125 = vector.broadcast %mul3A_116 : vector<200x32x1xf32> to vector<200x32x128xf32>
    %mul3A_126 = arith.mulf %reshape3A_74, %mul3A_125 : vector<200x32x128xf32>
    %reduce_sum3A_127 = arith.constant dense<0.000000e+00> : vector<200x128xf32>
    %reduce_sum3A_128 = vector.multi_reduction <add>, %mul3A_126, %reduce_sum3A_127 [1] : vector<200x32x128xf32> to vector<200x128xf32>
    %get3A_129 = arith.constant 0 : index
    %get3A_130 = arith.constant 0 : index
    %get3A_131 = vector.load %arg14[%get3A_129, %get3A_130] : memref<128x256xf32, #tpu.memory_space<vmem>>, vector<128x128xf32>
    %dot_general3A_132 = arith.constant dense<0.000000e+00> : vector<200x128xf32>
    %dot_general3A_133 = tpu.matmul %reduce_sum3A_120, %get3A_131, %dot_general3A_132 {dimension_numbers = #tpu.dot_dimension_numbers<[1], [0], [0], [1], [0, 0, 1, 1], [], []>, transpose_lhs_hint = false} : vector<200x128xf32>, vector<128x128xf32>, vector<200x128xf32> -> vector<200x128xf32>
    %get3A_134 = arith.constant 0 : index
    %get3A_135 = arith.constant 0 : index
    %get3A_136 = vector.load %arg15[%get3A_134, %get3A_135] : memref<16x256xf32, #tpu.memory_space<vmem>>, vector<16x128xf32>
    %dot_general3A_137 = arith.constant dense<0.000000e+00> : vector<200x128xf32>
    %dot_general3A_138 = tpu.matmul %reduce_sum3A_124, %get3A_136, %dot_general3A_137 {dimension_numbers = #tpu.dot_dimension_numbers<[1], [0], [0], [1], [0, 0, 1, 1], [], []>, transpose_lhs_hint = false} : vector<200x16xf32>, vector<16x128xf32>, vector<200x128xf32> -> vector<200x128xf32>
    %add3A_139 = arith.addf %dot_general3A_133, %dot_general3A_138 : vector<200x128xf32>
    %get3A_140 = arith.constant 0 : index
    %get3A_141 = arith.constant 0 : index
    %get3A_142 = vector.load %arg16[%get3A_140, %get3A_141] : memref<128x256xf32, #tpu.memory_space<vmem>>, vector<128x128xf32>
    %dot_general3A_143 = arith.constant dense<0.000000e+00> : vector<200x128xf32>
    %dot_general3A_144 = tpu.matmul %reduce_sum3A_128, %get3A_142, %dot_general3A_143 {dimension_numbers = #tpu.dot_dimension_numbers<[1], [0], [0], [1], [0, 0, 1, 1], [], []>, transpose_lhs_hint = false} : vector<200x128xf32>, vector<128x128xf32>, vector<200x128xf32> -> vector<200x128xf32>
    %add3A_145 = arith.addf %add3A_139, %dot_general3A_144 : vector<200x128xf32>
    %get3A_146 = arith.constant 0 : index
    %get3A_147 = arith.constant 0 : index
    %get3A_148 = vector.load %arg17[%get3A_146, %get3A_147] : memref<1x256xf32, #tpu.memory_space<vmem>>, vector<1x128xf32>
    %add3A_149 = vector.broadcast %get3A_148 : vector<1x128xf32> to vector<200x128xf32>
    %add3A_150 = arith.addf %add3A_145, %add3A_149 : vector<200x128xf32>
    %slice3A_151 = vector.extract_strided_slice %mul3A_71 {offsets = [0, 128], sizes = [200, 128], strides = [1, 1]} : vector<200x256xf32> to vector<200x128xf32>
    %get3A_152 = arith.constant 128 : index
    %get3A_153 = arith.constant 0 : index
    %get3A_154 = vector.load %arg11[%get3A_152, %get3A_153] : memref<256x128xf32, #tpu.memory_space<vmem>>, vector<128x128xf32>
    %dot_general3A_155 = arith.constant dense<0.000000e+00> : vector<200x128xf32>
    %dot_general3A_156 = tpu.matmul %slice3A_151, %get3A_154, %dot_general3A_155 {dimension_numbers = #tpu.dot_dimension_numbers<[1], [0], [0], [1], [0, 0, 1, 1], [], []>, transpose_lhs_hint = false} : vector<200x128xf32>, vector<128x128xf32>, vector<200x128xf32> -> vector<200x128xf32>
    %get3A_157 = arith.constant 128 : index
    %get3A_158 = arith.constant 0 : index
    %get3A_159 = vector.load %arg12[%get3A_157, %get3A_158] : memref<256x16xf32, #tpu.memory_space<vmem>>, vector<128x16xf32>
    %dot_general3A_160 = arith.constant dense<0.000000e+00> : vector<200x16xf32>
    %dot_general3A_161 = tpu.matmul %slice3A_151, %get3A_159, %dot_general3A_160 {dimension_numbers = #tpu.dot_dimension_numbers<[1], [0], [0], [1], [0, 0, 1, 1], [], []>, transpose_lhs_hint = false} : vector<200x128xf32>, vector<128x16xf32>, vector<200x16xf32> -> vector<200x16xf32>
    %get3A_162 = arith.constant 128 : index
    %get3A_163 = arith.constant 0 : index
    %get3A_164 = vector.load %arg13[%get3A_162, %get3A_163] : memref<256x128xf32, #tpu.memory_space<vmem>>, vector<128x128xf32>
    %dot_general3A_165 = arith.constant dense<0.000000e+00> : vector<200x128xf32>
    %dot_general3A_166 = tpu.matmul %slice3A_151, %get3A_164, %dot_general3A_165 {dimension_numbers = #tpu.dot_dimension_numbers<[1], [0], [0], [1], [0, 0, 1, 1], [], []>, transpose_lhs_hint = false} : vector<200x128xf32>, vector<128x128xf32>, vector<200x128xf32> -> vector<200x128xf32>
    %broadcast_in_dim3A_167 = vector.shape_cast %dot_general3A_156 : vector<200x128xf32> to vector<200x1x128xf32>
    %mul3A_168 = vector.broadcast %broadcast_in_dim3A_167 : vector<200x1x128xf32> to vector<200x32x128xf32>
    %mul3A_169 = arith.mulf %reshape3A_72, %mul3A_168 : vector<200x32x128xf32>
    %broadcast_in_dim3A_170 = vector.shape_cast %dot_general3A_166 : vector<200x128xf32> to vector<200x1x128xf32>
    %mul3A_171 = vector.broadcast %broadcast_in_dim3A_170 : vector<200x1x128xf32> to vector<200x32x128xf32>
    %mul3A_172 = arith.mulf %reshape3A_74, %mul3A_171 : vector<200x32x128xf32>
    %add3A_173 = arith.addf %mul3A_169, %mul3A_172 : vector<200x32x128xf32>
    %reduce_sum3A_174 = arith.constant dense<0.000000e+00> : vector<200x32xf32>
    %reduce_sum3A_175 = vector.multi_reduction <add>, %add3A_173, %reduce_sum3A_174 [2] : vector<200x32x128xf32> to vector<200x32xf32>
    %broadcast_in_dim3A_176 = vector.shape_cast %reduce_sum3A_175 : vector<200x32xf32> to vector<200x32x1xf32>
    %broadcast_in_dim3A_177 = vector.shape_cast %dot_general3A_161 : vector<200x16xf32> to vector<200x1x16xf32>
    %mul3A_178 = vector.broadcast %broadcast_in_dim3A_177 : vector<200x1x16xf32> to vector<200x32x16xf32>
    %mul3A_179 = arith.mulf %reshape3A_73, %mul3A_178 : vector<200x32x16xf32>
    %reduce_sum3A_180 = arith.constant dense<0.000000e+00> : vector<200x32xf32>
    %reduce_sum3A_181 = vector.multi_reduction <add>, %mul3A_179, %reduce_sum3A_180 [2] : vector<200x32x16xf32> to vector<200x32xf32>
    %broadcast_in_dim3A_182 = vector.shape_cast %reduce_sum3A_181 : vector<200x32xf32> to vector<200x32x1xf32>
    %add3A_183 = arith.addf %broadcast_in_dim3A_176, %broadcast_in_dim3A_182 : vector<200x32x1xf32>
    %reduce_max3A_184 = arith.constant dense<0xFF800000> : vector<200x1xf32>
    %reduce_max3A_185 = vector.multi_reduction <maximumf>, %add3A_183, %reduce_max3A_184 [1] : vector<200x32x1xf32> to vector<200x1xf32>
    %broadcast_in_dim3A_186 = vector.shape_cast %reduce_max3A_185 : vector<200x1xf32> to vector<200x1x1xf32>
    %sub3A_187 = vector.broadcast %broadcast_in_dim3A_186 : vector<200x1x1xf32> to vector<200x32x1xf32>
    %sub3A_188 = arith.subf %add3A_183, %sub3A_187 : vector<200x32x1xf32>
    %exp3A_189 = math.exp %sub3A_188 : vector<200x32x1xf32>
    %reduce_sum3A_190 = arith.constant dense<0.000000e+00> : vector<200x1xf32>
    %reduce_sum3A_191 = vector.multi_reduction <add>, %exp3A_189, %reduce_sum3A_190 [1] : vector<200x32x1xf32> to vector<200x1xf32>
    %broadcast_in_dim3A_192 = vector.shape_cast %reduce_sum3A_191 : vector<200x1xf32> to vector<200x1x1xf32>
    %div3A_193 = arith.constant 1.000000e+00 : f32
    %div3A_194 = vector.broadcast %div3A_193 : f32 to vector<200x1x1xf32>
    %div3A_195 = arith.divf %div3A_194, %broadcast_in_dim3A_192 : vector<200x1x1xf32>
    %mul3A_196 = vector.broadcast %div3A_195 : vector<200x1x1xf32> to vector<200x32x1xf32>
    %mul3A_197 = arith.mulf %exp3A_189, %mul3A_196 : vector<200x32x1xf32>
    %mul3A_198 = vector.broadcast %mul3A_197 : vector<200x32x1xf32> to vector<200x32x128xf32>
    %mul3A_199 = arith.mulf %reshape3A_72, %mul3A_198 : vector<200x32x128xf32>
    %reduce_sum3A_200 = arith.constant dense<0.000000e+00> : vector<200x128xf32>
    %reduce_sum3A_201 = vector.multi_reduction <add>, %mul3A_199, %reduce_sum3A_200 [1] : vector<200x32x128xf32> to vector<200x128xf32>
    %mul3A_202 = vector.broadcast %mul3A_197 : vector<200x32x1xf32> to vector<200x32x16xf32>
    %mul3A_203 = arith.mulf %reshape3A_73, %mul3A_202 : vector<200x32x16xf32>
    %reduce_sum3A_204 = arith.constant dense<0.000000e+00> : vector<200x16xf32>
    %reduce_sum3A_205 = vector.multi_reduction <add>, %mul3A_203, %reduce_sum3A_204 [1] : vector<200x32x16xf32> to vector<200x16xf32>
    %mul3A_206 = vector.broadcast %mul3A_197 : vector<200x32x1xf32> to vector<200x32x128xf32>
    %mul3A_207 = arith.mulf %reshape3A_74, %mul3A_206 : vector<200x32x128xf32>
    %reduce_sum3A_208 = arith.constant dense<0.000000e+00> : vector<200x128xf32>
    %reduce_sum3A_209 = vector.multi_reduction <add>, %mul3A_207, %reduce_sum3A_208 [1] : vector<200x32x128xf32> to vector<200x128xf32>
    %get3A_210 = arith.constant 0 : index
    %get3A_211 = arith.constant 128 : index
    %get3A_212 = vector.load %arg14[%get3A_210, %get3A_211] : memref<128x256xf32, #tpu.memory_space<vmem>>, vector<128x128xf32>
    %dot_general3A_213 = arith.constant dense<0.000000e+00> : vector<200x128xf32>
    %dot_general3A_214 = tpu.matmul %reduce_sum3A_201, %get3A_212, %dot_general3A_213 {dimension_numbers = #tpu.dot_dimension_numbers<[1], [0], [0], [1], [0, 0, 1, 1], [], []>, transpose_lhs_hint = false} : vector<200x128xf32>, vector<128x128xf32>, vector<200x128xf32> -> vector<200x128xf32>
    %get3A_215 = arith.constant 0 : index
    %get3A_216 = arith.constant 128 : index
    %get3A_217 = vector.load %arg15[%get3A_215, %get3A_216] : memref<16x256xf32, #tpu.memory_space<vmem>>, vector<16x128xf32>
    %dot_general3A_218 = arith.constant dense<0.000000e+00> : vector<200x128xf32>
    %dot_general3A_219 = tpu.matmul %reduce_sum3A_205, %get3A_217, %dot_general3A_218 {dimension_numbers = #tpu.dot_dimension_numbers<[1], [0], [0], [1], [0, 0, 1, 1], [], []>, transpose_lhs_hint = false} : vector<200x16xf32>, vector<16x128xf32>, vector<200x128xf32> -> vector<200x128xf32>
    %add3A_220 = arith.addf %dot_general3A_214, %dot_general3A_219 : vector<200x128xf32>
    %get3A_221 = arith.constant 0 : index
    %get3A_222 = arith.constant 128 : index
    %get3A_223 = vector.load %arg16[%get3A_221, %get3A_222] : memref<128x256xf32, #tpu.memory_space<vmem>>, vector<128x128xf32>
    %dot_general3A_224 = arith.constant dense<0.000000e+00> : vector<200x128xf32>
    %dot_general3A_225 = tpu.matmul %reduce_sum3A_209, %get3A_223, %dot_general3A_224 {dimension_numbers = #tpu.dot_dimension_numbers<[1], [0], [0], [1], [0, 0, 1, 1], [], []>, transpose_lhs_hint = false} : vector<200x128xf32>, vector<128x128xf32>, vector<200x128xf32> -> vector<200x128xf32>
    %add3A_226 = arith.addf %add3A_220, %dot_general3A_225 : vector<200x128xf32>
    %get3A_227 = arith.constant 0 : index
    %get3A_228 = arith.constant 128 : index
    %get3A_229 = vector.load %arg17[%get3A_227, %get3A_228] : memref<1x256xf32, #tpu.memory_space<vmem>>, vector<1x128xf32>
    %add3A_230 = vector.broadcast %get3A_229 : vector<1x128xf32> to vector<200x128xf32>
    %add3A_231 = arith.addf %add3A_226, %add3A_230 : vector<200x128xf32>
    %get3A_232 = arith.constant 0 : index
    %get3A_233 = arith.constant 0 : index
    %get3A_234 = vector.load %arg18[%get3A_232, %get3A_233] : memref<256x256xf32, #tpu.memory_space<vmem>>, vector<128x256xf32>
    %dot_general3A_235 = arith.constant dense<0.000000e+00> : vector<200x256xf32>
    %dot_general3A_236 = tpu.matmul %add3A_150, %get3A_234, %dot_general3A_235 {dimension_numbers = #tpu.dot_dimension_numbers<[1], [0], [0], [1], [0, 0, 1, 1], [], []>, transpose_lhs_hint = false} : vector<200x128xf32>, vector<128x256xf32>, vector<200x256xf32> -> vector<200x256xf32>
    %get3A_237 = arith.constant 128 : index
    %get3A_238 = arith.constant 0 : index
    %get3A_239 = vector.load %arg18[%get3A_237, %get3A_238] : memref<256x256xf32, #tpu.memory_space<vmem>>, vector<128x256xf32>
    %dot_general3A_240 = arith.constant dense<0.000000e+00> : vector<200x256xf32>
    %dot_general3A_241 = tpu.matmul %add3A_231, %get3A_239, %dot_general3A_240 {dimension_numbers = #tpu.dot_dimension_numbers<[1], [0], [0], [1], [0, 0, 1, 1], [], []>, transpose_lhs_hint = false} : vector<200x128xf32>, vector<128x256xf32>, vector<200x256xf32> -> vector<200x256xf32>
    %add3A_242 = arith.addf %dot_general3A_236, %dot_general3A_241 : vector<200x256xf32>
    %get3A_243 = arith.constant 0 : index
    %get3A_244 = arith.constant 0 : index
    %get3A_245 = vector.load %arg19[%get3A_243, %get3A_244] : memref<1x256xf32, #tpu.memory_space<vmem>>, vector<1x256xf32>
    %add3A_246 = vector.broadcast %get3A_245 : vector<1x256xf32> to vector<200x256xf32>
    %add3A_247 = arith.addf %add3A_242, %add3A_246 : vector<200x256xf32>
    %get3A_248 = arith.constant 0 : index
    %get3A_249 = arith.constant 0 : index
    %get3A_250 = vector.load %arg20[%get3A_248, %get3A_249] : memref<384x128xf32, #tpu.memory_space<vmem>>, vector<128x128xf32>
    %dot_general3A_251 = arith.constant dense<0.000000e+00> : vector<200x128xf32>
    %dot_general3A_252 = tpu.matmul %get3A_53, %get3A_250, %dot_general3A_251 {dimension_numbers = #tpu.dot_dimension_numbers<[1], [0], [0], [1], [0, 0, 1, 1], [], []>, transpose_lhs_hint = false} : vector<200x128xf32>, vector<128x128xf32>, vector<200x128xf32> -> vector<200x128xf32>
    %get3A_253 = arith.constant 128 : index
    %get3A_254 = arith.constant 0 : index
    %get3A_255 = vector.load %arg20[%get3A_253, %get3A_254] : memref<384x128xf32, #tpu.memory_space<vmem>>, vector<256x128xf32>
    %dot_general3A_256 = arith.constant dense<0.000000e+00> : vector<200x128xf32>
    %dot_general3A_257 = tpu.matmul %add3A_247, %get3A_255, %dot_general3A_256 {dimension_numbers = #tpu.dot_dimension_numbers<[1], [0], [0], [1], [0, 0, 1, 1], [], []>, transpose_lhs_hint = false} : vector<200x256xf32>, vector<256x128xf32>, vector<200x128xf32> -> vector<200x128xf32>
    %add3A_258 = arith.addf %dot_general3A_252, %dot_general3A_257 : vector<200x128xf32>
    %get3A_259 = arith.constant 0 : index
    %get3A_260 = arith.constant 0 : index
    %get3A_261 = vector.load %arg21[%get3A_259, %get3A_260] : memref<1x128xf32, #tpu.memory_space<vmem>>, vector<1x128xf32>
    %add3A_262 = vector.broadcast %get3A_261 : vector<1x128xf32> to vector<200x128xf32>
    %add3A_263 = arith.addf %add3A_258, %add3A_262 : vector<200x128xf32>
    %max3A = arith.constant 0.000000e+00 : f32
    %max3A_264 = vector.broadcast %max3A : f32 to vector<200x128xf32>
    %max3A_265 = arith.maximumf %add3A_263, %max3A_264 : vector<200x128xf32>
    %get3A_266 = arith.constant 0 : index
    %get3A_267 = arith.constant 0 : index
    %get3A_268 = vector.load %arg22[%get3A_266, %get3A_267] : memref<128x128xf32, #tpu.memory_space<vmem>>, vector<128x128xf32>
    %dot_general3A_269 = arith.constant dense<0.000000e+00> : vector<200x128xf32>
    %dot_general3A_270 = tpu.matmul %max3A_265, %get3A_268, %dot_general3A_269 {dimension_numbers = #tpu.dot_dimension_numbers<[1], [0], [0], [1], [0, 0, 1, 1], [], []>, transpose_lhs_hint = false} : vector<200x128xf32>, vector<128x128xf32>, vector<200x128xf32> -> vector<200x128xf32>
    %get3A_271 = arith.constant 0 : index
    %get3A_272 = arith.constant 0 : index
    %get3A_273 = vector.load %arg23[%get3A_271, %get3A_272] : memref<1x128xf32, #tpu.memory_space<vmem>>, vector<1x128xf32>
    %add3A_274 = vector.broadcast %get3A_273 : vector<1x128xf32> to vector<200x128xf32>
    %add3A_275 = arith.addf %dot_general3A_270, %add3A_274 : vector<200x128xf32>
    %swap3A = arith.constant 0 : index
    %swap3A_276 = arith.constant 0 : index
    %swap3A_277 = vector.load %arg24[%swap3A, %swap3A_276] : memref<200x128xf32, #tpu.memory_space<vmem>>, vector<200x128xf32>
    tpu.vector_store %arg24[%swap3A, %swap3A_276], %add3A_275 {strides = array<i32>} : memref<200x128xf32, #tpu.memory_space<vmem>>, vector<200x128xf32>,
    return
  }
  func.func @transform_0(%arg0: i32) -> (i32, i32) {
    %c0_i32 = arith.constant 0 : i32
    %c0_i32_0 = arith.constant 0 : i32
    return %arg0, %c0_i32 : i32, i32
  }
  func.func @transform_1(%arg0: i32) -> (i32, i32) {
    %add3A = arith.constant 0 : i32
    %add3A_0 = arith.addi %arg0, %add3A : i32
    %c0_i32 = arith.constant 0 : i32
    %c0_i32_1 = arith.constant 0 : i32
    return %add3A_0, %c0_i32 : i32, i32
  }
  func.func @transform_2(%arg0: i32) -> (i32, i32, i32) {
    %add3A = arith.constant 0 : i32
    %add3A_0 = arith.addi %arg0, %add3A : i32
    %c0_i32 = arith.constant 0 : i32
    %c0_i32_1 = arith.constant 0 : i32
    %c0_i32_2 = arith.constant 0 : i32
    return %add3A_0, %c0_i32, %c0_i32_1 : i32, i32, i32
  }
  func.func @transform_3(%arg0: i32) -> (i32, i32, i32) {
    %c0_i32 = arith.constant 0 : i32
    %c0_i32_0 = arith.constant 0 : i32
    %c0_i32_1 = arith.constant 0 : i32
    return %arg0, %c0_i32, %c0_i32_0 : i32, i32, i32
  }
  func.func @transform_4(%arg0: i32) -> (i32, i32) {
    %add3A = arith.constant 0 : i32
    %add3A_0 = arith.addi %arg0, %add3A : i32
    %c0_i32 = arith.constant 0 : i32
    %c0_i32_1 = arith.constant 0 : i32
    return %add3A_0, %c0_i32 : i32, i32
  }
  func.func @transform_5(%arg0: i32) -> (i32, i32) {
    %c0_i32 = arith.constant 0 : i32
    %c0_i32_0 = arith.constant 0 : i32
    %c0_i32_1 = arith.constant 0 : i32
    return %c0_i32, %c0_i32_0 : i32, i32
  }
  func.func @transform_6(%arg0: i32) -> (i32, i32) {
    %c0_i32 = arith.constant 0 : i32
    %c0_i32_0 = arith.constant 0 : i32
    %c0_i32_1 = arith.constant 0 : i32
    return %c0_i32, %c0_i32_0 : i32, i32
  }
  func.func @transform_7(%arg0: i32) -> (i32, i32) {
    %c0_i32 = arith.constant 0 : i32
    %c0_i32_0 = arith.constant 0 : i32
    %c0_i32_1 = arith.constant 0 : i32
    return %c0_i32, %c0_i32_0 : i32, i32
  }
  func.func @transform_8(%arg0: i32) -> (i32, i32) {
    %c0_i32 = arith.constant 0 : i32
    %c0_i32_0 = arith.constant 0 : i32
    %c0_i32_1 = arith.constant 0 : i32
    return %c0_i32, %c0_i32_0 : i32, i32
  }
  func.func @transform_9(%arg0: i32) -> (i32, i32) {
    %c0_i32 = arith.constant 0 : i32
    %c0_i32_0 = arith.constant 0 : i32
    %c0_i32_1 = arith.constant 0 : i32
    return %c0_i32, %c0_i32_0 : i32, i32
  }
  func.func @transform_10(%arg0: i32) -> (i32, i32) {
    %c0_i32 = arith.constant 0 : i32
    %c0_i32_0 = arith.constant 0 : i32
    %c0_i32_1 = arith.constant 0 : i32
    return %c0_i32, %c0_i32_0 : i32, i32
  }
  func.func @transform_11(%arg0: i32) -> (i32, i32) {
    %c0_i32 = arith.constant 0 : i32
    %c0_i32_0 = arith.constant 0 : i32
    %c0_i32_1 = arith.constant 0 : i32
    return %c0_i32, %c0_i32_0 : i32, i32
  }
  func.func @transform_12(%arg0: i32) -> (i32, i32) {
    %c0_i32 = arith.constant 0 : i32
    %c0_i32_0 = arith.constant 0 : i32
    %c0_i32_1 = arith.constant 0 : i32
    return %c0_i32, %c0_i32_0 : i32, i32
  }
  func.func @transform_13(%arg0: i32) -> (i32, i32) {
    %c0_i32 = arith.constant 0 : i32
    %c0_i32_0 = arith.constant 0 : i32
    %c0_i32_1 = arith.constant 0 : i32
    return %c0_i32, %c0_i32_0 : i32, i32
  }
  func.func @transform_14(%arg0: i32) -> (i32, i32) {
    %c0_i32 = arith.constant 0 : i32
    %c0_i32_0 = arith.constant 0 : i32
    %c0_i32_1 = arith.constant 0 : i32
    return %c0_i32, %c0_i32_0 : i32, i32
  }
  func.func @transform_15(%arg0: i32) -> (i32, i32) {
    %c0_i32 = arith.constant 0 : i32
    %c0_i32_0 = arith.constant 0 : i32
    %c0_i32_1 = arith.constant 0 : i32
    return %c0_i32, %c0_i32_0 : i32, i32
  }
  func.func @transform_16(%arg0: i32) -> (i32, i32) {
    %c0_i32 = arith.constant 0 : i32
    %c0_i32_0 = arith.constant 0 : i32
    %c0_i32_1 = arith.constant 0 : i32
    return %c0_i32, %c0_i32_0 : i32, i32
  }
  func.func @transform_17(%arg0: i32) -> (i32, i32) {
    %c0_i32 = arith.constant 0 : i32
    %c0_i32_0 = arith.constant 0 : i32
    %c0_i32_1 = arith.constant 0 : i32
    return %c0_i32, %c0_i32_0 : i32, i32
  }
  func.func @transform_18(%arg0: i32) -> (i32, i32) {
    %c0_i32 = arith.constant 0 : i32
    %c0_i32_0 = arith.constant 0 : i32
    %c0_i32_1 = arith.constant 0 : i32
    return %c0_i32, %c0_i32_0 : i32, i32
  }
  func.func @transform_19(%arg0: i32) -> (i32, i32) {
    %c0_i32 = arith.constant 0 : i32
    %c0_i32_0 = arith.constant 0 : i32
    %c0_i32_1 = arith.constant 0 : i32
    return %c0_i32, %c0_i32_0 : i32, i32
  }
  func.func @transform_20(%arg0: i32) -> (i32, i32) {
    %c0_i32 = arith.constant 0 : i32
    %c0_i32_0 = arith.constant 0 : i32
    %c0_i32_1 = arith.constant 0 : i32
    return %c0_i32, %c0_i32_0 : i32, i32
  }
  func.func @transform_21(%arg0: i32) -> (i32, i32) {
    %c0_i32 = arith.constant 0 : i32
    %c0_i32_0 = arith.constant 0 : i32
    %c0_i32_1 = arith.constant 0 : i32
    return %c0_i32, %c0_i32_0 : i32, i32
  }
  func.func @transform_22(%arg0: i32) -> (i32, i32) {
    %c0_i32 = arith.constant 0 : i32
    %c0_i32_0 = arith.constant 0 : i32
    %c0_i32_1 = arith.constant 0 : i32
    return %c0_i32, %c0_i32_0 : i32, i32
  }
  func.func @transform_23(%arg0: i32) -> (i32, i32) {
    %c0_i32 = arith.constant 0 : i32
    %c0_i32_0 = arith.constant 0 : i32
    return %arg0, %c0_i32 : i32, i32
  }
}

module attributes {stable_mosaic.version = 14 : i64} {
  func.func @_tc_body(%arg0: i32, %arg1: memref<6400x128xf32, #tpu.memory_space<vmem>>, %arg2: memref<6400x16xf32, #tpu.memory_space<vmem>>, %arg3: memref<1x50x128xf32, #tpu.memory_space<vmem>>, %arg4: memref<1x50x128xf32, #tpu.memory_space<vmem>>, %arg5: memref<200x128xf32, #tpu.memory_space<vmem>>, %arg6: memref<1x128xf32, #tpu.memory_space<vmem>>, %arg7: memref<1x128xf32, #tpu.memory_space<vmem>>, %arg8: memref<128x256xf32, #tpu.memory_space<vmem>>, %arg9: memref<128x256xf32, #tpu.memory_space<vmem>>, %arg10: memref<1x256xf32, #tpu.memory_space<vmem>>, %arg11: memref<256x128xf32, #tpu.memory_space<vmem>>, %arg12: memref<256x16xf32, #tpu.memory_space<vmem>>, %arg13: memref<256x128xf32, #tpu.memory_space<vmem>>, %arg14: memref<128x256xf32, #tpu.memory_space<vmem>>, %arg15: memref<16x256xf32, #tpu.memory_space<vmem>>, %arg16: memref<128x256xf32, #tpu.memory_space<vmem>>, %arg17: memref<1x256xf32, #tpu.memory_space<vmem>>, %arg18: memref<256x256xf32, #tpu.memory_space<vmem>>, %arg19: memref<1x256xf32, #tpu.memory_space<vmem>>, %arg20: memref<384x128xf32, #tpu.memory_space<vmem>>, %arg21: memref<1x128xf32, #tpu.memory_space<vmem>>, %arg22: memref<128x128xf32, #tpu.memory_space<vmem>>, %arg23: memref<1x128xf32, #tpu.memory_space<vmem>>, %arg24: memref<200x128xf32, #tpu.memory_space<vmem>>) attributes {dimension_semantics = [#tpu.dimension_semantics<arbitrary>], iteration_bounds = array<i64: 25>, scalar_prefetch = 0 : i64, scratch_operands = 0 : i64, tpu.core_type = #tpu.core_type<tc>, window_params = [{transform_indices = @transform_0, window_bounds = array<i64: 6400, 128>}, {transform_indices = @transform_1, window_bounds = array<i64: 6400, 16>}, {transform_indices = @transform_2, window_bounds = array<i64: 1, 50, 128>}, {transform_indices = @transform_3, window_bounds = array<i64: 1, 50, 128>}, {transform_indices = @transform_4, window_bounds = array<i64: 200, 128>}, {pipeline_mode = #tpu.pipeline_mode<synchronous>, transform_indices = @transform_5, window_bounds = array<i64: 1, 128>}, {pipeline_mode = #tpu.pipeline_mode<synchronous>, transform_indices = @transform_6, window_bounds = array<i64: 1, 128>}, {pipeline_mode = #tpu.pipeline_mode<synchronous>, transform_indices = @transform_7, window_bounds = array<i64: 128, 256>}, {pipeline_mode = #tpu.pipeline_mode<synchronous>, transform_indices = @transform_8, window_bounds = array<i64: 128, 256>}, {pipeline_mode = #tpu.pipeline_mode<synchronous>, transform_indices = @transform_9, window_bounds = array<i64: 1, 256>}, {pipeline_mode = #tpu.pipeline_mode<synchronous>, transform_indices = @transform_10, window_bounds = array<i64: 256, 128>}, {pipeline_mode = #tpu.pipeline_mode<synchronous>, transform_indices = @transform_11, window_bounds = array<i64: 256, 16>}, {pipeline_mode = #tpu.pipeline_mode<synchronous>, transform_indices = @transform_12, window_bounds = array<i64: 256, 128>}, {pipeline_mode = #tpu.pipeline_mode<synchronous>, transform_indices = @transform_13, window_bounds = array<i64: 128, 256>}, {pipeline_mode = #tpu.pipeline_mode<synchronous>, transform_indices = @transform_14, window_bounds = array<i64: 16, 256>}, {pipeline_mode = #tpu.pipeline_mode<synchronous>, transform_indices = @transform_15, window_bounds = array<i64: 128, 256>}, {pipeline_mode = #tpu.pipeline_mode<synchronous>, transform_indices = @transform_16, window_bounds = array<i64: 1, 256>}, {pipeline_mode = #tpu.pipeline_mode<synchronous>, transform_indices = @transform_17, window_bounds = array<i64: 256, 256>}, {pipeline_mode = #tpu.pipeline_mode<synchronous>, transform_indices = @transform_18, window_bounds = array<i64: 1, 256>}, {pipeline_mode = #tpu.pipeline_mode<synchronous>, transform_indices = @transform_19, window_bounds = array<i64: 384, 128>}, {pipeline_mode = #tpu.pipeline_mode<synchronous>, transform_indices = @transform_20, window_bounds = array<i64: 1, 128>}, {pipeline_mode = #tpu.pipeline_mode<synchronous>, transform_indices = @transform_21, window_bounds = array<i64: 128, 128>}, {pipeline_mode = #tpu.pipeline_mode<synchronous>, transform_indices = @transform_22, window_bounds = array<i64: 1, 128>}, {transform_indices = @transform_23, window_bounds = array<i64: 200, 128>}]} {
    %get3A = arith.constant 0 : index
    %get3A_0 = arith.constant 0 : index
    %get3A_1 = vector.load %arg1[%get3A, %get3A_0] : memref<6400x128xf32, #tpu.memory_space<vmem>>, vector<6400x128xf32>
    %get3A_2 = arith.constant 0 : index
    %get3A_3 = arith.constant 0 : index
    %get3A_4 = vector.load %arg2[%get3A_2, %get3A_3] : memref<6400x16xf32, #tpu.memory_space<vmem>>, vector<6400x16xf32>
    %get3A_5 = arith.constant 0 : index
    %get3A_6 = arith.constant 0 : index
    %get3A_7 = arith.constant 0 : index
    %get3A_8 = vector.load %arg3[%get3A_5, %get3A_6, %get3A_7] : memref<1x50x128xf32, #tpu.memory_space<vmem>>, vector<1x50x128xf32>
    %get3A_9 = arith.constant 0 : index
    %get3A_10 = arith.constant 0 : index
    %get3A_11 = arith.constant 0 : index
    %get3A_12 = vector.load %arg4[%get3A_9, %get3A_10, %get3A_11] : memref<1x50x128xf32, #tpu.memory_space<vmem>>, vector<1x50x128xf32>
    %sub3A = arith.subf %get3A_8, %get3A_12 : vector<1x50x128xf32>
    %reshape3A = vector.shape_cast %sub3A : vector<1x50x128xf32> to vector<50x128xf32>
    %get3A_13 = arith.constant 0 : index
    %get3A_14 = arith.constant 0 : index
    %get3A_15 = vector.load %arg6[%get3A_13, %get3A_14] : memref<1x128xf32, #tpu.memory_space<vmem>>, vector<1x128xf32>
    %reshape3A_16 = vector.shape_cast %get3A_15 : vector<1x128xf32> to vector<1x1x128xf32>
    %get3A_17 = arith.constant 0 : index
    %get3A_18 = arith.constant 0 : index
    %get3A_19 = vector.load %arg7[%get3A_17, %get3A_18] : memref<1x128xf32, #tpu.memory_space<vmem>>, vector<1x128xf32>
    %reshape3A_20 = vector.shape_cast %get3A_19 : vector<1x128xf32> to vector<1x1x128xf32>
    %broadcast_in_dim3A = vector.shape_cast %reshape3A : vector<50x128xf32> to vector<50x128x1xf32>
    %mul3A = vector.broadcast %broadcast_in_dim3A : vector<50x128x1xf32> to vector<50x128x128xf32>
    %mul3A_21 = vector.broadcast %reshape3A_16 : vector<1x1x128xf32> to vector<50x128x128xf32>
    %mul3A_22 = arith.mulf %mul3A, %mul3A_21 : vector<50x128x128xf32>
    %add3A = vector.broadcast %reshape3A_20 : vector<1x1x128xf32> to vector<50x128x128xf32>
    %add3A_23 = arith.addf %mul3A_22, %add3A : vector<50x128x128xf32>
    %mul3A_24 = arith.constant 0.159154937 : f32
    %mul3A_25 = vector.broadcast %mul3A_24 : f32 to vector<50x128x128xf32>
    %mul3A_26 = arith.mulf %add3A_23, %mul3A_25 : vector<50x128x128xf32>
    %round3A = math.roundeven %mul3A_26 : vector<50x128x128xf32>
    %sub3A_27 = arith.subf %mul3A_26, %round3A : vector<50x128x128xf32>
    %mul3A_28 = arith.mulf %sub3A_27, %sub3A_27 : vector<50x128x128xf32>
    %mul3A_29 = arith.constant 45.6210518 : f32
    %mul3A_30 = vector.broadcast %mul3A_29 : f32 to vector<50x128x128xf32>
    %mul3A_31 = arith.mulf %mul3A_30, %mul3A_28 : vector<50x128x128xf32>
    %add3A_32 = arith.constant -82.3908081 : f32
    %add3A_33 = vector.broadcast %add3A_32 : f32 to vector<50x128x128xf32>
    %add3A_34 = arith.addf %mul3A_31, %add3A_33 : vector<50x128x128xf32>
    %mul3A_35 = arith.mulf %add3A_34, %mul3A_28 : vector<50x128x128xf32>
    %add3A_36 = arith.constant 64.6714401 : f32
    %add3A_37 = vector.broadcast %add3A_36 : f32 to vector<50x128x128xf32>
    %add3A_38 = arith.addf %mul3A_35, %add3A_37 : vector<50x128x128xf32>
    %mul3A_39 = arith.mulf %add3A_38, %mul3A_28 : vector<50x128x128xf32>
    %add3A_40 = arith.constant -19.7309418 : f32
    %add3A_41 = vector.broadcast %add3A_40 : f32 to vector<50x128x128xf32>
    %add3A_42 = arith.addf %mul3A_39, %add3A_41 : vector<50x128x128xf32>
    %mul3A_43 = arith.mulf %add3A_42, %mul3A_28 : vector<50x128x128xf32>
    %add3A_44 = arith.constant 0.999959051 : f32
    %add3A_45 = vector.broadcast %add3A_44 : f32 to vector<50x128x128xf32>
    %add3A_46 = arith.addf %mul3A_43, %add3A_45 : vector<50x128x128xf32>
    %reshape3A_47 = vector.shape_cast %add3A_46 : vector<50x128x128xf32> to vector<6400x128xf32>
    %get3A_48 = arith.constant 0 : index
    %get3A_49 = arith.constant 0 : index
    %get3A_50 = vector.load %arg7[%get3A_48, %get3A_49] : memref<1x128xf32, #tpu.memory_space<vmem>>, vector<1x128xf32>
    %get3A_51 = arith.constant 0 : index
    %get3A_52 = arith.constant 0 : index
    %get3A_53 = vector.load %arg5[%get3A_51, %get3A_52] : memref<200x128xf32, #tpu.memory_space<vmem>>, vector<200x128xf32>
    %cos3A = math.cos %get3A_50 : vector<1x128xf32>
    %get3A_54 = arith.constant 0 : index
    %get3A_55 = arith.constant 0 : index
    %get3A_56 = vector.load %arg9[%get3A_54, %get3A_55] : memref<128x256xf32, #tpu.memory_space<vmem>>, vector<128x256xf32>
    %dot_general3A = arith.constant dense<0.000000e+00> : vector<1x256xf32>
    %dot_general3A_57 = tpu.matmul %cos3A, %get3A_56, %dot_general3A {dimension_numbers = #tpu.dot_dimension_numbers<[1], [0], [0], [1], [0, 0, 1, 1], [], []>, transpose_lhs_hint = false} : vector<1x128xf32>, vector<128x256xf32>, vector<1x256xf32> -> vector<1x256xf32>
    %get3A_58 = arith.constant 0 : index
    %get3A_59 = arith.constant 0 : index
    %get3A_60 = vector.load %arg10[%get3A_58, %get3A_59] : memref<1x256xf32, #tpu.memory_space<vmem>>, vector<1x256xf32>
    %add3A_61 = arith.addf %dot_general3A_57, %get3A_60 : vector<1x256xf32>
    %get3A_62 = arith.constant 0 : index
    %get3A_63 = arith.constant 0 : index
    %get3A_64 = vector.load %arg8[%get3A_62, %get3A_63] : memref<128x256xf32, #tpu.memory_space<vmem>>, vector<128x256xf32>
    %dot_general3A_65 = arith.constant dense<0.000000e+00> : vector<200x256xf32>
    %dot_general3A_66 = tpu.matmul %get3A_53, %get3A_64, %dot_general3A_65 {dimension_numbers = #tpu.dot_dimension_numbers<[1], [0], [0], [1], [0, 0, 1, 1], [], []>, transpose_lhs_hint = false} : vector<200x128xf32>, vector<128x256xf32>, vector<200x256xf32> -> vector<200x256xf32>
    %add3A_67 = vector.broadcast %add3A_61 : vector<1x256xf32> to vector<200x256xf32>
    %add3A_68 = arith.addf %dot_general3A_66, %add3A_67 : vector<200x256xf32>
    %mul3A_69 = arith.constant 0.0883883461 : f32
    %mul3A_70 = vector.broadcast %mul3A_69 : f32 to vector<200x256xf32>
    %mul3A_71 = arith.mulf %add3A_68, %mul3A_70 : vector<200x256xf32>
    %reshape3A_72 = vector.shape_cast %get3A_1 : vector<6400x128xf32> to vector<200x32x128xf32>
    %reshape3A_73 = vector.shape_cast %get3A_4 : vector<6400x16xf32> to vector<200x32x16xf32>
    %reshape3A_74 = vector.shape_cast %reshape3A_47 : vector<6400x128xf32> to vector<200x32x128xf32>
    %slice3A = vector.extract_strided_slice %mul3A_71 {offsets = [0, 0], sizes = [200, 128], strides = [1, 1]} : vector<200x256xf32> to vector<200x128xf32>
    %get3A_75 = arith.constant 0 : index
    %get3A_76 = arith.constant 0 : index
    %get3A_77 = vector.load %arg11[%get3A_75, %get3A_76] : memref<256x128xf32, #tpu.memory_space<vmem>>, vector<128x128xf32>
    %dot_general3A_78 = arith.constant dense<0.000000e+00> : vector<200x128xf32>
    %dot_general3A_79 = tpu.matmul %slice3A, %get3A_77, %dot_general3A_78 {dimension_numbers = #tpu.dot_dimension_numbers<[1], [0], [0], [1], [0, 0, 1, 1], [], []>, transpose_lhs_hint = false} : vector<200x128xf32>, vector<128x128xf32>, vector<200x128xf32> -> vector<200x128xf32>
    %get3A_80 = arith.constant 0 : index
    %get3A_81 = arith.constant 0 : index
    %get3A_82 = vector.load %arg12[%get3A_80, %get3A_81] : memref<256x16xf32, #tpu.memory_space<vmem>>, vector<128x16xf32>
    %dot_general3A_83 = arith.constant dense<0.000000e+00> : vector<200x16xf32>
    %dot_general3A_84 = tpu.matmul %slice3A, %get3A_82, %dot_general3A_83 {dimension_numbers = #tpu.dot_dimension_numbers<[1], [0], [0], [1], [0, 0, 1, 1], [], []>, transpose_lhs_hint = false} : vector<200x128xf32>, vector<128x16xf32>, vector<200x16xf32> -> vector<200x16xf32>
    %get3A_85 = arith.constant 0 : index
    %get3A_86 = arith.constant 0 : index
    %get3A_87 = vector.load %arg13[%get3A_85, %get3A_86] : memref<256x128xf32, #tpu.memory_space<vmem>>, vector<128x128xf32>
    %dot_general3A_88 = arith.constant dense<0.000000e+00> : vector<200x128xf32>
    %dot_general3A_89 = tpu.matmul %slice3A, %get3A_87, %dot_general3A_88 {dimension_numbers = #tpu.dot_dimension_numbers<[1], [0], [0], [1], [0, 0, 1, 1], [], []>, transpose_lhs_hint = false} : vector<200x128xf32>, vector<128x128xf32>, vector<200x128xf32> -> vector<200x128xf32>
    %broadcast_in_dim3A_90 = vector.shape_cast %dot_general3A_79 : vector<200x128xf32> to vector<200x1x128xf32>
    %mul3A_91 = vector.broadcast %broadcast_in_dim3A_90 : vector<200x1x128xf32> to vector<200x32x128xf32>
    %mul3A_92 = arith.mulf %reshape3A_72, %mul3A_91 : vector<200x32x128xf32>
    %broadcast_in_dim3A_93 = vector.shape_cast %dot_general3A_89 : vector<200x128xf32> to vector<200x1x128xf32>
    %mul3A_94 = vector.broadcast %broadcast_in_dim3A_93 : vector<200x1x128xf32> to vector<200x32x128xf32>
    %mul3A_95 = arith.mulf %reshape3A_74, %mul3A_94 : vector<200x32x128xf32>
    %add3A_96 = arith.addf %mul3A_92, %mul3A_95 : vector<200x32x128xf32>
    %reduce_sum3A = arith.constant dense<0.000000e+00> : vector<200x32xf32>
    %reduce_sum3A_97 = vector.multi_reduction <add>, %add3A_96, %reduce_sum3A [2] : vector<200x32x128xf32> to vector<200x32xf32>
    %broadcast_in_dim3A_98 = vector.shape_cast %reduce_sum3A_97 : vector<200x32xf32> to vector<200x32x1xf32>
    %broadcast_in_dim3A_99 = vector.shape_cast %dot_general3A_84 : vector<200x16xf32> to vector<200x1x16xf32>
    %mul3A_100 = vector.broadcast %broadcast_in_dim3A_99 : vector<200x1x16xf32> to vector<200x32x16xf32>
    %mul3A_101 = arith.mulf %reshape3A_73, %mul3A_100 : vector<200x32x16xf32>
    %reduce_sum3A_102 = arith.constant dense<0.000000e+00> : vector<200x32xf32>
    %reduce_sum3A_103 = vector.multi_reduction <add>, %mul3A_101, %reduce_sum3A_102 [2] : vector<200x32x16xf32> to vector<200x32xf32>
    %broadcast_in_dim3A_104 = vector.shape_cast %reduce_sum3A_103 : vector<200x32xf32> to vector<200x32x1xf32>
    %add3A_105 = arith.addf %broadcast_in_dim3A_98, %broadcast_in_dim3A_104 : vector<200x32x1xf32>
    %reduce_max3A = arith.constant dense<0xFF800000> : vector<200x1xf32>
    %reduce_max3A_106 = vector.multi_reduction <maximumf>, %add3A_105, %reduce_max3A [1] : vector<200x32x1xf32> to vector<200x1xf32>
    %broadcast_in_dim3A_107 = vector.shape_cast %reduce_max3A_106 : vector<200x1xf32> to vector<200x1x1xf32>
    %sub3A_108 = vector.broadcast %broadcast_in_dim3A_107 : vector<200x1x1xf32> to vector<200x32x1xf32>
    %sub3A_109 = arith.subf %add3A_105, %sub3A_108 : vector<200x32x1xf32>
    %exp3A = math.exp %sub3A_109 : vector<200x32x1xf32>
    %reduce_sum3A_110 = arith.constant dense<0.000000e+00> : vector<200x1xf32>
    %reduce_sum3A_111 = vector.multi_reduction <add>, %exp3A, %reduce_sum3A_110 [1] : vector<200x32x1xf32> to vector<200x1xf32>
    %broadcast_in_dim3A_112 = vector.shape_cast %reduce_sum3A_111 : vector<200x1xf32> to vector<200x1x1xf32>
    %div3A = arith.constant 1.000000e+00 : f32
    %div3A_113 = vector.broadcast %div3A : f32 to vector<200x1x1xf32>
    %div3A_114 = arith.divf %div3A_113, %broadcast_in_dim3A_112 : vector<200x1x1xf32>
    %mul3A_115 = vector.broadcast %div3A_114 : vector<200x1x1xf32> to vector<200x32x1xf32>
    %mul3A_116 = arith.mulf %exp3A, %mul3A_115 : vector<200x32x1xf32>
    %mul3A_117 = vector.broadcast %mul3A_116 : vector<200x32x1xf32> to vector<200x32x128xf32>
    %mul3A_118 = arith.mulf %reshape3A_72, %mul3A_117 : vector<200x32x128xf32>
    %reduce_sum3A_119 = arith.constant dense<0.000000e+00> : vector<200x128xf32>
    %reduce_sum3A_120 = vector.multi_reduction <add>, %mul3A_118, %reduce_sum3A_119 [1] : vector<200x32x128xf32> to vector<200x128xf32>
    %mul3A_121 = vector.broadcast %mul3A_116 : vector<200x32x1xf32> to vector<200x32x16xf32>
    %mul3A_122 = arith.mulf %reshape3A_73, %mul3A_121 : vector<200x32x16xf32>
    %reduce_sum3A_123 = arith.constant dense<0.000000e+00> : vector<200x16xf32>
    %reduce_sum3A_124 = vector.multi_reduction <add>, %mul3A_122, %reduce_sum3A_123 [1] : vector<200x32x16xf32> to vector<200x16xf32>
    %mul3A_125 = vector.broadcast %mul3A_116 : vector<200x32x1xf32> to vector<200x32x128xf32>
    %mul3A_126 = arith.mulf %reshape3A_74, %mul3A_125 : vector<200x32x128xf32>
    %reduce_sum3A_127 = arith.constant dense<0.000000e+00> : vector<200x128xf32>
    %reduce_sum3A_128 = vector.multi_reduction <add>, %mul3A_126, %reduce_sum3A_127 [1] : vector<200x32x128xf32> to vector<200x128xf32>
    %get3A_129 = arith.constant 0 : index
    %get3A_130 = arith.constant 0 : index
    %get3A_131 = vector.load %arg14[%get3A_129, %get3A_130] : memref<128x256xf32, #tpu.memory_space<vmem>>, vector<128x128xf32>
    %dot_general3A_132 = arith.constant dense<0.000000e+00> : vector<200x128xf32>
    %dot_general3A_133 = tpu.matmul %reduce_sum3A_120, %get3A_131, %dot_general3A_132 {dimension_numbers = #tpu.dot_dimension_numbers<[1], [0], [0], [1], [0, 0, 1, 1], [], []>, transpose_lhs_hint = false} : vector<200x128xf32>, vector<128x128xf32>, vector<200x128xf32> -> vector<200x128xf32>
    %get3A_134 = arith.constant 0 : index
    %get3A_135 = arith.constant 0 : index
    %get3A_136 = vector.load %arg15[%get3A_134, %get3A_135] : memref<16x256xf32, #tpu.memory_space<vmem>>, vector<16x128xf32>
    %dot_general3A_137 = arith.constant dense<0.000000e+00> : vector<200x128xf32>
    %dot_general3A_138 = tpu.matmul %reduce_sum3A_124, %get3A_136, %dot_general3A_137 {dimension_numbers = #tpu.dot_dimension_numbers<[1], [0], [0], [1], [0, 0, 1, 1], [], []>, transpose_lhs_hint = false} : vector<200x16xf32>, vector<16x128xf32>, vector<200x128xf32> -> vector<200x128xf32>
    %add3A_139 = arith.addf %dot_general3A_133, %dot_general3A_138 : vector<200x128xf32>
    %get3A_140 = arith.constant 0 : index
    %get3A_141 = arith.constant 0 : index
    %get3A_142 = vector.load %arg16[%get3A_140, %get3A_141] : memref<128x256xf32, #tpu.memory_space<vmem>>, vector<128x128xf32>
    %dot_general3A_143 = arith.constant dense<0.000000e+00> : vector<200x128xf32>
    %dot_general3A_144 = tpu.matmul %reduce_sum3A_128, %get3A_142, %dot_general3A_143 {dimension_numbers = #tpu.dot_dimension_numbers<[1], [0], [0], [1], [0, 0, 1, 1], [], []>, transpose_lhs_hint = false} : vector<200x128xf32>, vector<128x128xf32>, vector<200x128xf32> -> vector<200x128xf32>
    %add3A_145 = arith.addf %add3A_139, %dot_general3A_144 : vector<200x128xf32>
    %get3A_146 = arith.constant 0 : index
    %get3A_147 = arith.constant 0 : index
    %get3A_148 = vector.load %arg17[%get3A_146, %get3A_147] : memref<1x256xf32, #tpu.memory_space<vmem>>, vector<1x128xf32>
    %add3A_149 = vector.broadcast %get3A_148 : vector<1x128xf32> to vector<200x128xf32>
    %add3A_150 = arith.addf %add3A_145, %add3A_149 : vector<200x128xf32>
    %slice3A_151 = vector.extract_strided_slice %mul3A_71 {offsets = [0, 128], sizes = [200, 128], strides = [1, 1]} : vector<200x256xf32> to vector<200x128xf32>
    %get3A_152 = arith.constant 128 : index
    %get3A_153 = arith.constant 0 : index
    %get3A_154 = vector.load %arg11[%get3A_152, %get3A_153] : memref<256x128xf32, #tpu.memory_space<vmem>>, vector<128x128xf32>
    %dot_general3A_155 = arith.constant dense<0.000000e+00> : vector<200x128xf32>
    %dot_general3A_156 = tpu.matmul %slice3A_151, %get3A_154, %dot_general3A_155 {dimension_numbers = #tpu.dot_dimension_numbers<[1], [0], [0], [1], [0, 0, 1, 1], [], []>, transpose_lhs_hint = false} : vector<200x128xf32>, vector<128x128xf32>, vector<200x128xf32> -> vector<200x128xf32>
    %get3A_157 = arith.constant 128 : index
    %get3A_158 = arith.constant 0 : index
    %get3A_159 = vector.load %arg12[%get3A_157, %get3A_158] : memref<256x16xf32, #tpu.memory_space<vmem>>, vector<128x16xf32>
    %dot_general3A_160 = arith.constant dense<0.000000e+00> : vector<200x16xf32>
    %dot_general3A_161 = tpu.matmul %slice3A_151, %get3A_159, %dot_general3A_160 {dimension_numbers = #tpu.dot_dimension_numbers<[1], [0], [0], [1], [0, 0, 1, 1], [], []>, transpose_lhs_hint = false} : vector<200x128xf32>, vector<128x16xf32>, vector<200x16xf32> -> vector<200x16xf32>
    %get3A_162 = arith.constant 128 : index
    %get3A_163 = arith.constant 0 : index
    %get3A_164 = vector.load %arg13[%get3A_162, %get3A_163] : memref<256x128xf32, #tpu.memory_space<vmem>>, vector<128x128xf32>
    %dot_general3A_165 = arith.constant dense<0.000000e+00> : vector<200x128xf32>
    %dot_general3A_166 = tpu.matmul %slice3A_151, %get3A_164, %dot_general3A_165 {dimension_numbers = #tpu.dot_dimension_numbers<[1], [0], [0], [1], [0, 0, 1, 1], [], []>, transpose_lhs_hint = false} : vector<200x128xf32>, vector<128x128xf32>, vector<200x128xf32> -> vector<200x128xf32>
    %broadcast_in_dim3A_167 = vector.shape_cast %dot_general3A_156 : vector<200x128xf32> to vector<200x1x128xf32>
    %mul3A_168 = vector.broadcast %broadcast_in_dim3A_167 : vector<200x1x128xf32> to vector<200x32x128xf32>
    %mul3A_169 = arith.mulf %reshape3A_72, %mul3A_168 : vector<200x32x128xf32>
    %broadcast_in_dim3A_170 = vector.shape_cast %dot_general3A_166 : vector<200x128xf32> to vector<200x1x128xf32>
    %mul3A_171 = vector.broadcast %broadcast_in_dim3A_170 : vector<200x1x128xf32> to vector<200x32x128xf32>
    %mul3A_172 = arith.mulf %reshape3A_74, %mul3A_171 : vector<200x32x128xf32>
    %add3A_173 = arith.addf %mul3A_169, %mul3A_172 : vector<200x32x128xf32>
    %reduce_sum3A_174 = arith.constant dense<0.000000e+00> : vector<200x32xf32>
    %reduce_sum3A_175 = vector.multi_reduction <add>, %add3A_173, %reduce_sum3A_174 [2] : vector<200x32x128xf32> to vector<200x32xf32>
    %broadcast_in_dim3A_176 = vector.shape_cast %reduce_sum3A_175 : vector<200x32xf32> to vector<200x32x1xf32>
    %broadcast_in_dim3A_177 = vector.shape_cast %dot_general3A_161 : vector<200x16xf32> to vector<200x1x16xf32>
    %mul3A_178 = vector.broadcast %broadcast_in_dim3A_177 : vector<200x1x16xf32> to vector<200x32x16xf32>
    %mul3A_179 = arith.mulf %reshape3A_73, %mul3A_178 : vector<200x32x16xf32>
    %reduce_sum3A_180 = arith.constant dense<0.000000e+00> : vector<200x32xf32>
    %reduce_sum3A_181 = vector.multi_reduction <add>, %mul3A_179, %reduce_sum3A_180 [2] : vector<200x32x16xf32> to vector<200x32xf32>
    %broadcast_in_dim3A_182 = vector.shape_cast %reduce_sum3A_181 : vector<200x32xf32> to vector<200x32x1xf32>
    %add3A_183 = arith.addf %broadcast_in_dim3A_176, %broadcast_in_dim3A_182 : vector<200x32x1xf32>
    %reduce_max3A_184 = arith.constant dense<0xFF800000> : vector<200x1xf32>
    %reduce_max3A_185 = vector.multi_reduction <maximumf>, %add3A_183, %reduce_max3A_184 [1] : vector<200x32x1xf32> to vector<200x1xf32>
    %broadcast_in_dim3A_186 = vector.shape_cast %reduce_max3A_185 : vector<200x1xf32> to vector<200x1x1xf32>
    %sub3A_187 = vector.broadcast %broadcast_in_dim3A_186 : vector<200x1x1xf32> to vector<200x32x1xf32>
    %sub3A_188 = arith.subf %add3A_183, %sub3A_187 : vector<200x32x1xf32>
    %exp3A_189 = math.exp %sub3A_188 : vector<200x32x1xf32>
    %reduce_sum3A_190 = arith.constant dense<0.000000e+00> : vector<200x1xf32>
    %reduce_sum3A_191 = vector.multi_reduction <add>, %exp3A_189, %reduce_sum3A_190 [1] : vector<200x32x1xf32> to vector<200x1xf32>
    %broadcast_in_dim3A_192 = vector.shape_cast %reduce_sum3A_191 : vector<200x1xf32> to vector<200x1x1xf32>
    %div3A_193 = arith.constant 1.000000e+00 : f32
    %div3A_194 = vector.broadcast %div3A_193 : f32 to vector<200x1x1xf32>
    %div3A_195 = arith.divf %div3A_194, %broadcast_in_dim3A_192 : vector<200x1x1xf32>
    %mul3A_196 = vector.broadcast %div3A_195 : vector<200x1x1xf32> to vector<200x32x1xf32>
    %mul3A_197 = arith.mulf %exp3A_189, %mul3A_196 : vector<200x32x1xf32>
    %mul3A_198 = vector.broadcast %mul3A_197 : vector<200x32x1xf32> to vector<200x32x128xf32>
    %mul3A_199 = arith.mulf %reshape3A_72, %mul3A_198 : vector<200x32x128xf32>
    %reduce_sum3A_200 = arith.constant dense<0.000000e+00> : vector<200x128xf32>
    %reduce_sum3A_201 = vector.multi_reduction <add>, %mul3A_199, %reduce_sum3A_200 [1] : vector<200x32x128xf32> to vector<200x128xf32>
    %mul3A_202 = vector.broadcast %mul3A_197 : vector<200x32x1xf32> to vector<200x32x16xf32>
    %mul3A_203 = arith.mulf %reshape3A_73, %mul3A_202 : vector<200x32x16xf32>
    %reduce_sum3A_204 = arith.constant dense<0.000000e+00> : vector<200x16xf32>
    %reduce_sum3A_205 = vector.multi_reduction <add>, %mul3A_203, %reduce_sum3A_204 [1] : vector<200x32x16xf32> to vector<200x16xf32>
    %mul3A_206 = vector.broadcast %mul3A_197 : vector<200x32x1xf32> to vector<200x32x128xf32>
    %mul3A_207 = arith.mulf %reshape3A_74, %mul3A_206 : vector<200x32x128xf32>
    %reduce_sum3A_208 = arith.constant dense<0.000000e+00> : vector<200x128xf32>
    %reduce_sum3A_209 = vector.multi_reduction <add>, %mul3A_207, %reduce_sum3A_208 [1] : vector<200x32x128xf32> to vector<200x128xf32>
    %get3A_210 = arith.constant 0 : index
    %get3A_211 = arith.constant 128 : index
    %get3A_212 = vector.load %arg14[%get3A_210, %get3A_211] : memref<128x256xf32, #tpu.memory_space<vmem>>, vector<128x128xf32>
    %dot_general3A_213 = arith.constant dense<0.000000e+00> : vector<200x128xf32>
    %dot_general3A_214 = tpu.matmul %reduce_sum3A_201, %get3A_212, %dot_general3A_213 {dimension_numbers = #tpu.dot_dimension_numbers<[1], [0], [0], [1], [0, 0, 1, 1], [], []>, transpose_lhs_hint = false} : vector<200x128xf32>, vector<128x128xf32>, vector<200x128xf32> -> vector<200x128xf32>
    %get3A_215 = arith.constant 0 : index
    %get3A_216 = arith.constant 128 : index
    %get3A_217 = vector.load %arg15[%get3A_215, %get3A_216] : memref<16x256xf32, #tpu.memory_space<vmem>>, vector<16x128xf32>
    %dot_general3A_218 = arith.constant dense<0.000000e+00> : vector<200x128xf32>
    %dot_general3A_219 = tpu.matmul %reduce_sum3A_205, %get3A_217, %dot_general3A_218 {dimension_numbers = #tpu.dot_dimension_numbers<[1], [0], [0], [1], [0, 0, 1, 1], [], []>, transpose_lhs_hint = false} : vector<200x16xf32>, vector<16x128xf32>, vector<200x128xf32> -> vector<200x128xf32>
    %add3A_220 = arith.addf %dot_general3A_214, %dot_general3A_219 : vector<200x128xf32>
    %get3A_221 = arith.constant 0 : index
    %get3A_222 = arith.constant 128 : index
    %get3A_223 = vector.load %arg16[%get3A_221, %get3A_222] : memref<128x256xf32, #tpu.memory_space<vmem>>, vector<128x128xf32>
    %dot_general3A_224 = arith.constant dense<0.000000e+00> : vector<200x128xf32>
    %dot_general3A_225 = tpu.matmul %reduce_sum3A_209, %get3A_223, %dot_general3A_224 {dimension_numbers = #tpu.dot_dimension_numbers<[1], [0], [0], [1], [0, 0, 1, 1], [], []>, transpose_lhs_hint = false} : vector<200x128xf32>, vector<128x128xf32>, vector<200x128xf32> -> vector<200x128xf32>
    %add3A_226 = arith.addf %add3A_220, %dot_general3A_225 : vector<200x128xf32>
    %get3A_227 = arith.constant 0 : index
    %get3A_228 = arith.constant 128 : index
    %get3A_229 = vector.load %arg17[%get3A_227, %get3A_228] : memref<1x256xf32, #tpu.memory_space<vmem>>, vector<1x128xf32>
    %add3A_230 = vector.broadcast %get3A_229 : vector<1x128xf32> to vector<200x128xf32>
    %add3A_231 = arith.addf %add3A_226, %add3A_230 : vector<200x128xf32>
    %get3A_232 = arith.constant 0 : index
    %get3A_233 = arith.constant 0 : index
    %get3A_234 = vector.load %arg18[%get3A_232, %get3A_233] : memref<256x256xf32, #tpu.memory_space<vmem>>, vector<128x256xf32>
    %dot_general3A_235 = arith.constant dense<0.000000e+00> : vector<200x256xf32>
    %dot_general3A_236 = tpu.matmul %add3A_150, %get3A_234, %dot_general3A_235 {dimension_numbers = #tpu.dot_dimension_numbers<[1], [0], [0], [1], [0, 0, 1, 1], [], []>, transpose_lhs_hint = false} : vector<200x128xf32>, vector<128x256xf32>, vector<200x256xf32> -> vector<200x256xf32>
    %get3A_237 = arith.constant 128 : index
    %get3A_238 = arith.constant 0 : index
    %get3A_239 = vector.load %arg18[%get3A_237, %get3A_238] : memref<256x256xf32, #tpu.memory_space<vmem>>, vector<128x256xf32>
    %dot_general3A_240 = arith.constant dense<0.000000e+00> : vector<200x256xf32>
    %dot_general3A_241 = tpu.matmul %add3A_231, %get3A_239, %dot_general3A_240 {dimension_numbers = #tpu.dot_dimension_numbers<[1], [0], [0], [1], [0, 0, 1, 1], [], []>, transpose_lhs_hint = false} : vector<200x128xf32>, vector<128x256xf32>, vector<200x256xf32> -> vector<200x256xf32>
    %add3A_242 = arith.addf %dot_general3A_236, %dot_general3A_241 : vector<200x256xf32>
    %get3A_243 = arith.constant 0 : index
    %get3A_244 = arith.constant 0 : index
    %get3A_245 = vector.load %arg19[%get3A_243, %get3A_244] : memref<1x256xf32, #tpu.memory_space<vmem>>, vector<1x256xf32>
    %add3A_246 = vector.broadcast %get3A_245 : vector<1x256xf32> to vector<200x256xf32>
    %add3A_247 = arith.addf %add3A_242, %add3A_246 : vector<200x256xf32>
    %get3A_248 = arith.constant 0 : index
    %get3A_249 = arith.constant 0 : index
    %get3A_250 = vector.load %arg20[%get3A_248, %get3A_249] : memref<384x128xf32, #tpu.memory_space<vmem>>, vector<128x128xf32>
    %dot_general3A_251 = arith.constant dense<0.000000e+00> : vector<200x128xf32>
    %dot_general3A_252 = tpu.matmul %get3A_53, %get3A_250, %dot_general3A_251 {dimension_numbers = #tpu.dot_dimension_numbers<[1], [0], [0], [1], [0, 0, 1, 1], [], []>, transpose_lhs_hint = false} : vector<200x128xf32>, vector<128x128xf32>, vector<200x128xf32> -> vector<200x128xf32>
    %get3A_253 = arith.constant 128 : index
    %get3A_254 = arith.constant 0 : index
    %get3A_255 = vector.load %arg20[%get3A_253, %get3A_254] : memref<384x128xf32, #tpu.memory_space<vmem>>, vector<256x128xf32>
    %dot_general3A_256 = arith.constant dense<0.000000e+00> : vector<200x128xf32>
    %dot_general3A_257 = tpu.matmul %add3A_247, %get3A_255, %dot_general3A_256 {dimension_numbers = #tpu.dot_dimension_numbers<[1], [0], [0], [1], [0, 0, 1, 1], [], []>, transpose_lhs_hint = false} : vector<200x256xf32>, vector<256x128xf32>, vector<200x128xf32> -> vector<200x128xf32>
    %add3A_258 = arith.addf %dot_general3A_252, %dot_general3A_257 : vector<200x128xf32>
    %get3A_259 = arith.constant 0 : index
    %get3A_260 = arith.constant 0 : index
    %get3A_261 = vector.load %arg21[%get3A_259, %get3A_260] : memref<1x128xf32, #tpu.memory_space<vmem>>, vector<1x128xf32>
    %add3A_262 = vector.broadcast %get3A_261 : vector<1x128xf32> to vector<200x128xf32>
    %add3A_263 = arith.addf %add3A_258, %add3A_262 : vector<200x128xf32>
    %max3A = arith.constant 0.000000e+00 : f32
    %max3A_264 = vector.broadcast %max3A : f32 to vector<200x128xf32>
    %max3A_265 = arith.maximumf %add3A_263, %max3A_264 : vector<200x128xf32>
    %get3A_266 = arith.constant 0 : index
    %get3A_267 = arith.constant 0 : index
    %get3A_268 = vector.load %arg22[%get3A_266, %get3A_267] : memref<128x128xf32, #tpu.memory_space<vmem>>, vector<128x128xf32>
    %dot_general3A_269 = arith.constant dense<0.000000e+00> : vector<200x128xf32>
    %dot_general3A_270 = tpu.matmul %max3A_265, %get3A_268, %dot_general3A_269 {dimension_numbers = #tpu.dot_dimension_numbers<[1], [0], [0], [1], [0, 0, 1, 1], [], []>, transpose_lhs_hint = false} : vector<200x128xf32>, vector<128x128xf32>, vector<200x128xf32> -> vector<200x128xf32>
    %get3A_271 = arith.constant 0 : index
    %get3A_272 = arith.constant 0 : index
    %get3A_273 = vector.load %arg23[%get3A_271, %get3A_272] : memref<1x128xf32, #tpu.memory_space<vmem>>, vector<1x128xf32>
    %add3A_274 = vector.broadcast %get3A_273 : vector<1x128xf32> to vector<200x128xf32>
    %add3A_275 = arith.addf %dot_general3A_270, %add3A_274 : vector<200x128xf32>
    %swap3A = arith.constant 0 : index
    %swap3A_276 = arith.constant 0 : index
    %swap3A_277 = vector.load %arg24[%swap3A, %swap3A_276] : memref<200x128xf32, #tpu.memory_space<vmem>>, vector<200x128xf32>
    tpu.vector_store %arg24[%swap3A, %swap3A_276], %add3A_275 {strides = array<i32>} : memref<200x128xf32, #tpu.memory_space<vmem>>, vector<200x128xf32>,
    return
  }
  func.func @transform_0(%arg0: i32) -> (i32, i32) {
    %c0_i32 = arith.constant 0 : i32
    %c0_i32_0 = arith.constant 0 : i32
    return %arg0, %c0_i32 : i32, i32
  }
  func.func @transform_1(%arg0: i32) -> (i32, i32) {
    %add3A = arith.constant 25 : i32
    %add3A_0 = arith.addi %arg0, %add3A : i32
    %c0_i32 = arith.constant 0 : i32
    %c0_i32_1 = arith.constant 0 : i32
    return %add3A_0, %c0_i32 : i32, i32
  }
  func.func @transform_2(%arg0: i32) -> (i32, i32, i32) {
    %add3A = arith.constant 25 : i32
    %add3A_0 = arith.addi %arg0, %add3A : i32
    %c0_i32 = arith.constant 0 : i32
    %c0_i32_1 = arith.constant 0 : i32
    %c0_i32_2 = arith.constant 0 : i32
    return %add3A_0, %c0_i32, %c0_i32_1 : i32, i32, i32
  }
  func.func @transform_3(%arg0: i32) -> (i32, i32, i32) {
    %c0_i32 = arith.constant 0 : i32
    %c0_i32_0 = arith.constant 0 : i32
    %c0_i32_1 = arith.constant 0 : i32
    return %arg0, %c0_i32, %c0_i32_0 : i32, i32, i32
  }
  func.func @transform_4(%arg0: i32) -> (i32, i32) {
    %add3A = arith.constant 25 : i32
    %add3A_0 = arith.addi %arg0, %add3A : i32
    %c0_i32 = arith.constant 0 : i32
    %c0_i32_1 = arith.constant 0 : i32
    return %add3A_0, %c0_i32 : i32, i32
  }
  func.func @transform_5(%arg0: i32) -> (i32, i32) {
    %c0_i32 = arith.constant 0 : i32
    %c0_i32_0 = arith.constant 0 : i32
    %c0_i32_1 = arith.constant 0 : i32
    return %c0_i32, %c0_i32_0 : i32, i32
  }
  func.func @transform_6(%arg0: i32) -> (i32, i32) {
    %c0_i32 = arith.constant 0 : i32
    %c0_i32_0 = arith.constant 0 : i32
    %c0_i32_1 = arith.constant 0 : i32
    return %c0_i32, %c0_i32_0 : i32, i32
  }
  func.func @transform_7(%arg0: i32) -> (i32, i32) {
    %c0_i32 = arith.constant 0 : i32
    %c0_i32_0 = arith.constant 0 : i32
    %c0_i32_1 = arith.constant 0 : i32
    return %c0_i32, %c0_i32_0 : i32, i32
  }
  func.func @transform_8(%arg0: i32) -> (i32, i32) {
    %c0_i32 = arith.constant 0 : i32
    %c0_i32_0 = arith.constant 0 : i32
    %c0_i32_1 = arith.constant 0 : i32
    return %c0_i32, %c0_i32_0 : i32, i32
  }
  func.func @transform_9(%arg0: i32) -> (i32, i32) {
    %c0_i32 = arith.constant 0 : i32
    %c0_i32_0 = arith.constant 0 : i32
    %c0_i32_1 = arith.constant 0 : i32
    return %c0_i32, %c0_i32_0 : i32, i32
  }
  func.func @transform_10(%arg0: i32) -> (i32, i32) {
    %c0_i32 = arith.constant 0 : i32
    %c0_i32_0 = arith.constant 0 : i32
    %c0_i32_1 = arith.constant 0 : i32
    return %c0_i32, %c0_i32_0 : i32, i32
  }
  func.func @transform_11(%arg0: i32) -> (i32, i32) {
    %c0_i32 = arith.constant 0 : i32
    %c0_i32_0 = arith.constant 0 : i32
    %c0_i32_1 = arith.constant 0 : i32
    return %c0_i32, %c0_i32_0 : i32, i32
  }
  func.func @transform_12(%arg0: i32) -> (i32, i32) {
    %c0_i32 = arith.constant 0 : i32
    %c0_i32_0 = arith.constant 0 : i32
    %c0_i32_1 = arith.constant 0 : i32
    return %c0_i32, %c0_i32_0 : i32, i32
  }
  func.func @transform_13(%arg0: i32) -> (i32, i32) {
    %c0_i32 = arith.constant 0 : i32
    %c0_i32_0 = arith.constant 0 : i32
    %c0_i32_1 = arith.constant 0 : i32
    return %c0_i32, %c0_i32_0 : i32, i32
  }
  func.func @transform_14(%arg0: i32) -> (i32, i32) {
    %c0_i32 = arith.constant 0 : i32
    %c0_i32_0 = arith.constant 0 : i32
    %c0_i32_1 = arith.constant 0 : i32
    return %c0_i32, %c0_i32_0 : i32, i32
  }
  func.func @transform_15(%arg0: i32) -> (i32, i32) {
    %c0_i32 = arith.constant 0 : i32
    %c0_i32_0 = arith.constant 0 : i32
    %c0_i32_1 = arith.constant 0 : i32
    return %c0_i32, %c0_i32_0 : i32, i32
  }
  func.func @transform_16(%arg0: i32) -> (i32, i32) {
    %c0_i32 = arith.constant 0 : i32
    %c0_i32_0 = arith.constant 0 : i32
    %c0_i32_1 = arith.constant 0 : i32
    return %c0_i32, %c0_i32_0 : i32, i32
  }
  func.func @transform_17(%arg0: i32) -> (i32, i32) {
    %c0_i32 = arith.constant 0 : i32
    %c0_i32_0 = arith.constant 0 : i32
    %c0_i32_1 = arith.constant 0 : i32
    return %c0_i32, %c0_i32_0 : i32, i32
  }
  func.func @transform_18(%arg0: i32) -> (i32, i32) {
    %c0_i32 = arith.constant 0 : i32
    %c0_i32_0 = arith.constant 0 : i32
    %c0_i32_1 = arith.constant 0 : i32
    return %c0_i32, %c0_i32_0 : i32, i32
  }
  func.func @transform_19(%arg0: i32) -> (i32, i32) {
    %c0_i32 = arith.constant 0 : i32
    %c0_i32_0 = arith.constant 0 : i32
    %c0_i32_1 = arith.constant 0 : i32
    return %c0_i32, %c0_i32_0 : i32, i32
  }
  func.func @transform_20(%arg0: i32) -> (i32, i32) {
    %c0_i32 = arith.constant 0 : i32
    %c0_i32_0 = arith.constant 0 : i32
    %c0_i32_1 = arith.constant 0 : i32
    return %c0_i32, %c0_i32_0 : i32, i32
  }
  func.func @transform_21(%arg0: i32) -> (i32, i32) {
    %c0_i32 = arith.constant 0 : i32
    %c0_i32_0 = arith.constant 0 : i32
    %c0_i32_1 = arith.constant 0 : i32
    return %c0_i32, %c0_i32_0 : i32, i32
  }
  func.func @transform_22(%arg0: i32) -> (i32, i32) {
    %c0_i32 = arith.constant 0 : i32
    %c0_i32_0 = arith.constant 0 : i32
    %c0_i32_1 = arith.constant 0 : i32
    return %c0_i32, %c0_i32_0 : i32, i32
  }
  func.func @transform_23(%arg0: i32) -> (i32, i32) {
    %c0_i32 = arith.constant 0 : i32
    %c0_i32_0 = arith.constant 0 : i32
    return %arg0, %c0_i32 : i32, i32
  }
}

</mosaic_0001>

<sc_bundles>
// kernel: kernel.6.cloned.1.call-start
scs
__scs_entry_jumppad:
0x0: {  	(pc) =	sbr.rel $0x88, $3  }
0x1: {  	(tag) =	ssettag $0x0;
	lr =	simm.s32 $0x1  }
0x2: {  	[smem:$0x3F8F] =	sst lr;
	_ =	strace $0xD0000000  }
0x3: {  	_ = 	snop  }
0x4: {  	_ = 	snop  }
0x5: {  	_ = 	snop  }
0x6: {  	_ = 	snop  }
0x7: {  	_ = 	snop  }
__scs_overlays_trampoline_lowered:
0x8: {  	[smem:$0x3F9E] =	sst s0  }
0x9: {  	[smem:$0x3F9F] =	sst s1  }
0xa: {  	[smem:$0x3FA0] =	sst s2  }
0xb: {  	[smem:$0x3FA1] =	sst s3  }
0xc: {  	[smem:$0x3FA2] =	sst s4  }
0xd: {  	[smem:$0x3FA3] =	sst s5  }
0xe: {  	[smem:$0x3FA4] =	sst s6  }
0xf: {  	[smem:$0x3FA5] =	sst s7  }
0x10: {  	[smem:$0x3FA6] =	sst s8  }
0x11: {  	[smem:$0x3FA7] =	sst s9;
	s0 =	simm.s32 @!p0 $0x0  }
0x12: {  	s1 =	sld [smem:$0x3F8D];
	s0 =	simm.s32 @p0 $0x1  }
0x13: {  	[smem:$0x3FA8] =	sst s0;
	s0 =	simm.s32 @!p1 $0x0  }
0x14: {  	s2 =	sld [smem:$0x3F8C];
	s0 =	simm.s32 @p1 $0x1  }
0x15: {  	[smem:$0x3FA9] =	sst s0;
	s0 =	simm.s32 @!p2 $0x0  }
0x16: {  	s3 =	sld [smem:$0x3FDB];
	s0 =	simm.s32 @p2 $0x1  }
0x17: {  	s4 =	simm.s32 $0x1BF5;
	[smem:$0x3FAB] =	sst s0  }
0x18: {  	s0 =	sld [smem:$0x3F8E];
	_ =	swait.ge [sflag:s4], $0x0  }
0x19: {  	s7 =	sld [smem:$0x3F8F]  }
0x1a: {  	s8 =	sadd.s32 $0xFFFFE003, lr  }
0x1b: {  	s9 =	sadd.s32 $0xFFFFFEF7, lr;
	s5 =	simm.s32 $0xFFFFFFFF;
	p2 =	slt.u32 s8, $0xFFFFF086  }
0x1c: {  	p1 =	slt.u32 s9, $0xF7A;
	s5 =	simm.s32 @!p2 $0x0  }
0x1d: {  	s5 =	simm.s32 @p1 $0x1;
	p0 =	seq.s32 s7, s2  }
0x1e: {  	s7 =	smul.u32 @!p0 $0xF7A, s2;
	p2 =	seq.s32 @!p0 s5, $0x0  }
0x1f: {  	s9 =	smul.u32 $0xF7A, s1;
	s8 =	simm.s32 @!p0 $0x1BF5;
	p2 =	por !p2, p0  }
0x20: {  	[sflag:s8] =	ssyncset.s32 @!p0 $0xFFFFF086;
	s6 =	sadd.s32 @!p0 s3, s7;
	s7 =	simm.s32 @!p0 $0x108  }
0x21: {  	s3 =	sadd.s32 s3, s9;
	s6 =	sadd.s32 @!p0 $0x88, s6;
	s7 =	simm.s32 @p2 $0x1082  }
0x22: {  	[simem:s7], [sflag:s8] =	dma.local @!p0 [hbm:s6], $0xF7A  }
0x23: {  	s9 =	sor.u32 $0xD0000000, s2;
	s6 =	simm.s32 $0x108;
	_ =	swait.ge @!p0 [sflag:s8], $0x0  }
0x24: {  	s3 =	sadd.s32 $0x88, s3;
	s6 =	simm.s32 @!p1 $0x1082;
	[sflag:s4] =	ssyncset.s32 $0xFFFFF086  }
0x25: {  	[simem:s6], [sflag:s4] =	dma.local [hbm:s3], $0xF7A  }
0x26: {  	[smem:$0x3F8F] =	sst s1;
	(tag) =	ssettag s2;
	_ =	strace s9  }
0x27: {  	s1 =	sld [smem:$0x3F9F]  }
0x28: {  	s2 =	sld [smem:$0x3FA0]  }
0x29: {  	s4 =	sld [smem:$0x3FA2]  }
0x2a: {  	p0 =	seq.s32 s5, $0x0;
	s5 =	sld [smem:$0x3FA3]  }
0x2b: {  	s6 =	sld [smem:$0x3FA4]  }
0x2c: {  	s7 =	sld [smem:$0x3FA5]  }
0x2d: {  	s3 =	simm.s32 $0x108;
	s8 =	sld [smem:$0x3FA6]  }
0x2e: {  	s3 =	simm.s32 @!p0 $0x1082;
	s9 =	sld [smem:$0x3FA7]  }
0x2f: {  	lr =	sadd.s32 s0, s3;
	s0 =	sld [smem:$0x3F9E]  }
0x30: {  	s3 =	sld [smem:$0x3FA1]  }
0x31: {  	[smem:$0x3FAA] =	sst s10  }
0x32: {  	s10 =	sld [smem:$0x3FA8];
	_ =	sdelay $0x3  }
0x33: {  	p0 =	seq.s32 s10, $0x1;
	s10 =	sld [smem:$0x3FAA];
	_ =	sdelay $0x3  }
0x34: {  	[smem:$0x3FAA] =	sst s10  }
0x35: {  	s10 =	sld [smem:$0x3FA9];
	_ =	sdelay $0x3  }
0x36: {  	p1 =	seq.s32 s10, $0x1;
	s10 =	sld [smem:$0x3FAA];
	_ =	sdelay $0x3  }
0x37: {  	[smem:$0x3FAA] =	sst s10  }
0x38: {  	s10 =	sld [smem:$0x3FAB]  }
0x39: {  	_ = 	snop;
	(pc) =	sbr.ind lr, $3  }
0x3a: {  	_ = 	snop  }
0x3b: {  	_ = 	snop  }
0x3c: {  	p2 =	seq.s32 s10, $0x1;
	s10 =	sld [smem:$0x3FAA]  }
0x3d: {  	_ =	shalt  }
0x3e: {  	_ =	shalt  }
0x3f: {  	_ =	shalt  }
0x40: {  	_ =	shalt  }
0x41: {  	_ =	shalt  }
0x42: {  	_ =	shalt  }
0x43: {  	_ =	shalt  }
0x44: {  	_ =	shalt  }
0x45: {  	_ =	shalt  }
0x46: {  	_ =	shalt  }
0x47: {  	_ =	shalt  }
0x48: {  	_ =	shalt  }
0x49: {  	_ =	shalt  }
0x4a: {  	_ =	shalt  }
0x4b: {  	_ =	shalt  }
0x4c: {  	_ =	shalt  }
0x4d: {  	_ =	shalt  }
0x4e: {  	_ =	shalt  }
0x4f: {  	_ =	shalt  }
0x50: {  	_ =	shalt  }
0x51: {  	_ =	shalt  }
0x52: {  	_ =	shalt  }
0x53: {  	_ =	shalt  }
0x54: {  	_ =	shalt  }
0x55: {  	_ =	shalt  }
0x56: {  	_ =	shalt  }
0x57: {  	_ =	shalt  }
0x58: {  	_ =	shalt  }
0x59: {  	_ =	shalt  }
0x5a: {  	_ =	shalt  }
0x5b: {  	_ =	shalt  }
0x5c: {  	_ =	shalt  }
0x5d: {  	_ =	shalt  }
0x5e: {  	_ =	shalt  }
0x5f: {  	_ =	shalt  }
0x60: {  	_ =	shalt  }
0x61: {  	_ =	shalt  }
0x62: {  	_ =	shalt  }
0x63: {  	_ =	shalt  }
0x64: {  	_ =	shalt  }
0x65: {  	_ =	shalt  }
0x66: {  	_ =	shalt  }
0x67: {  	_ =	shalt  }
0x68: {  	_ =	shalt  }
0x69: {  	_ =	shalt  }
0x6a: {  	_ =	shalt  }
0x6b: {  	_ =	shalt  }
0x6c: {  	_ =	shalt  }
0x6d: {  	_ =	shalt  }
0x6e: {  	_ =	shalt  }
0x6f: {  	_ =	shalt  }
0x70: {  	_ =	shalt  }
0x71: {  	_ =	shalt  }
0x72: {  	_ =	shalt  }
0x73: {  	_ =	shalt  }
0x74: {  	_ =	shalt  }
0x75: {  	_ =	shalt  }
0x76: {  	_ =	shalt  }
0x77: {  	_ =	shalt  }
0x78: {  	_ =	shalt  }
0x79: {  	_ =	shalt  }
0x7a: {  	_ =	shalt  }
0x7b: {  	_ =	shalt  }
0x7c: {  	_ =	shalt  }
0x7d: {  	_ =	shalt  }
0x7e: {  	_ =	shalt  }
0x7f: {  	_ =	shalt  }
0x80: {  	_ =	shalt  }
0x81: {  	_ =	shalt  }
0x82: {  	_ =	shalt  }
0x83: {  	_ =	shalt  }
0x84: {  	_ =	shalt  }
0x85: {  	_ =	shalt  }
0x86: {  	_ =	shalt  }
0x87: {  	_ =	shalt  }
.Lfunc_end0:
.L_simem_size_0:
called_computation_lowered:
.L_overlay_start_0:
0x88: {  	s2 =	sld [smem:$0x3FD9]  }
0x89: {  	s3 =	sld [smem:$0x3FFE];
	_ =	sdelay $0x1  }
0x8a: {  	s1 =	srdreg.scid  }
0x8b: {  	s0 =	sand.u32 $0x1, s1  }
0x8c: {  	s17 =	sshll.u32 s0, $0xA;
	s2 =	sadd.s32 s3, s2  }
0x8d: {  	s2 =	sadd.s32 s2, s17  }
0x8e: {  	[smem:$0x3FB6] =	sst s2  }
0x8f: {  	_ = 	snop  }
0x90: {  	s2 =	sld [smem:$0x3FC9]  }
0x91: {  	s18 =	sld [smem:$0x3FC6]  }
0x92: {  	s4 =	sld [smem:$0x3FD0];
	(tm) =	ssettm $0x1  }
0x93: {  	s5 =	sld [smem:$0x3FFB];
	_ =	sdelay $0x3  }
0x94: {  	_ =	strace s5  }
0x95: {  	s5 =	sld [smem:$0x3FFC];
	_ =	sdelay $0x3  }
0x96: {  	_ =	strace s5  }
0x97: {  	s5 =	sld [smem:$0x3FFD];
	_ =	sdelay $0x3  }
0x98: {  	_ =	strace s5  }
0x99: {  	_ =	strace $0x8FFFFFFF  }
0x9a: {  	s19 =	sld [smem:$0x3FDB];
	_ =	sdelay $0x1  }
0x9b: {  	s6 =	simm.s32 $_scs_section_size  }
0x9c: {  	s7 =	simm.s32 $_size__tile_overlayer_lowered;
	s8 =	simm.s32 $_tile_overlayer_lowered  }
0x9d: {  	s22 =	simm.s32 $0x1BFF;
	s21 =	sshll.u32 s8, $0x1;
	s5 =	sadd.s32 s6, s19  }
0x9e: {  	s9 =	simm.s32 $0x0;
	s20 =	sshll.u32 s7, $0x1;
	s7 =	sadd.s32 s21, s5  }
0x9f: {  	[timem:s9], [sflag:s22] =	dma.local [hbm:s7], s20  }
0xa0: {  	_ =	swait.ge [sflag:s22], s20  }
0xa1: {  	s6 =	ssub.s32 $0x0, s20;
	[sflag:s22] =	ssyncset.done $0x0  }
0xa2: {  	[sflag:s22] =	ssyncadd.s32 s6;
	_ =	sdelay $0x1  }
0xa3: {  	s23 =	simm.s32 $0x1B8B  }
0xa4: {  	_ =	swait.ge [sflag:s23], $0x1  }
0xa5: {  	[sflag:s23] =	ssyncset.done $0x0  }
0xa6: {  	s25 =	simm.s32 $0x1B8E;
	s24 =	sld [smem:$0x3FFE];
	[sflag:s23] =	ssyncadd.s32 $0xFFFFFFFF  }
0xa7: {  	s26 =	simm.s32 $execute0_lowered;
	[smem:$0x3FD2] =	sst s25  }
0xa8: {  	s7 =	sshll.u32 s26, $0x1;
	_ =	strace $0x80000046;
	[dreg:$0x1] =	wrdreg $0xFFFFFFFF  }
0xa9: {  	s28 =	simm.s32 $_size_execute0_lowered;
	s5 =	sadd.s32 s5, s7;
	[dreg:$0x0] =	wrdreg $0x0  }
0xaa: {  	s7 =	sshll.u32 s28, $0x1;
	[dreg:$0x2] =	wrdreg s5  }
0xab: {  	[dreg:$0x3] =	wrdreg s7  }
0xac: {  	[dreg:$0x4] =	wrdreg $0xC0  }
0xad: {  	_ =	task [dreg:s9], $0x5FFFF  }
0xae: {  	[dreg:$0x1] =	wrdreg $0xFFFFFFFF  }
0xaf: {  	[dreg:$0x0] =	wrdreg $0x60  }
0xb0: {  	[dreg:$0x2] =	wrdreg s2  }
0xb1: {  	[dreg:$0x3] =	wrdreg s18  }
0xb2: {  	[dreg:$0x4] =	wrdreg s4  }
0xb3: {  	[dreg:$0x5] =	wrdreg s24  }
0xb4: {  	[dreg:$0x6] =	wrdreg $0x9  }
0xb5: {  	_ =	task.clear_ibuf [dreg:s9], $0x7FFFF;
	_ =	strace $0x90000046  }
0xb6: {  	s29 =	simm.s32 $0x9;
	_ =	strace $0x80000048  }
0xb7: {  	_ =	swait.ge [sflag:s29], $0x1  }
0xb8: {  	[sflag:s29] =	ssyncadd.s32 $0xFFFFFFFF  }
0xb9: {  	_ =	strace $0x90000048  }
0xba: {  	_ =	sfence  }
0xbb: {  	s30 =	sld [smem:$0x0];
	_ =	sdelay $0x2  }
0xbc: {  	s31 =	sshll.u32 s1, $0xD;
	s1 =	sshrl.u32 s1, $0x2  }
0xbd: {  	s3 =	sand.u32 $0x4000, s31;
	s1 =	sadd.s32 s1, s30  }
0xbe: {  	s0 =	sor.u32 s3, s0;
	s1 =	sshll.u32 s1, $0x11  }
0xbf: {  	s0 =	sor.u32 s1, s0  }
0xc0: {  	s0 =	sadd.s32 $0x8F2B, s0  }
0xc1: {  	[sflag:s0] =	ssyncadd.remote.s32 $0x1  }
0xc2: {  	_ =	sfence.sel $0xFFFF  }
0xc3: {  	[dreg:$0x0] =	wrdreg $0xFFFFFFFF;
	(pc) =	sbr.abs _section_cstart, $3  }
0xc4: {  	[dreg:$0x1] =	wrdreg $0xFFFFFFFF  }
0xc5: {  	_ =	task.clear_ibuf [dreg:s9], $0x2FFFF;
	_ =	strace $0x9FFFFFFF  }
0xc6: {  	(tm) =	ssettm $0x7FFFFFFF  }
0xc7: {  	_ =	shalt  }
tec
execute0_lowered:
.L_overlay_start_1:
0x0: {  	(tag) =	ssettag $0x1  }
0x1: {  	s1 =	rddreg [dreg:$0x0]  }
0x2: {  	s2 =	rddreg [dreg:$0x1]  }
0x3: {  	s0 =	rddreg [dreg:$0x2]  }
0x4: {  	s3 =	rddreg [dreg:$0x3];
	s4 =	simm.s32 $0x0;
	s5 =	srdreg.scid  }
0x5: {  	s12 =	stileid.u32;
	s30 =	simm.s32 $0x1;
	s28 =	simm.s32 $0x14190  }
0x6: {  	[smem:$0x7FF] =	sst s4;
	s6 =	sand.u32 $0x1, s5;
	s21 =	smul.u32 $0x27100, s12  }
0x7: {  	s15 =	sshll.u32 s12, $0x1;
	s8 =	sadd.s32 $0xF400, s3;
	s26 =	smul.u32 $0x2710, s12  }
0x8: {  	s5 =	sadd.s32 $0xA400, s3;
	s12 =	simm.s32 $0x0;
	s24 =	smul.u32 $0x13880, s6  }
0x9: {  	s7 =	sor.u32 s6, s15;
	s9 =	ssub.s32 $0x2, s6;
	s6 =	smul.u32 $0x1388, s6  }
0xa: {  	_ =	strace $0x80000047;
	s10 =	smul.u32 $0x1388, s7;
	s16 =	sshrl.u32 s9, $0x1  }
0xb: {  	s7 =	smul.u32 $0x13880, s7;
	s3 =	ssub.s32 s9, s16;
	s31 =	sadd.s32 s6, s26  }
0xc: {  	s16 =	simm.s32 $0x5;
	s6 =	simm.s32 $0x1B8;
	s17 =	sshrl.u32 s10, $0x3  }
0xd: {  	s11 =	sadd.s32 $0x11F8, s10;
	s18 =	sadd.s32 s8, s7;
	s23 =	sadd.s32 $0x12C0, s10  }
0xe: {  	s3 =	smax.u32 s3, $0x1;
	s15 =	sadd.s32 $0xC8, s31;
	s10 =	simm.s32 $0x3  }
0xf: {  	s0 =	sadd.s32 s0, s17;
	[dreg:$0x6] =	wrdreg s18;
	s19 =	sshll.u32 s11, $0x4  }
0x10: {  	s20 =	sadd.s32 s5, s17;
	s22 =	sshrl.u32 s11, $0x3;
	s25 =	sshll.u32 s23, $0x4  }
0x11: {  	s9 =	sshrl.u32 s23, $0x3;
	[dreg:$0xc] =	wrdreg s3;
	s17 =	simm.s32 $0x28  }
0x12: {  	s18 =	simm.s32 $0x1400;
	s3 =	simm.s32 $0x2;
	[dreg:$0x5] =	wrdreg s0  }
0x13: {  	s11 =	simm.s32 $0x4;
	[dreg:$0x7] =	wrdreg s20;
	s0 =	sadd.s32 s8, s19  }
0x14: {  	s7 =	sadd.s32 s5, s22;
	s29 =	sadd.s32 s5, s9;
	[dreg:$0x8] =	wrdreg s0  }
0x15: {  	s19 =	simm.s32 $0x14000;
	s9 =	simm.s32 $0x230;
	[dreg:$0x9] =	wrdreg s7  }
0x16: {  	s0 =	sadd.s32 s21, s8;
	s7 =	sadd.s32 s8, s25;
	[dreg:$0xb] =	wrdreg s29  }
0x17: {  	s8 =	simm.s32 $0x208;
	[dreg:$0xa] =	wrdreg s7;
	s0 =	sadd.s32 s24, s0  }
0x18: {  	s24 =	simm.s32 $0xDC00;
	s7 =	simm.s32 $0x1E0;
	s14 =	sadd.s32 $0xC80, s0  }
.LBB2_1:
0x19: {  	s0 =	rddreg [dreg:$0x5]  }
0x1a: {  	[tilespmem:s4], [sflag:$0x5] =	stream.linear.gather [hbm4b:s0+s4], $0x1388, $0x38;
	[tilespmem:$0x14280] =	vst v63  }
0x1b: {  	_ =	swait.ge [sflag:s16], $0x1388  }
0x1c: {  	[sflag:s16] =	ssyncset.done $0x0  }
0x1d: {  	[sflag:s16] =	ssyncadd.s32 $0xFFFFEC78  }
0x1e: {  	[tilespmem:s18], [sflag:$0x1] =	stream.indirect.gather [hbm4b:s1+s17], $0x80, s4, s17, $0xb8;
	[tilespmem:$0x14280] =	vst v63  }
0x1f: {  	_ = 	snop  }
0x20: {  	[tilespmem:s19], [sflag:$0x2] =	stream.indirect.gather [hbm4b:s2+s17], $0x1, s4, s17, $0xb8;
	[tilespmem:$0x14280] =	vst v63  }
0x21: {  	s22 =	simm.s32 $0x2800  }
0x22: {  	[tilespmem:s22], [sflag:$0x1] =	stream.indirect.gather [hbm4b:s1+s17], $0x80, s17, s17, $0xb8;
	[tilespmem:$0x14280] =	vst v63  }
0x23: {  	s23 =	simm.s32 $0x14028  }
0x24: {  	[tilespmem:s23], [sflag:$0x2] =	stream.indirect.gather [hbm4b:s2+s17], $0x1, s17, s17, $0xb8;
	[tilespmem:$0x14280] =	vst v63  }
0x25: {  	s25 =	simm.s32 $0x50;
	s13 =	simm.s32 $0x3C00  }
0x26: {  	[tilespmem:s13], [sflag:$0x1] =	stream.indirect.gather [hbm4b:s1+s17], $0x80, s25, s17, $0xb8;
	[tilespmem:$0x14280] =	vst v63  }
0x27: {  	s26 =	simm.s32 $0x14050  }
0x28: {  	[tilespmem:s26], [sflag:$0x2] =	stream.indirect.gather [hbm4b:s2+s17], $0x1, s25, s17, $0xb8;
	[tilespmem:$0x14280] =	vst v63  }
0x29: {  	s31 =	simm.s32 $0x78;
	s20 =	simm.s32 $0x5000  }
0x2a: {  	[tilespmem:s20], [sflag:$0x1] =	stream.indirect.gather [hbm4b:s1+s17], $0x80, s31, s17, $0xb8;
	[tilespmem:$0x14280] =	vst v63  }
0x2b: {  	s21 =	simm.s32 $0x14078  }
0x2c: {  	[tilespmem:s21], [sflag:$0x2] =	stream.indirect.gather [hbm4b:s2+s17], $0x1, s31, s17, $0xb8;
	[tilespmem:$0x14280] =	vst v63  }
0x2d: {  	s22 =	simm.s32 $0xA0;
	s23 =	simm.s32 $0x6400  }
0x2e: {  	[tilespmem:s23], [sflag:$0x1] =	stream.indirect.gather [hbm4b:s1+s17], $0x80, s22, s17, $0xb8;
	[tilespmem:$0x14280] =	vst v63  }
0x2f: {  	s25 =	simm.s32 $0x140A0  }
0x30: {  	[tilespmem:s25], [sflag:$0x2] =	stream.indirect.gather [hbm4b:s2+s17], $0x1, s22, s17, $0xb8;
	[tilespmem:$0x14280] =	vst v63  }
0x31: {  	s26 =	simm.s32 $0xC8;
	s31 =	simm.s32 $0x7800  }
0x32: {  	[tilespmem:s31], [sflag:$0x1] =	stream.indirect.gather [hbm4b:s1+s17], $0x80, s26, s17, $0xb8;
	[tilespmem:$0x14280] =	vst v63  }
0x33: {  	s20 =	simm.s32 $0x140C8  }
0x34: {  	[tilespmem:s20], [sflag:$0x2] =	stream.indirect.gather [hbm4b:s2+s17], $0x1, s26, s17, $0xb8;
	[tilespmem:$0x14280] =	vst v63  }
0x35: {  	s21 =	simm.s32 $0xF0;
	s22 =	simm.s32 $0x8C00  }
0x36: {  	[tilespmem:s22], [sflag:$0x1] =	stream.indirect.gather [hbm4b:s1+s17], $0x80, s21, s17, $0xb8;
	[tilespmem:$0x14280] =	vst v63  }
0x37: {  	s23 =	simm.s32 $0x140F0  }
0x38: {  	[tilespmem:s23], [sflag:$0x2] =	stream.indirect.gather [hbm4b:s2+s17], $0x1, s21, s17, $0xb8;
	[tilespmem:$0x14280] =	vst v63  }
0x39: {  	s25 =	simm.s32 $0x118;
	s26 =	simm.s32 $0xA000  }
0x3a: {  	[tilespmem:s26], [sflag:$0x1] =	stream.indirect.gather [hbm4b:s1+s17], $0x80, s25, s17, $0xb8;
	[tilespmem:$0x14280] =	vst v63  }
0x3b: {  	s31 =	simm.s32 $0x14118  }
0x3c: {  	[tilespmem:s31], [sflag:$0x2] =	stream.indirect.gather [hbm4b:s2+s17], $0x1, s25, s17, $0xb8;
	[tilespmem:$0x14280] =	vst v63  }
0x3d: {  	s20 =	simm.s32 $0x140;
	s21 =	simm.s32 $0xB400  }
0x3e: {  	[tilespmem:s21], [sflag:$0x1] =	stream.indirect.gather [hbm4b:s1+s17], $0x80, s20, s17, $0xb8;
	[tilespmem:$0x14280] =	vst v63  }
0x3f: {  	s22 =	simm.s32 $0x14140  }
0x40: {  	[tilespmem:s22], [sflag:$0x2] =	stream.indirect.gather [hbm4b:s2+s17], $0x1, s20, s17, $0xb8;
	[tilespmem:$0x14280] =	vst v63  }
0x41: {  	s23 =	simm.s32 $0x168;
	s25 =	simm.s32 $0xC800  }
0x42: {  	[tilespmem:s25], [sflag:$0x1] =	stream.indirect.gather [hbm4b:s1+s17], $0x80, s23, s17, $0xb8;
	[tilespmem:$0x14280] =	vst v63  }
0x43: {  	s26 =	simm.s32 $0x14168  }
0x44: {  	[tilespmem:s26], [sflag:$0x2] =	stream.indirect.gather [hbm4b:s2+s17], $0x1, s23, s17, $0xb8;
	[tilespmem:$0x14280] =	vst v63  }
0x45: {  	_ =	swait.ge [sflag:s30], $0x1400  }
0x46: {  	[sflag:s30] =	ssyncset.done $0x0  }
0x47: {  	[sflag:s30] =	ssyncadd.s32 $0xFFFFEC00  }
0x48: {  	_ =	swait.ge [sflag:s3], $0x28  }
0x49: {  	[sflag:s3] =	ssyncset.done $0x0  }
0x4a: {  	[sflag:s3] =	ssyncadd.s32 $0xFFFFFFD8  }
0x4b: {  	_ =	swait.ge [sflag:s30], $0x1400  }
0x4c: {  	[sflag:s30] =	ssyncset.done $0x0  }
0x4d: {  	[sflag:s30] =	ssyncadd.s32 $0xFFFFEC00  }
0x4e: {  	_ =	swait.ge [sflag:s3], $0x28  }
0x4f: {  	[sflag:s3] =	ssyncset.done $0x0  }
0x50: {  	[sflag:s3] =	ssyncadd.s32 $0xFFFFFFD8  }
0x51: {  	_ =	swait.ge [sflag:s30], $0x1400  }
0x52: {  	[sflag:s30] =	ssyncset.done $0x0  }
0x53: {  	[sflag:s30] =	ssyncadd.s32 $0xFFFFEC00  }
0x54: {  	_ =	swait.ge [sflag:s3], $0x28  }
0x55: {  	[sflag:s3] =	ssyncset.done $0x0  }
0x56: {  	[sflag:s3] =	ssyncadd.s32 $0xFFFFFFD8  }
0x57: {  	_ =	swait.ge [sflag:s30], $0x1400  }
0x58: {  	[sflag:s30] =	ssyncset.done $0x0  }
0x59: {  	[sflag:s30] =	ssyncadd.s32 $0xFFFFEC00  }
0x5a: {  	_ =	swait.ge [sflag:s3], $0x28  }
0x5b: {  	[sflag:s3] =	ssyncset.done $0x0  }
0x5c: {  	[sflag:s3] =	ssyncadd.s32 $0xFFFFFFD8  }
0x5d: {  	_ =	swait.ge [sflag:s30], $0x1400  }
0x5e: {  	[sflag:s30] =	ssyncset.done $0x0  }
0x5f: {  	[sflag:s30] =	ssyncadd.s32 $0xFFFFEC00  }
0x60: {  	_ =	swait.ge [sflag:s3], $0x28  }
0x61: {  	[sflag:s3] =	ssyncset.done $0x0  }
0x62: {  	s31 =	rddreg [dreg:$0x6];
	[sflag:s3] =	ssyncadd.s32 $0xFFFFFFD8  }
0x63: {  	[hbm4b:s31+s4] =	stream.linear.scatter [tilespmem:s18], [sflag:$0x3], $0x6400, $0x38;
	[tilespmem:$0x14280] =	vst v63  }
0x64: {  	s13 =	rddreg [dreg:$0x7]  }
0x65: {  	[hbm4b:s13+s4] =	stream.linear.scatter [tilespmem:s19], [sflag:$0x4], $0xC8, $0x38;
	[tilespmem:$0x14280] =	vst v63  }
0x66: {  	s20 =	simm.s32 $0x190  }
0x67: {  	[tilespmem:s24], [sflag:$0x1] =	stream.indirect.gather [hbm4b:s1+s17], $0x80, s20, s17, $0xb8;
	[tilespmem:$0x14280] =	vst v63  }
0x68: {  	_ = 	snop  }
0x69: {  	[tilespmem:s28], [sflag:$0x2] =	stream.indirect.gather [hbm4b:s2+s17], $0x1, s20, s17, $0xb8;
	[tilespmem:$0x14280] =	vst v63  }
0x6a: {  	s21 =	simm.s32 $0xF000  }
0x6b: {  	[tilespmem:s21], [sflag:$0x1] =	stream.indirect.gather [hbm4b:s1+s17], $0x80, s6, s17, $0xb8;
	[tilespmem:$0x14280] =	vst v63  }
0x6c: {  	s22 =	simm.s32 $0x141B8  }
0x6d: {  	[tilespmem:s22], [sflag:$0x2] =	stream.indirect.gather [hbm4b:s2+s17], $0x1, s6, s17, $0xb8;
	[tilespmem:$0x14280] =	vst v63  }
0x6e: {  	s23 =	simm.s32 $0x10400  }
0x6f: {  	[tilespmem:s23], [sflag:$0x1] =	stream.indirect.gather [hbm4b:s1+s17], $0x80, s7, s17, $0xb8;
	[tilespmem:$0x14280] =	vst v63  }
0x70: {  	s25 =	simm.s32 $0x141E0  }
0x71: {  	[tilespmem:s25], [sflag:$0x2] =	stream.indirect.gather [hbm4b:s2+s17], $0x1, s7, s17, $0xb8;
	[tilespmem:$0x14280] =	vst v63  }
0x72: {  	s26 =	simm.s32 $0x11800  }
0x73: {  	[tilespmem:s26], [sflag:$0x1] =	stream.indirect.gather [hbm4b:s1+s17], $0x80, s8, s17, $0xb8;
	[tilespmem:$0x14280] =	vst v63  }
0x74: {  	s31 =	simm.s32 $0x14208  }
0x75: {  	[tilespmem:s31], [sflag:$0x2] =	stream.indirect.gather [hbm4b:s2+s17], $0x1, s8, s17, $0xb8;
	[tilespmem:$0x14280] =	vst v63  }
0x76: {  	s13 =	simm.s32 $0x12C00  }
0x77: {  	[tilespmem:s13], [sflag:$0x1] =	stream.indirect.gather [hbm4b:s1+s17], $0x80, s9, s17, $0xb8;
	[tilespmem:$0x14280] =	vst v63  }
0x78: {  	s20 =	simm.s32 $0x14230  }
0x79: {  	[tilespmem:s20], [sflag:$0x2] =	stream.indirect.gather [hbm4b:s2+s17], $0x1, s9, s17, $0xb8;
	[tilespmem:$0x14280] =	vst v63  }
0x7a: {  	_ =	swait.ge [sflag:s30], $0x1400  }
0x7b: {  	[sflag:s30] =	ssyncset.done $0x0  }
0x7c: {  	[sflag:s30] =	ssyncadd.s32 $0xFFFFEC00  }
0x7d: {  	_ =	swait.ge [sflag:s3], $0x28  }
0x7e: {  	[sflag:s3] =	ssyncset.done $0x0  }
0x7f: {  	[sflag:s3] =	ssyncadd.s32 $0xFFFFFFD8  }
0x80: {  	_ =	swait.ge [sflag:s30], $0x1400  }
0x81: {  	[sflag:s30] =	ssyncset.done $0x0  }
0x82: {  	[sflag:s30] =	ssyncadd.s32 $0xFFFFEC00  }
0x83: {  	_ =	swait.ge [sflag:s3], $0x28  }
0x84: {  	[sflag:s3] =	ssyncset.done $0x0  }
0x85: {  	[sflag:s3] =	ssyncadd.s32 $0xFFFFFFD8  }
0x86: {  	_ =	swait.ge [sflag:s30], $0x1400  }
0x87: {  	[sflag:s30] =	ssyncset.done $0x0  }
0x88: {  	[sflag:s30] =	ssyncadd.s32 $0xFFFFEC00  }
0x89: {  	_ =	swait.ge [sflag:s3], $0x28  }
0x8a: {  	s21 =	smul.u32 $0xAB, s10;
	[sflag:s3] =	ssyncset.done $0x0  }
0x8b: {  	[sflag:s3] =	ssyncadd.s32 $0xFFFFFFD8  }
0x8c: {  	s22 =	sadd.s32 $0xFFFFFEAA, s21;
	_ =	swait.ge [sflag:s30], $0x1400  }
0x8d: {  	s13 =	sshrl.u32 s22, $0x9;
	[sflag:s30] =	ssyncset.done $0x0  }
0x8e: {  	s13 =	sand.u32 $0x7F, s13;
	[sflag:s30] =	ssyncadd.s32 $0xFFFFEC00  }
0x8f: {  	s13 =	smul.u32 $0x3, s13;
	_ =	swait.ge [sflag:s3], $0x28  }
0x90: {  	[sflag:s3] =	ssyncset.done $0x0  }
0x91: {  	s13 =	ssub.s32 $0x3, s13;
	[sflag:s3] =	ssyncadd.s32 $0xFFFFFFD8  }
0x92: {  	s13 =	sadd.s32 $0xFFFFFFFE, s13;
	_ =	swait.ge [sflag:s30], $0x1400  }
0x93: {  	s13 =	sand.u32 $0xFF, s13;
	[sflag:s30] =	ssyncset.done $0x0  }
0x94: {  	s0 =	sshrl.u32 s21, $0x9;
	s21 =	smul.u32 $0x19000, s13;
	[sflag:s30] =	ssyncadd.s32 $0xFFFFEC00  }
0x95: {  	s0 =	sand.u32 $0x7F, s0;
	s13 =	smul.u32 $0x320, s13;
	_ =	swait.ge [sflag:s3], $0x28  }
0x96: {  	s22 =	sshrl.u32 s15, $0x3;
	s21 =	sshrl.u32 s21, $0x2;
	[sflag:s3] =	ssyncset.done $0x0  }
0x97: {  	s13 =	sshrl.u32 s13, $0x2;
	s21 =	sadd.s32 $0x1400, s21;
	[sflag:s3] =	ssyncadd.s32 $0xFFFFFFD8  }
0x98: {  	[hbm4b:s14+s4] =	stream.linear.scatter [tilespmem:s21], [sflag:$0x3], $0x6400, $0x38;
	[tilespmem:$0x14280] =	vst v63  }
0x99: {  	s0 =	smul.u32 $0x3, s0;
	s23 =	sadd.s32 s5, s22;
	s13 =	sor.u32 $0x14000, s13  }
0x9a: {  	[hbm4b:s23+s4] =	stream.linear.scatter [tilespmem:s13], [sflag:$0x4], $0xC8, $0x38;
	[tilespmem:$0x14280] =	vst v63  }
0x9b: {  	s0 =	ssub.s32 $0x3, s0;
	_ =	swait.ge [sflag:s10], $0x6400  }
0x9c: {  	s0 =	sand.u32 $0xFF, s0;
	[sflag:s10] =	ssyncset.done $0x0  }
0x9d: {  	s25 =	smul.u32 $0x19000, s0;
	[sflag:s10] =	ssyncadd.s32 $0xFFFF9C00  }
0x9e: {  	s0 =	smul.u32 $0x320, s0;
	_ =	swait.ge [sflag:s11], $0xC8  }
0x9f: {  	s31 =	simm.s32 $0x258;
	s13 =	sshrl.u32 s25, $0x2;
	[sflag:s11] =	ssyncset.done $0x0  }
0xa0: {  	s21 =	sshrl.u32 s0, $0x2;
	s26 =	sadd.s32 $0x1400, s13;
	[sflag:s11] =	ssyncadd.s32 $0xFFFFFF38  }
0xa1: {  	[tilespmem:s26], [sflag:$0x1] =	stream.indirect.gather [hbm4b:s1+s17], $0x80, s31, s17, $0xb8;
	[tilespmem:$0x14280] =	vst v63  }
0xa2: {  	s20 =	sor.u32 $0x14000, s21  }
0xa3: {  	[tilespmem:s20], [sflag:$0x2] =	stream.indirect.gather [hbm4b:s2+s17], $0x1, s31, s17, $0xb8;
	[tilespmem:$0x14280] =	vst v63  }
0xa4: {  	s25 =	simm.s32 $0x280;
	s23 =	sadd.s32 $0x2800, s13  }
0xa5: {  	[tilespmem:s23], [sflag:$0x1] =	stream.indirect.gather [hbm4b:s1+s17], $0x80, s25, s17, $0xb8;
	[tilespmem:$0x14280] =	vst v63  }
0xa6: {  	s26 =	sadd.s32 $0x14028, s21  }
0xa7: {  	[tilespmem:s26], [sflag:$0x2] =	stream.indirect.gather [hbm4b:s2+s17], $0x1, s25, s17, $0xb8;
	[tilespmem:$0x14280] =	vst v63  }
0xa8: {  	s31 =	sadd.s32 $0x3C00, s13;
	s20 =	simm.s32 $0x2A8  }
0xa9: {  	[tilespmem:s31], [sflag:$0x1] =	stream.indirect.gather [hbm4b:s1+s17], $0x80, s20, s17, $0xb8;
	[tilespmem:$0x14280] =	vst v63  }
0xaa: {  	s23 =	sadd.s32 $0x14050, s21  }
0xab: {  	[tilespmem:s23], [sflag:$0x2] =	stream.indirect.gather [hbm4b:s2+s17], $0x1, s20, s17, $0xb8;
	[tilespmem:$0x14280] =	vst v63  }
0xac: {  	s25 =	sadd.s32 $0x5000, s13;
	s26 =	simm.s32 $0x2D0  }
0xad: {  	[tilespmem:s25], [sflag:$0x1] =	stream.indirect.gather [hbm4b:s1+s17], $0x80, s26, s17, $0xb8;
	[tilespmem:$0x14280] =	vst v63  }
0xae: {  	s29 =	sadd.s32 $0xC80, s14;
	s31 =	sadd.s32 $0x14078, s21  }
0xaf: {  	[tilespmem:s31], [sflag:$0x2] =	stream.indirect.gather [hbm4b:s2+s17], $0x1, s26, s17, $0xb8;
	[tilespmem:$0x14280] =	vst v63  }
0xb0: {  	s22 =	sadd.s32 $0xC8, s15;
	s0 =	simm.s32 $0x2F8;
	s13 =	sadd.s32 $0x6400, s13  }
0xb1: {  	[tilespmem:s13], [sflag:$0x1] =	stream.indirect.gather [hbm4b:s1+s17], $0x80, s0, s17, $0xb8;
	[tilespmem:$0x14280] =	vst v63  }
0xb2: {  	s21 =	sadd.s32 $0x140A0, s21;
	s25 =	simm.s32 $0x4;
	s13 =	simm.s32 $0x320  }
.LBB2_2:
0xb3: {  	[tilespmem:s21], [sflag:$0x2] =	stream.indirect.gather [hbm4b:s2+s17], $0x1, s0, s17, $0xb8;
	[tilespmem:$0x14280] =	vst v63  }
0xb4: {  	s0 =	smov.u32 s13  }
0xb5: {  	p0 =	sne.s32 s13, $0x41A0;
	s13 =	sadd.s32 $0x320, s13;
	_ =	swait.ge [sflag:s30], $0x1400  }
0xb6: {  	[sflag:s30] =	ssyncset.done $0x0  }
0xb7: {  	[sflag:s30] =	ssyncadd.s32 $0xFFFFEC00  }
0xb8: {  	_ =	swait.ge [sflag:s3], $0x28  }
0xb9: {  	[sflag:s3] =	ssyncset.done $0x0  }
0xba: {  	[sflag:s3] =	ssyncadd.s32 $0xFFFFFFD8  }
0xbb: {  	_ =	swait.ge [sflag:s30], $0x1400  }
0xbc: {  	[sflag:s30] =	ssyncset.done $0x0  }
0xbd: {  	[sflag:s30] =	ssyncadd.s32 $0xFFFFEC00  }
0xbe: {  	_ =	swait.ge [sflag:s3], $0x28  }
0xbf: {  	[sflag:s3] =	ssyncset.done $0x0  }
0xc0: {  	[sflag:s3] =	ssyncadd.s32 $0xFFFFFFD8  }
0xc1: {  	_ =	swait.ge [sflag:s30], $0x1400  }
0xc2: {  	[sflag:s30] =	ssyncset.done $0x0  }
0xc3: {  	[sflag:s30] =	ssyncadd.s32 $0xFFFFEC00  }
0xc4: {  	_ =	swait.ge [sflag:s3], $0x28  }
0xc5: {  	s21 =	smul.u32 $0xAB, s25;
	[sflag:s3] =	ssyncset.done $0x0  }
0xc6: {  	[sflag:s3] =	ssyncadd.s32 $0xFFFFFFD8  }
0xc7: {  	s26 =	sadd.s32 $0xFFFFFEAA, s21;
	s21 =	sshrl.u32 s21, $0x9;
	_ =	swait.ge [sflag:s30], $0x1400  }
0xc8: {  	s26 =	sshrl.u32 s26, $0x9;
	s21 =	sand.u32 $0x7F, s21;
	[sflag:s30] =	ssyncset.done $0x0  }
0xc9: {  	s26 =	sand.u32 $0x7F, s26;
	s21 =	smul.u32 $0x3, s21;
	[sflag:s30] =	ssyncadd.s32 $0xFFFFEC00  }
0xca: {  	s26 =	smul.u32 $0x3, s26;
	_ =	swait.ge [sflag:s3], $0x28  }
0xcb: {  	s21 =	ssub.s32 s25, s21;
	[sflag:s3] =	ssyncset.done $0x0  }
0xcc: {  	s26 =	ssub.s32 s25, s26;
	s21 =	sand.u32 $0xFF, s21;
	[sflag:s3] =	ssyncadd.s32 $0xFFFFFFD8  }
0xcd: {  	s26 =	sadd.s32 $0xFFFFFFFE, s26;
	s31 =	smul.u32 $0x19000, s21;
	_ =	swait.ge [sflag:s30], $0x1400  }
0xce: {  	s21 =	smul.u32 $0x320, s21;
	s23 =	sand.u32 $0xFF, s26;
	[sflag:s30] =	ssyncset.done $0x0  }
0xcf: {  	s20 =	smul.u32 $0x19000, s23;
	s26 =	sshrl.u32 s31, $0x2;
	[sflag:s30] =	ssyncadd.s32 $0xFFFFEC00  }
0xd0: {  	s23 =	smul.u32 $0x320, s23;
	s21 =	sshrl.u32 s21, $0x2;
	_ =	swait.ge [sflag:s3], $0x28  }
0xd1: {  	s31 =	sshrl.u32 s22, $0x3;
	s20 =	sshrl.u32 s20, $0x2;
	[sflag:s3] =	ssyncset.done $0x0  }
0xd2: {  	s23 =	sshrl.u32 s23, $0x2;
	s20 =	sadd.s32 $0x1400, s20;
	[sflag:s3] =	ssyncadd.s32 $0xFFFFFFD8  }
0xd3: {  	[hbm4b:s29+s4] =	stream.linear.scatter [tilespmem:s20], [sflag:$0x3], $0x6400, $0x38;
	[tilespmem:$0x14280] =	vst v63  }
0xd4: {  	s23 =	sor.u32 $0x14000, s23;
	s20 =	sadd.s32 s5, s31  }
0xd5: {  	[hbm4b:s20+s4] =	stream.linear.scatter [tilespmem:s23], [sflag:$0x4], $0xC8, $0x38;
	[tilespmem:$0x14280] =	vst v63  }
0xd6: {  	_ =	swait.ge [sflag:s10], $0x6400  }
0xd7: {  	[sflag:s10] =	ssyncset.done $0x0  }
0xd8: {  	[sflag:s10] =	ssyncadd.s32 $0xFFFF9C00  }
0xd9: {  	_ =	swait.ge [sflag:s11], $0xC8  }
0xda: {  	s0 =	sshra.s32 s0, $0x2;
	[sflag:s11] =	ssyncset.done $0x0  }
0xdb: {  	s20 =	sadd.s32 $0x1400, s26;
	s23 =	sadd.s32 $0x258, s0;
	[sflag:s11] =	ssyncadd.s32 $0xFFFFFF38  }
0xdc: {  	[tilespmem:s20], [sflag:$0x1] =	stream.indirect.gather [hbm4b:s1+s17], $0x80, s23, s17, $0xb8;
	[tilespmem:$0x14280] =	vst v63  }
0xdd: {  	s20 =	sor.u32 $0x14000, s21  }
0xde: {  	[tilespmem:s20], [sflag:$0x2] =	stream.indirect.gather [hbm4b:s2+s17], $0x1, s23, s17, $0xb8;
	[tilespmem:$0x14280] =	vst v63  }
0xdf: {  	s20 =	sadd.s32 $0x2800, s26;
	s23 =	sadd.s32 $0x280, s0  }
0xe0: {  	[tilespmem:s20], [sflag:$0x1] =	stream.indirect.gather [hbm4b:s1+s17], $0x80, s23, s17, $0xb8;
	[tilespmem:$0x14280] =	vst v63  }
0xe1: {  	s20 =	sadd.s32 $0x14028, s21  }
0xe2: {  	[tilespmem:s20], [sflag:$0x2] =	stream.indirect.gather [hbm4b:s2+s17], $0x1, s23, s17, $0xb8;
	[tilespmem:$0x14280] =	vst v63  }
0xe3: {  	s20 =	sadd.s32 $0x3C00, s26;
	s23 =	sadd.s32 $0x2A8, s0  }
0xe4: {  	[tilespmem:s20], [sflag:$0x1] =	stream.indirect.gather [hbm4b:s1+s17], $0x80, s23, s17, $0xb8;
	[tilespmem:$0x14280] =	vst v63  }
0xe5: {  	s20 =	sadd.s32 $0x14050, s21  }
0xe6: {  	[tilespmem:s20], [sflag:$0x2] =	stream.indirect.gather [hbm4b:s2+s17], $0x1, s23, s17, $0xb8;
	[tilespmem:$0x14280] =	vst v63  }
0xe7: {  	s20 =	sadd.s32 $0x5000, s26;
	s23 =	sadd.s32 $0x2D0, s0  }
0xe8: {  	[tilespmem:s20], [sflag:$0x1] =	stream.indirect.gather [hbm4b:s1+s17], $0x80, s23, s17, $0xb8;
	[tilespmem:$0x14280] =	vst v63  }
.Ltmp0:
0xe9: {  	s20 =	sadd.s32 $0x14078, s21;
	(pc) =	sbr.rel @p0 .LBB2_2-.Ltmp0, $4  }
0xea: {  	[tilespmem:s20], [sflag:$0x2] =	stream.indirect.gather [hbm4b:s2+s17], $0x1, s23, s17, $0xb8;
	[tilespmem:$0x14280] =	vst v63  }
0xeb: {  	s22 =	sadd.s32 $0xC8, s22;
	s0 =	sadd.s32 $0x2F8, s0;
	s20 =	sadd.s32 $0x6400, s26  }
0xec: {  	[tilespmem:s20], [sflag:$0x1] =	stream.indirect.gather [hbm4b:s1+s17], $0x80, s0, s17, $0xb8;
	[tilespmem:$0x14280] =	vst v63  }
0xed: {  	s25 =	sadd.s32 $0x1, s25;
	s29 =	sadd.s32 $0xC80, s29;
	s21 =	sadd.s32 $0x140A0, s21  }
0xee: {  	[tilespmem:s21], [sflag:$0x2] =	stream.indirect.gather [hbm4b:s2+s17], $0x1, s0, s17, $0xb8;
	[tilespmem:$0x14280] =	vst v63  }
0xef: {  	_ =	swait.ge [sflag:s30], $0x1400  }
0xf0: {  	[sflag:s30] =	ssyncset.done $0x0  }
0xf1: {  	[sflag:s30] =	ssyncadd.s32 $0xFFFFEC00  }
0xf2: {  	_ =	swait.ge [sflag:s3], $0x28  }
0xf3: {  	[sflag:s3] =	ssyncset.done $0x0  }
0xf4: {  	[sflag:s3] =	ssyncadd.s32 $0xFFFFFFD8  }
0xf5: {  	_ =	swait.ge [sflag:s30], $0x1400  }
0xf6: {  	[sflag:s30] =	ssyncset.done $0x0  }
0xf7: {  	[sflag:s30] =	ssyncadd.s32 $0xFFFFEC00  }
0xf8: {  	_ =	swait.ge [sflag:s3], $0x28  }
0xf9: {  	[sflag:s3] =	ssyncset.done $0x0  }
0xfa: {  	[sflag:s3] =	ssyncadd.s32 $0xFFFFFFD8  }
0xfb: {  	_ =	swait.ge [sflag:s30], $0x1400  }
0xfc: {  	[sflag:s30] =	ssyncset.done $0x0  }
0xfd: {  	[sflag:s30] =	ssyncadd.s32 $0xFFFFEC00  }
0xfe: {  	_ =	swait.ge [sflag:s3], $0x28  }
0xff: {  	[sflag:s3] =	ssyncset.done $0x0  }
0x100: {  	[sflag:s3] =	ssyncadd.s32 $0xFFFFFFD8  }
0x101: {  	_ =	swait.ge [sflag:s30], $0x1400  }
0x102: {  	[sflag:s30] =	ssyncset.done $0x0  }
0x103: {  	[sflag:s30] =	ssyncadd.s32 $0xFFFFEC00  }
0x104: {  	_ =	swait.ge [sflag:s3], $0x28  }
0x105: {  	[sflag:s3] =	ssyncset.done $0x0  }
0x106: {  	[sflag:s3] =	ssyncadd.s32 $0xFFFFFFD8  }
0x107: {  	_ =	swait.ge [sflag:s30], $0x1400  }
0x108: {  	[sflag:s30] =	ssyncset.done $0x0  }
0x109: {  	[sflag:s30] =	ssyncadd.s32 $0xFFFFEC00  }
0x10a: {  	_ =	swait.ge [sflag:s3], $0x28  }
0x10b: {  	[sflag:s3] =	ssyncset.done $0x0  }
0x10c: {  	s23 =	rddreg [dreg:$0x8];
	[sflag:s3] =	ssyncadd.s32 $0xFFFFFFD8  }
0x10d: {  	[hbm4b:s23+s4] =	stream.linear.scatter [tilespmem:s24], [sflag:$0x3], $0x6400, $0x38;
	[tilespmem:$0x14280] =	vst v63  }
0x10e: {  	s25 =	rddreg [dreg:$0x9]  }
0x10f: {  	[hbm4b:s25+s4] =	stream.linear.scatter [tilespmem:s28], [sflag:$0x4], $0xC8, $0x38;
	[tilespmem:$0x14280] =	vst v63  }
0x110: {  	_ =	swait.ge [sflag:s10], $0x6400  }
0x111: {  	[sflag:s10] =	ssyncset.done $0x0  }
0x112: {  	[sflag:s10] =	ssyncadd.s32 $0xFFFF9C00  }
0x113: {  	_ =	swait.ge [sflag:s11], $0xC8  }
0x114: {  	[sflag:s11] =	ssyncset.done $0x0  }
0x115: {  	[sflag:s11] =	ssyncadd.s32 $0xFFFFFF38  }
0x116: {  	_ =	swait.ge [sflag:s30], $0x1400  }
0x117: {  	[sflag:s30] =	ssyncset.done $0x0  }
0x118: {  	[sflag:s30] =	ssyncadd.s32 $0xFFFFEC00  }
0x119: {  	_ =	swait.ge [sflag:s3], $0x28  }
0x11a: {  	[sflag:s3] =	ssyncset.done $0x0  }
0x11b: {  	[sflag:s3] =	ssyncadd.s32 $0xFFFFFFD8  }
0x11c: {  	_ =	swait.ge [sflag:s30], $0x1400  }
0x11d: {  	[sflag:s30] =	ssyncset.done $0x0  }
0x11e: {  	[sflag:s30] =	ssyncadd.s32 $0xFFFFEC00  }
0x11f: {  	_ =	swait.ge [sflag:s3], $0x28  }
0x120: {  	[sflag:s3] =	ssyncset.done $0x0  }
0x121: {  	[sflag:s3] =	ssyncadd.s32 $0xFFFFFFD8  }
0x122: {  	_ =	swait.ge [sflag:s30], $0x1400  }
0x123: {  	[sflag:s30] =	ssyncset.done $0x0  }
0x124: {  	[sflag:s30] =	ssyncadd.s32 $0xFFFFEC00  }
0x125: {  	_ =	swait.ge [sflag:s3], $0x28  }
0x126: {  	[sflag:s3] =	ssyncset.done $0x0  }
0x127: {  	[sflag:s3] =	ssyncadd.s32 $0xFFFFFFD8  }
0x128: {  	_ =	swait.ge [sflag:s30], $0x1400  }
0x129: {  	[sflag:s30] =	ssyncset.done $0x0  }
0x12a: {  	[sflag:s30] =	ssyncadd.s32 $0xFFFFEC00  }
0x12b: {  	_ =	swait.ge [sflag:s3], $0x28  }
0x12c: {  	[sflag:s3] =	ssyncset.done $0x0  }
0x12d: {  	[sflag:s3] =	ssyncadd.s32 $0xFFFFFFD8  }
0x12e: {  	_ =	swait.ge [sflag:s30], $0x1400  }
0x12f: {  	[sflag:s30] =	ssyncset.done $0x0  }
0x130: {  	[sflag:s30] =	ssyncadd.s32 $0xFFFFEC00  }
0x131: {  	_ =	swait.ge [sflag:s3], $0x28  }
0x132: {  	[sflag:s3] =	ssyncset.done $0x0  }
0x133: {  	s26 =	rddreg [dreg:$0xa];
	[sflag:s3] =	ssyncadd.s32 $0xFFFFFFD8  }
0x134: {  	[hbm4b:s26+s4] =	stream.linear.scatter [tilespmem:s18], [sflag:$0x3], $0x6400, $0x38;
	[tilespmem:$0x14280] =	vst v63  }
0x135: {  	s29 =	rddreg [dreg:$0xb]  }
0x136: {  	[hbm4b:s29+s4] =	stream.linear.scatter [tilespmem:s19], [sflag:$0x4], $0xC8, $0x38;
	[tilespmem:$0x14280] =	vst v63  }
0x137: {  	_ =	swait.ge [sflag:s10], $0x6400  }
0x138: {  	[sflag:s10] =	ssyncset.done $0x0  }
0x139: {  	[sflag:s10] =	ssyncadd.s32 $0xFFFF9C00  }
0x13a: {  	_ =	swait.ge [sflag:s11], $0xC8  }
0x13b: {  	[sflag:s11] =	ssyncset.done $0x0  }
0x13c: {  	[sflag:s11] =	ssyncadd.s32 $0xFFFFFF38  }
0x13d: {  	_ =	swait.ge [sflag:s10], $0x6400  }
0x13e: {  	[sflag:s10] =	ssyncset.done $0x0  }
0x13f: {  	[sflag:s10] =	ssyncadd.s32 $0xFFFF9C00  }
0x140: {  	_ =	swait.ge [sflag:s11], $0xC8  }
0x141: {  	s12 =	sadd.s32 $0x1, s12;
	s31 =	rddreg [dreg:$0xc]  }
0x142: {  	p0 =	sne.s32 s12, s31  }
.Ltmp1:
0x143: {  	_ = 	snop;
	(pc) =	sbr.rel @p0 .LBB2_1-.Ltmp1, $3  }
0x144: {  	_ =	sdelay $0x1  }
0x145: {  	[sflag:s11] =	ssyncset.done $0x0  }
0x146: {  	[sflag:s11] =	ssyncadd.s32 $0xFFFFFF38  }
0x147: {  	_ =	sfence.sel $0x180000  }
0x148: {  	[bflag:$0x0] =	sbarrier.arrive $0xFFFF  }
0x149: {  	_ =	strace $0x90000047  }
0x14a: {  	s0 =	stileid.u32;
	[bflag:$0x2] =	sbarrier.arrive $0xFFFF  }
0x14b: {  	p0 =	sne.s32 s0, $0x0;
	s0 =	rddreg [dreg:$0x4]  }
0x14c: {  	s0 =	sadd.s32 @!p0 $0x100000, s0  }
0x14d: {  	[sflag:s0] =	ssyncadd.tile.s32 @!p0 $0x1;
	_ =	shalt  }
.Lfunc_end2:
_tile_overlayer_lowered:
.L_overlay_start_2:
0x14e: {  	(tag) =	ssettag $0x2  }
0x14f: {  	s0 =	rddreg [dreg:$0x0];
	s2 =	stileid.u32  }
0x150: {  	s1 =	rddreg [dreg:$0x1];
	p0 =	sne.s32 s2, $0x0  }
0x151: {  	s3 =	rddreg [dreg:$0x2];
	[bflag:$0x3] =	sbarrier.arrive $0xFFFF;
	s2 =	simm.s32 @!p0 $0x1C05  }
0x152: {  	[timem:s3], [sflag:s2] =	dma.local @!p0 [hbm:s0], s1  }
0x153: {  	s0 =	simm.s32 @!p0 $0x5  }
0x154: {  	_ =	swait.ge @!p0 [sflag:s0], s1  }
0x155: {  	s1 =	ssub.s32 @!p0 $0x0, s1;
	[sflag:s0] =	ssyncset.done @!p0 $0x0  }
0x156: {  	[sflag:s0] =	ssyncadd.s32 @!p0 s1  }
0x157: {  	[bflag:$0x3] =	sbarrier.arrive $0xFFFF  }
0x158: {  	_ =	shalt  }

// kernel: kernel.9.cloned.1.call-start
scs
__scs_entry_jumppad:
0x0: {  	(pc) =	sbr.rel $0x88, $3  }
0x1: {  	(tag) =	ssettag $0x0;
	lr =	simm.s32 $0x1  }
0x2: {  	[smem:$0x3F8F] =	sst lr;
	_ =	strace $0xD0000000  }
0x3: {  	_ = 	snop  }
0x4: {  	_ = 	snop  }
0x5: {  	_ = 	snop  }
0x6: {  	_ = 	snop  }
0x7: {  	_ = 	snop  }
__scs_overlays_trampoline_lowered:
0x8: {  	[smem:$0x3F9E] =	sst s0  }
0x9: {  	[smem:$0x3F9F] =	sst s1  }
0xa: {  	[smem:$0x3FA0] =	sst s2  }
0xb: {  	[smem:$0x3FA1] =	sst s3  }
0xc: {  	[smem:$0x3FA2] =	sst s4  }
0xd: {  	[smem:$0x3FA3] =	sst s5  }
0xe: {  	[smem:$0x3FA4] =	sst s6  }
0xf: {  	[smem:$0x3FA5] =	sst s7  }
0x10: {  	[smem:$0x3FA6] =	sst s8  }
0x11: {  	[smem:$0x3FA7] =	sst s9;
	s0 =	simm.s32 @!p0 $0x0  }
0x12: {  	s1 =	sld [smem:$0x3F8D];
	s0 =	simm.s32 @p0 $0x1  }
0x13: {  	[smem:$0x3FA8] =	sst s0;
	s0 =	simm.s32 @!p1 $0x0  }
0x14: {  	s2 =	sld [smem:$0x3F8C];
	s0 =	simm.s32 @p1 $0x1  }
0x15: {  	[smem:$0x3FA9] =	sst s0;
	s0 =	simm.s32 @!p2 $0x0  }
0x16: {  	s3 =	sld [smem:$0x3FDB];
	s0 =	simm.s32 @p2 $0x1  }
0x17: {  	s4 =	simm.s32 $0x1BF5;
	[smem:$0x3FAB] =	sst s0  }
0x18: {  	s0 =	sld [smem:$0x3F8E];
	_ =	swait.ge [sflag:s4], $0x0  }
0x19: {  	s7 =	sld [smem:$0x3F8F]  }
0x1a: {  	s8 =	sadd.s32 $0xFFFFE003, lr  }
0x1b: {  	s9 =	sadd.s32 $0xFFFFFEF7, lr;
	s5 =	simm.s32 $0xFFFFFFFF;
	p2 =	slt.u32 s8, $0xFFFFF086  }
0x1c: {  	p1 =	slt.u32 s9, $0xF7A;
	s5 =	simm.s32 @!p2 $0x0  }
0x1d: {  	s5 =	simm.s32 @p1 $0x1;
	p0 =	seq.s32 s7, s2  }
0x1e: {  	s7 =	smul.u32 @!p0 $0xF7A, s2;
	p2 =	seq.s32 @!p0 s5, $0x0  }
0x1f: {  	s9 =	smul.u32 $0xF7A, s1;
	s8 =	simm.s32 @!p0 $0x1BF5;
	p2 =	por !p2, p0  }
0x20: {  	[sflag:s8] =	ssyncset.s32 @!p0 $0xFFFFF086;
	s6 =	sadd.s32 @!p0 s3, s7;
	s7 =	simm.s32 @!p0 $0x108  }
0x21: {  	s3 =	sadd.s32 s3, s9;
	s6 =	sadd.s32 @!p0 $0x88, s6;
	s7 =	simm.s32 @p2 $0x1082  }
0x22: {  	[simem:s7], [sflag:s8] =	dma.local @!p0 [hbm:s6], $0xF7A  }
0x23: {  	s9 =	sor.u32 $0xD0000000, s2;
	s6 =	simm.s32 $0x108;
	_ =	swait.ge @!p0 [sflag:s8], $0x0  }
0x24: {  	s3 =	sadd.s32 $0x88, s3;
	s6 =	simm.s32 @!p1 $0x1082;
	[sflag:s4] =	ssyncset.s32 $0xFFFFF086  }
0x25: {  	[simem:s6], [sflag:s4] =	dma.local [hbm:s3], $0xF7A  }
0x26: {  	[smem:$0x3F8F] =	sst s1;
	(tag) =	ssettag s2;
	_ =	strace s9  }
0x27: {  	s1 =	sld [smem:$0x3F9F]  }
0x28: {  	s2 =	sld [smem:$0x3FA0]  }
0x29: {  	s4 =	sld [smem:$0x3FA2]  }
0x2a: {  	p0 =	seq.s32 s5, $0x0;
	s5 =	sld [smem:$0x3FA3]  }
0x2b: {  	s6 =	sld [smem:$0x3FA4]  }
0x2c: {  	s7 =	sld [smem:$0x3FA5]  }
0x2d: {  	s3 =	simm.s32 $0x108;
	s8 =	sld [smem:$0x3FA6]  }
0x2e: {  	s3 =	simm.s32 @!p0 $0x1082;
	s9 =	sld [smem:$0x3FA7]  }
0x2f: {  	lr =	sadd.s32 s0, s3;
	s0 =	sld [smem:$0x3F9E]  }
0x30: {  	s3 =	sld [smem:$0x3FA1]  }
0x31: {  	[smem:$0x3FAA] =	sst s10  }
0x32: {  	s10 =	sld [smem:$0x3FA8];
	_ =	sdelay $0x3  }
0x33: {  	p0 =	seq.s32 s10, $0x1;
	s10 =	sld [smem:$0x3FAA];
	_ =	sdelay $0x3  }
0x34: {  	[smem:$0x3FAA] =	sst s10  }
0x35: {  	s10 =	sld [smem:$0x3FA9];
	_ =	sdelay $0x3  }
0x36: {  	p1 =	seq.s32 s10, $0x1;
	s10 =	sld [smem:$0x3FAA];
	_ =	sdelay $0x3  }
0x37: {  	[smem:$0x3FAA] =	sst s10  }
0x38: {  	s10 =	sld [smem:$0x3FAB]  }
0x39: {  	_ = 	snop;
	(pc) =	sbr.ind lr, $3  }
0x3a: {  	_ = 	snop  }
0x3b: {  	_ = 	snop  }
0x3c: {  	p2 =	seq.s32 s10, $0x1;
	s10 =	sld [smem:$0x3FAA]  }
0x3d: {  	_ =	shalt  }
0x3e: {  	_ =	shalt  }
0x3f: {  	_ =	shalt  }
0x40: {  	_ =	shalt  }
0x41: {  	_ =	shalt  }
0x42: {  	_ =	shalt  }
0x43: {  	_ =	shalt  }
0x44: {  	_ =	shalt  }
0x45: {  	_ =	shalt  }
0x46: {  	_ =	shalt  }
0x47: {  	_ =	shalt  }
0x48: {  	_ =	shalt  }
0x49: {  	_ =	shalt  }
0x4a: {  	_ =	shalt  }
0x4b: {  	_ =	shalt  }
0x4c: {  	_ =	shalt  }
0x4d: {  	_ =	shalt  }
0x4e: {  	_ =	shalt  }
0x4f: {  	_ =	shalt  }
0x50: {  	_ =	shalt  }
0x51: {  	_ =	shalt  }
0x52: {  	_ =	shalt  }
0x53: {  	_ =	shalt  }
0x54: {  	_ =	shalt  }
0x55: {  	_ =	shalt  }
0x56: {  	_ =	shalt  }
0x57: {  	_ =	shalt  }
0x58: {  	_ =	shalt  }
0x59: {  	_ =	shalt  }
0x5a: {  	_ =	shalt  }
0x5b: {  	_ =	shalt  }
0x5c: {  	_ =	shalt  }
0x5d: {  	_ =	shalt  }
0x5e: {  	_ =	shalt  }
0x5f: {  	_ =	shalt  }
0x60: {  	_ =	shalt  }
0x61: {  	_ =	shalt  }
0x62: {  	_ =	shalt  }
0x63: {  	_ =	shalt  }
0x64: {  	_ =	shalt  }
0x65: {  	_ =	shalt  }
0x66: {  	_ =	shalt  }
0x67: {  	_ =	shalt  }
0x68: {  	_ =	shalt  }
0x69: {  	_ =	shalt  }
0x6a: {  	_ =	shalt  }
0x6b: {  	_ =	shalt  }
0x6c: {  	_ =	shalt  }
0x6d: {  	_ =	shalt  }
0x6e: {  	_ =	shalt  }
0x6f: {  	_ =	shalt  }
0x70: {  	_ =	shalt  }
0x71: {  	_ =	shalt  }
0x72: {  	_ =	shalt  }
0x73: {  	_ =	shalt  }
0x74: {  	_ =	shalt  }
0x75: {  	_ =	shalt  }
0x76: {  	_ =	shalt  }
0x77: {  	_ =	shalt  }
0x78: {  	_ =	shalt  }
0x79: {  	_ =	shalt  }
0x7a: {  	_ =	shalt  }
0x7b: {  	_ =	shalt  }
0x7c: {  	_ =	shalt  }
0x7d: {  	_ =	shalt  }
0x7e: {  	_ =	shalt  }
0x7f: {  	_ =	shalt  }
0x80: {  	_ =	shalt  }
0x81: {  	_ =	shalt  }
0x82: {  	_ =	shalt  }
0x83: {  	_ =	shalt  }
0x84: {  	_ =	shalt  }
0x85: {  	_ =	shalt  }
0x86: {  	_ =	shalt  }
0x87: {  	_ =	shalt  }
.Lfunc_end0:
.L_simem_size_0:
called_computation.1_lowered:
.L_overlay_start_0:
0x88: {  	s2 =	sld [smem:$0x3FD9]  }
0x89: {  	s3 =	sld [smem:$0x3FFE];
	_ =	sdelay $0x1  }
0x8a: {  	s1 =	srdreg.scid  }
0x8b: {  	s0 =	sand.u32 $0x1, s1  }
0x8c: {  	s17 =	sshll.u32 s0, $0xA;
	s2 =	sadd.s32 s3, s2  }
0x8d: {  	s2 =	sadd.s32 s2, s17  }
0x8e: {  	[smem:$0x3FB6] =	sst s2  }
0x8f: {  	_ = 	snop  }
0x90: {  	s18 =	sld [smem:$0x3FC9]  }
0x91: {  	s4 =	sld [smem:$0x3FC6];
	(tm) =	ssettm $0x1  }
0x92: {  	s19 =	sld [smem:$0x3FFB];
	_ =	sdelay $0x3  }
0x93: {  	_ =	strace s19  }
0x94: {  	s2 =	sld [smem:$0x3FFC];
	_ =	sdelay $0x3  }
0x95: {  	_ =	strace s2  }
0x96: {  	s2 =	sld [smem:$0x3FFD];
	_ =	sdelay $0x3  }
0x97: {  	_ =	strace s2  }
0x98: {  	_ =	strace $0x8FFFFFFF  }
0x99: {  	s20 =	sld [smem:$0x3FDB];
	_ =	sdelay $0x1  }
0x9a: {  	s5 =	simm.s32 $_scs_section_size  }
0x9b: {  	s6 =	simm.s32 $_size__tile_overlayer_lowered;
	s7 =	simm.s32 $_tile_overlayer_lowered  }
0x9c: {  	s8 =	simm.s32 $0x1BFF;
	s21 =	sshll.u32 s7, $0x1;
	s5 =	sadd.s32 s5, s20  }
0x9d: {  	s22 =	simm.s32 $0x0;
	s6 =	sshll.u32 s6, $0x1;
	s7 =	sadd.s32 s21, s5  }
0x9e: {  	[timem:s22], [sflag:s8] =	dma.local [hbm:s7], s6  }
0x9f: {  	_ =	swait.ge [sflag:s8], s6  }
0xa0: {  	s6 =	ssub.s32 $0x0, s6;
	[sflag:s8] =	ssyncset.done $0x0  }
0xa1: {  	[sflag:s8] =	ssyncadd.s32 s6;
	_ =	sdelay $0x1  }
0xa2: {  	s23 =	simm.s32 $0x1B8B  }
0xa3: {  	_ =	swait.ge [sflag:s23], $0x1  }
0xa4: {  	[sflag:s23] =	ssyncset.done $0x0  }
0xa5: {  	[sflag:s23] =	ssyncadd.s32 $0xFFFFFFFF  }
0xa6: {  	s6 =	sld [smem:$0x0]  }
0xa7: {  	s7 =	sand.u32 $0xFFFFFFFE, s1  }
0xa8: {  	p0 =	sne.s32 s1, s7  }
0xa9: {  	s7 =	sshll.u32 @p0 s7, $0xE  }
0xaa: {  	s7 =	sadd.s32 @p0 $0x11B8D, s7;
	s8 =	sshll.u32 @p0 s6, $0x11  }
0xab: {  	s7 =	sor.u32 @p0 s8, s7  }
0xac: {  	[sflag:s7] =	ssyncadd.remote.s32 @p0 $0x1;
	_ =	sdelay $0x1  }
0xad: {  	s7 =	simm.s32 @p0 $0x1B8D  }
0xae: {  	_ =	swait.eq @p0 [sflag:s7], $0x1  }
0xaf: {  	[sflag:s7] =	ssyncadd.s32 @p0 $0xFFFFFFFF  }
0xb0: {  	s8 =	sshll.u32 @!p0 s1, $0xE  }
0xb1: {  	s8 =	sor.u32 @!p0 $0x4000, s8;
	s7 =	simm.s32 @!p0 $0x1B8D  }
0xb2: {  	s6 =	sshll.u32 @!p0 s6, $0x11;
	s8 =	sadd.s32 @!p0 $0x11B8D, s8;
	_ =	swait.eq @!p0 [sflag:s7], $0x1  }
0xb3: {  	s6 =	sor.u32 @!p0 s6, s8;
	[sflag:s7] =	ssyncadd.s32 @!p0 $0xFFFFFFFF  }
0xb4: {  	s25 =	simm.s32 $0x1B8E;
	s24 =	sld [smem:$0x3FFE];
	[sflag:s6] =	ssyncadd.remote.s32 @!p0 $0x1  }
0xb5: {  	s26 =	simm.s32 $execute0_lowered;
	[smem:$0x3FD2] =	sst s25  }
0xb6: {  	s7 =	sshll.u32 s26, $0x1;
	_ =	strace $0x80000049;
	[dreg:$0x1] =	wrdreg $0xFFFFFFFF  }
0xb7: {  	s28 =	simm.s32 $_size_execute0_lowered;
	s5 =	sadd.s32 s5, s7;
	[dreg:$0x0] =	wrdreg $0x0  }
0xb8: {  	s7 =	sshll.u32 s28, $0x1;
	[dreg:$0x2] =	wrdreg s5  }
0xb9: {  	[dreg:$0x3] =	wrdreg s7  }
0xba: {  	[dreg:$0x4] =	wrdreg $0xC0  }
0xbb: {  	_ =	task [dreg:s22], $0x5FFFF  }
0xbc: {  	[dreg:$0x1] =	wrdreg $0xFFFFFFFF  }
0xbd: {  	[dreg:$0x0] =	wrdreg $0x60  }
0xbe: {  	[dreg:$0x2] =	wrdreg s18  }
0xbf: {  	[dreg:$0x3] =	wrdreg s4  }
0xc0: {  	[dreg:$0x4] =	wrdreg s24  }
0xc1: {  	[dreg:$0x5] =	wrdreg $0xA  }
0xc2: {  	_ =	task.clear_ibuf [dreg:s22], $0x6FFFF;
	_ =	strace $0x90000049  }
0xc3: {  	s29 =	simm.s32 $0xA;
	_ =	strace $0x8000004B  }
0xc4: {  	_ =	swait.ge [sflag:s29], $0x1  }
0xc5: {  	[sflag:s29] =	ssyncadd.s32 $0xFFFFFFFF  }
0xc6: {  	_ =	strace $0x9000004B  }
0xc7: {  	_ =	sfence  }
0xc8: {  	s30 =	sld [smem:$0x0];
	_ =	sdelay $0x2  }
0xc9: {  	s31 =	sshll.u32 s1, $0xD;
	s1 =	sshrl.u32 s1, $0x2  }
0xca: {  	s4 =	sand.u32 $0x4000, s31;
	s1 =	sadd.s32 s1, s30  }
0xcb: {  	s0 =	sor.u32 s4, s0;
	s1 =	sshll.u32 s1, $0x11  }
0xcc: {  	s0 =	sor.u32 s1, s0  }
0xcd: {  	s0 =	sadd.s32 $0x8F2B, s0  }
0xce: {  	[sflag:s0] =	ssyncadd.remote.s32 $0x1  }
0xcf: {  	_ =	sfence.sel $0xFFFF  }
0xd0: {  	[dreg:$0x0] =	wrdreg $0xFFFFFFFF;
	(pc) =	sbr.abs _section_cstart, $3  }
0xd1: {  	[dreg:$0x1] =	wrdreg $0xFFFFFFFF  }
0xd2: {  	_ =	task.clear_ibuf [dreg:s22], $0x2FFFF;
	_ =	strace $0x9FFFFFFF  }
0xd3: {  	(tm) =	ssettm $0x7FFFFFFF  }
tec
execute0_lowered:
.L_overlay_start_1:
0x0: {  	(tag) =	ssettag $0x1  }
0x1: {  	s1 =	rddreg [dreg:$0x0]  }
0x2: {  	s0 =	srdreg.scid;
	s3 =	rddreg [dreg:$0x1]  }
0x3: {  	s12 =	stileid.u32;
	s5 =	rddreg [dreg:$0x2];
	s4 =	simm.s32 $0x0  }
0x4: {  	s16 =	simm.s32 $0x5;
	s17 =	simm.s32 $0x28;
	s18 =	simm.s32 $0x1400  }
0x5: {  	s19 =	simm.s32 $0x14000;
	s30 =	simm.s32 $0x1;
	s23 =	smul.u32 $0x27100, s12  }
0x6: {  	s28 =	simm.s32 $0x14190;
	s0 =	sand.u32 $0x1, s0;
	s29 =	smul.u32 $0x2710, s12  }
0x7: {  	s2 =	sshll.u32 s12, $0x1;
	[smem:$0x7FF] =	sst s4;
	s25 =	smul.u32 $0x13880, s0  }
0x8: {  	s2 =	sor.u32 s0, s2;
	s9 =	ssub.s32 $0x2, s0;
	s0 =	smul.u32 $0x1388, s0  }
0x9: {  	s10 =	sadd.s32 $0x285400, s5;
	s12 =	simm.s32 $0x0;
	s6 =	smul.u32 $0x1388, s2  }
0xa: {  	_ =	strace $0x8000004A;
	s11 =	sshrl.u32 s9, $0x1;
	s2 =	smul.u32 $0x13880, s2  }
0xb: {  	s9 =	ssub.s32 s9, s11;
	s0 =	sadd.s32 s0, s29;
	s11 =	simm.s32 $0x4  }
0xc: {  	s7 =	sshrl.u32 s6, $0x3;
	s21 =	sadd.s32 $0x11F8, s6;
	s2 =	sadd.s32 s10, s2  }
0xd: {  	s6 =	sadd.s32 $0x12C0, s6;
	s31 =	smax.u32 s9, $0x1;
	s15 =	sadd.s32 $0xC8, s0  }
0xe: {  	s0 =	simm.s32 $0x2;
	s9 =	simm.s32 $0x230;
	s8 =	sadd.s32 s7, s5  }
0xf: {  	s5 =	sadd.s32 $0x280400, s5;
	[dreg:$0x5] =	wrdreg s2;
	s22 =	sshll.u32 s21, $0x4  }
0x10: {  	s24 =	sshrl.u32 s21, $0x3;
	[dreg:$0xb] =	wrdreg s31;
	s8 =	sadd.s32 $0x5400, s8  }
0x11: {  	s26 =	sshll.u32 s6, $0x4;
	s7 =	sadd.s32 s5, s7;
	[dreg:$0x4] =	wrdreg s8  }
0x12: {  	s6 =	sshrl.u32 s6, $0x3;
	s2 =	sadd.s32 s10, s22;
	[dreg:$0x6] =	wrdreg s7  }
0x13: {  	s6 =	sadd.s32 s5, s6;
	[dreg:$0x7] =	wrdreg s2;
	s7 =	sadd.s32 s5, s24  }
0x14: {  	s2 =	sadd.s32 s23, s10;
	[dreg:$0xa] =	wrdreg s6;
	s24 =	simm.s32 $0xDC00  }
0x15: {  	s6 =	simm.s32 $0x1B8;
	s8 =	simm.s32 $0x208;
	[dreg:$0x8] =	wrdreg s7  }
0x16: {  	s7 =	sadd.s32 s10, s26;
	s2 =	sadd.s32 s25, s2;
	s10 =	simm.s32 $0x3  }
0x17: {  	[dreg:$0x9] =	wrdreg s7;
	s14 =	sadd.s32 $0xC80, s2;
	s7 =	simm.s32 $0x1E0  }
.LBB2_1:
0x18: {  	s2 =	rddreg [dreg:$0x4]  }
0x19: {  	[tilespmem:s4], [sflag:$0x5] =	stream.linear.gather [hbm4b:s2+s4], $0x1388, $0x38;
	[tilespmem:$0x14280] =	vst v63  }
0x1a: {  	_ =	swait.ge [sflag:s16], $0x1388  }
0x1b: {  	[sflag:s16] =	ssyncset.done $0x0  }
0x1c: {  	[sflag:s16] =	ssyncadd.s32 $0xFFFFEC78  }
0x1d: {  	[tilespmem:s18], [sflag:$0x1] =	stream.indirect.gather [hbm4b:s1+s17], $0x80, s4, s17, $0xb8;
	[tilespmem:$0x14280] =	vst v63  }
0x1e: {  	_ = 	snop  }
0x1f: {  	[tilespmem:s19], [sflag:$0x2] =	stream.indirect.gather [hbm4b:s3+s17], $0x1, s4, s17, $0xb8;
	[tilespmem:$0x14280] =	vst v63  }
0x20: {  	s22 =	simm.s32 $0x2800  }
0x21: {  	[tilespmem:s22], [sflag:$0x1] =	stream.indirect.gather [hbm4b:s1+s17], $0x80, s17, s17, $0xb8;
	[tilespmem:$0x14280] =	vst v63  }
0x22: {  	s23 =	simm.s32 $0x14028  }
0x23: {  	[tilespmem:s23], [sflag:$0x2] =	stream.indirect.gather [hbm4b:s3+s17], $0x1, s17, s17, $0xb8;
	[tilespmem:$0x14280] =	vst v63  }
0x24: {  	s25 =	simm.s32 $0x50;
	s13 =	simm.s32 $0x3C00  }
0x25: {  	[tilespmem:s13], [sflag:$0x1] =	stream.indirect.gather [hbm4b:s1+s17], $0x80, s25, s17, $0xb8;
	[tilespmem:$0x14280] =	vst v63  }
0x26: {  	s26 =	simm.s32 $0x14050  }
0x27: {  	[tilespmem:s26], [sflag:$0x2] =	stream.indirect.gather [hbm4b:s3+s17], $0x1, s25, s17, $0xb8;
	[tilespmem:$0x14280] =	vst v63  }
0x28: {  	s31 =	simm.s32 $0x78;
	s20 =	simm.s32 $0x5000  }
0x29: {  	[tilespmem:s20], [sflag:$0x1] =	stream.indirect.gather [hbm4b:s1+s17], $0x80, s31, s17, $0xb8;
	[tilespmem:$0x14280] =	vst v63  }
0x2a: {  	s21 =	simm.s32 $0x14078  }
0x2b: {  	[tilespmem:s21], [sflag:$0x2] =	stream.indirect.gather [hbm4b:s3+s17], $0x1, s31, s17, $0xb8;
	[tilespmem:$0x14280] =	vst v63  }
0x2c: {  	s22 =	simm.s32 $0xA0;
	s23 =	simm.s32 $0x6400  }
0x2d: {  	[tilespmem:s23], [sflag:$0x1] =	stream.indirect.gather [hbm4b:s1+s17], $0x80, s22, s17, $0xb8;
	[tilespmem:$0x14280] =	vst v63  }
0x2e: {  	s25 =	simm.s32 $0x140A0  }
0x2f: {  	[tilespmem:s25], [sflag:$0x2] =	stream.indirect.gather [hbm4b:s3+s17], $0x1, s22, s17, $0xb8;
	[tilespmem:$0x14280] =	vst v63  }
0x30: {  	s26 =	simm.s32 $0xC8;
	s31 =	simm.s32 $0x7800  }
0x31: {  	[tilespmem:s31], [sflag:$0x1] =	stream.indirect.gather [hbm4b:s1+s17], $0x80, s26, s17, $0xb8;
	[tilespmem:$0x14280] =	vst v63  }
0x32: {  	s20 =	simm.s32 $0x140C8  }
0x33: {  	[tilespmem:s20], [sflag:$0x2] =	stream.indirect.gather [hbm4b:s3+s17], $0x1, s26, s17, $0xb8;
	[tilespmem:$0x14280] =	vst v63  }
0x34: {  	s21 =	simm.s32 $0xF0;
	s22 =	simm.s32 $0x8C00  }
0x35: {  	[tilespmem:s22], [sflag:$0x1] =	stream.indirect.gather [hbm4b:s1+s17], $0x80, s21, s17, $0xb8;
	[tilespmem:$0x14280] =	vst v63  }
0x36: {  	s23 =	simm.s32 $0x140F0  }
0x37: {  	[tilespmem:s23], [sflag:$0x2] =	stream.indirect.gather [hbm4b:s3+s17], $0x1, s21, s17, $0xb8;
	[tilespmem:$0x14280] =	vst v63  }
0x38: {  	s25 =	simm.s32 $0x118;
	s26 =	simm.s32 $0xA000  }
0x39: {  	[tilespmem:s26], [sflag:$0x1] =	stream.indirect.gather [hbm4b:s1+s17], $0x80, s25, s17, $0xb8;
	[tilespmem:$0x14280] =	vst v63  }
0x3a: {  	s31 =	simm.s32 $0x14118  }
0x3b: {  	[tilespmem:s31], [sflag:$0x2] =	stream.indirect.gather [hbm4b:s3+s17], $0x1, s25, s17, $0xb8;
	[tilespmem:$0x14280] =	vst v63  }
0x3c: {  	s20 =	simm.s32 $0x140;
	s21 =	simm.s32 $0xB400  }
0x3d: {  	[tilespmem:s21], [sflag:$0x1] =	stream.indirect.gather [hbm4b:s1+s17], $0x80, s20, s17, $0xb8;
	[tilespmem:$0x14280] =	vst v63  }
0x3e: {  	s22 =	simm.s32 $0x14140  }
0x3f: {  	[tilespmem:s22], [sflag:$0x2] =	stream.indirect.gather [hbm4b:s3+s17], $0x1, s20, s17, $0xb8;
	[tilespmem:$0x14280] =	vst v63  }
0x40: {  	s23 =	simm.s32 $0x168;
	s25 =	simm.s32 $0xC800  }
0x41: {  	[tilespmem:s25], [sflag:$0x1] =	stream.indirect.gather [hbm4b:s1+s17], $0x80, s23, s17, $0xb8;
	[tilespmem:$0x14280] =	vst v63  }
0x42: {  	s26 =	simm.s32 $0x14168  }
0x43: {  	[tilespmem:s26], [sflag:$0x2] =	stream.indirect.gather [hbm4b:s3+s17], $0x1, s23, s17, $0xb8;
	[tilespmem:$0x14280] =	vst v63  }
0x44: {  	_ =	swait.ge [sflag:s30], $0x1400  }
0x45: {  	[sflag:s30] =	ssyncset.done $0x0  }
0x46: {  	[sflag:s30] =	ssyncadd.s32 $0xFFFFEC00  }
0x47: {  	_ =	swait.ge [sflag:s0], $0x28  }
0x48: {  	[sflag:s0] =	ssyncset.done $0x0  }
0x49: {  	[sflag:s0] =	ssyncadd.s32 $0xFFFFFFD8  }
0x4a: {  	_ =	swait.ge [sflag:s30], $0x1400  }
0x4b: {  	[sflag:s30] =	ssyncset.done $0x0  }
0x4c: {  	[sflag:s30] =	ssyncadd.s32 $0xFFFFEC00  }
0x4d: {  	_ =	swait.ge [sflag:s0], $0x28  }
0x4e: {  	[sflag:s0] =	ssyncset.done $0x0  }
0x4f: {  	[sflag:s0] =	ssyncadd.s32 $0xFFFFFFD8  }
0x50: {  	_ =	swait.ge [sflag:s30], $0x1400  }
0x51: {  	[sflag:s30] =	ssyncset.done $0x0  }
0x52: {  	[sflag:s30] =	ssyncadd.s32 $0xFFFFEC00  }
0x53: {  	_ =	swait.ge [sflag:s0], $0x28  }
0x54: {  	[sflag:s0] =	ssyncset.done $0x0  }
0x55: {  	[sflag:s0] =	ssyncadd.s32 $0xFFFFFFD8  }
0x56: {  	_ =	swait.ge [sflag:s30], $0x1400  }
0x57: {  	[sflag:s30] =	ssyncset.done $0x0  }
0x58: {  	[sflag:s30] =	ssyncadd.s32 $0xFFFFEC00  }
0x59: {  	_ =	swait.ge [sflag:s0], $0x28  }
0x5a: {  	[sflag:s0] =	ssyncset.done $0x0  }
0x5b: {  	[sflag:s0] =	ssyncadd.s32 $0xFFFFFFD8  }
0x5c: {  	_ =	swait.ge [sflag:s30], $0x1400  }
0x5d: {  	[sflag:s30] =	ssyncset.done $0x0  }
0x5e: {  	[sflag:s30] =	ssyncadd.s32 $0xFFFFEC00  }
0x5f: {  	_ =	swait.ge [sflag:s0], $0x28  }
0x60: {  	[sflag:s0] =	ssyncset.done $0x0  }
0x61: {  	s31 =	rddreg [dreg:$0x5];
	[sflag:s0] =	ssyncadd.s32 $0xFFFFFFD8  }
0x62: {  	[hbm4b:s31+s4] =	stream.linear.scatter [tilespmem:s18], [sflag:$0x3], $0x6400, $0x38;
	[tilespmem:$0x14280] =	vst v63  }
0x63: {  	s13 =	rddreg [dreg:$0x6]  }
0x64: {  	[hbm4b:s13+s4] =	stream.linear.scatter [tilespmem:s19], [sflag:$0x4], $0xC8, $0x38;
	[tilespmem:$0x14280] =	vst v63  }
0x65: {  	s20 =	simm.s32 $0x190  }
0x66: {  	[tilespmem:s24], [sflag:$0x1] =	stream.indirect.gather [hbm4b:s1+s17], $0x80, s20, s17, $0xb8;
	[tilespmem:$0x14280] =	vst v63  }
0x67: {  	_ = 	snop  }
0x68: {  	[tilespmem:s28], [sflag:$0x2] =	stream.indirect.gather [hbm4b:s3+s17], $0x1, s20, s17, $0xb8;
	[tilespmem:$0x14280] =	vst v63  }
0x69: {  	s21 =	simm.s32 $0xF000  }
0x6a: {  	[tilespmem:s21], [sflag:$0x1] =	stream.indirect.gather [hbm4b:s1+s17], $0x80, s6, s17, $0xb8;
	[tilespmem:$0x14280] =	vst v63  }
0x6b: {  	s22 =	simm.s32 $0x141B8  }
0x6c: {  	[tilespmem:s22], [sflag:$0x2] =	stream.indirect.gather [hbm4b:s3+s17], $0x1, s6, s17, $0xb8;
	[tilespmem:$0x14280] =	vst v63  }
0x6d: {  	s23 =	simm.s32 $0x10400  }
0x6e: {  	[tilespmem:s23], [sflag:$0x1] =	stream.indirect.gather [hbm4b:s1+s17], $0x80, s7, s17, $0xb8;
	[tilespmem:$0x14280] =	vst v63  }
0x6f: {  	s25 =	simm.s32 $0x141E0  }
0x70: {  	[tilespmem:s25], [sflag:$0x2] =	stream.indirect.gather [hbm4b:s3+s17], $0x1, s7, s17, $0xb8;
	[tilespmem:$0x14280] =	vst v63  }
0x71: {  	s26 =	simm.s32 $0x11800  }
0x72: {  	[tilespmem:s26], [sflag:$0x1] =	stream.indirect.gather [hbm4b:s1+s17], $0x80, s8, s17, $0xb8;
	[tilespmem:$0x14280] =	vst v63  }
0x73: {  	s31 =	simm.s32 $0x14208  }
0x74: {  	[tilespmem:s31], [sflag:$0x2] =	stream.indirect.gather [hbm4b:s3+s17], $0x1, s8, s17, $0xb8;
	[tilespmem:$0x14280] =	vst v63  }
0x75: {  	s13 =	simm.s32 $0x12C00  }
0x76: {  	[tilespmem:s13], [sflag:$0x1] =	stream.indirect.gather [hbm4b:s1+s17], $0x80, s9, s17, $0xb8;
	[tilespmem:$0x14280] =	vst v63  }
0x77: {  	s20 =	simm.s32 $0x14230  }
0x78: {  	[tilespmem:s20], [sflag:$0x2] =	stream.indirect.gather [hbm4b:s3+s17], $0x1, s9, s17, $0xb8;
	[tilespmem:$0x14280] =	vst v63  }
0x79: {  	_ =	swait.ge [sflag:s30], $0x1400  }
0x7a: {  	[sflag:s30] =	ssyncset.done $0x0  }
0x7b: {  	[sflag:s30] =	ssyncadd.s32 $0xFFFFEC00  }
0x7c: {  	_ =	swait.ge [sflag:s0], $0x28  }
0x7d: {  	[sflag:s0] =	ssyncset.done $0x0  }
0x7e: {  	[sflag:s0] =	ssyncadd.s32 $0xFFFFFFD8  }
0x7f: {  	_ =	swait.ge [sflag:s30], $0x1400  }
0x80: {  	[sflag:s30] =	ssyncset.done $0x0  }
0x81: {  	[sflag:s30] =	ssyncadd.s32 $0xFFFFEC00  }
0x82: {  	_ =	swait.ge [sflag:s0], $0x28  }
0x83: {  	[sflag:s0] =	ssyncset.done $0x0  }
0x84: {  	[sflag:s0] =	ssyncadd.s32 $0xFFFFFFD8  }
0x85: {  	_ =	swait.ge [sflag:s30], $0x1400  }
0x86: {  	[sflag:s30] =	ssyncset.done $0x0  }
0x87: {  	[sflag:s30] =	ssyncadd.s32 $0xFFFFEC00  }
0x88: {  	_ =	swait.ge [sflag:s0], $0x28  }
0x89: {  	s21 =	smul.u32 $0xAB, s10;
	[sflag:s0] =	ssyncset.done $0x0  }
0x8a: {  	[sflag:s0] =	ssyncadd.s32 $0xFFFFFFD8  }
0x8b: {  	s22 =	sadd.s32 $0xFFFFFEAA, s21;
	_ =	swait.ge [sflag:s30], $0x1400  }
0x8c: {  	s13 =	sshrl.u32 s22, $0x9;
	[sflag:s30] =	ssyncset.done $0x0  }
0x8d: {  	s13 =	sand.u32 $0x7F, s13;
	[sflag:s30] =	ssyncadd.s32 $0xFFFFEC00  }
0x8e: {  	s13 =	smul.u32 $0x3, s13;
	_ =	swait.ge [sflag:s0], $0x28  }
0x8f: {  	[sflag:s0] =	ssyncset.done $0x0  }
0x90: {  	s13 =	ssub.s32 $0x3, s13;
	[sflag:s0] =	ssyncadd.s32 $0xFFFFFFD8  }
0x91: {  	s13 =	sadd.s32 $0xFFFFFFFE, s13;
	_ =	swait.ge [sflag:s30], $0x1400  }
0x92: {  	s13 =	sand.u32 $0xFF, s13;
	[sflag:s30] =	ssyncset.done $0x0  }
0x93: {  	s2 =	sshrl.u32 s21, $0x9;
	s21 =	smul.u32 $0x19000, s13;
	[sflag:s30] =	ssyncadd.s32 $0xFFFFEC00  }
0x94: {  	s2 =	sand.u32 $0x7F, s2;
	s13 =	smul.u32 $0x320, s13;
	_ =	swait.ge [sflag:s0], $0x28  }
0x95: {  	s22 =	sshrl.u32 s15, $0x3;
	s21 =	sshrl.u32 s21, $0x2;
	[sflag:s0] =	ssyncset.done $0x0  }
0x96: {  	s13 =	sshrl.u32 s13, $0x2;
	s21 =	sadd.s32 $0x1400, s21;
	[sflag:s0] =	ssyncadd.s32 $0xFFFFFFD8  }
0x97: {  	[hbm4b:s14+s4] =	stream.linear.scatter [tilespmem:s21], [sflag:$0x3], $0x6400, $0x38;
	[tilespmem:$0x14280] =	vst v63  }
0x98: {  	s2 =	smul.u32 $0x3, s2;
	s23 =	sadd.s32 s5, s22;
	s13 =	sor.u32 $0x14000, s13  }
0x99: {  	[hbm4b:s23+s4] =	stream.linear.scatter [tilespmem:s13], [sflag:$0x4], $0xC8, $0x38;
	[tilespmem:$0x14280] =	vst v63  }
0x9a: {  	s2 =	ssub.s32 $0x3, s2;
	_ =	swait.ge [sflag:s10], $0x6400  }
0x9b: {  	s2 =	sand.u32 $0xFF, s2;
	[sflag:s10] =	ssyncset.done $0x0  }
0x9c: {  	s25 =	smul.u32 $0x19000, s2;
	[sflag:s10] =	ssyncadd.s32 $0xFFFF9C00  }
0x9d: {  	s2 =	smul.u32 $0x320, s2;
	_ =	swait.ge [sflag:s11], $0xC8  }
0x9e: {  	s31 =	simm.s32 $0x258;
	s13 =	sshrl.u32 s25, $0x2;
	[sflag:s11] =	ssyncset.done $0x0  }
0x9f: {  	s21 =	sshrl.u32 s2, $0x2;
	s26 =	sadd.s32 $0x1400, s13;
	[sflag:s11] =	ssyncadd.s32 $0xFFFFFF38  }
0xa0: {  	[tilespmem:s26], [sflag:$0x1] =	stream.indirect.gather [hbm4b:s1+s17], $0x80, s31, s17, $0xb8;
	[tilespmem:$0x14280] =	vst v63  }
0xa1: {  	s20 =	sor.u32 $0x14000, s21  }
0xa2: {  	[tilespmem:s20], [sflag:$0x2] =	stream.indirect.gather [hbm4b:s3+s17], $0x1, s31, s17, $0xb8;
	[tilespmem:$0x14280] =	vst v63  }
0xa3: {  	s25 =	simm.s32 $0x280;
	s23 =	sadd.s32 $0x2800, s13  }
0xa4: {  	[tilespmem:s23], [sflag:$0x1] =	stream.indirect.gather [hbm4b:s1+s17], $0x80, s25, s17, $0xb8;
	[tilespmem:$0x14280] =	vst v63  }
0xa5: {  	s26 =	sadd.s32 $0x14028, s21  }
0xa6: {  	[tilespmem:s26], [sflag:$0x2] =	stream.indirect.gather [hbm4b:s3+s17], $0x1, s25, s17, $0xb8;
	[tilespmem:$0x14280] =	vst v63  }
0xa7: {  	s31 =	sadd.s32 $0x3C00, s13;
	s20 =	simm.s32 $0x2A8  }
0xa8: {  	[tilespmem:s31], [sflag:$0x1] =	stream.indirect.gather [hbm4b:s1+s17], $0x80, s20, s17, $0xb8;
	[tilespmem:$0x14280] =	vst v63  }
0xa9: {  	s23 =	sadd.s32 $0x14050, s21  }
0xaa: {  	[tilespmem:s23], [sflag:$0x2] =	stream.indirect.gather [hbm4b:s3+s17], $0x1, s20, s17, $0xb8;
	[tilespmem:$0x14280] =	vst v63  }
0xab: {  	s25 =	sadd.s32 $0x5000, s13;
	s26 =	simm.s32 $0x2D0  }
0xac: {  	[tilespmem:s25], [sflag:$0x1] =	stream.indirect.gather [hbm4b:s1+s17], $0x80, s26, s17, $0xb8;
	[tilespmem:$0x14280] =	vst v63  }
0xad: {  	s29 =	sadd.s32 $0xC80, s14;
	s31 =	sadd.s32 $0x14078, s21  }
0xae: {  	[tilespmem:s31], [sflag:$0x2] =	stream.indirect.gather [hbm4b:s3+s17], $0x1, s26, s17, $0xb8;
	[tilespmem:$0x14280] =	vst v63  }
0xaf: {  	s22 =	sadd.s32 $0xC8, s15;
	s2 =	simm.s32 $0x2F8;
	s13 =	sadd.s32 $0x6400, s13  }
0xb0: {  	[tilespmem:s13], [sflag:$0x1] =	stream.indirect.gather [hbm4b:s1+s17], $0x80, s2, s17, $0xb8;
	[tilespmem:$0x14280] =	vst v63  }
0xb1: {  	s21 =	sadd.s32 $0x140A0, s21;
	s25 =	simm.s32 $0x4;
	s13 =	simm.s32 $0x320  }
.LBB2_2:
0xb2: {  	[tilespmem:s21], [sflag:$0x2] =	stream.indirect.gather [hbm4b:s3+s17], $0x1, s2, s17, $0xb8;
	[tilespmem:$0x14280] =	vst v63  }
0xb3: {  	s2 =	smov.u32 s13  }
0xb4: {  	p0 =	sne.s32 s13, $0x41A0;
	s13 =	sadd.s32 $0x320, s13;
	_ =	swait.ge [sflag:s30], $0x1400  }
0xb5: {  	[sflag:s30] =	ssyncset.done $0x0  }
0xb6: {  	[sflag:s30] =	ssyncadd.s32 $0xFFFFEC00  }
0xb7: {  	_ =	swait.ge [sflag:s0], $0x28  }
0xb8: {  	[sflag:s0] =	ssyncset.done $0x0  }
0xb9: {  	[sflag:s0] =	ssyncadd.s32 $0xFFFFFFD8  }
0xba: {  	_ =	swait.ge [sflag:s30], $0x1400  }
0xbb: {  	[sflag:s30] =	ssyncset.done $0x0  }
0xbc: {  	[sflag:s30] =	ssyncadd.s32 $0xFFFFEC00  }
0xbd: {  	_ =	swait.ge [sflag:s0], $0x28  }
0xbe: {  	[sflag:s0] =	ssyncset.done $0x0  }
0xbf: {  	[sflag:s0] =	ssyncadd.s32 $0xFFFFFFD8  }
0xc0: {  	_ =	swait.ge [sflag:s30], $0x1400  }
0xc1: {  	[sflag:s30] =	ssyncset.done $0x0  }
0xc2: {  	[sflag:s30] =	ssyncadd.s32 $0xFFFFEC00  }
0xc3: {  	_ =	swait.ge [sflag:s0], $0x28  }
0xc4: {  	s21 =	smul.u32 $0xAB, s25;
	[sflag:s0] =	ssyncset.done $0x0  }
0xc5: {  	[sflag:s0] =	ssyncadd.s32 $0xFFFFFFD8  }
0xc6: {  	s26 =	sadd.s32 $0xFFFFFEAA, s21;
	s21 =	sshrl.u32 s21, $0x9;
	_ =	swait.ge [sflag:s30], $0x1400  }
0xc7: {  	s26 =	sshrl.u32 s26, $0x9;
	s21 =	sand.u32 $0x7F, s21;
	[sflag:s30] =	ssyncset.done $0x0  }
0xc8: {  	s26 =	sand.u32 $0x7F, s26;
	s21 =	smul.u32 $0x3, s21;
	[sflag:s30] =	ssyncadd.s32 $0xFFFFEC00  }
0xc9: {  	s26 =	smul.u32 $0x3, s26;
	_ =	swait.ge [sflag:s0], $0x28  }
0xca: {  	s21 =	ssub.s32 s25, s21;
	[sflag:s0] =	ssyncset.done $0x0  }
0xcb: {  	s26 =	ssub.s32 s25, s26;
	s21 =	sand.u32 $0xFF, s21;
	[sflag:s0] =	ssyncadd.s32 $0xFFFFFFD8  }
0xcc: {  	s26 =	sadd.s32 $0xFFFFFFFE, s26;
	s31 =	smul.u32 $0x19000, s21;
	_ =	swait.ge [sflag:s30], $0x1400  }
0xcd: {  	s21 =	smul.u32 $0x320, s21;
	s23 =	sand.u32 $0xFF, s26;
	[sflag:s30] =	ssyncset.done $0x0  }
0xce: {  	s20 =	smul.u32 $0x19000, s23;
	s26 =	sshrl.u32 s31, $0x2;
	[sflag:s30] =	ssyncadd.s32 $0xFFFFEC00  }
0xcf: {  	s23 =	smul.u32 $0x320, s23;
	s21 =	sshrl.u32 s21, $0x2;
	_ =	swait.ge [sflag:s0], $0x28  }
0xd0: {  	s31 =	sshrl.u32 s22, $0x3;
	s20 =	sshrl.u32 s20, $0x2;
	[sflag:s0] =	ssyncset.done $0x0  }
0xd1: {  	s23 =	sshrl.u32 s23, $0x2;
	s20 =	sadd.s32 $0x1400, s20;
	[sflag:s0] =	ssyncadd.s32 $0xFFFFFFD8  }
0xd2: {  	[hbm4b:s29+s4] =	stream.linear.scatter [tilespmem:s20], [sflag:$0x3], $0x6400, $0x38;
	[tilespmem:$0x14280] =	vst v63  }
0xd3: {  	s23 =	sor.u32 $0x14000, s23;
	s20 =	sadd.s32 s5, s31  }
0xd4: {  	[hbm4b:s20+s4] =	stream.linear.scatter [tilespmem:s23], [sflag:$0x4], $0xC8, $0x38;
	[tilespmem:$0x14280] =	vst v63  }
0xd5: {  	_ =	swait.ge [sflag:s10], $0x6400  }
0xd6: {  	[sflag:s10] =	ssyncset.done $0x0  }
0xd7: {  	[sflag:s10] =	ssyncadd.s32 $0xFFFF9C00  }
0xd8: {  	_ =	swait.ge [sflag:s11], $0xC8  }
0xd9: {  	s2 =	sshra.s32 s2, $0x2;
	[sflag:s11] =	ssyncset.done $0x0  }
0xda: {  	s20 =	sadd.s32 $0x1400, s26;
	s23 =	sadd.s32 $0x258, s2;
	[sflag:s11] =	ssyncadd.s32 $0xFFFFFF38  }
0xdb: {  	[tilespmem:s20], [sflag:$0x1] =	stream.indirect.gather [hbm4b:s1+s17], $0x80, s23, s17, $0xb8;
	[tilespmem:$0x14280] =	vst v63  }
0xdc: {  	s20 =	sor.u32 $0x14000, s21  }
0xdd: {  	[tilespmem:s20], [sflag:$0x2] =	stream.indirect.gather [hbm4b:s3+s17], $0x1, s23, s17, $0xb8;
	[tilespmem:$0x14280] =	vst v63  }
0xde: {  	s20 =	sadd.s32 $0x2800, s26;
	s23 =	sadd.s32 $0x280, s2  }
0xdf: {  	[tilespmem:s20], [sflag:$0x1] =	stream.indirect.gather [hbm4b:s1+s17], $0x80, s23, s17, $0xb8;
	[tilespmem:$0x14280] =	vst v63  }
0xe0: {  	s20 =	sadd.s32 $0x14028, s21  }
0xe1: {  	[tilespmem:s20], [sflag:$0x2] =	stream.indirect.gather [hbm4b:s3+s17], $0x1, s23, s17, $0xb8;
	[tilespmem:$0x14280] =	vst v63  }
0xe2: {  	s20 =	sadd.s32 $0x3C00, s26;
	s23 =	sadd.s32 $0x2A8, s2  }
0xe3: {  	[tilespmem:s20], [sflag:$0x1] =	stream.indirect.gather [hbm4b:s1+s17], $0x80, s23, s17, $0xb8;
	[tilespmem:$0x14280] =	vst v63  }
0xe4: {  	s20 =	sadd.s32 $0x14050, s21  }
0xe5: {  	[tilespmem:s20], [sflag:$0x2] =	stream.indirect.gather [hbm4b:s3+s17], $0x1, s23, s17, $0xb8;
	[tilespmem:$0x14280] =	vst v63  }
0xe6: {  	s20 =	sadd.s32 $0x5000, s26;
	s23 =	sadd.s32 $0x2D0, s2  }
0xe7: {  	[tilespmem:s20], [sflag:$0x1] =	stream.indirect.gather [hbm4b:s1+s17], $0x80, s23, s17, $0xb8;
	[tilespmem:$0x14280] =	vst v63  }
.Ltmp0:
0xe8: {  	s20 =	sadd.s32 $0x14078, s21;
	(pc) =	sbr.rel @p0 .LBB2_2-.Ltmp0, $4  }
0xe9: {  	[tilespmem:s20], [sflag:$0x2] =	stream.indirect.gather [hbm4b:s3+s17], $0x1, s23, s17, $0xb8;
	[tilespmem:$0x14280] =	vst v63  }
0xea: {  	s22 =	sadd.s32 $0xC8, s22;
	s2 =	sadd.s32 $0x2F8, s2;
	s20 =	sadd.s32 $0x6400, s26  }
0xeb: {  	[tilespmem:s20], [sflag:$0x1] =	stream.indirect.gather [hbm4b:s1+s17], $0x80, s2, s17, $0xb8;
	[tilespmem:$0x14280] =	vst v63  }
0xec: {  	s25 =	sadd.s32 $0x1, s25;
	s29 =	sadd.s32 $0xC80, s29;
	s21 =	sadd.s32 $0x140A0, s21  }
0xed: {  	[tilespmem:s21], [sflag:$0x2] =	stream.indirect.gather [hbm4b:s3+s17], $0x1, s2, s17, $0xb8;
	[tilespmem:$0x14280] =	vst v63  }
0xee: {  	_ =	swait.ge [sflag:s30], $0x1400  }
0xef: {  	[sflag:s30] =	ssyncset.done $0x0  }
0xf0: {  	[sflag:s30] =	ssyncadd.s32 $0xFFFFEC00  }
0xf1: {  	_ =	swait.ge [sflag:s0], $0x28  }
0xf2: {  	[sflag:s0] =	ssyncset.done $0x0  }
0xf3: {  	[sflag:s0] =	ssyncadd.s32 $0xFFFFFFD8  }
0xf4: {  	_ =	swait.ge [sflag:s30], $0x1400  }
0xf5: {  	[sflag:s30] =	ssyncset.done $0x0  }
0xf6: {  	[sflag:s30] =	ssyncadd.s32 $0xFFFFEC00  }
0xf7: {  	_ =	swait.ge [sflag:s0], $0x28  }
0xf8: {  	[sflag:s0] =	ssyncset.done $0x0  }
0xf9: {  	[sflag:s0] =	ssyncadd.s32 $0xFFFFFFD8  }
0xfa: {  	_ =	swait.ge [sflag:s30], $0x1400  }
0xfb: {  	[sflag:s30] =	ssyncset.done $0x0  }
0xfc: {  	[sflag:s30] =	ssyncadd.s32 $0xFFFFEC00  }
0xfd: {  	_ =	swait.ge [sflag:s0], $0x28  }
0xfe: {  	[sflag:s0] =	ssyncset.done $0x0  }
0xff: {  	[sflag:s0] =	ssyncadd.s32 $0xFFFFFFD8  }
0x100: {  	_ =	swait.ge [sflag:s30], $0x1400  }
0x101: {  	[sflag:s30] =	ssyncset.done $0x0  }
0x102: {  	[sflag:s30] =	ssyncadd.s32 $0xFFFFEC00  }
0x103: {  	_ =	swait.ge [sflag:s0], $0x28  }
0x104: {  	[sflag:s0] =	ssyncset.done $0x0  }
0x105: {  	[sflag:s0] =	ssyncadd.s32 $0xFFFFFFD8  }
0x106: {  	_ =	swait.ge [sflag:s30], $0x1400  }
0x107: {  	[sflag:s30] =	ssyncset.done $0x0  }
0x108: {  	[sflag:s30] =	ssyncadd.s32 $0xFFFFEC00  }
0x109: {  	_ =	swait.ge [sflag:s0], $0x28  }
0x10a: {  	[sflag:s0] =	ssyncset.done $0x0  }
0x10b: {  	s23 =	rddreg [dreg:$0x7];
	[sflag:s0] =	ssyncadd.s32 $0xFFFFFFD8  }
0x10c: {  	[hbm4b:s23+s4] =	stream.linear.scatter [tilespmem:s24], [sflag:$0x3], $0x6400, $0x38;
	[tilespmem:$0x14280] =	vst v63  }
0x10d: {  	s25 =	rddreg [dreg:$0x8]  }
0x10e: {  	[hbm4b:s25+s4] =	stream.linear.scatter [tilespmem:s28], [sflag:$0x4], $0xC8, $0x38;
	[tilespmem:$0x14280] =	vst v63  }
0x10f: {  	_ =	swait.ge [sflag:s10], $0x6400  }
0x110: {  	[sflag:s10] =	ssyncset.done $0x0  }
0x111: {  	[sflag:s10] =	ssyncadd.s32 $0xFFFF9C00  }
0x112: {  	_ =	swait.ge [sflag:s11], $0xC8  }
0x113: {  	[sflag:s11] =	ssyncset.done $0x0  }
0x114: {  	[sflag:s11] =	ssyncadd.s32 $0xFFFFFF38  }
0x115: {  	_ =	swait.ge [sflag:s30], $0x1400  }
0x116: {  	[sflag:s30] =	ssyncset.done $0x0  }
0x117: {  	[sflag:s30] =	ssyncadd.s32 $0xFFFFEC00  }
0x118: {  	_ =	swait.ge [sflag:s0], $0x28  }
0x119: {  	[sflag:s0] =	ssyncset.done $0x0  }
0x11a: {  	[sflag:s0] =	ssyncadd.s32 $0xFFFFFFD8  }
0x11b: {  	_ =	swait.ge [sflag:s30], $0x1400  }
0x11c: {  	[sflag:s30] =	ssyncset.done $0x0  }
0x11d: {  	[sflag:s30] =	ssyncadd.s32 $0xFFFFEC00  }
0x11e: {  	_ =	swait.ge [sflag:s0], $0x28  }
0x11f: {  	[sflag:s0] =	ssyncset.done $0x0  }
0x120: {  	[sflag:s0] =	ssyncadd.s32 $0xFFFFFFD8  }
0x121: {  	_ =	swait.ge [sflag:s30], $0x1400  }
0x122: {  	[sflag:s30] =	ssyncset.done $0x0  }
0x123: {  	[sflag:s30] =	ssyncadd.s32 $0xFFFFEC00  }
0x124: {  	_ =	swait.ge [sflag:s0], $0x28  }
0x125: {  	[sflag:s0] =	ssyncset.done $0x0  }
0x126: {  	[sflag:s0] =	ssyncadd.s32 $0xFFFFFFD8  }
0x127: {  	_ =	swait.ge [sflag:s30], $0x1400  }
0x128: {  	[sflag:s30] =	ssyncset.done $0x0  }
0x129: {  	[sflag:s30] =	ssyncadd.s32 $0xFFFFEC00  }
0x12a: {  	_ =	swait.ge [sflag:s0], $0x28  }
0x12b: {  	[sflag:s0] =	ssyncset.done $0x0  }
0x12c: {  	[sflag:s0] =	ssyncadd.s32 $0xFFFFFFD8  }
0x12d: {  	_ =	swait.ge [sflag:s30], $0x1400  }
0x12e: {  	[sflag:s30] =	ssyncset.done $0x0  }
0x12f: {  	[sflag:s30] =	ssyncadd.s32 $0xFFFFEC00  }
0x130: {  	_ =	swait.ge [sflag:s0], $0x28  }
0x131: {  	[sflag:s0] =	ssyncset.done $0x0  }
0x132: {  	s26 =	rddreg [dreg:$0x9];
	[sflag:s0] =	ssyncadd.s32 $0xFFFFFFD8  }
0x133: {  	[hbm4b:s26+s4] =	stream.linear.scatter [tilespmem:s18], [sflag:$0x3], $0x6400, $0x38;
	[tilespmem:$0x14280] =	vst v63  }
0x134: {  	s29 =	rddreg [dreg:$0xa]  }
0x135: {  	[hbm4b:s29+s4] =	stream.linear.scatter [tilespmem:s19], [sflag:$0x4], $0xC8, $0x38;
	[tilespmem:$0x14280] =	vst v63  }
0x136: {  	_ =	swait.ge [sflag:s10], $0x6400  }
0x137: {  	[sflag:s10] =	ssyncset.done $0x0  }
0x138: {  	[sflag:s10] =	ssyncadd.s32 $0xFFFF9C00  }
0x139: {  	_ =	swait.ge [sflag:s11], $0xC8  }
0x13a: {  	[sflag:s11] =	ssyncset.done $0x0  }
0x13b: {  	[sflag:s11] =	ssyncadd.s32 $0xFFFFFF38  }
0x13c: {  	_ =	swait.ge [sflag:s10], $0x6400  }
0x13d: {  	[sflag:s10] =	ssyncset.done $0x0  }
0x13e: {  	[sflag:s10] =	ssyncadd.s32 $0xFFFF9C00  }
0x13f: {  	_ =	swait.ge [sflag:s11], $0xC8  }
0x140: {  	s12 =	sadd.s32 $0x1, s12;
	s31 =	rddreg [dreg:$0xb]  }
0x141: {  	p0 =	sne.s32 s12, s31  }
.Ltmp1:
0x142: {  	_ = 	snop;
	(pc) =	sbr.rel @p0 .LBB2_1-.Ltmp1, $3  }
0x143: {  	_ =	sdelay $0x1  }
0x144: {  	[sflag:s11] =	ssyncset.done $0x0  }
0x145: {  	[sflag:s11] =	ssyncadd.s32 $0xFFFFFF38  }
0x146: {  	_ =	sfence.sel $0x180000  }
0x147: {  	[bflag:$0x0] =	sbarrier.arrive $0xFFFF  }
0x148: {  	_ =	strace $0x9000004A  }
0x149: {  	s0 =	stileid.u32;
	[bflag:$0x2] =	sbarrier.arrive $0xFFFF  }
0x14a: {  	p0 =	sne.s32 s0, $0x0;
	s0 =	rddreg [dreg:$0x3]  }
0x14b: {  	s0 =	sadd.s32 @!p0 $0x100000, s0  }
0x14c: {  	[sflag:s0] =	ssyncadd.tile.s32 @!p0 $0x1;
	_ =	shalt  }
.Lfunc_end2:
_tile_overlayer_lowered:
.L_overlay_start_2:
0x14d: {  	(tag) =	ssettag $0x2  }
0x14e: {  	s0 =	rddreg [dreg:$0x0];
	s2 =	stileid.u32  }
0x14f: {  	s1 =	rddreg [dreg:$0x1];
	p0 =	sne.s32 s2, $0x0  }
0x150: {  	s3 =	rddreg [dreg:$0x2];
	[bflag:$0x3] =	sbarrier.arrive $0xFFFF;
	s2 =	simm.s32 @!p0 $0x1C05  }
0x151: {  	[timem:s3], [sflag:s2] =	dma.local @!p0 [hbm:s0], s1  }
0x152: {  	s0 =	simm.s32 @!p0 $0x5  }
0x153: {  	_ =	swait.ge @!p0 [sflag:s0], s1  }
0x154: {  	s1 =	ssub.s32 @!p0 $0x0, s1;
	[sflag:s0] =	ssyncset.done @!p0 $0x0  }
0x155: {  	[sflag:s0] =	ssyncadd.s32 @!p0 s1  }
0x156: {  	[bflag:$0x3] =	sbarrier.arrive $0xFFFF  }
0x157: {  	_ =	shalt  }

</sc_bundles>
